<compile_context>
chip_gen: v7x
topology: tpu7x:2x2x1
jax: 0.10.2.dev20260603
libtpu: 0.0.44.dev20260713+nightly
codegen_flags: <defaults>
</compile_context>

<pallas_src>
import functools

import jax
import jax.numpy as jnp
from jax import lax
from jax.experimental import pallas as pl
from jax.experimental.pallas import tpu as pltpu
from jax.experimental.pallas import tpu_sc as plsc

NSC = 2
NSUB = 16
LN = 16

EPS = 1e-5



def _uv_body(x_ref, wd_ref, ws_ref, b_ref, u_ref, v_ref):
    xb = x_ref[...]
    u_ref[...] = jnp.dot(xb, wd_ref[...], preferred_element_type=jnp.float32) + b_ref[...]
    v_ref[...] = jnp.dot(xb, ws_ref[...], preferred_element_type=jnp.float32)


def _mm_body(p_ref, a_ref, c_ref, w_ref, b_ref, o_ref, s_ref):
    i = pl.program_id(0)
    h = jnp.maximum(p_ref[...].astype(jnp.float32) * a_ref[...] + c_ref[...], 0.0)
    y = jnp.dot(h.astype(jnp.bfloat16), w_ref[...],
                preferred_element_type=jnp.float32) + b_ref[...]
    o_ref[...] = y.astype(o_ref.dtype)
    st = jnp.concatenate(
        [jnp.sum(y, axis=0, keepdims=True), jnp.sum(y * y, axis=0, keepdims=True)], axis=0)

    @pl.when(i == 0)
    def _():
        s_ref[...] = st

    @pl.when(i > 0)
    def _():
        s_ref[...] += st


def _div_body(acc_ref, c0_ref, c1_ref, o_ref):
    cnt = jnp.maximum(c0_ref[...] + c1_ref[...], 1.0)
    o_ref[...] = acc_ref[...] / cnt


def _mm3_body(p_ref, a_ref, c_ref, w_ref, b_ref, o1_ref, o2_ref, s_ref):
    i = pl.program_id(0)
    HH = o1_ref.shape[1]
    h = jnp.maximum(p_ref[...].astype(jnp.float32) * a_ref[...] + c_ref[...], 0.0)
    y = jnp.dot(h.astype(jnp.bfloat16), w_ref[...],
                preferred_element_type=jnp.float32) + b_ref[...]
    o1_ref[...] = y[:, :HH]
    o2_ref[...] = y[:, HH:]
    st = jnp.concatenate(
        [jnp.sum(y, axis=0, keepdims=True), jnp.sum(y * y, axis=0, keepdims=True)], axis=0)

    @pl.when(i == 0)
    def _():
        s_ref[...] = st

    @pl.when(i > 0)
    def _():
        s_ref[...] += st



_CHG = 80
_CHS = 80
_RZ = 16
_STG = 25
_MC = 400


def _node_chunk_loop(N, tile, fn):
    nchunks = N // _RZ

    def body(k, _):
        idx = tile + k * NSUB

        @pl.when(idx < nchunks)
        def _():
            fn(idx * _RZ)
        return 0

    lax.fori_loop(0, (nchunks + NSUB - 1) // NSUB, body, 0)


def _gather_add_body(E, N, H, HH,
                     u_hbm, v_hbm, src_hbm, dst_hbm,
                     out_hbm, cntp_hbm, stats_hbm,
                     histall, bu0, bu1, bv0, bv1, hist, mrows, mbuf, sstage, dstage, statsb,
                     semu0, semu1, semv0, semv1, semw0, semw1):
    c = lax.axis_index("c")
    s = lax.axis_index("s")
    wid = s * NSC + c
    ept = E // (NSC * NSUB)
    base0 = wid * ept
    ngrp = H // LN
    niter = ept // _CHG
    ones16 = jnp.ones((LN,), jnp.float32)
    zeros16 = jnp.zeros((LN,), jnp.float32)
    tail = _CHG % LN
    nidx = _CHG // LN + (1 if tail else 0)
    lanes = lax.iota(jnp.int32, LN)
    trash = N + lanes

    def hrow(r, _):
        hist[pl.ds(r * LN, LN)] = zeros16
        return 0
    lax.fori_loop(0, N // LN + 1, hrow, 0)

    def zrow(r, _):
        for g in range(ngrp):
            statsb[r, pl.ds(g * LN, LN)] = zeros16
        return 0
    lax.fori_loop(0, 8, zrow, 0)

    bus = (bu0, bu1)
    bvs = (bv0, bv1)
    semus = (semu0, semu1)
    semvs = (semv0, semv1)
    semws = (semw0, semw1)

    pltpu.sync_copy(src_hbm.at[pl.ds(base0, _CHG * _STG)], sstage)
    pltpu.sync_copy(dst_hbm.at[pl.ds(base0, _CHG * _STG)], dstage)
    pltpu.async_copy(u_hbm.at[dstage.at[pl.ds(0, _CHG)]], bu0, semu0)
    pltpu.async_copy(v_hbm.at[sstage.at[pl.ds(0, _CHG)]], bv0, semv0)

    def pair(j, _):
        for b in (0, 1):
            i = 2 * j + b
            bu, bv = bus[b], bvs[b]
            nb = 1 - b

            pltpu.make_async_copy(u_hbm.at[dstage.at[pl.ds(0, _CHG)]], bu, semus[b]).wait()
            pltpu.make_async_copy(v_hbm.at[sstage.at[pl.ds(0, _CHG)]], bv, semvs[b]).wait()

            def load_acc(g):
                return statsb[0, pl.ds(g * LN, LN)], statsb[1, pl.ds(g * LN, LN)]
            acc0 = tuple(load_acc(g) for g in range(ngrp))

            def row(r, acc):
                out = []
                for g in range(ngrp):
                    sl = pl.ds(g * LN, LN)
                    t = bu[r, sl] + bv[r, sl]
                    bu[r, sl] = t
                    sg, qg = acc[g]
                    out.append((sg + t, qg + t * t))
                return tuple(out)

            acc = lax.fori_loop(0, _CHG, row, acc0)
            for g in range(ngrp):
                statsb[0, pl.ds(g * LN, LN)] = acc[g][0]
                statsb[1, pl.ds(g * LN, LN)] = acc[g][1]

            koff = (i % _STG) * _CHG
            for k in range(nidx):
                idxv = dstage[pl.ds(koff + k * LN, LN)]
                if tail and k == nidx - 1:
                    idxv = jnp.where(lanes < tail, idxv, trash)
                plsc.addupdate_scatter(hist, [idxv], ones16)

            @pl.when(i >= 1)
            def _():
                pltpu.make_async_copy(bus[nb], out_hbm.at[pl.ds(0, _CHG)], semws[nb]).wait()

            @pl.when(i + 1 < niter)
            def _():
                nxt = base0 + (i + 1) * _CHG

                @pl.when((i + 1) % _STG == 0)
                def _():
                    pltpu.sync_copy(src_hbm.at[pl.ds(nxt, _CHG * _STG)], sstage)
                    pltpu.sync_copy(dst_hbm.at[pl.ds(nxt, _CHG * _STG)], dstage)

                koff2 = pl.multiple_of(((i + 1) % _STG) * _CHG, 8)
                pltpu.async_copy(u_hbm.at[dstage.at[pl.ds(koff2, _CHG)]], bus[nb], semus[nb])
                pltpu.async_copy(v_hbm.at[sstage.at[pl.ds(koff2, _CHG)]], bvs[nb], semvs[nb])

            pltpu.async_copy(bu, out_hbm.at[pl.ds(base0 + i * _CHG, _CHG)], semws[b])
        return 0

    lax.fori_loop(0, niter // 2, pair, 0)

    if niter % 2:
        i = niter - 1
        pltpu.make_async_copy(u_hbm.at[dstage.at[pl.ds(0, _CHG)]], bu0, semu0).wait()
        pltpu.make_async_copy(v_hbm.at[sstage.at[pl.ds(0, _CHG)]], bv0, semv0).wait()
        acc0 = tuple((statsb[0, pl.ds(g * LN, LN)], statsb[1, pl.ds(g * LN, LN)])
                     for g in range(ngrp))

        def trow(r, acc):
            out = []
            for g in range(ngrp):
                sl = pl.ds(g * LN, LN)
                t = bu0[r, sl] + bv0[r, sl]
                bu0[r, sl] = t
                sg, qg = acc[g]
                out.append((sg + t, qg + t * t))
            return tuple(out)

        acc = lax.fori_loop(0, _CHG, trow, acc0)
        for g in range(ngrp):
            statsb[0, pl.ds(g * LN, LN)] = acc[g][0]
            statsb[1, pl.ds(g * LN, LN)] = acc[g][1]
        koff = (i % _STG) * _CHG
        for k in range(nidx):
            idxv = dstage[pl.ds(koff + k * LN, LN)]
            if tail and k == nidx - 1:
                idxv = jnp.where(lanes < tail, idxv, trash)
            plsc.addupdate_scatter(hist, [idxv], ones16)
        pltpu.make_async_copy(bu1, out_hbm.at[pl.ds(0, _CHG)], semw1).wait()
        pltpu.async_copy(bu0, out_hbm.at[pl.ds(base0 + i * _CHG, _CHG)], semw0)
        pltpu.make_async_copy(bu0, out_hbm.at[pl.ds(0, _CHG)], semw0).wait()
    else:
        pltpu.make_async_copy(bu1, out_hbm.at[pl.ds(0, _CHG)], semw1).wait()

    pltpu.sync_copy(statsb, stats_hbm.at[pl.ds(pl.multiple_of(wid * 8, 8), 8)])
    pltpu.sync_copy(hist.at[pl.ds(0, N)], histall.at[pl.ds(pl.multiple_of(s * N, 8), N)])
    plsc.subcore_barrier()

    nmc = N // _MC

    def cmerge(k, _):
        idx = s + k * NSUB

        @pl.when(idx < nmc)
        def _():
            r0 = idx * _MC
            for t in range(NSUB):
                pltpu.sync_copy(
                    histall.at[pl.ds(pl.multiple_of(t * N + r0, 8), _MC)],
                    mrows.at[pl.ds(t * _MC, _MC)])

            def vsum(v, _):
                tot = mrows[pl.ds(v * LN, LN)]
                for t in range(1, NSUB):
                    tot = tot + mrows[pl.ds(t * _MC + v * LN, LN)]
                mbuf[pl.ds(v * LN, LN)] = tot
                return 0

            lax.fori_loop(0, _MC // LN, vsum, 0)
            pltpu.sync_copy(mbuf, cntp_hbm.at[pl.ds(pl.multiple_of(c * N + r0, 8), _MC)])
        return 0

    lax.fori_loop(0, (nmc + NSUB - 1) // NSUB, cmerge, 0)


def _scatter_body(E, N, H, HH,
                  p3a_hbm, p3b_hbm, dst_hbm, a_hbm, c_hbm, zer_hbm, out_hbm,
                  accum, pb0, pb1, id0, id1, abuf, cbuf,
                  semr0, semr1, semi0, semi1, sems0, sems1):
    c = lax.axis_index("c")
    s = lax.axis_index("s")
    ngrph = HH // LN
    col = pl.ds(pl.multiple_of(c * HH, HH), HH)

    def read_p3(b0, dstbuf, sem):
        @pl.when(c == 0)
        def _():
            pltpu.async_copy(p3a_hbm.at[pl.ds(b0, _CHS)], dstbuf, sem)

        @pl.when(c == 1)
        def _():
            pltpu.async_copy(p3b_hbm.at[pl.ds(b0, _CHS)], dstbuf, sem)

    pltpu.sync_copy(a_hbm.at[col], abuf)
    pltpu.sync_copy(c_hbm.at[col], cbuf)
    _node_chunk_loop(N, s, lambda r0: pltpu.sync_copy(zer_hbm, accum.at[pl.ds(r0, _RZ)]))
    plsc.subcore_barrier()

    ept = E // NSUB
    base0 = s * ept
    niter = ept // _CHS
    pbs = (pb0, pb1)
    ids = (id0, id1)
    semrs = (semr0, semr1)
    semis = (semi0, semi1)
    semss = (sems0, sems1)

    read_p3(base0, pb0, semr0)
    pltpu.async_copy(dst_hbm.at[pl.ds(base0, _CHS)], id0, semi0)

    def pair(j, _):
        for b in (0, 1):
            i = 2 * j + b
            pb, idb = pbs[b], ids[b]
            nb = 1 - b

            pltpu.make_async_copy(p3a_hbm.at[pl.ds(0, _CHS)], pb, semrs[b]).wait()
            pltpu.make_async_copy(dst_hbm.at[pl.ds(0, _CHS)], idb, semis[b]).wait()

            def row(r, _):
                for g in range(ngrph):
                    sl = pl.ds(g * LN, LN)
                    v = pb[r, sl] * abuf[sl] + cbuf[sl]
                    pb[r, sl] = jnp.maximum(v, 0.0)
                return 0

            lax.fori_loop(0, _CHS, row, 0, unroll=2)

            @pl.when(i >= 1)
            def _():
                pltpu.make_async_copy(p3a_hbm.at[pl.ds(0, _CHS)], pbs[nb], semss[nb]).wait()

            @pl.when(i + 1 < niter)
            def _():
                nxt = base0 + (i + 1) * _CHS
                read_p3(nxt, pbs[nb], semrs[nb])
                pltpu.async_copy(dst_hbm.at[pl.ds(nxt, _CHS)], ids[nb], semis[nb])

            pltpu.async_copy(pb, accum.at[idb], semss[b], add=True)
        return 0

    lax.fori_loop(0, niter // 2, pair, 0)
    pltpu.make_async_copy(p3a_hbm.at[pl.ds(0, _CHS)], pb1, sems1).wait()
    plsc.subcore_barrier()

    def fin(r0):
        pltpu.sync_copy(accum.at[pl.ds(r0, _RZ)], out_hbm.at[pl.ds(r0, _RZ), col])

    _node_chunk_loop(N, s, fin)



def _affine(stats, g, be, E):
    mu = stats[0] / E
    var = stats[1] / E - mu * mu
    r = g * jax.lax.rsqrt(var + EPS)
    return r, be - mu * r


def kernel(x, edge_index, W1, b1, g1, be1, W2, b2, g2, be2, W3, b3, g3, be3):
    N, D = x.shape
    H = W1.shape[1]
    E = edge_index.shape[1]
    HH = H // NSC
    src = edge_index[0]
    dst = edge_index[1]
    fE = jnp.float32(E)
    zer = jnp.zeros((_RZ, HH), jnp.float32)

    W1d = W1[:D] - W1[D:]
    W1s = W1[D:]

    BN_ = 2000
    u, v = pl.pallas_call(
        _uv_body,
        grid=(N // BN_,),
        in_specs=[
            pl.BlockSpec((BN_, D), lambda i: (i, 0)),
            pl.BlockSpec((D, H), lambda i: (0, 0)),
            pl.BlockSpec((D, H), lambda i: (0, 0)),
            pl.BlockSpec((1, H), lambda i: (0, 0)),
        ],
        out_specs=[
            pl.BlockSpec((BN_, H), lambda i: (i, 0)),
            pl.BlockSpec((BN_, H), lambda i: (i, 0)),
        ],
        out_shape=[
            jax.ShapeDtypeStruct((N, H), jnp.float32),
            jax.ShapeDtypeStruct((N, H), jnp.float32),
        ],
    )(x, W1d, W1s, b1.reshape(1, H))

    mesh = plsc.VectorSubcoreMesh(core_axis_name="c", subcore_axis_name="s")
    pre1, cntp, statsp = pl.kernel(
        functools.partial(_gather_add_body, E, N, H, HH),
        out_type=(
            jax.ShapeDtypeStruct((E, H), jnp.float32),
            jax.ShapeDtypeStruct((NSC * N,), jnp.float32),
            jax.ShapeDtypeStruct((NSC * NSUB * 8, H), jnp.float32),
        ),
        mesh=mesh,
        compiler_params=pltpu.CompilerParams(needs_layout_passes=False),
        scratch_types=[
            pltpu.VMEM_SHARED((NSUB * N,), jnp.float32),
            pltpu.VMEM((_CHG, H), jnp.float32),
            pltpu.VMEM((_CHG, H), jnp.float32),
            pltpu.VMEM((_CHG, H), jnp.float32),
            pltpu.VMEM((_CHG, H), jnp.float32),
            pltpu.VMEM((N + LN,), jnp.float32),
            pltpu.VMEM((NSUB * _MC,), jnp.float32),
            pltpu.VMEM((_MC,), jnp.float32),
            pltpu.VMEM((_CHG * _STG,), jnp.int32),
            pltpu.VMEM((_CHG * _STG,), jnp.int32),
            pltpu.VMEM((8, H), jnp.float32),
        ] + [pltpu.SemaphoreType.DMA] * 6,
    )(u, v, src, dst)
    stats1 = statsp.reshape(NSC * NSUB, 8, H)[:, :2].sum(axis=0)
    a1, c1 = _affine(stats1, g1, be1, fE)

    BE = 4000
    grid = (E // BE,)

    def _mm(p, a, cc, W, b, odt):
        return pl.pallas_call(
            _mm_body,
            grid=grid,
            in_specs=[
                pl.BlockSpec((BE, H), lambda i: (i, 0)),
                pl.BlockSpec((1, H), lambda i: (0, 0)),
                pl.BlockSpec((1, H), lambda i: (0, 0)),
                pl.BlockSpec((H, H), lambda i: (0, 0)),
                pl.BlockSpec((1, H), lambda i: (0, 0)),
            ],
            out_specs=[
                pl.BlockSpec((BE, H), lambda i: (i, 0)),
                pl.BlockSpec((2, H), lambda i: (0, 0)),
            ],
            out_shape=[
                jax.ShapeDtypeStruct((E, H), odt),
                jax.ShapeDtypeStruct((2, H), jnp.float32),
            ],
            compiler_params=pltpu.CompilerParams(dimension_semantics=("arbitrary",)),
        )(p, a.reshape(1, H), cc.reshape(1, H), W.astype(jnp.bfloat16), b.reshape(1, H))

    pre2, stats2 = _mm(pre1, a1, c1, W2, b2, jnp.bfloat16)
    a2, c2 = _affine(stats2, g2, be2, fE)

    p3a, p3b, stats3 = pl.pallas_call(
        _mm3_body,
        grid=grid,
        in_specs=[
            pl.BlockSpec((BE, H), lambda i: (i, 0)),
            pl.BlockSpec((1, H), lambda i: (0, 0)),
            pl.BlockSpec((1, H), lambda i: (0, 0)),
            pl.BlockSpec((H, H), lambda i: (0, 0)),
            pl.BlockSpec((1, H), lambda i: (0, 0)),
        ],
        out_specs=[
            pl.BlockSpec((BE, HH), lambda i: (i, 0)),
            pl.BlockSpec((BE, HH), lambda i: (i, 0)),
            pl.BlockSpec((2, H), lambda i: (0, 0)),
        ],
        out_shape=[
            jax.ShapeDtypeStruct((E, HH), jnp.float32),
            jax.ShapeDtypeStruct((E, HH), jnp.float32),
            jax.ShapeDtypeStruct((2, H), jnp.float32),
        ],
        compiler_params=pltpu.CompilerParams(dimension_semantics=("arbitrary",)),
    )(pre2, a2.reshape(1, H), c2.reshape(1, H), W3.astype(jnp.bfloat16), b3.reshape(1, H))
    a3, c3 = _affine(stats3, g3, be3, fE)

    osum = pl.kernel(
        functools.partial(_scatter_body, E, N, H, HH),
        out_type=jax.ShapeDtypeStruct((N, H), jnp.float32),
        mesh=mesh,
        scratch_types=[
            pltpu.VMEM_SHARED((N, HH), jnp.float32),
            pltpu.VMEM((_CHS, HH), jnp.float32),
            pltpu.VMEM((_CHS, HH), jnp.float32),
            pltpu.VMEM((_CHS,), jnp.int32),
            pltpu.VMEM((_CHS,), jnp.int32),
            pltpu.VMEM((HH,), jnp.float32),
            pltpu.VMEM((HH,), jnp.float32),
        ] + [pltpu.SemaphoreType.DMA] * 6,
    )(p3a, p3b, dst, a3, c3, zer)

    BD = 2000
    out = pl.pallas_call(
        _div_body,
        grid=(N // BD,),
        in_specs=[
            pl.BlockSpec((BD, H), lambda i: (i, 0)),
            pl.BlockSpec((BD, 1), lambda i: (i, 0)),
            pl.BlockSpec((BD, 1), lambda i: (i, 0)),
        ],
        out_specs=pl.BlockSpec((BD, H), lambda i: (i, 0)),
        out_shape=jax.ShapeDtypeStruct((N, H), jnp.float32),
    )(osum, cntp[:N].reshape(N, 1), cntp[N:].reshape(N, 1))
    return out

# --- scband reference (transcript-rebuilt; emitter-appended) ---
"""Pipeline reference for scband-edge-conv-block-88141318848514 (READ-ONLY COPY).

The authoritative reference and input builder live on the scoring server;
editing this copy changes nothing except your own understanding.
"""

import jax, jax.numpy as jnp
import numpy as np

N = 10000
E = 320000
D = 128
H = 256
EPS = 1e-5

def setup_inputs(seed: int = 0):
    key = jax.random.key(seed)
    ks = jax.random.split(key, 16)
    x = jax.random.normal(ks[0], (N, D), dtype=jnp.float32)
    edge_index = jax.random.randint(ks[1], (2, E), 0, N, dtype=jnp.int32)
    W1 = jax.random.normal(ks[2], (2 * D, H), dtype=jnp.float32) * (1.0 / np.sqrt(2 * D))
    b1 = jnp.zeros((H,), dtype=jnp.float32)
    g1 = jnp.ones((H,), dtype=jnp.float32)
    be1 = jnp.zeros((H,), dtype=jnp.float32)
    W2 = jax.random.normal(ks[3], (H, H), dtype=jnp.float32) * (1.0 / np.sqrt(H))
    b2 = jnp.zeros((H,), dtype=jnp.float32)
    g2 = jnp.ones((H,), dtype=jnp.float32)
    be2 = jnp.zeros((H,), dtype=jnp.float32)
    W3 = jax.random.normal(ks[4], (H, H), dtype=jnp.float32) * (1.0 / np.sqrt(H))
    b3 = jnp.zeros((H,), dtype=jnp.float32)
    g3 = jnp.ones((H,), dtype=jnp.float32)
    be3 = jnp.zeros((H,), dtype=jnp.float32)
    return {"x": x, "edge_index": edge_index,
            "W1": W1, "b1": b1, "g1": g1, "be1": be1,
            "W2": W2, "b2": b2, "g2": g2, "be2": be2,
            "W3": W3, "b3": b3, "g3": g3, "be3": be3}

def _bn(h, g, b):
    mu = jnp.mean(h, axis=0)
    var = jnp.var(h, axis=0)  # biased, matches torch BN normalization
    return (h - mu) / jnp.sqrt(var + EPS) * g + b

def reference(x, edge_index, W1, b1, g1, be1, W2, b2, g2, be2, W3, b3, g3, be3):
    src = edge_index[0]
    dst = edge_index[1]
    x_i = jnp.take(x, dst, axis=0)
    x_j = jnp.take(x, src, axis=0)
    msg_in = jnp.concatenate([x_i, x_j - x_i], axis=1)
    h = jax.nn.relu(_bn(msg_in @ W1 + b1, g1, be1))
    h = jax.nn.relu(_bn(h @ W2 + b2, g2, be2))
    h = jax.nn.relu(_bn(h @ W3 + b3, g3, be3))
    summed = jax.ops.segment_sum(h, dst, num_segments=N)
    cnt = jax.ops.segment_sum(jnp.ones((E,), dtype=jnp.float32), dst, num_segments=N)
    out = summed / jnp.maximum(cnt, 1.0)[:, None]
    return out

if __name__ == "__main__":
    import jax
    _d = setup_inputs()
    print(jax.jit(kernel)(*tuple(_d.values())))

</pallas_src>

<mosaic_0001>
#map = affine_map<(d0, d1) -> (0, 0)>
#map1 = affine_map<(d0, d1) -> (0)>
module attributes {stable_mosaic.version = 14 : i64} {
  func.func @_gather_add_body(%arg0: i32, %arg1: i32, %arg2: memref<10000x256xf32, #tpu.memory_space<hbm>>, %arg3: memref<10000x256xf32, #tpu.memory_space<hbm>>, %arg4: memref<320000xi32, #tpu.memory_space<hbm>>, %arg5: memref<320000xi32, #tpu.memory_space<hbm>>, %arg6: memref<320000x256xf32, #tpu.memory_space<hbm>>, %arg7: memref<20000xf32, #tpu.memory_space<hbm>>, %arg8: memref<256x256xf32, #tpu.memory_space<hbm>>, %arg9: memref<160000xf32, #tpu.memory_space<vmem_shared>>, %arg10: memref<80x256xf32, #tpu.memory_space<vmem>>, %arg11: memref<80x256xf32, #tpu.memory_space<vmem>>, %arg12: memref<80x256xf32, #tpu.memory_space<vmem>>, %arg13: memref<80x256xf32, #tpu.memory_space<vmem>>, %arg14: memref<10016xf32, #tpu.memory_space<vmem>>, %arg15: memref<6400xf32, #tpu.memory_space<vmem>>, %arg16: memref<400xf32, #tpu.memory_space<vmem>>, %arg17: memref<2000xi32, #tpu.memory_space<vmem>>, %arg18: memref<2000xi32, #tpu.memory_space<vmem>>, %arg19: memref<8x256xf32, #tpu.memory_space<vmem>>, %arg20: memref<!tpu.dma_semaphore, #tpu.memory_space<semaphore_mem>>, %arg21: memref<!tpu.dma_semaphore, #tpu.memory_space<semaphore_mem>>, %arg22: memref<!tpu.dma_semaphore, #tpu.memory_space<semaphore_mem>>, %arg23: memref<!tpu.dma_semaphore, #tpu.memory_space<semaphore_mem>>, %arg24: memref<!tpu.dma_semaphore, #tpu.memory_space<semaphore_mem>>, %arg25: memref<!tpu.dma_semaphore, #tpu.memory_space<semaphore_mem>>) attributes {dimension_semantics = [#tpu.dimension_semantics<core_parallel>, #tpu.dimension_semantics<subcore_parallel>], iteration_bounds = array<i64: 2, 16>, scalar_prefetch = 0 : i64, scratch_operands = 17 : i64, tpu.core_type = #tpu.core_type<sc_vector_subcore>, window_params = [{transform_indices = #map}, {transform_indices = #map}, {transform_indices = #map1}, {transform_indices = #map1}, {transform_indices = #map}, {transform_indices = #map1}, {transform_indices = #map}]} {
    %mul3A = arith.constant 2 : i32
    %mul3A_0 = arith.muli %arg1, %mul3A : i32
    %add3A = arith.addi %mul3A_0, %arg0 : i32
    %mul3A_1 = arith.constant 10000 : i32
    %mul3A_2 = arith.muli %add3A, %mul3A_1 : i32
    %broadcast_in_dim3A = arith.constant 1.000000e+00 : f32
    %broadcast_in_dim3A_3 = vector.broadcast %broadcast_in_dim3A : f32 to vector<16xf32>
    %broadcast_in_dim3A_4 = arith.constant 0.000000e+00 : f32
    %broadcast_in_dim3A_5 = vector.broadcast %broadcast_in_dim3A_4 : f32 to vector<16xf32>
    %iota3A = tpu.iota {dimensions = array<i32: 0>} : vector<16xi32>
    %add3A_6 = arith.constant 10000 : i32
    %add3A_7 = vector.broadcast %add3A_6 : i32 to vector<16xi32>
    %add3A_8 = arith.addi %add3A_7, %iota3A : vector<16xi32>
    %scan3A = arith.constant 0 : i32
    %scan3A_9 = arith.constant 0 : i32
    %scan3A_10 = arith.constant 626 : i32
    %scan3A_11 = arith.addi %scan3A_9, %scan3A_10 : i32
    %scan3A_12 = arith.constant 1 : i32
    %scan3A_13 = scf.for %scan3A_347 = %scan3A_9 to %scan3A_11 step %scan3A_12 iter_args(%scan3A_348 = %scan3A) -> (i32)  : i32 {
      %mul3A_349 = arith.constant 16 : i32
      %mul3A_350 = arith.muli %scan3A_347, %mul3A_349 : i32
      %swap3A_351 = arith.index_cast %mul3A_350 : i32 to index
      %swap3A_352 = tpu.vector_load %arg14[%swap3A_351] {strides = array<i32>} : memref<10016xf32, #tpu.memory_space<vmem>>, vector<16xf32>,
      tpu.vector_store %arg14[%swap3A_351], %broadcast_in_dim3A_5 {strides = array<i32>} : memref<10016xf32, #tpu.memory_space<vmem>>, vector<16xf32>,
      %scan3A_353 = arith.constant 0 : i32
      scf.yield %scan3A_353 : i32
    }
    %scan3A_14 = arith.constant 626 : i32
    %scan3A_15 = arith.constant 0 : i32
    %scan3A_16 = arith.constant 0 : i32
    %scan3A_17 = arith.constant 8 : i32
    %scan3A_18 = arith.addi %scan3A_16, %scan3A_17 : i32
    %scan3A_19 = arith.constant 1 : i32
    %scan3A_20 = scf.for %scan3A_347 = %scan3A_16 to %scan3A_18 step %scan3A_19 iter_args(%scan3A_348 = %scan3A_15) -> (i32)  : i32 {
      %swap3A_349 = arith.index_cast %scan3A_347 : i32 to index
      %swap3A_350 = arith.constant 0 : index
      %swap3A_351 = tpu.vector_load %arg19[%swap3A_349, %swap3A_350] {strides = array<i32>} : memref<8x256xf32, #tpu.memory_space<vmem>>, vector<16xf32>,
      tpu.vector_store %arg19[%swap3A_349, %swap3A_350], %broadcast_in_dim3A_5 {strides = array<i32>} : memref<8x256xf32, #tpu.memory_space<vmem>>, vector<16xf32>,
      %swap3A_352 = arith.index_cast %scan3A_347 : i32 to index
      %swap3A_353 = arith.constant 16 : index
      %swap3A_354 = tpu.vector_load %arg19[%swap3A_352, %swap3A_353] {strides = array<i32>} : memref<8x256xf32, #tpu.memory_space<vmem>>, vector<16xf32>,
      tpu.vector_store %arg19[%swap3A_352, %swap3A_353], %broadcast_in_dim3A_5 {strides = array<i32>} : memref<8x256xf32, #tpu.memory_space<vmem>>, vector<16xf32>,
      %swap3A_355 = arith.index_cast %scan3A_347 : i32 to index
      %swap3A_356 = arith.constant 32 : index
      %swap3A_357 = tpu.vector_load %arg19[%swap3A_355, %swap3A_356] {strides = array<i32>} : memref<8x256xf32, #tpu.memory_space<vmem>>, vector<16xf32>,
      tpu.vector_store %arg19[%swap3A_355, %swap3A_356], %broadcast_in_dim3A_5 {strides = array<i32>} : memref<8x256xf32, #tpu.memory_space<vmem>>, vector<16xf32>,
      %swap3A_358 = arith.index_cast %scan3A_347 : i32 to index
      %swap3A_359 = arith.constant 48 : index
      %swap3A_360 = tpu.vector_load %arg19[%swap3A_358, %swap3A_359] {strides = array<i32>} : memref<8x256xf32, #tpu.memory_space<vmem>>, vector<16xf32>,
      tpu.vector_store %arg19[%swap3A_358, %swap3A_359], %broadcast_in_dim3A_5 {strides = array<i32>} : memref<8x256xf32, #tpu.memory_space<vmem>>, vector<16xf32>,
      %swap3A_361 = arith.index_cast %scan3A_347 : i32 to index
      %swap3A_362 = arith.constant 64 : index
      %swap3A_363 = tpu.vector_load %arg19[%swap3A_361, %swap3A_362] {strides = array<i32>} : memref<8x256xf32, #tpu.memory_space<vmem>>, vector<16xf32>,
      tpu.vector_store %arg19[%swap3A_361, %swap3A_362], %broadcast_in_dim3A_5 {strides = array<i32>} : memref<8x256xf32, #tpu.memory_space<vmem>>, vector<16xf32>,
      %swap3A_364 = arith.index_cast %scan3A_347 : i32 to index
      %swap3A_365 = arith.constant 80 : index
      %swap3A_366 = tpu.vector_load %arg19[%swap3A_364, %swap3A_365] {strides = array<i32>} : memref<8x256xf32, #tpu.memory_space<vmem>>, vector<16xf32>,
      tpu.vector_store %arg19[%swap3A_364, %swap3A_365], %broadcast_in_dim3A_5 {strides = array<i32>} : memref<8x256xf32, #tpu.memory_space<vmem>>, vector<16xf32>,
      %swap3A_367 = arith.index_cast %scan3A_347 : i32 to index
      %swap3A_368 = arith.constant 96 : index
      %swap3A_369 = tpu.vector_load %arg19[%swap3A_367, %swap3A_368] {strides = array<i32>} : memref<8x256xf32, #tpu.memory_space<vmem>>, vector<16xf32>,
      tpu.vector_store %arg19[%swap3A_367, %swap3A_368], %broadcast_in_dim3A_5 {strides = array<i32>} : memref<8x256xf32, #tpu.memory_space<vmem>>, vector<16xf32>,
      %swap3A_370 = arith.index_cast %scan3A_347 : i32 to index
      %swap3A_371 = arith.constant 112 : index
      %swap3A_372 = tpu.vector_load %arg19[%swap3A_370, %swap3A_371] {strides = array<i32>} : memref<8x256xf32, #tpu.memory_space<vmem>>, vector<16xf32>,
      tpu.vector_store %arg19[%swap3A_370, %swap3A_371], %broadcast_in_dim3A_5 {strides = array<i32>} : memref<8x256xf32, #tpu.memory_space<vmem>>, vector<16xf32>,
      %swap3A_373 = arith.index_cast %scan3A_347 : i32 to index
      %swap3A_374 = arith.constant 128 : index
      %swap3A_375 = tpu.vector_load %arg19[%swap3A_373, %swap3A_374] {strides = array<i32>} : memref<8x256xf32, #tpu.memory_space<vmem>>, vector<16xf32>,
      tpu.vector_store %arg19[%swap3A_373, %swap3A_374], %broadcast_in_dim3A_5 {strides = array<i32>} : memref<8x256xf32, #tpu.memory_space<vmem>>, vector<16xf32>,
      %swap3A_376 = arith.index_cast %scan3A_347 : i32 to index
      %swap3A_377 = arith.constant 144 : index
      %swap3A_378 = tpu.vector_load %arg19[%swap3A_376, %swap3A_377] {strides = array<i32>} : memref<8x256xf32, #tpu.memory_space<vmem>>, vector<16xf32>,
      tpu.vector_store %arg19[%swap3A_376, %swap3A_377], %broadcast_in_dim3A_5 {strides = array<i32>} : memref<8x256xf32, #tpu.memory_space<vmem>>, vector<16xf32>,
      %swap3A_379 = arith.index_cast %scan3A_347 : i32 to index
      %swap3A_380 = arith.constant 160 : index
      %swap3A_381 = tpu.vector_load %arg19[%swap3A_379, %swap3A_380] {strides = array<i32>} : memref<8x256xf32, #tpu.memory_space<vmem>>, vector<16xf32>,
      tpu.vector_store %arg19[%swap3A_379, %swap3A_380], %broadcast_in_dim3A_5 {strides = array<i32>} : memref<8x256xf32, #tpu.memory_space<vmem>>, vector<16xf32>,
      %swap3A_382 = arith.index_cast %scan3A_347 : i32 to index
      %swap3A_383 = arith.constant 176 : index
      %swap3A_384 = tpu.vector_load %arg19[%swap3A_382, %swap3A_383] {strides = array<i32>} : memref<8x256xf32, #tpu.memory_space<vmem>>, vector<16xf32>,
      tpu.vector_store %arg19[%swap3A_382, %swap3A_383], %broadcast_in_dim3A_5 {strides = array<i32>} : memref<8x256xf32, #tpu.memory_space<vmem>>, vector<16xf32>,
      %swap3A_385 = arith.index_cast %scan3A_347 : i32 to index
      %swap3A_386 = arith.constant 192 : index
      %swap3A_387 = tpu.vector_load %arg19[%swap3A_385, %swap3A_386] {strides = array<i32>} : memref<8x256xf32, #tpu.memory_space<vmem>>, vector<16xf32>,
      tpu.vector_store %arg19[%swap3A_385, %swap3A_386], %broadcast_in_dim3A_5 {strides = array<i32>} : memref<8x256xf32, #tpu.memory_space<vmem>>, vector<16xf32>,
      %swap3A_388 = arith.index_cast %scan3A_347 : i32 to index
      %swap3A_389 = arith.constant 208 : index
      %swap3A_390 = tpu.vector_load %arg19[%swap3A_388, %swap3A_389] {strides = array<i32>} : memref<8x256xf32, #tpu.memory_space<vmem>>, vector<16xf32>,
      tpu.vector_store %arg19[%swap3A_388, %swap3A_389], %broadcast_in_dim3A_5 {strides = array<i32>} : memref<8x256xf32, #tpu.memory_space<vmem>>, vector<16xf32>,
      %swap3A_391 = arith.index_cast %scan3A_347 : i32 to index
      %swap3A_392 = arith.constant 224 : index
      %swap3A_393 = tpu.vector_load %arg19[%swap3A_391, %swap3A_392] {strides = array<i32>} : memref<8x256xf32, #tpu.memory_space<vmem>>, vector<16xf32>,
      tpu.vector_store %arg19[%swap3A_391, %swap3A_392], %broadcast_in_dim3A_5 {strides = array<i32>} : memref<8x256xf32, #tpu.memory_space<vmem>>, vector<16xf32>,
      %swap3A_394 = arith.index_cast %scan3A_347 : i32 to index
      %swap3A_395 = arith.constant 240 : index
      %swap3A_396 = tpu.vector_load %arg19[%swap3A_394, %swap3A_395] {strides = array<i32>} : memref<8x256xf32, #tpu.memory_space<vmem>>, vector<16xf32>,
      tpu.vector_store %arg19[%swap3A_394, %swap3A_395], %broadcast_in_dim3A_5 {strides = array<i32>} : memref<8x256xf32, #tpu.memory_space<vmem>>, vector<16xf32>,
      %scan3A_397 = arith.constant 0 : i32
      scf.yield %scan3A_397 : i32
    }
    %scan3A_21 = arith.constant 8 : i32
    "tpu.region"() ({
      %run_scoped3A = tpu.sem_alloc : memref<!tpu.dma_semaphore, #tpu.memory_space<semaphore_mem>>
      %dma_start3A_347 = tpu.memref_slice %arg4[%mul3A_2] : memref<320000xi32, #tpu.memory_space<hbm>> -> memref<2000xi32, #tpu.memory_space<hbm>>
      %dma_start3A_348 = tpu.memref_slice %arg4[%mul3A_2] : memref<320000xi32, #tpu.memory_space<hbm>> -> memref<2000xi32, #tpu.memory_space<hbm>>
      tpu.enqueue_dma source(%dma_start3A_348 : memref<2000xi32, #tpu.memory_space<hbm>>) target(%arg17 : memref<2000xi32, #tpu.memory_space<vmem>>) target_semaphore(%run_scoped3A : memref<!tpu.dma_semaphore, #tpu.memory_space<semaphore_mem>>)
      %dma_wait3A_349 = tpu.memref_slice %arg4[%mul3A_2] : memref<320000xi32, #tpu.memory_space<hbm>> -> memref<2000xi32, #tpu.memory_space<hbm>>
      %dma_wait3A_350 = tpu.memref_slice %arg4[%mul3A_2] : memref<320000xi32, #tpu.memory_space<hbm>> -> memref<2000xi32, #tpu.memory_space<hbm>>
      tpu.wait_dma2 semaphore(%run_scoped3A : memref<!tpu.dma_semaphore, #tpu.memory_space<semaphore_mem>>) src(%dma_wait3A_350 : memref<2000xi32, #tpu.memory_space<hbm>>) dst(%arg17 : memref<2000xi32, #tpu.memory_space<vmem>>)
      tpu.yield
    }) : () -> ()
    "tpu.region"() ({
      %run_scoped3A = tpu.sem_alloc : memref<!tpu.dma_semaphore, #tpu.memory_space<semaphore_mem>>
      %dma_start3A_347 = tpu.memref_slice %arg5[%mul3A_2] : memref<320000xi32, #tpu.memory_space<hbm>> -> memref<2000xi32, #tpu.memory_space<hbm>>
      %dma_start3A_348 = tpu.memref_slice %arg5[%mul3A_2] : memref<320000xi32, #tpu.memory_space<hbm>> -> memref<2000xi32, #tpu.memory_space<hbm>>
      tpu.enqueue_dma source(%dma_start3A_348 : memref<2000xi32, #tpu.memory_space<hbm>>) target(%arg18 : memref<2000xi32, #tpu.memory_space<vmem>>) target_semaphore(%run_scoped3A : memref<!tpu.dma_semaphore, #tpu.memory_space<semaphore_mem>>)
      %dma_wait3A_349 = tpu.memref_slice %arg5[%mul3A_2] : memref<320000xi32, #tpu.memory_space<hbm>> -> memref<2000xi32, #tpu.memory_space<hbm>>
      %dma_wait3A_350 = tpu.memref_slice %arg5[%mul3A_2] : memref<320000xi32, #tpu.memory_space<hbm>> -> memref<2000xi32, #tpu.memory_space<hbm>>
      tpu.wait_dma2 semaphore(%run_scoped3A : memref<!tpu.dma_semaphore, #tpu.memory_space<semaphore_mem>>) src(%dma_wait3A_350 : memref<2000xi32, #tpu.memory_space<hbm>>) dst(%arg18 : memref<2000xi32, #tpu.memory_space<vmem>>)
      tpu.yield
    }) : () -> ()
    %dma_start3A = arith.constant 0 : i32
    %dma_start3A_22 = tpu.memref_slice %arg18[%dma_start3A] : memref<2000xi32, #tpu.memory_space<vmem>> -> memref<80xi32, #tpu.memory_space<vmem>>
    %dma_start3A_23 = arith.constant 0 : i32
    %dma_start3A_24 = arith.constant 0 : i32
    %dma_start3A_25 = tpu.memref_slice %arg2[%dma_start3A_23, %dma_start3A_24] : memref<10000x256xf32, #tpu.memory_space<hbm>> -> memref<10000x256xf32, #tpu.memory_space<hbm>>
    tpu.enqueue_indirect_dma source(%dma_start3A_25 : memref<10000x256xf32, #tpu.memory_space<hbm>>) target(%arg10 : memref<80x256xf32, #tpu.memory_space<vmem>>) offsets(%dma_start3A_22 : memref<80xi32, #tpu.memory_space<vmem>>) semaphore(%arg20 : memref<!tpu.dma_semaphore, #tpu.memory_space<semaphore_mem>>)
    %dma_start3A_26 = arith.constant 0 : i32
    %dma_start3A_27 = tpu.memref_slice %arg17[%dma_start3A_26] : memref<2000xi32, #tpu.memory_space<vmem>> -> memref<80xi32, #tpu.memory_space<vmem>>
    %dma_start3A_28 = arith.constant 0 : i32
    %dma_start3A_29 = arith.constant 0 : i32
    %dma_start3A_30 = tpu.memref_slice %arg3[%dma_start3A_28, %dma_start3A_29] : memref<10000x256xf32, #tpu.memory_space<hbm>> -> memref<10000x256xf32, #tpu.memory_space<hbm>>
    tpu.enqueue_indirect_dma source(%dma_start3A_30 : memref<10000x256xf32, #tpu.memory_space<hbm>>) target(%arg12 : memref<80x256xf32, #tpu.memory_space<vmem>>) offsets(%dma_start3A_27 : memref<80xi32, #tpu.memory_space<vmem>>) semaphore(%arg22 : memref<!tpu.dma_semaphore, #tpu.memory_space<semaphore_mem>>)
    %scan3A_31 = arith.constant 0 : i32
    %scan3A_32 = arith.constant 0 : i32
    %scan3A_33 = arith.constant 62 : i32
    %scan3A_34 = arith.addi %scan3A_32, %scan3A_33 : i32
    %scan3A_35 = arith.constant 1 : i32
    %scan3A_36 = scf.for %scan3A_347 = %scan3A_32 to %scan3A_34 step %scan3A_35 iter_args(%scan3A_348 = %scan3A_31) -> (i32)  : i32 {
      %mul3A_349 = arith.constant 2 : i32
      %mul3A_350 = arith.muli %mul3A_349, %scan3A_347 : i32
      %add3A_351 = arith.constant 0 : i32
      %add3A_352 = arith.addi %mul3A_350, %add3A_351 : i32
      %dma_wait3A_353 = arith.constant 0 : i32
      %dma_wait3A_354 = tpu.memref_slice %arg18[%dma_wait3A_353] : memref<2000xi32, #tpu.memory_space<vmem>> -> memref<80xi32, #tpu.memory_space<vmem>>
      %dma_wait3A_355 = arith.constant 0 : i32
      %dma_wait3A_356 = arith.constant 0 : i32
      %dma_wait3A_357 = tpu.memref_slice %arg2[%dma_wait3A_355, %dma_wait3A_356] : memref<10000x256xf32, #tpu.memory_space<hbm>> -> memref<10000x256xf32, #tpu.memory_space<hbm>>
      tpu.wait_indirect_dma semaphore(%arg20 : memref<!tpu.dma_semaphore, #tpu.memory_space<semaphore_mem>>) src(%dma_wait3A_357 : memref<10000x256xf32, #tpu.memory_space<hbm>>) dst(%arg10 : memref<80x256xf32, #tpu.memory_space<vmem>>)
      %dma_wait3A_358 = arith.constant 0 : i32
      %dma_wait3A_359 = tpu.memref_slice %arg17[%dma_wait3A_358] : memref<2000xi32, #tpu.memory_space<vmem>> -> memref<80xi32, #tpu.memory_space<vmem>>
      %dma_wait3A_360 = arith.constant 0 : i32
      %dma_wait3A_361 = arith.constant 0 : i32
      %dma_wait3A_362 = tpu.memref_slice %arg3[%dma_wait3A_360, %dma_wait3A_361] : memref<10000x256xf32, #tpu.memory_space<hbm>> -> memref<10000x256xf32, #tpu.memory_space<hbm>>
      tpu.wait_indirect_dma semaphore(%arg22 : memref<!tpu.dma_semaphore, #tpu.memory_space<semaphore_mem>>) src(%dma_wait3A_362 : memref<10000x256xf32, #tpu.memory_space<hbm>>) dst(%arg12 : memref<80x256xf32, #tpu.memory_space<vmem>>)
      %get3A_363 = arith.constant 0 : i32
      %get3A_364 = arith.index_cast %get3A_363 : i32 to index
      %get3A_365 = arith.constant 0 : index
      %get3A_366 = tpu.vector_load %arg19[%get3A_364, %get3A_365] {strides = array<i32>} : memref<8x256xf32, #tpu.memory_space<vmem>>, vector<16xf32>,
      %get3A_367 = arith.constant 1 : i32
      %get3A_368 = arith.index_cast %get3A_367 : i32 to index
      %get3A_369 = arith.constant 0 : index
      %get3A_370 = tpu.vector_load %arg19[%get3A_368, %get3A_369] {strides = array<i32>} : memref<8x256xf32, #tpu.memory_space<vmem>>, vector<16xf32>,
      %get3A_371 = arith.constant 0 : i32
      %get3A_372 = arith.index_cast %get3A_371 : i32 to index
      %get3A_373 = arith.constant 16 : index
      %get3A_374 = tpu.vector_load %arg19[%get3A_372, %get3A_373] {strides = array<i32>} : memref<8x256xf32, #tpu.memory_space<vmem>>, vector<16xf32>,
      %get3A_375 = arith.constant 1 : i32
      %get3A_376 = arith.index_cast %get3A_375 : i32 to index
      %get3A_377 = arith.constant 16 : index
      %get3A_378 = tpu.vector_load %arg19[%get3A_376, %get3A_377] {strides = array<i32>} : memref<8x256xf32, #tpu.memory_space<vmem>>, vector<16xf32>,
      %get3A_379 = arith.constant 0 : i32
      %get3A_380 = arith.index_cast %get3A_379 : i32 to index
      %get3A_381 = arith.constant 32 : index
      %get3A_382 = tpu.vector_load %arg19[%get3A_380, %get3A_381] {strides = array<i32>} : memref<8x256xf32, #tpu.memory_space<vmem>>, vector<16xf32>,
      %get3A_383 = arith.constant 1 : i32
      %get3A_384 = arith.index_cast %get3A_383 : i32 to index
      %get3A_385 = arith.constant 32 : index
      %get3A_386 = tpu.vector_load %arg19[%get3A_384, %get3A_385] {strides = array<i32>} : memref<8x256xf32, #tpu.memory_space<vmem>>, vector<16xf32>,
      %get3A_387 = arith.constant 0 : i32
      %get3A_388 = arith.index_cast %get3A_387 : i32 to index
      %get3A_389 = arith.constant 48 : index
      %get3A_390 = tpu.vector_load %arg19[%get3A_388, %get3A_389] {strides = array<i32>} : memref<8x256xf32, #tpu.memory_space<vmem>>, vector<16xf32>,
      %get3A_391 = arith.constant 1 : i32
      %get3A_392 = arith.index_cast %get3A_391 : i32 to index
      %get3A_393 = arith.constant 48 : index
      %get3A_394 = tpu.vector_load %arg19[%get3A_392, %get3A_393] {strides = array<i32>} : memref<8x256xf32, #tpu.memory_space<vmem>>, vector<16xf32>,
      %get3A_395 = arith.constant 0 : i32
      %get3A_396 = arith.index_cast %get3A_395 : i32 to index
      %get3A_397 = arith.constant 64 : index
      %get3A_398 = tpu.vector_load %arg19[%get3A_396, %get3A_397] {strides = array<i32>} : memref<8x256xf32, #tpu.memory_space<vmem>>, vector<16xf32>,
      %get3A_399 = arith.constant 1 : i32
      %get3A_400 = arith.index_cast %get3A_399 : i32 to index
      %get3A_401 = arith.constant 64 : index
      %get3A_402 = tpu.vector_load %arg19[%get3A_400, %get3A_401] {strides = array<i32>} : memref<8x256xf32, #tpu.memory_space<vmem>>, vector<16xf32>,
      %get3A_403 = arith.constant 0 : i32
      %get3A_404 = arith.index_cast %get3A_403 : i32 to index
      %get3A_405 = arith.constant 80 : index
      %get3A_406 = tpu.vector_load %arg19[%get3A_404, %get3A_405] {strides = array<i32>} : memref<8x256xf32, #tpu.memory_space<vmem>>, vector<16xf32>,
      %get3A_407 = arith.constant 1 : i32
      %get3A_408 = arith.index_cast %get3A_407 : i32 to index
      %get3A_409 = arith.constant 80 : index
      %get3A_410 = tpu.vector_load %arg19[%get3A_408, %get3A_409] {strides = array<i32>} : memref<8x256xf32, #tpu.memory_space<vmem>>, vector<16xf32>,
      %get3A_411 = arith.constant 0 : i32
      %get3A_412 = arith.index_cast %get3A_411 : i32 to index
      %get3A_413 = arith.constant 96 : index
      %get3A_414 = tpu.vector_load %arg19[%get3A_412, %get3A_413] {strides = array<i32>} : memref<8x256xf32, #tpu.memory_space<vmem>>, vector<16xf32>,
      %get3A_415 = arith.constant 1 : i32
      %get3A_416 = arith.index_cast %get3A_415 : i32 to index
      %get3A_417 = arith.constant 96 : index
      %get3A_418 = tpu.vector_load %arg19[%get3A_416, %get3A_417] {strides = array<i32>} : memref<8x256xf32, #tpu.memory_space<vmem>>, vector<16xf32>,
      %get3A_419 = arith.constant 0 : i32
      %get3A_420 = arith.index_cast %get3A_419 : i32 to index
      %get3A_421 = arith.constant 112 : index
      %get3A_422 = tpu.vector_load %arg19[%get3A_420, %get3A_421] {strides = array<i32>} : memref<8x256xf32, #tpu.memory_space<vmem>>, vector<16xf32>,
      %get3A_423 = arith.constant 1 : i32
      %get3A_424 = arith.index_cast %get3A_423 : i32 to index
      %get3A_425 = arith.constant 112 : index
      %get3A_426 = tpu.vector_load %arg19[%get3A_424, %get3A_425] {strides = array<i32>} : memref<8x256xf32, #tpu.memory_space<vmem>>, vector<16xf32>,
      %get3A_427 = arith.constant 0 : i32
      %get3A_428 = arith.index_cast %get3A_427 : i32 to index
      %get3A_429 = arith.constant 128 : index
      %get3A_430 = tpu.vector_load %arg19[%get3A_428, %get3A_429] {strides = array<i32>} : memref<8x256xf32, #tpu.memory_space<vmem>>, vector<16xf32>,
      %get3A_431 = arith.constant 1 : i32
      %get3A_432 = arith.index_cast %get3A_431 : i32 to index
      %get3A_433 = arith.constant 128 : index
      %get3A_434 = tpu.vector_load %arg19[%get3A_432, %get3A_433] {strides = array<i32>} : memref<8x256xf32, #tpu.memory_space<vmem>>, vector<16xf32>,
      %get3A_435 = arith.constant 0 : i32
      %get3A_436 = arith.index_cast %get3A_435 : i32 to index
      %get3A_437 = arith.constant 144 : index
      %get3A_438 = tpu.vector_load %arg19[%get3A_436, %get3A_437] {strides = array<i32>} : memref<8x256xf32, #tpu.memory_space<vmem>>, vector<16xf32>,
      %get3A_439 = arith.constant 1 : i32
      %get3A_440 = arith.index_cast %get3A_439 : i32 to index
      %get3A_441 = arith.constant 144 : index
      %get3A_442 = tpu.vector_load %arg19[%get3A_440, %get3A_441] {strides = array<i32>} : memref<8x256xf32, #tpu.memory_space<vmem>>, vector<16xf32>,
      %get3A_443 = arith.constant 0 : i32
      %get3A_444 = arith.index_cast %get3A_443 : i32 to index
      %get3A_445 = arith.constant 160 : index
      %get3A_446 = tpu.vector_load %arg19[%get3A_444, %get3A_445] {strides = array<i32>} : memref<8x256xf32, #tpu.memory_space<vmem>>, vector<16xf32>,
      %get3A_447 = arith.constant 1 : i32
      %get3A_448 = arith.index_cast %get3A_447 : i32 to index
      %get3A_449 = arith.constant 160 : index
      %get3A_450 = tpu.vector_load %arg19[%get3A_448, %get3A_449] {strides = array<i32>} : memref<8x256xf32, #tpu.memory_space<vmem>>, vector<16xf32>,
      %get3A_451 = arith.constant 0 : i32
      %get3A_452 = arith.index_cast %get3A_451 : i32 to index
      %get3A_453 = arith.constant 176 : index
      %get3A_454 = tpu.vector_load %arg19[%get3A_452, %get3A_453] {strides = array<i32>} : memref<8x256xf32, #tpu.memory_space<vmem>>, vector<16xf32>,
      %get3A_455 = arith.constant 1 : i32
      %get3A_456 = arith.index_cast %get3A_455 : i32 to index
      %get3A_457 = arith.constant 176 : index
      %get3A_458 = tpu.vector_load %arg19[%get3A_456, %get3A_457] {strides = array<i32>} : memref<8x256xf32, #tpu.memory_space<vmem>>, vector<16xf32>,
      %get3A_459 = arith.constant 0 : i32
      %get3A_460 = arith.index_cast %get3A_459 : i32 to index
      %get3A_461 = arith.constant 192 : index
      %get3A_462 = tpu.vector_load %arg19[%get3A_460, %get3A_461] {strides = array<i32>} : memref<8x256xf32, #tpu.memory_space<vmem>>, vector<16xf32>,
      %get3A_463 = arith.constant 1 : i32
      %get3A_464 = arith.index_cast %get3A_463 : i32 to index
      %get3A_465 = arith.constant 192 : index
      %get3A_466 = tpu.vector_load %arg19[%get3A_464, %get3A_465] {strides = array<i32>} : memref<8x256xf32, #tpu.memory_space<vmem>>, vector<16xf32>,
      %get3A_467 = arith.constant 0 : i32
      %get3A_468 = arith.index_cast %get3A_467 : i32 to index
      %get3A_469 = arith.constant 208 : index
      %get3A_470 = tpu.vector_load %arg19[%get3A_468, %get3A_469] {strides = array<i32>} : memref<8x256xf32, #tpu.memory_space<vmem>>, vector<16xf32>,
      %get3A_471 = arith.constant 1 : i32
      %get3A_472 = arith.index_cast %get3A_471 : i32 to index
      %get3A_473 = arith.constant 208 : index
      %get3A_474 = tpu.vector_load %arg19[%get3A_472, %get3A_473] {strides = array<i32>} : memref<8x256xf32, #tpu.memory_space<vmem>>, vector<16xf32>,
      %get3A_475 = arith.constant 0 : i32
      %get3A_476 = arith.index_cast %get3A_475 : i32 to index
      %get3A_477 = arith.constant 224 : index
      %get3A_478 = tpu.vector_load %arg19[%get3A_476, %get3A_477] {strides = array<i32>} : memref<8x256xf32, #tpu.memory_space<vmem>>, vector<16xf32>,
      %get3A_479 = arith.constant 1 : i32
      %get3A_480 = arith.index_cast %get3A_479 : i32 to index
      %get3A_481 = arith.constant 224 : index
      %get3A_482 = tpu.vector_load %arg19[%get3A_480, %get3A_481] {strides = array<i32>} : memref<8x256xf32, #tpu.memory_space<vmem>>, vector<16xf32>,
      %get3A_483 = arith.constant 0 : i32
      %get3A_484 = arith.index_cast %get3A_483 : i32 to index
      %get3A_485 = arith.constant 240 : index
      %get3A_486 = tpu.vector_load %arg19[%get3A_484, %get3A_485] {strides = array<i32>} : memref<8x256xf32, #tpu.memory_space<vmem>>, vector<16xf32>,
      %get3A_487 = arith.constant 1 : i32
      %get3A_488 = arith.index_cast %get3A_487 : i32 to index
      %get3A_489 = arith.constant 240 : index
      %get3A_490 = tpu.vector_load %arg19[%get3A_488, %get3A_489] {strides = array<i32>} : memref<8x256xf32, #tpu.memory_space<vmem>>, vector<16xf32>,
      %scan3A_491 = arith.constant 0 : i32
      %scan3A_492 = arith.constant 80 : i32
      %scan3A_493 = arith.addi %scan3A_491, %scan3A_492 : i32
      %scan3A_494 = arith.constant 1 : i32
      %scan3A_495:32 = scf.for %scan3A_1006 = %scan3A_491 to %scan3A_493 step %scan3A_494 iter_args(%scan3A_1007 = %get3A_366, %scan3A_1008 = %get3A_370, %scan3A_1009 = %get3A_374, %scan3A_1010 = %get3A_378, %scan3A_1011 = %get3A_382, %scan3A_1012 = %get3A_386, %scan3A_1013 = %get3A_390, %scan3A_1014 = %get3A_394, %scan3A_1015 = %get3A_398, %scan3A_1016 = %get3A_402, %scan3A_1017 = %get3A_406, %scan3A_1018 = %get3A_410, %scan3A_1019 = %get3A_414, %scan3A_1020 = %get3A_418, %scan3A_1021 = %get3A_422, %scan3A_1022 = %get3A_426, %scan3A_1023 = %get3A_430, %scan3A_1024 = %get3A_434, %scan3A_1025 = %get3A_438, %scan3A_1026 = %get3A_442, %scan3A_1027 = %get3A_446, %scan3A_1028 = %get3A_450, %scan3A_1029 = %get3A_454, %scan3A_1030 = %get3A_458, %scan3A_1031 = %get3A_462, %scan3A_1032 = %get3A_466, %scan3A_1033 = %get3A_470, %scan3A_1034 = %get3A_474, %scan3A_1035 = %get3A_478, %scan3A_1036 = %get3A_482, %scan3A_1037 = %get3A_486, %scan3A_1038 = %get3A_490) -> (vector<16xf32>, vector<16xf32>, vector<16xf32>, vector<16xf32>, vector<16xf32>, vector<16xf32>, vector<16xf32>, vector<16xf32>, vector<16xf32>, vector<16xf32>, vector<16xf32>, vector<16xf32>, vector<16xf32>, vector<16xf32>, vector<16xf32>, vector<16xf32>, vector<16xf32>, vector<16xf32>, vector<16xf32>, vector<16xf32>, vector<16xf32>, vector<16xf32>, vector<16xf32>, vector<16xf32>, vector<16xf32>, vector<16xf32>, vector<16xf32>, vector<16xf32>, vector<16xf32>, vector<16xf32>, vector<16xf32>, vector<16xf32>)  : i32 {
        %get3A_1039 = arith.index_cast %scan3A_1006 : i32 to index
        %get3A_1040 = arith.constant 0 : index
        %get3A_1041 = tpu.vector_load %arg10[%get3A_1039, %get3A_1040] {strides = array<i32>} : memref<80x256xf32, #tpu.memory_space<vmem>>, vector<16xf32>,
        %get3A_1042 = arith.index_cast %scan3A_1006 : i32 to index
        %get3A_1043 = arith.constant 0 : index
        %get3A_1044 = tpu.vector_load %arg12[%get3A_1042, %get3A_1043] {strides = array<i32>} : memref<80x256xf32, #tpu.memory_space<vmem>>, vector<16xf32>,
        %add3A_1045 = arith.addf %get3A_1041, %get3A_1044 : vector<16xf32>
        %swap3A_1046 = arith.index_cast %scan3A_1006 : i32 to index
        %swap3A_1047 = arith.constant 0 : index
        %swap3A_1048 = tpu.vector_load %arg10[%swap3A_1046, %swap3A_1047] {strides = array<i32>} : memref<80x256xf32, #tpu.memory_space<vmem>>, vector<16xf32>,
        tpu.vector_store %arg10[%swap3A_1046, %swap3A_1047], %add3A_1045 {strides = array<i32>} : memref<80x256xf32, #tpu.memory_space<vmem>>, vector<16xf32>,
        %add3A_1049 = arith.addf %scan3A_1007, %add3A_1045 : vector<16xf32>
        %mul3A_1050 = arith.mulf %add3A_1045, %add3A_1045 : vector<16xf32>
        %add3A_1051 = arith.addf %scan3A_1008, %mul3A_1050 : vector<16xf32>
        %get3A_1052 = arith.index_cast %scan3A_1006 : i32 to index
        %get3A_1053 = arith.constant 16 : index
        %get3A_1054 = tpu.vector_load %arg10[%get3A_1052, %get3A_1053] {strides = array<i32>} : memref<80x256xf32, #tpu.memory_space<vmem>>, vector<16xf32>,
        %get3A_1055 = arith.index_cast %scan3A_1006 : i32 to index
        %get3A_1056 = arith.constant 16 : index
        %get3A_1057 = tpu.vector_load %arg12[%get3A_1055, %get3A_1056] {strides = array<i32>} : memref<80x256xf32, #tpu.memory_space<vmem>>, vector<16xf32>,
        %add3A_1058 = arith.addf %get3A_1054, %get3A_1057 : vector<16xf32>
        %swap3A_1059 = arith.index_cast %scan3A_1006 : i32 to index
        %swap3A_1060 = arith.constant 16 : index
        %swap3A_1061 = tpu.vector_load %arg10[%swap3A_1059, %swap3A_1060] {strides = array<i32>} : memref<80x256xf32, #tpu.memory_space<vmem>>, vector<16xf32>,
        tpu.vector_store %arg10[%swap3A_1059, %swap3A_1060], %add3A_1058 {strides = array<i32>} : memref<80x256xf32, #tpu.memory_space<vmem>>, vector<16xf32>,
        %add3A_1062 = arith.addf %scan3A_1009, %add3A_1058 : vector<16xf32>
        %mul3A_1063 = arith.mulf %add3A_1058, %add3A_1058 : vector<16xf32>
        %add3A_1064 = arith.addf %scan3A_1010, %mul3A_1063 : vector<16xf32>
        %get3A_1065 = arith.index_cast %scan3A_1006 : i32 to index
        %get3A_1066 = arith.constant 32 : index
        %get3A_1067 = tpu.vector_load %arg10[%get3A_1065, %get3A_1066] {strides = array<i32>} : memref<80x256xf32, #tpu.memory_space<vmem>>, vector<16xf32>,
        %get3A_1068 = arith.index_cast %scan3A_1006 : i32 to index
        %get3A_1069 = arith.constant 32 : index
        %get3A_1070 = tpu.vector_load %arg12[%get3A_1068, %get3A_1069] {strides = array<i32>} : memref<80x256xf32, #tpu.memory_space<vmem>>, vector<16xf32>,
        %add3A_1071 = arith.addf %get3A_1067, %get3A_1070 : vector<16xf32>
        %swap3A_1072 = arith.index_cast %scan3A_1006 : i32 to index
        %swap3A_1073 = arith.constant 32 : index
        %swap3A_1074 = tpu.vector_load %arg10[%swap3A_1072, %swap3A_1073] {strides = array<i32>} : memref<80x256xf32, #tpu.memory_space<vmem>>, vector<16xf32>,
        tpu.vector_store %arg10[%swap3A_1072, %swap3A_1073], %add3A_1071 {strides = array<i32>} : memref<80x256xf32, #tpu.memory_space<vmem>>, vector<16xf32>,
        %add3A_1075 = arith.addf %scan3A_1011, %add3A_1071 : vector<16xf32>
        %mul3A_1076 = arith.mulf %add3A_1071, %add3A_1071 : vector<16xf32>
        %add3A_1077 = arith.addf %scan3A_1012, %mul3A_1076 : vector<16xf32>
        %get3A_1078 = arith.index_cast %scan3A_1006 : i32 to index
        %get3A_1079 = arith.constant 48 : index
        %get3A_1080 = tpu.vector_load %arg10[%get3A_1078, %get3A_1079] {strides = array<i32>} : memref<80x256xf32, #tpu.memory_space<vmem>>, vector<16xf32>,
        %get3A_1081 = arith.index_cast %scan3A_1006 : i32 to index
        %get3A_1082 = arith.constant 48 : index
        %get3A_1083 = tpu.vector_load %arg12[%get3A_1081, %get3A_1082] {strides = array<i32>} : memref<80x256xf32, #tpu.memory_space<vmem>>, vector<16xf32>,
        %add3A_1084 = arith.addf %get3A_1080, %get3A_1083 : vector<16xf32>
        %swap3A_1085 = arith.index_cast %scan3A_1006 : i32 to index
        %swap3A_1086 = arith.constant 48 : index
        %swap3A_1087 = tpu.vector_load %arg10[%swap3A_1085, %swap3A_1086] {strides = array<i32>} : memref<80x256xf32, #tpu.memory_space<vmem>>, vector<16xf32>,
        tpu.vector_store %arg10[%swap3A_1085, %swap3A_1086], %add3A_1084 {strides = array<i32>} : memref<80x256xf32, #tpu.memory_space<vmem>>, vector<16xf32>,
        %add3A_1088 = arith.addf %scan3A_1013, %add3A_1084 : vector<16xf32>
        %mul3A_1089 = arith.mulf %add3A_1084, %add3A_1084 : vector<16xf32>
        %add3A_1090 = arith.addf %scan3A_1014, %mul3A_1089 : vector<16xf32>
        %get3A_1091 = arith.index_cast %scan3A_1006 : i32 to index
        %get3A_1092 = arith.constant 64 : index
        %get3A_1093 = tpu.vector_load %arg10[%get3A_1091, %get3A_1092] {strides = array<i32>} : memref<80x256xf32, #tpu.memory_space<vmem>>, vector<16xf32>,
        %get3A_1094 = arith.index_cast %scan3A_1006 : i32 to index
        %get3A_1095 = arith.constant 64 : index
        %get3A_1096 = tpu.vector_load %arg12[%get3A_1094, %get3A_1095] {strides = array<i32>} : memref<80x256xf32, #tpu.memory_space<vmem>>, vector<16xf32>,
        %add3A_1097 = arith.addf %get3A_1093, %get3A_1096 : vector<16xf32>
        %swap3A_1098 = arith.index_cast %scan3A_1006 : i32 to index
        %swap3A_1099 = arith.constant 64 : index
        %swap3A_1100 = tpu.vector_load %arg10[%swap3A_1098, %swap3A_1099] {strides = array<i32>} : memref<80x256xf32, #tpu.memory_space<vmem>>, vector<16xf32>,
        tpu.vector_store %arg10[%swap3A_1098, %swap3A_1099], %add3A_1097 {strides = array<i32>} : memref<80x256xf32, #tpu.memory_space<vmem>>, vector<16xf32>,
        %add3A_1101 = arith.addf %scan3A_1015, %add3A_1097 : vector<16xf32>
        %mul3A_1102 = arith.mulf %add3A_1097, %add3A_1097 : vector<16xf32>
        %add3A_1103 = arith.addf %scan3A_1016, %mul3A_1102 : vector<16xf32>
        %get3A_1104 = arith.index_cast %scan3A_1006 : i32 to index
        %get3A_1105 = arith.constant 80 : index
        %get3A_1106 = tpu.vector_load %arg10[%get3A_1104, %get3A_1105] {strides = array<i32>} : memref<80x256xf32, #tpu.memory_space<vmem>>, vector<16xf32>,
        %get3A_1107 = arith.index_cast %scan3A_1006 : i32 to index
        %get3A_1108 = arith.constant 80 : index
        %get3A_1109 = tpu.vector_load %arg12[%get3A_1107, %get3A_1108] {strides = array<i32>} : memref<80x256xf32, #tpu.memory_space<vmem>>, vector<16xf32>,
        %add3A_1110 = arith.addf %get3A_1106, %get3A_1109 : vector<16xf32>
        %swap3A_1111 = arith.index_cast %scan3A_1006 : i32 to index
        %swap3A_1112 = arith.constant 80 : index
        %swap3A_1113 = tpu.vector_load %arg10[%swap3A_1111, %swap3A_1112] {strides = array<i32>} : memref<80x256xf32, #tpu.memory_space<vmem>>, vector<16xf32>,
        tpu.vector_store %arg10[%swap3A_1111, %swap3A_1112], %add3A_1110 {strides = array<i32>} : memref<80x256xf32, #tpu.memory_space<vmem>>, vector<16xf32>,
        %add3A_1114 = arith.addf %scan3A_1017, %add3A_1110 : vector<16xf32>
        %mul3A_1115 = arith.mulf %add3A_1110, %add3A_1110 : vector<16xf32>
        %add3A_1116 = arith.addf %scan3A_1018, %mul3A_1115 : vector<16xf32>
        %get3A_1117 = arith.index_cast %scan3A_1006 : i32 to index
        %get3A_1118 = arith.constant 96 : index
        %get3A_1119 = tpu.vector_load %arg10[%get3A_1117, %get3A_1118] {strides = array<i32>} : memref<80x256xf32, #tpu.memory_space<vmem>>, vector<16xf32>,
        %get3A_1120 = arith.index_cast %scan3A_1006 : i32 to index
        %get3A_1121 = arith.constant 96 : index
        %get3A_1122 = tpu.vector_load %arg12[%get3A_1120, %get3A_1121] {strides = array<i32>} : memref<80x256xf32, #tpu.memory_space<vmem>>, vector<16xf32>,
        %add3A_1123 = arith.addf %get3A_1119, %get3A_1122 : vector<16xf32>
        %swap3A_1124 = arith.index_cast %scan3A_1006 : i32 to index
        %swap3A_1125 = arith.constant 96 : index
        %swap3A_1126 = tpu.vector_load %arg10[%swap3A_1124, %swap3A_1125] {strides = array<i32>} : memref<80x256xf32, #tpu.memory_space<vmem>>, vector<16xf32>,
        tpu.vector_store %arg10[%swap3A_1124, %swap3A_1125], %add3A_1123 {strides = array<i32>} : memref<80x256xf32, #tpu.memory_space<vmem>>, vector<16xf32>,
        %add3A_1127 = arith.addf %scan3A_1019, %add3A_1123 : vector<16xf32>
        %mul3A_1128 = arith.mulf %add3A_1123, %add3A_1123 : vector<16xf32>
        %add3A_1129 = arith.addf %scan3A_1020, %mul3A_1128 : vector<16xf32>
        %get3A_1130 = arith.index_cast %scan3A_1006 : i32 to index
        %get3A_1131 = arith.constant 112 : index
        %get3A_1132 = tpu.vector_load %arg10[%get3A_1130, %get3A_1131] {strides = array<i32>} : memref<80x256xf32, #tpu.memory_space<vmem>>, vector<16xf32>,
        %get3A_1133 = arith.index_cast %scan3A_1006 : i32 to index
        %get3A_1134 = arith.constant 112 : index
        %get3A_1135 = tpu.vector_load %arg12[%get3A_1133, %get3A_1134] {strides = array<i32>} : memref<80x256xf32, #tpu.memory_space<vmem>>, vector<16xf32>,
        %add3A_1136 = arith.addf %get3A_1132, %get3A_1135 : vector<16xf32>
        %swap3A_1137 = arith.index_cast %scan3A_1006 : i32 to index
        %swap3A_1138 = arith.constant 112 : index
        %swap3A_1139 = tpu.vector_load %arg10[%swap3A_1137, %swap3A_1138] {strides = array<i32>} : memref<80x256xf32, #tpu.memory_space<vmem>>, vector<16xf32>,
        tpu.vector_store %arg10[%swap3A_1137, %swap3A_1138], %add3A_1136 {strides = array<i32>} : memref<80x256xf32, #tpu.memory_space<vmem>>, vector<16xf32>,
        %add3A_1140 = arith.addf %scan3A_1021, %add3A_1136 : vector<16xf32>
        %mul3A_1141 = arith.mulf %add3A_1136, %add3A_1136 : vector<16xf32>
        %add3A_1142 = arith.addf %scan3A_1022, %mul3A_1141 : vector<16xf32>
        %get3A_1143 = arith.index_cast %scan3A_1006 : i32 to index
        %get3A_1144 = arith.constant 128 : index
        %get3A_1145 = tpu.vector_load %arg10[%get3A_1143, %get3A_1144] {strides = array<i32>} : memref<80x256xf32, #tpu.memory_space<vmem>>, vector<16xf32>,
        %get3A_1146 = arith.index_cast %scan3A_1006 : i32 to index
        %get3A_1147 = arith.constant 128 : index
        %get3A_1148 = tpu.vector_load %arg12[%get3A_1146, %get3A_1147] {strides = array<i32>} : memref<80x256xf32, #tpu.memory_space<vmem>>, vector<16xf32>,
        %add3A_1149 = arith.addf %get3A_1145, %get3A_1148 : vector<16xf32>
        %swap3A_1150 = arith.index_cast %scan3A_1006 : i32 to index
        %swap3A_1151 = arith.constant 128 : index
        %swap3A_1152 = tpu.vector_load %arg10[%swap3A_1150, %swap3A_1151] {strides = array<i32>} : memref<80x256xf32, #tpu.memory_space<vmem>>, vector<16xf32>,
        tpu.vector_store %arg10[%swap3A_1150, %swap3A_1151], %add3A_1149 {strides = array<i32>} : memref<80x256xf32, #tpu.memory_space<vmem>>, vector<16xf32>,
        %add3A_1153 = arith.addf %scan3A_1023, %add3A_1149 : vector<16xf32>
        %mul3A_1154 = arith.mulf %add3A_1149, %add3A_1149 : vector<16xf32>
        %add3A_1155 = arith.addf %scan3A_1024, %mul3A_1154 : vector<16xf32>
        %get3A_1156 = arith.index_cast %scan3A_1006 : i32 to index
        %get3A_1157 = arith.constant 144 : index
        %get3A_1158 = tpu.vector_load %arg10[%get3A_1156, %get3A_1157] {strides = array<i32>} : memref<80x256xf32, #tpu.memory_space<vmem>>, vector<16xf32>,
        %get3A_1159 = arith.index_cast %scan3A_1006 : i32 to index
        %get3A_1160 = arith.constant 144 : index
        %get3A_1161 = tpu.vector_load %arg12[%get3A_1159, %get3A_1160] {strides = array<i32>} : memref<80x256xf32, #tpu.memory_space<vmem>>, vector<16xf32>,
        %add3A_1162 = arith.addf %get3A_1158, %get3A_1161 : vector<16xf32>
        %swap3A_1163 = arith.index_cast %scan3A_1006 : i32 to index
        %swap3A_1164 = arith.constant 144 : index
        %swap3A_1165 = tpu.vector_load %arg10[%swap3A_1163, %swap3A_1164] {strides = array<i32>} : memref<80x256xf32, #tpu.memory_space<vmem>>, vector<16xf32>,
        tpu.vector_store %arg10[%swap3A_1163, %swap3A_1164], %add3A_1162 {strides = array<i32>} : memref<80x256xf32, #tpu.memory_space<vmem>>, vector<16xf32>,
        %add3A_1166 = arith.addf %scan3A_1025, %add3A_1162 : vector<16xf32>
        %mul3A_1167 = arith.mulf %add3A_1162, %add3A_1162 : vector<16xf32>
        %add3A_1168 = arith.addf %scan3A_1026, %mul3A_1167 : vector<16xf32>
        %get3A_1169 = arith.index_cast %scan3A_1006 : i32 to index
        %get3A_1170 = arith.constant 160 : index
        %get3A_1171 = tpu.vector_load %arg10[%get3A_1169, %get3A_1170] {strides = array<i32>} : memref<80x256xf32, #tpu.memory_space<vmem>>, vector<16xf32>,
        %get3A_1172 = arith.index_cast %scan3A_1006 : i32 to index
        %get3A_1173 = arith.constant 160 : index
        %get3A_1174 = tpu.vector_load %arg12[%get3A_1172, %get3A_1173] {strides = array<i32>} : memref<80x256xf32, #tpu.memory_space<vmem>>, vector<16xf32>,
        %add3A_1175 = arith.addf %get3A_1171, %get3A_1174 : vector<16xf32>
        %swap3A_1176 = arith.index_cast %scan3A_1006 : i32 to index
        %swap3A_1177 = arith.constant 160 : index
        %swap3A_1178 = tpu.vector_load %arg10[%swap3A_1176, %swap3A_1177] {strides = array<i32>} : memref<80x256xf32, #tpu.memory_space<vmem>>, vector<16xf32>,
        tpu.vector_store %arg10[%swap3A_1176, %swap3A_1177], %add3A_1175 {strides = array<i32>} : memref<80x256xf32, #tpu.memory_space<vmem>>, vector<16xf32>,
        %add3A_1179 = arith.addf %scan3A_1027, %add3A_1175 : vector<16xf32>
        %mul3A_1180 = arith.mulf %add3A_1175, %add3A_1175 : vector<16xf32>
        %add3A_1181 = arith.addf %scan3A_1028, %mul3A_1180 : vector<16xf32>
        %get3A_1182 = arith.index_cast %scan3A_1006 : i32 to index
        %get3A_1183 = arith.constant 176 : index
        %get3A_1184 = tpu.vector_load %arg10[%get3A_1182, %get3A_1183] {strides = array<i32>} : memref<80x256xf32, #tpu.memory_space<vmem>>, vector<16xf32>,
        %get3A_1185 = arith.index_cast %scan3A_1006 : i32 to index
        %get3A_1186 = arith.constant 176 : index
        %get3A_1187 = tpu.vector_load %arg12[%get3A_1185, %get3A_1186] {strides = array<i32>} : memref<80x256xf32, #tpu.memory_space<vmem>>, vector<16xf32>,
        %add3A_1188 = arith.addf %get3A_1184, %get3A_1187 : vector<16xf32>
        %swap3A_1189 = arith.index_cast %scan3A_1006 : i32 to index
        %swap3A_1190 = arith.constant 176 : index
        %swap3A_1191 = tpu.vector_load %arg10[%swap3A_1189, %swap3A_1190] {strides = array<i32>} : memref<80x256xf32, #tpu.memory_space<vmem>>, vector<16xf32>,
        tpu.vector_store %arg10[%swap3A_1189, %swap3A_1190], %add3A_1188 {strides = array<i32>} : memref<80x256xf32, #tpu.memory_space<vmem>>, vector<16xf32>,
        %add3A_1192 = arith.addf %scan3A_1029, %add3A_1188 : vector<16xf32>
        %mul3A_1193 = arith.mulf %add3A_1188, %add3A_1188 : vector<16xf32>
        %add3A_1194 = arith.addf %scan3A_1030, %mul3A_1193 : vector<16xf32>
        %get3A_1195 = arith.index_cast %scan3A_1006 : i32 to index
        %get3A_1196 = arith.constant 192 : index
        %get3A_1197 = tpu.vector_load %arg10[%get3A_1195, %get3A_1196] {strides = array<i32>} : memref<80x256xf32, #tpu.memory_space<vmem>>, vector<16xf32>,
        %get3A_1198 = arith.index_cast %scan3A_1006 : i32 to index
        %get3A_1199 = arith.constant 192 : index
        %get3A_1200 = tpu.vector_load %arg12[%get3A_1198, %get3A_1199] {strides = array<i32>} : memref<80x256xf32, #tpu.memory_space<vmem>>, vector<16xf32>,
        %add3A_1201 = arith.addf %get3A_1197, %get3A_1200 : vector<16xf32>
        %swap3A_1202 = arith.index_cast %scan3A_1006 : i32 to index
        %swap3A_1203 = arith.constant 192 : index
        %swap3A_1204 = tpu.vector_load %arg10[%swap3A_1202, %swap3A_1203] {strides = array<i32>} : memref<80x256xf32, #tpu.memory_space<vmem>>, vector<16xf32>,
        tpu.vector_store %arg10[%swap3A_1202, %swap3A_1203], %add3A_1201 {strides = array<i32>} : memref<80x256xf32, #tpu.memory_space<vmem>>, vector<16xf32>,
        %add3A_1205 = arith.addf %scan3A_1031, %add3A_1201 : vector<16xf32>
        %mul3A_1206 = arith.mulf %add3A_1201, %add3A_1201 : vector<16xf32>
        %add3A_1207 = arith.addf %scan3A_1032, %mul3A_1206 : vector<16xf32>
        %get3A_1208 = arith.index_cast %scan3A_1006 : i32 to index
        %get3A_1209 = arith.constant 208 : index
        %get3A_1210 = tpu.vector_load %arg10[%get3A_1208, %get3A_1209] {strides = array<i32>} : memref<80x256xf32, #tpu.memory_space<vmem>>, vector<16xf32>,
        %get3A_1211 = arith.index_cast %scan3A_1006 : i32 to index
        %get3A_1212 = arith.constant 208 : index
        %get3A_1213 = tpu.vector_load %arg12[%get3A_1211, %get3A_1212] {strides = array<i32>} : memref<80x256xf32, #tpu.memory_space<vmem>>, vector<16xf32>,
        %add3A_1214 = arith.addf %get3A_1210, %get3A_1213 : vector<16xf32>
        %swap3A_1215 = arith.index_cast %scan3A_1006 : i32 to index
        %swap3A_1216 = arith.constant 208 : index
        %swap3A_1217 = tpu.vector_load %arg10[%swap3A_1215, %swap3A_1216] {strides = array<i32>} : memref<80x256xf32, #tpu.memory_space<vmem>>, vector<16xf32>,
        tpu.vector_store %arg10[%swap3A_1215, %swap3A_1216], %add3A_1214 {strides = array<i32>} : memref<80x256xf32, #tpu.memory_space<vmem>>, vector<16xf32>,
        %add3A_1218 = arith.addf %scan3A_1033, %add3A_1214 : vector<16xf32>
        %mul3A_1219 = arith.mulf %add3A_1214, %add3A_1214 : vector<16xf32>
        %add3A_1220 = arith.addf %scan3A_1034, %mul3A_1219 : vector<16xf32>
        %get3A_1221 = arith.index_cast %scan3A_1006 : i32 to index
        %get3A_1222 = arith.constant 224 : index
        %get3A_1223 = tpu.vector_load %arg10[%get3A_1221, %get3A_1222] {strides = array<i32>} : memref<80x256xf32, #tpu.memory_space<vmem>>, vector<16xf32>,
        %get3A_1224 = arith.index_cast %scan3A_1006 : i32 to index
        %get3A_1225 = arith.constant 224 : index
        %get3A_1226 = tpu.vector_load %arg12[%get3A_1224, %get3A_1225] {strides = array<i32>} : memref<80x256xf32, #tpu.memory_space<vmem>>, vector<16xf32>,
        %add3A_1227 = arith.addf %get3A_1223, %get3A_1226 : vector<16xf32>
        %swap3A_1228 = arith.index_cast %scan3A_1006 : i32 to index
        %swap3A_1229 = arith.constant 224 : index
        %swap3A_1230 = tpu.vector_load %arg10[%swap3A_1228, %swap3A_1229] {strides = array<i32>} : memref<80x256xf32, #tpu.memory_space<vmem>>, vector<16xf32>,
        tpu.vector_store %arg10[%swap3A_1228, %swap3A_1229], %add3A_1227 {strides = array<i32>} : memref<80x256xf32, #tpu.memory_space<vmem>>, vector<16xf32>,
        %add3A_1231 = arith.addf %scan3A_1035, %add3A_1227 : vector<16xf32>
        %mul3A_1232 = arith.mulf %add3A_1227, %add3A_1227 : vector<16xf32>
        %add3A_1233 = arith.addf %scan3A_1036, %mul3A_1232 : vector<16xf32>
        %get3A_1234 = arith.index_cast %scan3A_1006 : i32 to index
        %get3A_1235 = arith.constant 240 : index
        %get3A_1236 = tpu.vector_load %arg10[%get3A_1234, %get3A_1235] {strides = array<i32>} : memref<80x256xf32, #tpu.memory_space<vmem>>, vector<16xf32>,
        %get3A_1237 = arith.index_cast %scan3A_1006 : i32 to index
        %get3A_1238 = arith.constant 240 : index
        %get3A_1239 = tpu.vector_load %arg12[%get3A_1237, %get3A_1238] {strides = array<i32>} : memref<80x256xf32, #tpu.memory_space<vmem>>, vector<16xf32>,
        %add3A_1240 = arith.addf %get3A_1236, %get3A_1239 : vector<16xf32>
        %swap3A_1241 = arith.index_cast %scan3A_1006 : i32 to index
        %swap3A_1242 = arith.constant 240 : index
        %swap3A_1243 = tpu.vector_load %arg10[%swap3A_1241, %swap3A_1242] {strides = array<i32>} : memref<80x256xf32, #tpu.memory_space<vmem>>, vector<16xf32>,
        tpu.vector_store %arg10[%swap3A_1241, %swap3A_1242], %add3A_1240 {strides = array<i32>} : memref<80x256xf32, #tpu.memory_space<vmem>>, vector<16xf32>,
        %add3A_1244 = arith.addf %scan3A_1037, %add3A_1240 : vector<16xf32>
        %mul3A_1245 = arith.mulf %add3A_1240, %add3A_1240 : vector<16xf32>
        %add3A_1246 = arith.addf %scan3A_1038, %mul3A_1245 : vector<16xf32>
        scf.yield %add3A_1049, %add3A_1051, %add3A_1062, %add3A_1064, %add3A_1075, %add3A_1077, %add3A_1088, %add3A_1090, %add3A_1101, %add3A_1103, %add3A_1114, %add3A_1116, %add3A_1127, %add3A_1129, %add3A_1140, %add3A_1142, %add3A_1153, %add3A_1155, %add3A_1166, %add3A_1168, %add3A_1179, %add3A_1181, %add3A_1192, %add3A_1194, %add3A_1205, %add3A_1207, %add3A_1218, %add3A_1220, %add3A_1231, %add3A_1233, %add3A_1244, %add3A_1246 : vector<16xf32>, vector<16xf32>, vector<16xf32>, vector<16xf32>, vector<16xf32>, vector<16xf32>, vector<16xf32>, vector<16xf32>, vector<16xf32>, vector<16xf32>, vector<16xf32>, vector<16xf32>, vector<16xf32>, vector<16xf32>, vector<16xf32>, vector<16xf32>, vector<16xf32>, vector<16xf32>, vector<16xf32>, vector<16xf32>, vector<16xf32>, vector<16xf32>, vector<16xf32>, vector<16xf32>, vector<16xf32>, vector<16xf32>, vector<16xf32>, vector<16xf32>, vector<16xf32>, vector<16xf32>, vector<16xf32>, vector<16xf32>
      }
      %scan3A_496 = arith.constant 80 : i32
      %swap3A_497 = arith.constant 0 : i32
      %swap3A_498 = arith.index_cast %swap3A_497 : i32 to index
      %swap3A_499 = arith.constant 0 : index
      %swap3A_500 = tpu.vector_load %arg19[%swap3A_498, %swap3A_499] {strides = array<i32>} : memref<8x256xf32, #tpu.memory_space<vmem>>, vector<16xf32>,
      tpu.vector_store %arg19[%swap3A_498, %swap3A_499], %scan3A_495#0 {strides = array<i32>} : memref<8x256xf32, #tpu.memory_space<vmem>>, vector<16xf32>,
      %swap3A_501 = arith.constant 1 : i32
      %swap3A_502 = arith.index_cast %swap3A_501 : i32 to index
      %swap3A_503 = arith.constant 0 : index
      %swap3A_504 = tpu.vector_load %arg19[%swap3A_502, %swap3A_503] {strides = array<i32>} : memref<8x256xf32, #tpu.memory_space<vmem>>, vector<16xf32>,
      tpu.vector_store %arg19[%swap3A_502, %swap3A_503], %scan3A_495#1 {strides = array<i32>} : memref<8x256xf32, #tpu.memory_space<vmem>>, vector<16xf32>,
      %swap3A_505 = arith.constant 0 : i32
      %swap3A_506 = arith.index_cast %swap3A_505 : i32 to index
      %swap3A_507 = arith.constant 16 : index
      %swap3A_508 = tpu.vector_load %arg19[%swap3A_506, %swap3A_507] {strides = array<i32>} : memref<8x256xf32, #tpu.memory_space<vmem>>, vector<16xf32>,
      tpu.vector_store %arg19[%swap3A_506, %swap3A_507], %scan3A_495#2 {strides = array<i32>} : memref<8x256xf32, #tpu.memory_space<vmem>>, vector<16xf32>,
      %swap3A_509 = arith.constant 1 : i32
      %swap3A_510 = arith.index_cast %swap3A_509 : i32 to index
      %swap3A_511 = arith.constant 16 : index
      %swap3A_512 = tpu.vector_load %arg19[%swap3A_510, %swap3A_511] {strides = array<i32>} : memref<8x256xf32, #tpu.memory_space<vmem>>, vector<16xf32>,
      tpu.vector_store %arg19[%swap3A_510, %swap3A_511], %scan3A_495#3 {strides = array<i32>} : memref<8x256xf32, #tpu.memory_space<vmem>>, vector<16xf32>,
      %swap3A_513 = arith.constant 0 : i32
      %swap3A_514 = arith.index_cast %swap3A_513 : i32 to index
      %swap3A_515 = arith.constant 32 : index
      %swap3A_516 = tpu.vector_load %arg19[%swap3A_514, %swap3A_515] {strides = array<i32>} : memref<8x256xf32, #tpu.memory_space<vmem>>, vector<16xf32>,
      tpu.vector_store %arg19[%swap3A_514, %swap3A_515], %scan3A_495#4 {strides = array<i32>} : memref<8x256xf32, #tpu.memory_space<vmem>>, vector<16xf32>,
      %swap3A_517 = arith.constant 1 : i32
      %swap3A_518 = arith.index_cast %swap3A_517 : i32 to index
      %swap3A_519 = arith.constant 32 : index
      %swap3A_520 = tpu.vector_load %arg19[%swap3A_518, %swap3A_519] {strides = array<i32>} : memref<8x256xf32, #tpu.memory_space<vmem>>, vector<16xf32>,
      tpu.vector_store %arg19[%swap3A_518, %swap3A_519], %scan3A_495#5 {strides = array<i32>} : memref<8x256xf32, #tpu.memory_space<vmem>>, vector<16xf32>,
      %swap3A_521 = arith.constant 0 : i32
      %swap3A_522 = arith.index_cast %swap3A_521 : i32 to index
      %swap3A_523 = arith.constant 48 : index
      %swap3A_524 = tpu.vector_load %arg19[%swap3A_522, %swap3A_523] {strides = array<i32>} : memref<8x256xf32, #tpu.memory_space<vmem>>, vector<16xf32>,
      tpu.vector_store %arg19[%swap3A_522, %swap3A_523], %scan3A_495#6 {strides = array<i32>} : memref<8x256xf32, #tpu.memory_space<vmem>>, vector<16xf32>,
      %swap3A_525 = arith.constant 1 : i32
      %swap3A_526 = arith.index_cast %swap3A_525 : i32 to index
      %swap3A_527 = arith.constant 48 : index
      %swap3A_528 = tpu.vector_load %arg19[%swap3A_526, %swap3A_527] {strides = array<i32>} : memref<8x256xf32, #tpu.memory_space<vmem>>, vector<16xf32>,
      tpu.vector_store %arg19[%swap3A_526, %swap3A_527], %scan3A_495#7 {strides = array<i32>} : memref<8x256xf32, #tpu.memory_space<vmem>>, vector<16xf32>,
      %swap3A_529 = arith.constant 0 : i32
      %swap3A_530 = arith.index_cast %swap3A_529 : i32 to index
      %swap3A_531 = arith.constant 64 : index
      %swap3A_532 = tpu.vector_load %arg19[%swap3A_530, %swap3A_531] {strides = array<i32>} : memref<8x256xf32, #tpu.memory_space<vmem>>, vector<16xf32>,
      tpu.vector_store %arg19[%swap3A_530, %swap3A_531], %scan3A_495#8 {strides = array<i32>} : memref<8x256xf32, #tpu.memory_space<vmem>>, vector<16xf32>,
      %swap3A_533 = arith.constant 1 : i32
      %swap3A_534 = arith.index_cast %swap3A_533 : i32 to index
      %swap3A_535 = arith.constant 64 : index
      %swap3A_536 = tpu.vector_load %arg19[%swap3A_534, %swap3A_535] {strides = array<i32>} : memref<8x256xf32, #tpu.memory_space<vmem>>, vector<16xf32>,
      tpu.vector_store %arg19[%swap3A_534, %swap3A_535], %scan3A_495#9 {strides = array<i32>} : memref<8x256xf32, #tpu.memory_space<vmem>>, vector<16xf32>,
      %swap3A_537 = arith.constant 0 : i32
      %swap3A_538 = arith.index_cast %swap3A_537 : i32 to index
      %swap3A_539 = arith.constant 80 : index
      %swap3A_540 = tpu.vector_load %arg19[%swap3A_538, %swap3A_539] {strides = array<i32>} : memref<8x256xf32, #tpu.memory_space<vmem>>, vector<16xf32>,
      tpu.vector_store %arg19[%swap3A_538, %swap3A_539], %scan3A_495#10 {strides = array<i32>} : memref<8x256xf32, #tpu.memory_space<vmem>>, vector<16xf32>,
      %swap3A_541 = arith.constant 1 : i32
      %swap3A_542 = arith.index_cast %swap3A_541 : i32 to index
      %swap3A_543 = arith.constant 80 : index
      %swap3A_544 = tpu.vector_load %arg19[%swap3A_542, %swap3A_543] {strides = array<i32>} : memref<8x256xf32, #tpu.memory_space<vmem>>, vector<16xf32>,
      tpu.vector_store %arg19[%swap3A_542, %swap3A_543], %scan3A_495#11 {strides = array<i32>} : memref<8x256xf32, #tpu.memory_space<vmem>>, vector<16xf32>,
      %swap3A_545 = arith.constant 0 : i32
      %swap3A_546 = arith.index_cast %swap3A_545 : i32 to index
      %swap3A_547 = arith.constant 96 : index
      %swap3A_548 = tpu.vector_load %arg19[%swap3A_546, %swap3A_547] {strides = array<i32>} : memref<8x256xf32, #tpu.memory_space<vmem>>, vector<16xf32>,
      tpu.vector_store %arg19[%swap3A_546, %swap3A_547], %scan3A_495#12 {strides = array<i32>} : memref<8x256xf32, #tpu.memory_space<vmem>>, vector<16xf32>,
      %swap3A_549 = arith.constant 1 : i32
      %swap3A_550 = arith.index_cast %swap3A_549 : i32 to index
      %swap3A_551 = arith.constant 96 : index
      %swap3A_552 = tpu.vector_load %arg19[%swap3A_550, %swap3A_551] {strides = array<i32>} : memref<8x256xf32, #tpu.memory_space<vmem>>, vector<16xf32>,
      tpu.vector_store %arg19[%swap3A_550, %swap3A_551], %scan3A_495#13 {strides = array<i32>} : memref<8x256xf32, #tpu.memory_space<vmem>>, vector<16xf32>,
      %swap3A_553 = arith.constant 0 : i32
      %swap3A_554 = arith.index_cast %swap3A_553 : i32 to index
      %swap3A_555 = arith.constant 112 : index
      %swap3A_556 = tpu.vector_load %arg19[%swap3A_554, %swap3A_555] {strides = array<i32>} : memref<8x256xf32, #tpu.memory_space<vmem>>, vector<16xf32>,
      tpu.vector_store %arg19[%swap3A_554, %swap3A_555], %scan3A_495#14 {strides = array<i32>} : memref<8x256xf32, #tpu.memory_space<vmem>>, vector<16xf32>,
      %swap3A_557 = arith.constant 1 : i32
      %swap3A_558 = arith.index_cast %swap3A_557 : i32 to index
      %swap3A_559 = arith.constant 112 : index
      %swap3A_560 = tpu.vector_load %arg19[%swap3A_558, %swap3A_559] {strides = array<i32>} : memref<8x256xf32, #tpu.memory_space<vmem>>, vector<16xf32>,
      tpu.vector_store %arg19[%swap3A_558, %swap3A_559], %scan3A_495#15 {strides = array<i32>} : memref<8x256xf32, #tpu.memory_space<vmem>>, vector<16xf32>,
      %swap3A_561 = arith.constant 0 : i32
      %swap3A_562 = arith.index_cast %swap3A_561 : i32 to index
      %swap3A_563 = arith.constant 128 : index
      %swap3A_564 = tpu.vector_load %arg19[%swap3A_562, %swap3A_563] {strides = array<i32>} : memref<8x256xf32, #tpu.memory_space<vmem>>, vector<16xf32>,
      tpu.vector_store %arg19[%swap3A_562, %swap3A_563], %scan3A_495#16 {strides = array<i32>} : memref<8x256xf32, #tpu.memory_space<vmem>>, vector<16xf32>,
      %swap3A_565 = arith.constant 1 : i32
      %swap3A_566 = arith.index_cast %swap3A_565 : i32 to index
      %swap3A_567 = arith.constant 128 : index
      %swap3A_568 = tpu.vector_load %arg19[%swap3A_566, %swap3A_567] {strides = array<i32>} : memref<8x256xf32, #tpu.memory_space<vmem>>, vector<16xf32>,
      tpu.vector_store %arg19[%swap3A_566, %swap3A_567], %scan3A_495#17 {strides = array<i32>} : memref<8x256xf32, #tpu.memory_space<vmem>>, vector<16xf32>,
      %swap3A_569 = arith.constant 0 : i32
      %swap3A_570 = arith.index_cast %swap3A_569 : i32 to index
      %swap3A_571 = arith.constant 144 : index
      %swap3A_572 = tpu.vector_load %arg19[%swap3A_570, %swap3A_571] {strides = array<i32>} : memref<8x256xf32, #tpu.memory_space<vmem>>, vector<16xf32>,
      tpu.vector_store %arg19[%swap3A_570, %swap3A_571], %scan3A_495#18 {strides = array<i32>} : memref<8x256xf32, #tpu.memory_space<vmem>>, vector<16xf32>,
      %swap3A_573 = arith.constant 1 : i32
      %swap3A_574 = arith.index_cast %swap3A_573 : i32 to index
      %swap3A_575 = arith.constant 144 : index
      %swap3A_576 = tpu.vector_load %arg19[%swap3A_574, %swap3A_575] {strides = array<i32>} : memref<8x256xf32, #tpu.memory_space<vmem>>, vector<16xf32>,
      tpu.vector_store %arg19[%swap3A_574, %swap3A_575], %scan3A_495#19 {strides = array<i32>} : memref<8x256xf32, #tpu.memory_space<vmem>>, vector<16xf32>,
      %swap3A_577 = arith.constant 0 : i32
      %swap3A_578 = arith.index_cast %swap3A_577 : i32 to index
      %swap3A_579 = arith.constant 160 : index
      %swap3A_580 = tpu.vector_load %arg19[%swap3A_578, %swap3A_579] {strides = array<i32>} : memref<8x256xf32, #tpu.memory_space<vmem>>, vector<16xf32>,
      tpu.vector_store %arg19[%swap3A_578, %swap3A_579], %scan3A_495#20 {strides = array<i32>} : memref<8x256xf32, #tpu.memory_space<vmem>>, vector<16xf32>,
      %swap3A_581 = arith.constant 1 : i32
      %swap3A_582 = arith.index_cast %swap3A_581 : i32 to index
      %swap3A_583 = arith.constant 160 : index
      %swap3A_584 = tpu.vector_load %arg19[%swap3A_582, %swap3A_583] {strides = array<i32>} : memref<8x256xf32, #tpu.memory_space<vmem>>, vector<16xf32>,
      tpu.vector_store %arg19[%swap3A_582, %swap3A_583], %scan3A_495#21 {strides = array<i32>} : memref<8x256xf32, #tpu.memory_space<vmem>>, vector<16xf32>,
      %swap3A_585 = arith.constant 0 : i32
      %swap3A_586 = arith.index_cast %swap3A_585 : i32 to index
      %swap3A_587 = arith.constant 176 : index
      %swap3A_588 = tpu.vector_load %arg19[%swap3A_586, %swap3A_587] {strides = array<i32>} : memref<8x256xf32, #tpu.memory_space<vmem>>, vector<16xf32>,
      tpu.vector_store %arg19[%swap3A_586, %swap3A_587], %scan3A_495#22 {strides = array<i32>} : memref<8x256xf32, #tpu.memory_space<vmem>>, vector<16xf32>,
      %swap3A_589 = arith.constant 1 : i32
      %swap3A_590 = arith.index_cast %swap3A_589 : i32 to index
      %swap3A_591 = arith.constant 176 : index
      %swap3A_592 = tpu.vector_load %arg19[%swap3A_590, %swap3A_591] {strides = array<i32>} : memref<8x256xf32, #tpu.memory_space<vmem>>, vector<16xf32>,
      tpu.vector_store %arg19[%swap3A_590, %swap3A_591], %scan3A_495#23 {strides = array<i32>} : memref<8x256xf32, #tpu.memory_space<vmem>>, vector<16xf32>,
      %swap3A_593 = arith.constant 0 : i32
      %swap3A_594 = arith.index_cast %swap3A_593 : i32 to index
      %swap3A_595 = arith.constant 192 : index
      %swap3A_596 = tpu.vector_load %arg19[%swap3A_594, %swap3A_595] {strides = array<i32>} : memref<8x256xf32, #tpu.memory_space<vmem>>, vector<16xf32>,
      tpu.vector_store %arg19[%swap3A_594, %swap3A_595], %scan3A_495#24 {strides = array<i32>} : memref<8x256xf32, #tpu.memory_space<vmem>>, vector<16xf32>,
      %swap3A_597 = arith.constant 1 : i32
      %swap3A_598 = arith.index_cast %swap3A_597 : i32 to index
      %swap3A_599 = arith.constant 192 : index
      %swap3A_600 = tpu.vector_load %arg19[%swap3A_598, %swap3A_599] {strides = array<i32>} : memref<8x256xf32, #tpu.memory_space<vmem>>, vector<16xf32>,
      tpu.vector_store %arg19[%swap3A_598, %swap3A_599], %scan3A_495#25 {strides = array<i32>} : memref<8x256xf32, #tpu.memory_space<vmem>>, vector<16xf32>,
      %swap3A_601 = arith.constant 0 : i32
      %swap3A_602 = arith.index_cast %swap3A_601 : i32 to index
      %swap3A_603 = arith.constant 208 : index
      %swap3A_604 = tpu.vector_load %arg19[%swap3A_602, %swap3A_603] {strides = array<i32>} : memref<8x256xf32, #tpu.memory_space<vmem>>, vector<16xf32>,
      tpu.vector_store %arg19[%swap3A_602, %swap3A_603], %scan3A_495#26 {strides = array<i32>} : memref<8x256xf32, #tpu.memory_space<vmem>>, vector<16xf32>,
      %swap3A_605 = arith.constant 1 : i32
      %swap3A_606 = arith.index_cast %swap3A_605 : i32 to index
      %swap3A_607 = arith.constant 208 : index
      %swap3A_608 = tpu.vector_load %arg19[%swap3A_606, %swap3A_607] {strides = array<i32>} : memref<8x256xf32, #tpu.memory_space<vmem>>, vector<16xf32>,
      tpu.vector_store %arg19[%swap3A_606, %swap3A_607], %scan3A_495#27 {strides = array<i32>} : memref<8x256xf32, #tpu.memory_space<vmem>>, vector<16xf32>,
      %swap3A_609 = arith.constant 0 : i32
      %swap3A_610 = arith.index_cast %swap3A_609 : i32 to index
      %swap3A_611 = arith.constant 224 : index
      %swap3A_612 = tpu.vector_load %arg19[%swap3A_610, %swap3A_611] {strides = array<i32>} : memref<8x256xf32, #tpu.memory_space<vmem>>, vector<16xf32>,
      tpu.vector_store %arg19[%swap3A_610, %swap3A_611], %scan3A_495#28 {strides = array<i32>} : memref<8x256xf32, #tpu.memory_space<vmem>>, vector<16xf32>,
      %swap3A_613 = arith.constant 1 : i32
      %swap3A_614 = arith.index_cast %swap3A_613 : i32 to index
      %swap3A_615 = arith.constant 224 : index
      %swap3A_616 = tpu.vector_load %arg19[%swap3A_614, %swap3A_615] {strides = array<i32>} : memref<8x256xf32, #tpu.memory_space<vmem>>, vector<16xf32>,
      tpu.vector_store %arg19[%swap3A_614, %swap3A_615], %scan3A_495#29 {strides = array<i32>} : memref<8x256xf32, #tpu.memory_space<vmem>>, vector<16xf32>,
      %swap3A_617 = arith.constant 0 : i32
      %swap3A_618 = arith.index_cast %swap3A_617 : i32 to index
      %swap3A_619 = arith.constant 240 : index
      %swap3A_620 = tpu.vector_load %arg19[%swap3A_618, %swap3A_619] {strides = array<i32>} : memref<8x256xf32, #tpu.memory_space<vmem>>, vector<16xf32>,
      tpu.vector_store %arg19[%swap3A_618, %swap3A_619], %scan3A_495#30 {strides = array<i32>} : memref<8x256xf32, #tpu.memory_space<vmem>>, vector<16xf32>,
      %swap3A_621 = arith.constant 1 : i32
      %swap3A_622 = arith.index_cast %swap3A_621 : i32 to index
      %swap3A_623 = arith.constant 240 : index
      %swap3A_624 = tpu.vector_load %arg19[%swap3A_622, %swap3A_623] {strides = array<i32>} : memref<8x256xf32, #tpu.memory_space<vmem>>, vector<16xf32>,
      tpu.vector_store %arg19[%swap3A_622, %swap3A_623], %scan3A_495#31 {strides = array<i32>} : memref<8x256xf32, #tpu.memory_space<vmem>>, vector<16xf32>,
      %jit3A = arith.constant 25 : i32
      %eq3A = arith.constant 0 : i32
      %eq3A_625 = arith.cmpi eq, %jit3A, %eq3A : i32
      %jit3A_626 = arith.constant 1 : i32
      %select_n3A = arith.select %eq3A_625, %jit3A_626, %jit3A : i32
      %rem3A = arith.remsi %add3A_352, %select_n3A : i32
      %ne3A = arith.constant 0 : i32
      %ne3A_627 = arith.cmpi ne, %rem3A, %ne3A : i32
      %lt3A = arith.constant 0 : i32
      %lt3A_628 = arith.cmpi slt, %rem3A, %lt3A : i32
      %lt3A_629 = arith.constant 0 : i32
      %lt3A_630 = arith.cmpi slt, %select_n3A, %lt3A_629 : i32
      %ne3A_631 = arith.xori %lt3A_628, %lt3A_630 : i1
      %and3A = arith.andi %ne3A_631, %ne3A_627 : i1
      %add3A_632 = arith.addi %rem3A, %select_n3A : i32
      %select_n3A_633 = arith.select %and3A, %add3A_632, %rem3A : i32
      %mul3A_634 = arith.constant 80 : i32
      %mul3A_635 = arith.muli %select_n3A_633, %mul3A_634 : i32
      %add3A_636 = arith.constant 0 : i32
      %add3A_637 = arith.addi %mul3A_635, %add3A_636 : i32
      %get3A_638 = arith.index_cast %add3A_637 : i32 to index
      %get3A_639 = tpu.vector_load %arg18[%get3A_638] {strides = array<i32>} : memref<2000xi32, #tpu.memory_space<vmem>>, vector<16xi32>,
      tpu.vector_store_idx %arg14[%get3A_639], %broadcast_in_dim3A_3 {add = true} : memref<10016xf32, #tpu.memory_space<vmem>>[vector<16xi32>], vector<16xf32>,
      %add3A_640 = arith.constant 16 : i32
      %add3A_641 = arith.addi %mul3A_635, %add3A_640 : i32
      %get3A_642 = arith.index_cast %add3A_641 : i32 to index
      %get3A_643 = tpu.vector_load %arg18[%get3A_642] {strides = array<i32>} : memref<2000xi32, #tpu.memory_space<vmem>>, vector<16xi32>,
      tpu.vector_store_idx %arg14[%get3A_643], %broadcast_in_dim3A_3 {add = true} : memref<10016xf32, #tpu.memory_space<vmem>>[vector<16xi32>], vector<16xf32>,
      %add3A_644 = arith.constant 32 : i32
      %add3A_645 = arith.addi %mul3A_635, %add3A_644 : i32
      %get3A_646 = arith.index_cast %add3A_645 : i32 to index
      %get3A_647 = tpu.vector_load %arg18[%get3A_646] {strides = array<i32>} : memref<2000xi32, #tpu.memory_space<vmem>>, vector<16xi32>,
      tpu.vector_store_idx %arg14[%get3A_647], %broadcast_in_dim3A_3 {add = true} : memref<10016xf32, #tpu.memory_space<vmem>>[vector<16xi32>], vector<16xf32>,
      %add3A_648 = arith.constant 48 : i32
      %add3A_649 = arith.addi %mul3A_635, %add3A_648 : i32
      %get3A_650 = arith.index_cast %add3A_649 : i32 to index
      %get3A_651 = tpu.vector_load %arg18[%get3A_650] {strides = array<i32>} : memref<2000xi32, #tpu.memory_space<vmem>>, vector<16xi32>,
      tpu.vector_store_idx %arg14[%get3A_651], %broadcast_in_dim3A_3 {add = true} : memref<10016xf32, #tpu.memory_space<vmem>>[vector<16xi32>], vector<16xf32>,
      %add3A_652 = arith.constant 64 : i32
      %add3A_653 = arith.addi %mul3A_635, %add3A_652 : i32
      %get3A_654 = arith.index_cast %add3A_653 : i32 to index
      %get3A_655 = tpu.vector_load %arg18[%get3A_654] {strides = array<i32>} : memref<2000xi32, #tpu.memory_space<vmem>>, vector<16xi32>,
      tpu.vector_store_idx %arg14[%get3A_655], %broadcast_in_dim3A_3 {add = true} : memref<10016xf32, #tpu.memory_space<vmem>>[vector<16xi32>], vector<16xf32>,
      %ge3A = arith.constant 1 : i32
      %ge3A_656 = arith.cmpi sge, %add3A_352, %ge3A : i32
      %convert_element_type3A = arith.extui %ge3A_656 : i1 to i32
      %cond3A = arith.constant 0 : i32
      %cond3A_657 = arith.cmpi ne, %convert_element_type3A, %cond3A : i32
      scf.if %cond3A_657 {
        %dma_wait3A_1006 = arith.constant 0 : i32
        %dma_wait3A_1007 = arith.constant 0 : i32
        %dma_wait3A_1008 = tpu.memref_slice %arg6[%dma_wait3A_1006, %dma_wait3A_1007] : memref<320000x256xf32, #tpu.memory_space<hbm>> -> memref<80x256xf32, #tpu.memory_space<hbm>>
        %dma_wait3A_1009 = arith.constant 0 : i32
        %dma_wait3A_1010 = arith.constant 0 : i32
        %dma_wait3A_1011 = tpu.memref_slice %arg6[%dma_wait3A_1009, %dma_wait3A_1010] : memref<320000x256xf32, #tpu.memory_space<hbm>> -> memref<80x256xf32, #tpu.memory_space<hbm>>
        tpu.wait_dma2 semaphore(%arg25 : memref<!tpu.dma_semaphore, #tpu.memory_space<semaphore_mem>>) src(%arg11 : memref<80x256xf32, #tpu.memory_space<vmem>>) dst(%dma_wait3A_1011 : memref<80x256xf32, #tpu.memory_space<hbm>>)
      } else {
      }
      %add3A_658 = arith.constant 1 : i32
      %add3A_659 = arith.addi %add3A_352, %add3A_658 : i32
      %lt3A_660 = arith.constant 125 : i32
      %lt3A_661 = arith.cmpi slt, %add3A_659, %lt3A_660 : i32
      %convert_element_type3A_662 = arith.extui %lt3A_661 : i1 to i32
      %cond3A_663 = arith.constant 0 : i32
      %cond3A_664 = arith.cmpi ne, %convert_element_type3A_662, %cond3A_663 : i32
      scf.if %cond3A_664 {
        %add3A_1006 = arith.constant 1 : i32
        %add3A_1007 = arith.addi %add3A_352, %add3A_1006 : i32
        %mul3A_1008 = arith.constant 80 : i32
        %mul3A_1009 = arith.muli %add3A_1007, %mul3A_1008 : i32
        %add3A_1010 = arith.addi %mul3A_2, %mul3A_1009 : i32
        %add3A_1011 = arith.constant 1 : i32
        %add3A_1012 = arith.addi %add3A_352, %add3A_1011 : i32
        %jit3A_1013 = arith.constant 25 : i32
        %eq3A_1014 = arith.constant 0 : i32
        %eq3A_1015 = arith.cmpi eq, %jit3A_1013, %eq3A_1014 : i32
        %jit3A_1016 = arith.constant 1 : i32
        %select_n3A_1017 = arith.select %eq3A_1015, %jit3A_1016, %jit3A_1013 : i32
        %rem3A_1018 = arith.remsi %add3A_1012, %select_n3A_1017 : i32
        %ne3A_1019 = arith.constant 0 : i32
        %ne3A_1020 = arith.cmpi ne, %rem3A_1018, %ne3A_1019 : i32
        %lt3A_1021 = arith.constant 0 : i32
        %lt3A_1022 = arith.cmpi slt, %rem3A_1018, %lt3A_1021 : i32
        %lt3A_1023 = arith.constant 0 : i32
        %lt3A_1024 = arith.cmpi slt, %select_n3A_1017, %lt3A_1023 : i32
        %ne3A_1025 = arith.xori %lt3A_1022, %lt3A_1024 : i1
        %and3A_1026 = arith.andi %ne3A_1025, %ne3A_1020 : i1
        %add3A_1027 = arith.addi %rem3A_1018, %select_n3A_1017 : i32
        %select_n3A_1028 = arith.select %and3A_1026, %add3A_1027, %rem3A_1018 : i32
        %eq3A_1029 = arith.constant 0 : i32
        %eq3A_1030 = arith.cmpi eq, %select_n3A_1028, %eq3A_1029 : i32
        %convert_element_type3A_1031 = arith.extui %eq3A_1030 : i1 to i32
        %cond3A_1032 = arith.constant 0 : i32
        %cond3A_1033 = arith.cmpi ne, %convert_element_type3A_1031, %cond3A_1032 : i32
        scf.if %cond3A_1033 {
          "tpu.region"() ({
            %run_scoped3A = tpu.sem_alloc : memref<!tpu.dma_semaphore, #tpu.memory_space<semaphore_mem>>
            %dma_start3A_1063 = tpu.memref_slice %arg4[%add3A_1010] : memref<320000xi32, #tpu.memory_space<hbm>> -> memref<2000xi32, #tpu.memory_space<hbm>>
            %dma_start3A_1064 = tpu.memref_slice %arg4[%add3A_1010] : memref<320000xi32, #tpu.memory_space<hbm>> -> memref<2000xi32, #tpu.memory_space<hbm>>
            tpu.enqueue_dma source(%dma_start3A_1064 : memref<2000xi32, #tpu.memory_space<hbm>>) target(%arg17 : memref<2000xi32, #tpu.memory_space<vmem>>) target_semaphore(%run_scoped3A : memref<!tpu.dma_semaphore, #tpu.memory_space<semaphore_mem>>)
            %dma_wait3A_1065 = tpu.memref_slice %arg4[%add3A_1010] : memref<320000xi32, #tpu.memory_space<hbm>> -> memref<2000xi32, #tpu.memory_space<hbm>>
            %dma_wait3A_1066 = tpu.memref_slice %arg4[%add3A_1010] : memref<320000xi32, #tpu.memory_space<hbm>> -> memref<2000xi32, #tpu.memory_space<hbm>>
            tpu.wait_dma2 semaphore(%run_scoped3A : memref<!tpu.dma_semaphore, #tpu.memory_space<semaphore_mem>>) src(%dma_wait3A_1066 : memref<2000xi32, #tpu.memory_space<hbm>>) dst(%arg17 : memref<2000xi32, #tpu.memory_space<vmem>>)
            tpu.yield
          }) : () -> ()
          "tpu.region"() ({
            %run_scoped3A = tpu.sem_alloc : memref<!tpu.dma_semaphore, #tpu.memory_space<semaphore_mem>>
            %dma_start3A_1063 = tpu.memref_slice %arg5[%add3A_1010] : memref<320000xi32, #tpu.memory_space<hbm>> -> memref<2000xi32, #tpu.memory_space<hbm>>
            %dma_start3A_1064 = tpu.memref_slice %arg5[%add3A_1010] : memref<320000xi32, #tpu.memory_space<hbm>> -> memref<2000xi32, #tpu.memory_space<hbm>>
            tpu.enqueue_dma source(%dma_start3A_1064 : memref<2000xi32, #tpu.memory_space<hbm>>) target(%arg18 : memref<2000xi32, #tpu.memory_space<vmem>>) target_semaphore(%run_scoped3A : memref<!tpu.dma_semaphore, #tpu.memory_space<semaphore_mem>>)
            %dma_wait3A_1065 = tpu.memref_slice %arg5[%add3A_1010] : memref<320000xi32, #tpu.memory_space<hbm>> -> memref<2000xi32, #tpu.memory_space<hbm>>
            %dma_wait3A_1066 = tpu.memref_slice %arg5[%add3A_1010] : memref<320000xi32, #tpu.memory_space<hbm>> -> memref<2000xi32, #tpu.memory_space<hbm>>
            tpu.wait_dma2 semaphore(%run_scoped3A : memref<!tpu.dma_semaphore, #tpu.memory_space<semaphore_mem>>) src(%dma_wait3A_1066 : memref<2000xi32, #tpu.memory_space<hbm>>) dst(%arg18 : memref<2000xi32, #tpu.memory_space<vmem>>)
            tpu.yield
          }) : () -> ()
        } else {
        }
        %add3A_1034 = arith.constant 1 : i32
        %add3A_1035 = arith.addi %add3A_352, %add3A_1034 : i32
        %jit3A_1036 = arith.constant 25 : i32
        %eq3A_1037 = arith.constant 0 : i32
        %eq3A_1038 = arith.cmpi eq, %jit3A_1036, %eq3A_1037 : i32
        %jit3A_1039 = arith.constant 1 : i32
        %select_n3A_1040 = arith.select %eq3A_1038, %jit3A_1039, %jit3A_1036 : i32
        %rem3A_1041 = arith.remsi %add3A_1035, %select_n3A_1040 : i32
        %ne3A_1042 = arith.constant 0 : i32
        %ne3A_1043 = arith.cmpi ne, %rem3A_1041, %ne3A_1042 : i32
        %lt3A_1044 = arith.constant 0 : i32
        %lt3A_1045 = arith.cmpi slt, %rem3A_1041, %lt3A_1044 : i32
        %lt3A_1046 = arith.constant 0 : i32
        %lt3A_1047 = arith.cmpi slt, %select_n3A_1040, %lt3A_1046 : i32
        %ne3A_1048 = arith.xori %lt3A_1045, %lt3A_1047 : i1
        %and3A_1049 = arith.andi %ne3A_1048, %ne3A_1043 : i1
        %add3A_1050 = arith.addi %rem3A_1041, %select_n3A_1040 : i32
        %select_n3A_1051 = arith.select %and3A_1049, %add3A_1050, %rem3A_1041 : i32
        %mul3A_1052 = arith.constant 80 : i32
        %mul3A_1053 = arith.muli %select_n3A_1051, %mul3A_1052 : i32
        %multiple_of3A_1054 = tpu.assume_multiple %mul3A_1053, 8 : i32
        %dma_start3A_1055 = tpu.memref_slice %arg18[%multiple_of3A_1054] : memref<2000xi32, #tpu.memory_space<vmem>> -> memref<80xi32, #tpu.memory_space<vmem>>
        %dma_start3A_1056 = arith.constant 0 : i32
        %dma_start3A_1057 = arith.constant 0 : i32
        %dma_start3A_1058 = tpu.memref_slice %arg2[%dma_start3A_1056, %dma_start3A_1057] : memref<10000x256xf32, #tpu.memory_space<hbm>> -> memref<10000x256xf32, #tpu.memory_space<hbm>>
        tpu.enqueue_indirect_dma source(%dma_start3A_1058 : memref<10000x256xf32, #tpu.memory_space<hbm>>) target(%arg11 : memref<80x256xf32, #tpu.memory_space<vmem>>) offsets(%dma_start3A_1055 : memref<80xi32, #tpu.memory_space<vmem>>) semaphore(%arg21 : memref<!tpu.dma_semaphore, #tpu.memory_space<semaphore_mem>>)
        %dma_start3A_1059 = tpu.memref_slice %arg17[%multiple_of3A_1054] : memref<2000xi32, #tpu.memory_space<vmem>> -> memref<80xi32, #tpu.memory_space<vmem>>
        %dma_start3A_1060 = arith.constant 0 : i32
        %dma_start3A_1061 = arith.constant 0 : i32
        %dma_start3A_1062 = tpu.memref_slice %arg3[%dma_start3A_1060, %dma_start3A_1061] : memref<10000x256xf32, #tpu.memory_space<hbm>> -> memref<10000x256xf32, #tpu.memory_space<hbm>>
        tpu.enqueue_indirect_dma source(%dma_start3A_1062 : memref<10000x256xf32, #tpu.memory_space<hbm>>) target(%arg13 : memref<80x256xf32, #tpu.memory_space<vmem>>) offsets(%dma_start3A_1059 : memref<80xi32, #tpu.memory_space<vmem>>) semaphore(%arg23 : memref<!tpu.dma_semaphore, #tpu.memory_space<semaphore_mem>>)
      } else {
      }
      %mul3A_665 = arith.constant 80 : i32
      %mul3A_666 = arith.muli %add3A_352, %mul3A_665 : i32
      %add3A_667 = arith.addi %mul3A_2, %mul3A_666 : i32
      %dma_start3A_668 = arith.constant 0 : i32
      %dma_start3A_669 = tpu.memref_slice %arg6[%add3A_667, %dma_start3A_668] : memref<320000x256xf32, #tpu.memory_space<hbm>> -> memref<80x256xf32, #tpu.memory_space<hbm>>
      %dma_start3A_670 = arith.constant 0 : i32
      %dma_start3A_671 = tpu.memref_slice %arg6[%add3A_667, %dma_start3A_670] : memref<320000x256xf32, #tpu.memory_space<hbm>> -> memref<80x256xf32, #tpu.memory_space<hbm>>
      tpu.enqueue_dma source(%arg10 : memref<80x256xf32, #tpu.memory_space<vmem>>) target(%dma_start3A_671 : memref<80x256xf32, #tpu.memory_space<hbm>>) target_semaphore(%arg24 : memref<!tpu.dma_semaphore, #tpu.memory_space<semaphore_mem>>)
      %mul3A_672 = arith.constant 2 : i32
      %mul3A_673 = arith.muli %mul3A_672, %scan3A_347 : i32
      %add3A_674 = arith.constant 1 : i32
      %add3A_675 = arith.addi %mul3A_673, %add3A_674 : i32
      %dma_wait3A_676 = arith.constant 0 : i32
      %dma_wait3A_677 = tpu.memref_slice %arg18[%dma_wait3A_676] : memref<2000xi32, #tpu.memory_space<vmem>> -> memref<80xi32, #tpu.memory_space<vmem>>
      %dma_wait3A_678 = arith.constant 0 : i32
      %dma_wait3A_679 = arith.constant 0 : i32
      %dma_wait3A_680 = tpu.memref_slice %arg2[%dma_wait3A_678, %dma_wait3A_679] : memref<10000x256xf32, #tpu.memory_space<hbm>> -> memref<10000x256xf32, #tpu.memory_space<hbm>>
      tpu.wait_indirect_dma semaphore(%arg21 : memref<!tpu.dma_semaphore, #tpu.memory_space<semaphore_mem>>) src(%dma_wait3A_680 : memref<10000x256xf32, #tpu.memory_space<hbm>>) dst(%arg11 : memref<80x256xf32, #tpu.memory_space<vmem>>)
      %dma_wait3A_681 = arith.constant 0 : i32
      %dma_wait3A_682 = tpu.memref_slice %arg17[%dma_wait3A_681] : memref<2000xi32, #tpu.memory_space<vmem>> -> memref<80xi32, #tpu.memory_space<vmem>>
      %dma_wait3A_683 = arith.constant 0 : i32
      %dma_wait3A_684 = arith.constant 0 : i32
      %dma_wait3A_685 = tpu.memref_slice %arg3[%dma_wait3A_683, %dma_wait3A_684] : memref<10000x256xf32, #tpu.memory_space<hbm>> -> memref<10000x256xf32, #tpu.memory_space<hbm>>
      tpu.wait_indirect_dma semaphore(%arg23 : memref<!tpu.dma_semaphore, #tpu.memory_space<semaphore_mem>>) src(%dma_wait3A_685 : memref<10000x256xf32, #tpu.memory_space<hbm>>) dst(%arg13 : memref<80x256xf32, #tpu.memory_space<vmem>>)
      %get3A_686 = arith.constant 0 : i32
      %get3A_687 = arith.index_cast %get3A_686 : i32 to index
      %get3A_688 = arith.constant 0 : index
      %get3A_689 = tpu.vector_load %arg19[%get3A_687, %get3A_688] {strides = array<i32>} : memref<8x256xf32, #tpu.memory_space<vmem>>, vector<16xf32>,
      %get3A_690 = arith.constant 1 : i32
      %get3A_691 = arith.index_cast %get3A_690 : i32 to index
      %get3A_692 = arith.constant 0 : index
      %get3A_693 = tpu.vector_load %arg19[%get3A_691, %get3A_692] {strides = array<i32>} : memref<8x256xf32, #tpu.memory_space<vmem>>, vector<16xf32>,
      %get3A_694 = arith.constant 0 : i32
      %get3A_695 = arith.index_cast %get3A_694 : i32 to index
      %get3A_696 = arith.constant 16 : index
      %get3A_697 = tpu.vector_load %arg19[%get3A_695, %get3A_696] {strides = array<i32>} : memref<8x256xf32, #tpu.memory_space<vmem>>, vector<16xf32>,
      %get3A_698 = arith.constant 1 : i32
      %get3A_699 = arith.index_cast %get3A_698 : i32 to index
      %get3A_700 = arith.constant 16 : index
      %get3A_701 = tpu.vector_load %arg19[%get3A_699, %get3A_700] {strides = array<i32>} : memref<8x256xf32, #tpu.memory_space<vmem>>, vector<16xf32>,
      %get3A_702 = arith.constant 0 : i32
      %get3A_703 = arith.index_cast %get3A_702 : i32 to index
      %get3A_704 = arith.constant 32 : index
      %get3A_705 = tpu.vector_load %arg19[%get3A_703, %get3A_704] {strides = array<i32>} : memref<8x256xf32, #tpu.memory_space<vmem>>, vector<16xf32>,
      %get3A_706 = arith.constant 1 : i32
      %get3A_707 = arith.index_cast %get3A_706 : i32 to index
      %get3A_708 = arith.constant 32 : index
      %get3A_709 = tpu.vector_load %arg19[%get3A_707, %get3A_708] {strides = array<i32>} : memref<8x256xf32, #tpu.memory_space<vmem>>, vector<16xf32>,
      %get3A_710 = arith.constant 0 : i32
      %get3A_711 = arith.index_cast %get3A_710 : i32 to index
      %get3A_712 = arith.constant 48 : index
      %get3A_713 = tpu.vector_load %arg19[%get3A_711, %get3A_712] {strides = array<i32>} : memref<8x256xf32, #tpu.memory_space<vmem>>, vector<16xf32>,
      %get3A_714 = arith.constant 1 : i32
      %get3A_715 = arith.index_cast %get3A_714 : i32 to index
      %get3A_716 = arith.constant 48 : index
      %get3A_717 = tpu.vector_load %arg19[%get3A_715, %get3A_716] {strides = array<i32>} : memref<8x256xf32, #tpu.memory_space<vmem>>, vector<16xf32>,
      %get3A_718 = arith.constant 0 : i32
      %get3A_719 = arith.index_cast %get3A_718 : i32 to index
      %get3A_720 = arith.constant 64 : index
      %get3A_721 = tpu.vector_load %arg19[%get3A_719, %get3A_720] {strides = array<i32>} : memref<8x256xf32, #tpu.memory_space<vmem>>, vector<16xf32>,
      %get3A_722 = arith.constant 1 : i32
      %get3A_723 = arith.index_cast %get3A_722 : i32 to index
      %get3A_724 = arith.constant 64 : index
      %get3A_725 = tpu.vector_load %arg19[%get3A_723, %get3A_724] {strides = array<i32>} : memref<8x256xf32, #tpu.memory_space<vmem>>, vector<16xf32>,
      %get3A_726 = arith.constant 0 : i32
      %get3A_727 = arith.index_cast %get3A_726 : i32 to index
      %get3A_728 = arith.constant 80 : index
      %get3A_729 = tpu.vector_load %arg19[%get3A_727, %get3A_728] {strides = array<i32>} : memref<8x256xf32, #tpu.memory_space<vmem>>, vector<16xf32>,
      %get3A_730 = arith.constant 1 : i32
      %get3A_731 = arith.index_cast %get3A_730 : i32 to index
      %get3A_732 = arith.constant 80 : index
      %get3A_733 = tpu.vector_load %arg19[%get3A_731, %get3A_732] {strides = array<i32>} : memref<8x256xf32, #tpu.memory_space<vmem>>, vector<16xf32>,
      %get3A_734 = arith.constant 0 : i32
      %get3A_735 = arith.index_cast %get3A_734 : i32 to index
      %get3A_736 = arith.constant 96 : index
      %get3A_737 = tpu.vector_load %arg19[%get3A_735, %get3A_736] {strides = array<i32>} : memref<8x256xf32, #tpu.memory_space<vmem>>, vector<16xf32>,
      %get3A_738 = arith.constant 1 : i32
      %get3A_739 = arith.index_cast %get3A_738 : i32 to index
      %get3A_740 = arith.constant 96 : index
      %get3A_741 = tpu.vector_load %arg19[%get3A_739, %get3A_740] {strides = array<i32>} : memref<8x256xf32, #tpu.memory_space<vmem>>, vector<16xf32>,
      %get3A_742 = arith.constant 0 : i32
      %get3A_743 = arith.index_cast %get3A_742 : i32 to index
      %get3A_744 = arith.constant 112 : index
      %get3A_745 = tpu.vector_load %arg19[%get3A_743, %get3A_744] {strides = array<i32>} : memref<8x256xf32, #tpu.memory_space<vmem>>, vector<16xf32>,
      %get3A_746 = arith.constant 1 : i32
      %get3A_747 = arith.index_cast %get3A_746 : i32 to index
      %get3A_748 = arith.constant 112 : index
      %get3A_749 = tpu.vector_load %arg19[%get3A_747, %get3A_748] {strides = array<i32>} : memref<8x256xf32, #tpu.memory_space<vmem>>, vector<16xf32>,
      %get3A_750 = arith.constant 0 : i32
      %get3A_751 = arith.index_cast %get3A_750 : i32 to index
      %get3A_752 = arith.constant 128 : index
      %get3A_753 = tpu.vector_load %arg19[%get3A_751, %get3A_752] {strides = array<i32>} : memref<8x256xf32, #tpu.memory_space<vmem>>, vector<16xf32>,
      %get3A_754 = arith.constant 1 : i32
      %get3A_755 = arith.index_cast %get3A_754 : i32 to index
      %get3A_756 = arith.constant 128 : index
      %get3A_757 = tpu.vector_load %arg19[%get3A_755, %get3A_756] {strides = array<i32>} : memref<8x256xf32, #tpu.memory_space<vmem>>, vector<16xf32>,
      %get3A_758 = arith.constant 0 : i32
      %get3A_759 = arith.index_cast %get3A_758 : i32 to index
      %get3A_760 = arith.constant 144 : index
      %get3A_761 = tpu.vector_load %arg19[%get3A_759, %get3A_760] {strides = array<i32>} : memref<8x256xf32, #tpu.memory_space<vmem>>, vector<16xf32>,
      %get3A_762 = arith.constant 1 : i32
      %get3A_763 = arith.index_cast %get3A_762 : i32 to index
      %get3A_764 = arith.constant 144 : index
      %get3A_765 = tpu.vector_load %arg19[%get3A_763, %get3A_764] {strides = array<i32>} : memref<8x256xf32, #tpu.memory_space<vmem>>, vector<16xf32>,
      %get3A_766 = arith.constant 0 : i32
      %get3A_767 = arith.index_cast %get3A_766 : i32 to index
      %get3A_768 = arith.constant 160 : index
      %get3A_769 = tpu.vector_load %arg19[%get3A_767, %get3A_768] {strides = array<i32>} : memref<8x256xf32, #tpu.memory_space<vmem>>, vector<16xf32>,
      %get3A_770 = arith.constant 1 : i32
      %get3A_771 = arith.index_cast %get3A_770 : i32 to index
      %get3A_772 = arith.constant 160 : index
      %get3A_773 = tpu.vector_load %arg19[%get3A_771, %get3A_772] {strides = array<i32>} : memref<8x256xf32, #tpu.memory_space<vmem>>, vector<16xf32>,
      %get3A_774 = arith.constant 0 : i32
      %get3A_775 = arith.index_cast %get3A_774 : i32 to index
      %get3A_776 = arith.constant 176 : index
      %get3A_777 = tpu.vector_load %arg19[%get3A_775, %get3A_776] {strides = array<i32>} : memref<8x256xf32, #tpu.memory_space<vmem>>, vector<16xf32>,
      %get3A_778 = arith.constant 1 : i32
      %get3A_779 = arith.index_cast %get3A_778 : i32 to index
      %get3A_780 = arith.constant 176 : index
      %get3A_781 = tpu.vector_load %arg19[%get3A_779, %get3A_780] {strides = array<i32>} : memref<8x256xf32, #tpu.memory_space<vmem>>, vector<16xf32>,
      %get3A_782 = arith.constant 0 : i32
      %get3A_783 = arith.index_cast %get3A_782 : i32 to index
      %get3A_784 = arith.constant 192 : index
      %get3A_785 = tpu.vector_load %arg19[%get3A_783, %get3A_784] {strides = array<i32>} : memref<8x256xf32, #tpu.memory_space<vmem>>, vector<16xf32>,
      %get3A_786 = arith.constant 1 : i32
      %get3A_787 = arith.index_cast %get3A_786 : i32 to index
      %get3A_788 = arith.constant 192 : index
      %get3A_789 = tpu.vector_load %arg19[%get3A_787, %get3A_788] {strides = array<i32>} : memref<8x256xf32, #tpu.memory_space<vmem>>, vector<16xf32>,
      %get3A_790 = arith.constant 0 : i32
      %get3A_791 = arith.index_cast %get3A_790 : i32 to index
      %get3A_792 = arith.constant 208 : index
      %get3A_793 = tpu.vector_load %arg19[%get3A_791, %get3A_792] {strides = array<i32>} : memref<8x256xf32, #tpu.memory_space<vmem>>, vector<16xf32>,
      %get3A_794 = arith.constant 1 : i32
      %get3A_795 = arith.index_cast %get3A_794 : i32 to index
      %get3A_796 = arith.constant 208 : index
      %get3A_797 = tpu.vector_load %arg19[%get3A_795, %get3A_796] {strides = array<i32>} : memref<8x256xf32, #tpu.memory_space<vmem>>, vector<16xf32>,
      %get3A_798 = arith.constant 0 : i32
      %get3A_799 = arith.index_cast %get3A_798 : i32 to index
      %get3A_800 = arith.constant 224 : index
      %get3A_801 = tpu.vector_load %arg19[%get3A_799, %get3A_800] {strides = array<i32>} : memref<8x256xf32, #tpu.memory_space<vmem>>, vector<16xf32>,
      %get3A_802 = arith.constant 1 : i32
      %get3A_803 = arith.index_cast %get3A_802 : i32 to index
      %get3A_804 = arith.constant 224 : index
      %get3A_805 = tpu.vector_load %arg19[%get3A_803, %get3A_804] {strides = array<i32>} : memref<8x256xf32, #tpu.memory_space<vmem>>, vector<16xf32>,
      %get3A_806 = arith.constant 0 : i32
      %get3A_807 = arith.index_cast %get3A_806 : i32 to index
      %get3A_808 = arith.constant 240 : index
      %get3A_809 = tpu.vector_load %arg19[%get3A_807, %get3A_808] {strides = array<i32>} : memref<8x256xf32, #tpu.memory_space<vmem>>, vector<16xf32>,
      %get3A_810 = arith.constant 1 : i32
      %get3A_811 = arith.index_cast %get3A_810 : i32 to index
      %get3A_812 = arith.constant 240 : index
      %get3A_813 = tpu.vector_load %arg19[%get3A_811, %get3A_812] {strides = array<i32>} : memref<8x256xf32, #tpu.memory_space<vmem>>, vector<16xf32>,
      %scan3A_814 = arith.constant 0 : i32
      %scan3A_815 = arith.constant 80 : i32
      %scan3A_816 = arith.addi %scan3A_814, %scan3A_815 : i32
      %scan3A_817 = arith.constant 1 : i32
      %scan3A_818:32 = scf.for %scan3A_1006 = %scan3A_814 to %scan3A_816 step %scan3A_817 iter_args(%scan3A_1007 = %get3A_689, %scan3A_1008 = %get3A_693, %scan3A_1009 = %get3A_697, %scan3A_1010 = %get3A_701, %scan3A_1011 = %get3A_705, %scan3A_1012 = %get3A_709, %scan3A_1013 = %get3A_713, %scan3A_1014 = %get3A_717, %scan3A_1015 = %get3A_721, %scan3A_1016 = %get3A_725, %scan3A_1017 = %get3A_729, %scan3A_1018 = %get3A_733, %scan3A_1019 = %get3A_737, %scan3A_1020 = %get3A_741, %scan3A_1021 = %get3A_745, %scan3A_1022 = %get3A_749, %scan3A_1023 = %get3A_753, %scan3A_1024 = %get3A_757, %scan3A_1025 = %get3A_761, %scan3A_1026 = %get3A_765, %scan3A_1027 = %get3A_769, %scan3A_1028 = %get3A_773, %scan3A_1029 = %get3A_777, %scan3A_1030 = %get3A_781, %scan3A_1031 = %get3A_785, %scan3A_1032 = %get3A_789, %scan3A_1033 = %get3A_793, %scan3A_1034 = %get3A_797, %scan3A_1035 = %get3A_801, %scan3A_1036 = %get3A_805, %scan3A_1037 = %get3A_809, %scan3A_1038 = %get3A_813) -> (vector<16xf32>, vector<16xf32>, vector<16xf32>, vector<16xf32>, vector<16xf32>, vector<16xf32>, vector<16xf32>, vector<16xf32>, vector<16xf32>, vector<16xf32>, vector<16xf32>, vector<16xf32>, vector<16xf32>, vector<16xf32>, vector<16xf32>, vector<16xf32>, vector<16xf32>, vector<16xf32>, vector<16xf32>, vector<16xf32>, vector<16xf32>, vector<16xf32>, vector<16xf32>, vector<16xf32>, vector<16xf32>, vector<16xf32>, vector<16xf32>, vector<16xf32>, vector<16xf32>, vector<16xf32>, vector<16xf32>, vector<16xf32>)  : i32 {
        %get3A_1039 = arith.index_cast %scan3A_1006 : i32 to index
        %get3A_1040 = arith.constant 0 : index
        %get3A_1041 = tpu.vector_load %arg11[%get3A_1039, %get3A_1040] {strides = array<i32>} : memref<80x256xf32, #tpu.memory_space<vmem>>, vector<16xf32>,
        %get3A_1042 = arith.index_cast %scan3A_1006 : i32 to index
        %get3A_1043 = arith.constant 0 : index
        %get3A_1044 = tpu.vector_load %arg13[%get3A_1042, %get3A_1043] {strides = array<i32>} : memref<80x256xf32, #tpu.memory_space<vmem>>, vector<16xf32>,
        %add3A_1045 = arith.addf %get3A_1041, %get3A_1044 : vector<16xf32>
        %swap3A_1046 = arith.index_cast %scan3A_1006 : i32 to index
        %swap3A_1047 = arith.constant 0 : index
        %swap3A_1048 = tpu.vector_load %arg11[%swap3A_1046, %swap3A_1047] {strides = array<i32>} : memref<80x256xf32, #tpu.memory_space<vmem>>, vector<16xf32>,
        tpu.vector_store %arg11[%swap3A_1046, %swap3A_1047], %add3A_1045 {strides = array<i32>} : memref<80x256xf32, #tpu.memory_space<vmem>>, vector<16xf32>,
        %add3A_1049 = arith.addf %scan3A_1007, %add3A_1045 : vector<16xf32>
        %mul3A_1050 = arith.mulf %add3A_1045, %add3A_1045 : vector<16xf32>
        %add3A_1051 = arith.addf %scan3A_1008, %mul3A_1050 : vector<16xf32>
        %get3A_1052 = arith.index_cast %scan3A_1006 : i32 to index
        %get3A_1053 = arith.constant 16 : index
        %get3A_1054 = tpu.vector_load %arg11[%get3A_1052, %get3A_1053] {strides = array<i32>} : memref<80x256xf32, #tpu.memory_space<vmem>>, vector<16xf32>,
        %get3A_1055 = arith.index_cast %scan3A_1006 : i32 to index
        %get3A_1056 = arith.constant 16 : index
        %get3A_1057 = tpu.vector_load %arg13[%get3A_1055, %get3A_1056] {strides = array<i32>} : memref<80x256xf32, #tpu.memory_space<vmem>>, vector<16xf32>,
        %add3A_1058 = arith.addf %get3A_1054, %get3A_1057 : vector<16xf32>
        %swap3A_1059 = arith.index_cast %scan3A_1006 : i32 to index
        %swap3A_1060 = arith.constant 16 : index
        %swap3A_1061 = tpu.vector_load %arg11[%swap3A_1059, %swap3A_1060] {strides = array<i32>} : memref<80x256xf32, #tpu.memory_space<vmem>>, vector<16xf32>,
        tpu.vector_store %arg11[%swap3A_1059, %swap3A_1060], %add3A_1058 {strides = array<i32>} : memref<80x256xf32, #tpu.memory_space<vmem>>, vector<16xf32>,
        %add3A_1062 = arith.addf %scan3A_1009, %add3A_1058 : vector<16xf32>
        %mul3A_1063 = arith.mulf %add3A_1058, %add3A_1058 : vector<16xf32>
        %add3A_1064 = arith.addf %scan3A_1010, %mul3A_1063 : vector<16xf32>
        %get3A_1065 = arith.index_cast %scan3A_1006 : i32 to index
        %get3A_1066 = arith.constant 32 : index
        %get3A_1067 = tpu.vector_load %arg11[%get3A_1065, %get3A_1066] {strides = array<i32>} : memref<80x256xf32, #tpu.memory_space<vmem>>, vector<16xf32>,
        %get3A_1068 = arith.index_cast %scan3A_1006 : i32 to index
        %get3A_1069 = arith.constant 32 : index
        %get3A_1070 = tpu.vector_load %arg13[%get3A_1068, %get3A_1069] {strides = array<i32>} : memref<80x256xf32, #tpu.memory_space<vmem>>, vector<16xf32>,
        %add3A_1071 = arith.addf %get3A_1067, %get3A_1070 : vector<16xf32>
        %swap3A_1072 = arith.index_cast %scan3A_1006 : i32 to index
        %swap3A_1073 = arith.constant 32 : index
        %swap3A_1074 = tpu.vector_load %arg11[%swap3A_1072, %swap3A_1073] {strides = array<i32>} : memref<80x256xf32, #tpu.memory_space<vmem>>, vector<16xf32>,
        tpu.vector_store %arg11[%swap3A_1072, %swap3A_1073], %add3A_1071 {strides = array<i32>} : memref<80x256xf32, #tpu.memory_space<vmem>>, vector<16xf32>,
        %add3A_1075 = arith.addf %scan3A_1011, %add3A_1071 : vector<16xf32>
        %mul3A_1076 = arith.mulf %add3A_1071, %add3A_1071 : vector<16xf32>
        %add3A_1077 = arith.addf %scan3A_1012, %mul3A_1076 : vector<16xf32>
        %get3A_1078 = arith.index_cast %scan3A_1006 : i32 to index
        %get3A_1079 = arith.constant 48 : index
        %get3A_1080 = tpu.vector_load %arg11[%get3A_1078, %get3A_1079] {strides = array<i32>} : memref<80x256xf32, #tpu.memory_space<vmem>>, vector<16xf32>,
        %get3A_1081 = arith.index_cast %scan3A_1006 : i32 to index
        %get3A_1082 = arith.constant 48 : index
        %get3A_1083 = tpu.vector_load %arg13[%get3A_1081, %get3A_1082] {strides = array<i32>} : memref<80x256xf32, #tpu.memory_space<vmem>>, vector<16xf32>,
        %add3A_1084 = arith.addf %get3A_1080, %get3A_1083 : vector<16xf32>
        %swap3A_1085 = arith.index_cast %scan3A_1006 : i32 to index
        %swap3A_1086 = arith.constant 48 : index
        %swap3A_1087 = tpu.vector_load %arg11[%swap3A_1085, %swap3A_1086] {strides = array<i32>} : memref<80x256xf32, #tpu.memory_space<vmem>>, vector<16xf32>,
        tpu.vector_store %arg11[%swap3A_1085, %swap3A_1086], %add3A_1084 {strides = array<i32>} : memref<80x256xf32, #tpu.memory_space<vmem>>, vector<16xf32>,
        %add3A_1088 = arith.addf %scan3A_1013, %add3A_1084 : vector<16xf32>
        %mul3A_1089 = arith.mulf %add3A_1084, %add3A_1084 : vector<16xf32>
        %add3A_1090 = arith.addf %scan3A_1014, %mul3A_1089 : vector<16xf32>
        %get3A_1091 = arith.index_cast %scan3A_1006 : i32 to index
        %get3A_1092 = arith.constant 64 : index
        %get3A_1093 = tpu.vector_load %arg11[%get3A_1091, %get3A_1092] {strides = array<i32>} : memref<80x256xf32, #tpu.memory_space<vmem>>, vector<16xf32>,
        %get3A_1094 = arith.index_cast %scan3A_1006 : i32 to index
        %get3A_1095 = arith.constant 64 : index
        %get3A_1096 = tpu.vector_load %arg13[%get3A_1094, %get3A_1095] {strides = array<i32>} : memref<80x256xf32, #tpu.memory_space<vmem>>, vector<16xf32>,
        %add3A_1097 = arith.addf %get3A_1093, %get3A_1096 : vector<16xf32>
        %swap3A_1098 = arith.index_cast %scan3A_1006 : i32 to index
        %swap3A_1099 = arith.constant 64 : index
        %swap3A_1100 = tpu.vector_load %arg11[%swap3A_1098, %swap3A_1099] {strides = array<i32>} : memref<80x256xf32, #tpu.memory_space<vmem>>, vector<16xf32>,
        tpu.vector_store %arg11[%swap3A_1098, %swap3A_1099], %add3A_1097 {strides = array<i32>} : memref<80x256xf32, #tpu.memory_space<vmem>>, vector<16xf32>,
        %add3A_1101 = arith.addf %scan3A_1015, %add3A_1097 : vector<16xf32>
        %mul3A_1102 = arith.mulf %add3A_1097, %add3A_1097 : vector<16xf32>
        %add3A_1103 = arith.addf %scan3A_1016, %mul3A_1102 : vector<16xf32>
        %get3A_1104 = arith.index_cast %scan3A_1006 : i32 to index
        %get3A_1105 = arith.constant 80 : index
        %get3A_1106 = tpu.vector_load %arg11[%get3A_1104, %get3A_1105] {strides = array<i32>} : memref<80x256xf32, #tpu.memory_space<vmem>>, vector<16xf32>,
        %get3A_1107 = arith.index_cast %scan3A_1006 : i32 to index
        %get3A_1108 = arith.constant 80 : index
        %get3A_1109 = tpu.vector_load %arg13[%get3A_1107, %get3A_1108] {strides = array<i32>} : memref<80x256xf32, #tpu.memory_space<vmem>>, vector<16xf32>,
        %add3A_1110 = arith.addf %get3A_1106, %get3A_1109 : vector<16xf32>
        %swap3A_1111 = arith.index_cast %scan3A_1006 : i32 to index
        %swap3A_1112 = arith.constant 80 : index
        %swap3A_1113 = tpu.vector_load %arg11[%swap3A_1111, %swap3A_1112] {strides = array<i32>} : memref<80x256xf32, #tpu.memory_space<vmem>>, vector<16xf32>,
        tpu.vector_store %arg11[%swap3A_1111, %swap3A_1112], %add3A_1110 {strides = array<i32>} : memref<80x256xf32, #tpu.memory_space<vmem>>, vector<16xf32>,
        %add3A_1114 = arith.addf %scan3A_1017, %add3A_1110 : vector<16xf32>
        %mul3A_1115 = arith.mulf %add3A_1110, %add3A_1110 : vector<16xf32>
        %add3A_1116 = arith.addf %scan3A_1018, %mul3A_1115 : vector<16xf32>
        %get3A_1117 = arith.index_cast %scan3A_1006 : i32 to index
        %get3A_1118 = arith.constant 96 : index
        %get3A_1119 = tpu.vector_load %arg11[%get3A_1117, %get3A_1118] {strides = array<i32>} : memref<80x256xf32, #tpu.memory_space<vmem>>, vector<16xf32>,
        %get3A_1120 = arith.index_cast %scan3A_1006 : i32 to index
        %get3A_1121 = arith.constant 96 : index
        %get3A_1122 = tpu.vector_load %arg13[%get3A_1120, %get3A_1121] {strides = array<i32>} : memref<80x256xf32, #tpu.memory_space<vmem>>, vector<16xf32>,
        %add3A_1123 = arith.addf %get3A_1119, %get3A_1122 : vector<16xf32>
        %swap3A_1124 = arith.index_cast %scan3A_1006 : i32 to index
        %swap3A_1125 = arith.constant 96 : index
        %swap3A_1126 = tpu.vector_load %arg11[%swap3A_1124, %swap3A_1125] {strides = array<i32>} : memref<80x256xf32, #tpu.memory_space<vmem>>, vector<16xf32>,
        tpu.vector_store %arg11[%swap3A_1124, %swap3A_1125], %add3A_1123 {strides = array<i32>} : memref<80x256xf32, #tpu.memory_space<vmem>>, vector<16xf32>,
        %add3A_1127 = arith.addf %scan3A_1019, %add3A_1123 : vector<16xf32>
        %mul3A_1128 = arith.mulf %add3A_1123, %add3A_1123 : vector<16xf32>
        %add3A_1129 = arith.addf %scan3A_1020, %mul3A_1128 : vector<16xf32>
        %get3A_1130 = arith.index_cast %scan3A_1006 : i32 to index
        %get3A_1131 = arith.constant 112 : index
        %get3A_1132 = tpu.vector_load %arg11[%get3A_1130, %get3A_1131] {strides = array<i32>} : memref<80x256xf32, #tpu.memory_space<vmem>>, vector<16xf32>,
        %get3A_1133 = arith.index_cast %scan3A_1006 : i32 to index
        %get3A_1134 = arith.constant 112 : index
        %get3A_1135 = tpu.vector_load %arg13[%get3A_1133, %get3A_1134] {strides = array<i32>} : memref<80x256xf32, #tpu.memory_space<vmem>>, vector<16xf32>,
        %add3A_1136 = arith.addf %get3A_1132, %get3A_1135 : vector<16xf32>
        %swap3A_1137 = arith.index_cast %scan3A_1006 : i32 to index
        %swap3A_1138 = arith.constant 112 : index
        %swap3A_1139 = tpu.vector_load %arg11[%swap3A_1137, %swap3A_1138] {strides = array<i32>} : memref<80x256xf32, #tpu.memory_space<vmem>>, vector<16xf32>,
        tpu.vector_store %arg11[%swap3A_1137, %swap3A_1138], %add3A_1136 {strides = array<i32>} : memref<80x256xf32, #tpu.memory_space<vmem>>, vector<16xf32>,
        %add3A_1140 = arith.addf %scan3A_1021, %add3A_1136 : vector<16xf32>
        %mul3A_1141 = arith.mulf %add3A_1136, %add3A_1136 : vector<16xf32>
        %add3A_1142 = arith.addf %scan3A_1022, %mul3A_1141 : vector<16xf32>
        %get3A_1143 = arith.index_cast %scan3A_1006 : i32 to index
        %get3A_1144 = arith.constant 128 : index
        %get3A_1145 = tpu.vector_load %arg11[%get3A_1143, %get3A_1144] {strides = array<i32>} : memref<80x256xf32, #tpu.memory_space<vmem>>, vector<16xf32>,
        %get3A_1146 = arith.index_cast %scan3A_1006 : i32 to index
        %get3A_1147 = arith.constant 128 : index
        %get3A_1148 = tpu.vector_load %arg13[%get3A_1146, %get3A_1147] {strides = array<i32>} : memref<80x256xf32, #tpu.memory_space<vmem>>, vector<16xf32>,
        %add3A_1149 = arith.addf %get3A_1145, %get3A_1148 : vector<16xf32>
        %swap3A_1150 = arith.index_cast %scan3A_1006 : i32 to index
        %swap3A_1151 = arith.constant 128 : index
        %swap3A_1152 = tpu.vector_load %arg11[%swap3A_1150, %swap3A_1151] {strides = array<i32>} : memref<80x256xf32, #tpu.memory_space<vmem>>, vector<16xf32>,
        tpu.vector_store %arg11[%swap3A_1150, %swap3A_1151], %add3A_1149 {strides = array<i32>} : memref<80x256xf32, #tpu.memory_space<vmem>>, vector<16xf32>,
        %add3A_1153 = arith.addf %scan3A_1023, %add3A_1149 : vector<16xf32>
        %mul3A_1154 = arith.mulf %add3A_1149, %add3A_1149 : vector<16xf32>
        %add3A_1155 = arith.addf %scan3A_1024, %mul3A_1154 : vector<16xf32>
        %get3A_1156 = arith.index_cast %scan3A_1006 : i32 to index
        %get3A_1157 = arith.constant 144 : index
        %get3A_1158 = tpu.vector_load %arg11[%get3A_1156, %get3A_1157] {strides = array<i32>} : memref<80x256xf32, #tpu.memory_space<vmem>>, vector<16xf32>,
        %get3A_1159 = arith.index_cast %scan3A_1006 : i32 to index
        %get3A_1160 = arith.constant 144 : index
        %get3A_1161 = tpu.vector_load %arg13[%get3A_1159, %get3A_1160] {strides = array<i32>} : memref<80x256xf32, #tpu.memory_space<vmem>>, vector<16xf32>,
        %add3A_1162 = arith.addf %get3A_1158, %get3A_1161 : vector<16xf32>
        %swap3A_1163 = arith.index_cast %scan3A_1006 : i32 to index
        %swap3A_1164 = arith.constant 144 : index
        %swap3A_1165 = tpu.vector_load %arg11[%swap3A_1163, %swap3A_1164] {strides = array<i32>} : memref<80x256xf32, #tpu.memory_space<vmem>>, vector<16xf32>,
        tpu.vector_store %arg11[%swap3A_1163, %swap3A_1164], %add3A_1162 {strides = array<i32>} : memref<80x256xf32, #tpu.memory_space<vmem>>, vector<16xf32>,
        %add3A_1166 = arith.addf %scan3A_1025, %add3A_1162 : vector<16xf32>
        %mul3A_1167 = arith.mulf %add3A_1162, %add3A_1162 : vector<16xf32>
        %add3A_1168 = arith.addf %scan3A_1026, %mul3A_1167 : vector<16xf32>
        %get3A_1169 = arith.index_cast %scan3A_1006 : i32 to index
        %get3A_1170 = arith.constant 160 : index
        %get3A_1171 = tpu.vector_load %arg11[%get3A_1169, %get3A_1170] {strides = array<i32>} : memref<80x256xf32, #tpu.memory_space<vmem>>, vector<16xf32>,
        %get3A_1172 = arith.index_cast %scan3A_1006 : i32 to index
        %get3A_1173 = arith.constant 160 : index
        %get3A_1174 = tpu.vector_load %arg13[%get3A_1172, %get3A_1173] {strides = array<i32>} : memref<80x256xf32, #tpu.memory_space<vmem>>, vector<16xf32>,
        %add3A_1175 = arith.addf %get3A_1171, %get3A_1174 : vector<16xf32>
        %swap3A_1176 = arith.index_cast %scan3A_1006 : i32 to index
        %swap3A_1177 = arith.constant 160 : index
        %swap3A_1178 = tpu.vector_load %arg11[%swap3A_1176, %swap3A_1177] {strides = array<i32>} : memref<80x256xf32, #tpu.memory_space<vmem>>, vector<16xf32>,
        tpu.vector_store %arg11[%swap3A_1176, %swap3A_1177], %add3A_1175 {strides = array<i32>} : memref<80x256xf32, #tpu.memory_space<vmem>>, vector<16xf32>,
        %add3A_1179 = arith.addf %scan3A_1027, %add3A_1175 : vector<16xf32>
        %mul3A_1180 = arith.mulf %add3A_1175, %add3A_1175 : vector<16xf32>
        %add3A_1181 = arith.addf %scan3A_1028, %mul3A_1180 : vector<16xf32>
        %get3A_1182 = arith.index_cast %scan3A_1006 : i32 to index
        %get3A_1183 = arith.constant 176 : index
        %get3A_1184 = tpu.vector_load %arg11[%get3A_1182, %get3A_1183] {strides = array<i32>} : memref<80x256xf32, #tpu.memory_space<vmem>>, vector<16xf32>,
        %get3A_1185 = arith.index_cast %scan3A_1006 : i32 to index
        %get3A_1186 = arith.constant 176 : index
        %get3A_1187 = tpu.vector_load %arg13[%get3A_1185, %get3A_1186] {strides = array<i32>} : memref<80x256xf32, #tpu.memory_space<vmem>>, vector<16xf32>,
        %add3A_1188 = arith.addf %get3A_1184, %get3A_1187 : vector<16xf32>
        %swap3A_1189 = arith.index_cast %scan3A_1006 : i32 to index
        %swap3A_1190 = arith.constant 176 : index
        %swap3A_1191 = tpu.vector_load %arg11[%swap3A_1189, %swap3A_1190] {strides = array<i32>} : memref<80x256xf32, #tpu.memory_space<vmem>>, vector<16xf32>,
        tpu.vector_store %arg11[%swap3A_1189, %swap3A_1190], %add3A_1188 {strides = array<i32>} : memref<80x256xf32, #tpu.memory_space<vmem>>, vector<16xf32>,
        %add3A_1192 = arith.addf %scan3A_1029, %add3A_1188 : vector<16xf32>
        %mul3A_1193 = arith.mulf %add3A_1188, %add3A_1188 : vector<16xf32>
        %add3A_1194 = arith.addf %scan3A_1030, %mul3A_1193 : vector<16xf32>
        %get3A_1195 = arith.index_cast %scan3A_1006 : i32 to index
        %get3A_1196 = arith.constant 192 : index
        %get3A_1197 = tpu.vector_load %arg11[%get3A_1195, %get3A_1196] {strides = array<i32>} : memref<80x256xf32, #tpu.memory_space<vmem>>, vector<16xf32>,
        %get3A_1198 = arith.index_cast %scan3A_1006 : i32 to index
        %get3A_1199 = arith.constant 192 : index
        %get3A_1200 = tpu.vector_load %arg13[%get3A_1198, %get3A_1199] {strides = array<i32>} : memref<80x256xf32, #tpu.memory_space<vmem>>, vector<16xf32>,
        %add3A_1201 = arith.addf %get3A_1197, %get3A_1200 : vector<16xf32>
        %swap3A_1202 = arith.index_cast %scan3A_1006 : i32 to index
        %swap3A_1203 = arith.constant 192 : index
        %swap3A_1204 = tpu.vector_load %arg11[%swap3A_1202, %swap3A_1203] {strides = array<i32>} : memref<80x256xf32, #tpu.memory_space<vmem>>, vector<16xf32>,
        tpu.vector_store %arg11[%swap3A_1202, %swap3A_1203], %add3A_1201 {strides = array<i32>} : memref<80x256xf32, #tpu.memory_space<vmem>>, vector<16xf32>,
        %add3A_1205 = arith.addf %scan3A_1031, %add3A_1201 : vector<16xf32>
        %mul3A_1206 = arith.mulf %add3A_1201, %add3A_1201 : vector<16xf32>
        %add3A_1207 = arith.addf %scan3A_1032, %mul3A_1206 : vector<16xf32>
        %get3A_1208 = arith.index_cast %scan3A_1006 : i32 to index
        %get3A_1209 = arith.constant 208 : index
        %get3A_1210 = tpu.vector_load %arg11[%get3A_1208, %get3A_1209] {strides = array<i32>} : memref<80x256xf32, #tpu.memory_space<vmem>>, vector<16xf32>,
        %get3A_1211 = arith.index_cast %scan3A_1006 : i32 to index
        %get3A_1212 = arith.constant 208 : index
        %get3A_1213 = tpu.vector_load %arg13[%get3A_1211, %get3A_1212] {strides = array<i32>} : memref<80x256xf32, #tpu.memory_space<vmem>>, vector<16xf32>,
        %add3A_1214 = arith.addf %get3A_1210, %get3A_1213 : vector<16xf32>
        %swap3A_1215 = arith.index_cast %scan3A_1006 : i32 to index
        %swap3A_1216 = arith.constant 208 : index
        %swap3A_1217 = tpu.vector_load %arg11[%swap3A_1215, %swap3A_1216] {strides = array<i32>} : memref<80x256xf32, #tpu.memory_space<vmem>>, vector<16xf32>,
        tpu.vector_store %arg11[%swap3A_1215, %swap3A_1216], %add3A_1214 {strides = array<i32>} : memref<80x256xf32, #tpu.memory_space<vmem>>, vector<16xf32>,
        %add3A_1218 = arith.addf %scan3A_1033, %add3A_1214 : vector<16xf32>
        %mul3A_1219 = arith.mulf %add3A_1214, %add3A_1214 : vector<16xf32>
        %add3A_1220 = arith.addf %scan3A_1034, %mul3A_1219 : vector<16xf32>
        %get3A_1221 = arith.index_cast %scan3A_1006 : i32 to index
        %get3A_1222 = arith.constant 224 : index
        %get3A_1223 = tpu.vector_load %arg11[%get3A_1221, %get3A_1222] {strides = array<i32>} : memref<80x256xf32, #tpu.memory_space<vmem>>, vector<16xf32>,
        %get3A_1224 = arith.index_cast %scan3A_1006 : i32 to index
        %get3A_1225 = arith.constant 224 : index
        %get3A_1226 = tpu.vector_load %arg13[%get3A_1224, %get3A_1225] {strides = array<i32>} : memref<80x256xf32, #tpu.memory_space<vmem>>, vector<16xf32>,
        %add3A_1227 = arith.addf %get3A_1223, %get3A_1226 : vector<16xf32>
        %swap3A_1228 = arith.index_cast %scan3A_1006 : i32 to index
        %swap3A_1229 = arith.constant 224 : index
        %swap3A_1230 = tpu.vector_load %arg11[%swap3A_1228, %swap3A_1229] {strides = array<i32>} : memref<80x256xf32, #tpu.memory_space<vmem>>, vector<16xf32>,
        tpu.vector_store %arg11[%swap3A_1228, %swap3A_1229], %add3A_1227 {strides = array<i32>} : memref<80x256xf32, #tpu.memory_space<vmem>>, vector<16xf32>,
        %add3A_1231 = arith.addf %scan3A_1035, %add3A_1227 : vector<16xf32>
        %mul3A_1232 = arith.mulf %add3A_1227, %add3A_1227 : vector<16xf32>
        %add3A_1233 = arith.addf %scan3A_1036, %mul3A_1232 : vector<16xf32>
        %get3A_1234 = arith.index_cast %scan3A_1006 : i32 to index
        %get3A_1235 = arith.constant 240 : index
        %get3A_1236 = tpu.vector_load %arg11[%get3A_1234, %get3A_1235] {strides = array<i32>} : memref<80x256xf32, #tpu.memory_space<vmem>>, vector<16xf32>,
        %get3A_1237 = arith.index_cast %scan3A_1006 : i32 to index
        %get3A_1238 = arith.constant 240 : index
        %get3A_1239 = tpu.vector_load %arg13[%get3A_1237, %get3A_1238] {strides = array<i32>} : memref<80x256xf32, #tpu.memory_space<vmem>>, vector<16xf32>,
        %add3A_1240 = arith.addf %get3A_1236, %get3A_1239 : vector<16xf32>
        %swap3A_1241 = arith.index_cast %scan3A_1006 : i32 to index
        %swap3A_1242 = arith.constant 240 : index
        %swap3A_1243 = tpu.vector_load %arg11[%swap3A_1241, %swap3A_1242] {strides = array<i32>} : memref<80x256xf32, #tpu.memory_space<vmem>>, vector<16xf32>,
        tpu.vector_store %arg11[%swap3A_1241, %swap3A_1242], %add3A_1240 {strides = array<i32>} : memref<80x256xf32, #tpu.memory_space<vmem>>, vector<16xf32>,
        %add3A_1244 = arith.addf %scan3A_1037, %add3A_1240 : vector<16xf32>
        %mul3A_1245 = arith.mulf %add3A_1240, %add3A_1240 : vector<16xf32>
        %add3A_1246 = arith.addf %scan3A_1038, %mul3A_1245 : vector<16xf32>
        scf.yield %add3A_1049, %add3A_1051, %add3A_1062, %add3A_1064, %add3A_1075, %add3A_1077, %add3A_1088, %add3A_1090, %add3A_1101, %add3A_1103, %add3A_1114, %add3A_1116, %add3A_1127, %add3A_1129, %add3A_1140, %add3A_1142, %add3A_1153, %add3A_1155, %add3A_1166, %add3A_1168, %add3A_1179, %add3A_1181, %add3A_1192, %add3A_1194, %add3A_1205, %add3A_1207, %add3A_1218, %add3A_1220, %add3A_1231, %add3A_1233, %add3A_1244, %add3A_1246 : vector<16xf32>, vector<16xf32>, vector<16xf32>, vector<16xf32>, vector<16xf32>, vector<16xf32>, vector<16xf32>, vector<16xf32>, vector<16xf32>, vector<16xf32>, vector<16xf32>, vector<16xf32>, vector<16xf32>, vector<16xf32>, vector<16xf32>, vector<16xf32>, vector<16xf32>, vector<16xf32>, vector<16xf32>, vector<16xf32>, vector<16xf32>, vector<16xf32>, vector<16xf32>, vector<16xf32>, vector<16xf32>, vector<16xf32>, vector<16xf32>, vector<16xf32>, vector<16xf32>, vector<16xf32>, vector<16xf32>, vector<16xf32>
      }
      %scan3A_819 = arith.constant 80 : i32
      %swap3A_820 = arith.constant 0 : i32
      %swap3A_821 = arith.index_cast %swap3A_820 : i32 to index
      %swap3A_822 = arith.constant 0 : index
      %swap3A_823 = tpu.vector_load %arg19[%swap3A_821, %swap3A_822] {strides = array<i32>} : memref<8x256xf32, #tpu.memory_space<vmem>>, vector<16xf32>,
      tpu.vector_store %arg19[%swap3A_821, %swap3A_822], %scan3A_818#0 {strides = array<i32>} : memref<8x256xf32, #tpu.memory_space<vmem>>, vector<16xf32>,
      %swap3A_824 = arith.constant 1 : i32
      %swap3A_825 = arith.index_cast %swap3A_824 : i32 to index
      %swap3A_826 = arith.constant 0 : index
      %swap3A_827 = tpu.vector_load %arg19[%swap3A_825, %swap3A_826] {strides = array<i32>} : memref<8x256xf32, #tpu.memory_space<vmem>>, vector<16xf32>,
      tpu.vector_store %arg19[%swap3A_825, %swap3A_826], %scan3A_818#1 {strides = array<i32>} : memref<8x256xf32, #tpu.memory_space<vmem>>, vector<16xf32>,
      %swap3A_828 = arith.constant 0 : i32
      %swap3A_829 = arith.index_cast %swap3A_828 : i32 to index
      %swap3A_830 = arith.constant 16 : index
      %swap3A_831 = tpu.vector_load %arg19[%swap3A_829, %swap3A_830] {strides = array<i32>} : memref<8x256xf32, #tpu.memory_space<vmem>>, vector<16xf32>,
      tpu.vector_store %arg19[%swap3A_829, %swap3A_830], %scan3A_818#2 {strides = array<i32>} : memref<8x256xf32, #tpu.memory_space<vmem>>, vector<16xf32>,
      %swap3A_832 = arith.constant 1 : i32
      %swap3A_833 = arith.index_cast %swap3A_832 : i32 to index
      %swap3A_834 = arith.constant 16 : index
      %swap3A_835 = tpu.vector_load %arg19[%swap3A_833, %swap3A_834] {strides = array<i32>} : memref<8x256xf32, #tpu.memory_space<vmem>>, vector<16xf32>,
      tpu.vector_store %arg19[%swap3A_833, %swap3A_834], %scan3A_818#3 {strides = array<i32>} : memref<8x256xf32, #tpu.memory_space<vmem>>, vector<16xf32>,
      %swap3A_836 = arith.constant 0 : i32
      %swap3A_837 = arith.index_cast %swap3A_836 : i32 to index
      %swap3A_838 = arith.constant 32 : index
      %swap3A_839 = tpu.vector_load %arg19[%swap3A_837, %swap3A_838] {strides = array<i32>} : memref<8x256xf32, #tpu.memory_space<vmem>>, vector<16xf32>,
      tpu.vector_store %arg19[%swap3A_837, %swap3A_838], %scan3A_818#4 {strides = array<i32>} : memref<8x256xf32, #tpu.memory_space<vmem>>, vector<16xf32>,
      %swap3A_840 = arith.constant 1 : i32
      %swap3A_841 = arith.index_cast %swap3A_840 : i32 to index
      %swap3A_842 = arith.constant 32 : index
      %swap3A_843 = tpu.vector_load %arg19[%swap3A_841, %swap3A_842] {strides = array<i32>} : memref<8x256xf32, #tpu.memory_space<vmem>>, vector<16xf32>,
      tpu.vector_store %arg19[%swap3A_841, %swap3A_842], %scan3A_818#5 {strides = array<i32>} : memref<8x256xf32, #tpu.memory_space<vmem>>, vector<16xf32>,
      %swap3A_844 = arith.constant 0 : i32
      %swap3A_845 = arith.index_cast %swap3A_844 : i32 to index
      %swap3A_846 = arith.constant 48 : index
      %swap3A_847 = tpu.vector_load %arg19[%swap3A_845, %swap3A_846] {strides = array<i32>} : memref<8x256xf32, #tpu.memory_space<vmem>>, vector<16xf32>,
      tpu.vector_store %arg19[%swap3A_845, %swap3A_846], %scan3A_818#6 {strides = array<i32>} : memref<8x256xf32, #tpu.memory_space<vmem>>, vector<16xf32>,
      %swap3A_848 = arith.constant 1 : i32
      %swap3A_849 = arith.index_cast %swap3A_848 : i32 to index
      %swap3A_850 = arith.constant 48 : index
      %swap3A_851 = tpu.vector_load %arg19[%swap3A_849, %swap3A_850] {strides = array<i32>} : memref<8x256xf32, #tpu.memory_space<vmem>>, vector<16xf32>,
      tpu.vector_store %arg19[%swap3A_849, %swap3A_850], %scan3A_818#7 {strides = array<i32>} : memref<8x256xf32, #tpu.memory_space<vmem>>, vector<16xf32>,
      %swap3A_852 = arith.constant 0 : i32
      %swap3A_853 = arith.index_cast %swap3A_852 : i32 to index
      %swap3A_854 = arith.constant 64 : index
      %swap3A_855 = tpu.vector_load %arg19[%swap3A_853, %swap3A_854] {strides = array<i32>} : memref<8x256xf32, #tpu.memory_space<vmem>>, vector<16xf32>,
      tpu.vector_store %arg19[%swap3A_853, %swap3A_854], %scan3A_818#8 {strides = array<i32>} : memref<8x256xf32, #tpu.memory_space<vmem>>, vector<16xf32>,
      %swap3A_856 = arith.constant 1 : i32
      %swap3A_857 = arith.index_cast %swap3A_856 : i32 to index
      %swap3A_858 = arith.constant 64 : index
      %swap3A_859 = tpu.vector_load %arg19[%swap3A_857, %swap3A_858] {strides = array<i32>} : memref<8x256xf32, #tpu.memory_space<vmem>>, vector<16xf32>,
      tpu.vector_store %arg19[%swap3A_857, %swap3A_858], %scan3A_818#9 {strides = array<i32>} : memref<8x256xf32, #tpu.memory_space<vmem>>, vector<16xf32>,
      %swap3A_860 = arith.constant 0 : i32
      %swap3A_861 = arith.index_cast %swap3A_860 : i32 to index
      %swap3A_862 = arith.constant 80 : index
      %swap3A_863 = tpu.vector_load %arg19[%swap3A_861, %swap3A_862] {strides = array<i32>} : memref<8x256xf32, #tpu.memory_space<vmem>>, vector<16xf32>,
      tpu.vector_store %arg19[%swap3A_861, %swap3A_862], %scan3A_818#10 {strides = array<i32>} : memref<8x256xf32, #tpu.memory_space<vmem>>, vector<16xf32>,
      %swap3A_864 = arith.constant 1 : i32
      %swap3A_865 = arith.index_cast %swap3A_864 : i32 to index
      %swap3A_866 = arith.constant 80 : index
      %swap3A_867 = tpu.vector_load %arg19[%swap3A_865, %swap3A_866] {strides = array<i32>} : memref<8x256xf32, #tpu.memory_space<vmem>>, vector<16xf32>,
      tpu.vector_store %arg19[%swap3A_865, %swap3A_866], %scan3A_818#11 {strides = array<i32>} : memref<8x256xf32, #tpu.memory_space<vmem>>, vector<16xf32>,
      %swap3A_868 = arith.constant 0 : i32
      %swap3A_869 = arith.index_cast %swap3A_868 : i32 to index
      %swap3A_870 = arith.constant 96 : index
      %swap3A_871 = tpu.vector_load %arg19[%swap3A_869, %swap3A_870] {strides = array<i32>} : memref<8x256xf32, #tpu.memory_space<vmem>>, vector<16xf32>,
      tpu.vector_store %arg19[%swap3A_869, %swap3A_870], %scan3A_818#12 {strides = array<i32>} : memref<8x256xf32, #tpu.memory_space<vmem>>, vector<16xf32>,
      %swap3A_872 = arith.constant 1 : i32
      %swap3A_873 = arith.index_cast %swap3A_872 : i32 to index
      %swap3A_874 = arith.constant 96 : index
      %swap3A_875 = tpu.vector_load %arg19[%swap3A_873, %swap3A_874] {strides = array<i32>} : memref<8x256xf32, #tpu.memory_space<vmem>>, vector<16xf32>,
      tpu.vector_store %arg19[%swap3A_873, %swap3A_874], %scan3A_818#13 {strides = array<i32>} : memref<8x256xf32, #tpu.memory_space<vmem>>, vector<16xf32>,
      %swap3A_876 = arith.constant 0 : i32
      %swap3A_877 = arith.index_cast %swap3A_876 : i32 to index
      %swap3A_878 = arith.constant 112 : index
      %swap3A_879 = tpu.vector_load %arg19[%swap3A_877, %swap3A_878] {strides = array<i32>} : memref<8x256xf32, #tpu.memory_space<vmem>>, vector<16xf32>,
      tpu.vector_store %arg19[%swap3A_877, %swap3A_878], %scan3A_818#14 {strides = array<i32>} : memref<8x256xf32, #tpu.memory_space<vmem>>, vector<16xf32>,
      %swap3A_880 = arith.constant 1 : i32
      %swap3A_881 = arith.index_cast %swap3A_880 : i32 to index
      %swap3A_882 = arith.constant 112 : index
      %swap3A_883 = tpu.vector_load %arg19[%swap3A_881, %swap3A_882] {strides = array<i32>} : memref<8x256xf32, #tpu.memory_space<vmem>>, vector<16xf32>,
      tpu.vector_store %arg19[%swap3A_881, %swap3A_882], %scan3A_818#15 {strides = array<i32>} : memref<8x256xf32, #tpu.memory_space<vmem>>, vector<16xf32>,
      %swap3A_884 = arith.constant 0 : i32
      %swap3A_885 = arith.index_cast %swap3A_884 : i32 to index
      %swap3A_886 = arith.constant 128 : index
      %swap3A_887 = tpu.vector_load %arg19[%swap3A_885, %swap3A_886] {strides = array<i32>} : memref<8x256xf32, #tpu.memory_space<vmem>>, vector<16xf32>,
      tpu.vector_store %arg19[%swap3A_885, %swap3A_886], %scan3A_818#16 {strides = array<i32>} : memref<8x256xf32, #tpu.memory_space<vmem>>, vector<16xf32>,
      %swap3A_888 = arith.constant 1 : i32
      %swap3A_889 = arith.index_cast %swap3A_888 : i32 to index
      %swap3A_890 = arith.constant 128 : index
      %swap3A_891 = tpu.vector_load %arg19[%swap3A_889, %swap3A_890] {strides = array<i32>} : memref<8x256xf32, #tpu.memory_space<vmem>>, vector<16xf32>,
      tpu.vector_store %arg19[%swap3A_889, %swap3A_890], %scan3A_818#17 {strides = array<i32>} : memref<8x256xf32, #tpu.memory_space<vmem>>, vector<16xf32>,
      %swap3A_892 = arith.constant 0 : i32
      %swap3A_893 = arith.index_cast %swap3A_892 : i32 to index
      %swap3A_894 = arith.constant 144 : index
      %swap3A_895 = tpu.vector_load %arg19[%swap3A_893, %swap3A_894] {strides = array<i32>} : memref<8x256xf32, #tpu.memory_space<vmem>>, vector<16xf32>,
      tpu.vector_store %arg19[%swap3A_893, %swap3A_894], %scan3A_818#18 {strides = array<i32>} : memref<8x256xf32, #tpu.memory_space<vmem>>, vector<16xf32>,
      %swap3A_896 = arith.constant 1 : i32
      %swap3A_897 = arith.index_cast %swap3A_896 : i32 to index
      %swap3A_898 = arith.constant 144 : index
      %swap3A_899 = tpu.vector_load %arg19[%swap3A_897, %swap3A_898] {strides = array<i32>} : memref<8x256xf32, #tpu.memory_space<vmem>>, vector<16xf32>,
      tpu.vector_store %arg19[%swap3A_897, %swap3A_898], %scan3A_818#19 {strides = array<i32>} : memref<8x256xf32, #tpu.memory_space<vmem>>, vector<16xf32>,
      %swap3A_900 = arith.constant 0 : i32
      %swap3A_901 = arith.index_cast %swap3A_900 : i32 to index
      %swap3A_902 = arith.constant 160 : index
      %swap3A_903 = tpu.vector_load %arg19[%swap3A_901, %swap3A_902] {strides = array<i32>} : memref<8x256xf32, #tpu.memory_space<vmem>>, vector<16xf32>,
      tpu.vector_store %arg19[%swap3A_901, %swap3A_902], %scan3A_818#20 {strides = array<i32>} : memref<8x256xf32, #tpu.memory_space<vmem>>, vector<16xf32>,
      %swap3A_904 = arith.constant 1 : i32
      %swap3A_905 = arith.index_cast %swap3A_904 : i32 to index
      %swap3A_906 = arith.constant 160 : index
      %swap3A_907 = tpu.vector_load %arg19[%swap3A_905, %swap3A_906] {strides = array<i32>} : memref<8x256xf32, #tpu.memory_space<vmem>>, vector<16xf32>,
      tpu.vector_store %arg19[%swap3A_905, %swap3A_906], %scan3A_818#21 {strides = array<i32>} : memref<8x256xf32, #tpu.memory_space<vmem>>, vector<16xf32>,
      %swap3A_908 = arith.constant 0 : i32
      %swap3A_909 = arith.index_cast %swap3A_908 : i32 to index
      %swap3A_910 = arith.constant 176 : index
      %swap3A_911 = tpu.vector_load %arg19[%swap3A_909, %swap3A_910] {strides = array<i32>} : memref<8x256xf32, #tpu.memory_space<vmem>>, vector<16xf32>,
      tpu.vector_store %arg19[%swap3A_909, %swap3A_910], %scan3A_818#22 {strides = array<i32>} : memref<8x256xf32, #tpu.memory_space<vmem>>, vector<16xf32>,
      %swap3A_912 = arith.constant 1 : i32
      %swap3A_913 = arith.index_cast %swap3A_912 : i32 to index
      %swap3A_914 = arith.constant 176 : index
      %swap3A_915 = tpu.vector_load %arg19[%swap3A_913, %swap3A_914] {strides = array<i32>} : memref<8x256xf32, #tpu.memory_space<vmem>>, vector<16xf32>,
      tpu.vector_store %arg19[%swap3A_913, %swap3A_914], %scan3A_818#23 {strides = array<i32>} : memref<8x256xf32, #tpu.memory_space<vmem>>, vector<16xf32>,
      %swap3A_916 = arith.constant 0 : i32
      %swap3A_917 = arith.index_cast %swap3A_916 : i32 to index
      %swap3A_918 = arith.constant 192 : index
      %swap3A_919 = tpu.vector_load %arg19[%swap3A_917, %swap3A_918] {strides = array<i32>} : memref<8x256xf32, #tpu.memory_space<vmem>>, vector<16xf32>,
      tpu.vector_store %arg19[%swap3A_917, %swap3A_918], %scan3A_818#24 {strides = array<i32>} : memref<8x256xf32, #tpu.memory_space<vmem>>, vector<16xf32>,
      %swap3A_920 = arith.constant 1 : i32
      %swap3A_921 = arith.index_cast %swap3A_920 : i32 to index
      %swap3A_922 = arith.constant 192 : index
      %swap3A_923 = tpu.vector_load %arg19[%swap3A_921, %swap3A_922] {strides = array<i32>} : memref<8x256xf32, #tpu.memory_space<vmem>>, vector<16xf32>,
      tpu.vector_store %arg19[%swap3A_921, %swap3A_922], %scan3A_818#25 {strides = array<i32>} : memref<8x256xf32, #tpu.memory_space<vmem>>, vector<16xf32>,
      %swap3A_924 = arith.constant 0 : i32
      %swap3A_925 = arith.index_cast %swap3A_924 : i32 to index
      %swap3A_926 = arith.constant 208 : index
      %swap3A_927 = tpu.vector_load %arg19[%swap3A_925, %swap3A_926] {strides = array<i32>} : memref<8x256xf32, #tpu.memory_space<vmem>>, vector<16xf32>,
      tpu.vector_store %arg19[%swap3A_925, %swap3A_926], %scan3A_818#26 {strides = array<i32>} : memref<8x256xf32, #tpu.memory_space<vmem>>, vector<16xf32>,
      %swap3A_928 = arith.constant 1 : i32
      %swap3A_929 = arith.index_cast %swap3A_928 : i32 to index
      %swap3A_930 = arith.constant 208 : index
      %swap3A_931 = tpu.vector_load %arg19[%swap3A_929, %swap3A_930] {strides = array<i32>} : memref<8x256xf32, #tpu.memory_space<vmem>>, vector<16xf32>,
      tpu.vector_store %arg19[%swap3A_929, %swap3A_930], %scan3A_818#27 {strides = array<i32>} : memref<8x256xf32, #tpu.memory_space<vmem>>, vector<16xf32>,
      %swap3A_932 = arith.constant 0 : i32
      %swap3A_933 = arith.index_cast %swap3A_932 : i32 to index
      %swap3A_934 = arith.constant 224 : index
      %swap3A_935 = tpu.vector_load %arg19[%swap3A_933, %swap3A_934] {strides = array<i32>} : memref<8x256xf32, #tpu.memory_space<vmem>>, vector<16xf32>,
      tpu.vector_store %arg19[%swap3A_933, %swap3A_934], %scan3A_818#28 {strides = array<i32>} : memref<8x256xf32, #tpu.memory_space<vmem>>, vector<16xf32>,
      %swap3A_936 = arith.constant 1 : i32
      %swap3A_937 = arith.index_cast %swap3A_936 : i32 to index
      %swap3A_938 = arith.constant 224 : index
      %swap3A_939 = tpu.vector_load %arg19[%swap3A_937, %swap3A_938] {strides = array<i32>} : memref<8x256xf32, #tpu.memory_space<vmem>>, vector<16xf32>,
      tpu.vector_store %arg19[%swap3A_937, %swap3A_938], %scan3A_818#29 {strides = array<i32>} : memref<8x256xf32, #tpu.memory_space<vmem>>, vector<16xf32>,
      %swap3A_940 = arith.constant 0 : i32
      %swap3A_941 = arith.index_cast %swap3A_940 : i32 to index
      %swap3A_942 = arith.constant 240 : index
      %swap3A_943 = tpu.vector_load %arg19[%swap3A_941, %swap3A_942] {strides = array<i32>} : memref<8x256xf32, #tpu.memory_space<vmem>>, vector<16xf32>,
      tpu.vector_store %arg19[%swap3A_941, %swap3A_942], %scan3A_818#30 {strides = array<i32>} : memref<8x256xf32, #tpu.memory_space<vmem>>, vector<16xf32>,
      %swap3A_944 = arith.constant 1 : i32
      %swap3A_945 = arith.index_cast %swap3A_944 : i32 to index
      %swap3A_946 = arith.constant 240 : index
      %swap3A_947 = tpu.vector_load %arg19[%swap3A_945, %swap3A_946] {strides = array<i32>} : memref<8x256xf32, #tpu.memory_space<vmem>>, vector<16xf32>,
      tpu.vector_store %arg19[%swap3A_945, %swap3A_946], %scan3A_818#31 {strides = array<i32>} : memref<8x256xf32, #tpu.memory_space<vmem>>, vector<16xf32>,
      %jit3A_948 = arith.constant 25 : i32
      %eq3A_949 = arith.constant 0 : i32
      %eq3A_950 = arith.cmpi eq, %jit3A_948, %eq3A_949 : i32
      %jit3A_951 = arith.constant 1 : i32
      %select_n3A_952 = arith.select %eq3A_950, %jit3A_951, %jit3A_948 : i32
      %rem3A_953 = arith.remsi %add3A_675, %select_n3A_952 : i32
      %ne3A_954 = arith.constant 0 : i32
      %ne3A_955 = arith.cmpi ne, %rem3A_953, %ne3A_954 : i32
      %lt3A_956 = arith.constant 0 : i32
      %lt3A_957 = arith.cmpi slt, %rem3A_953, %lt3A_956 : i32
      %lt3A_958 = arith.constant 0 : i32
      %lt3A_959 = arith.cmpi slt, %select_n3A_952, %lt3A_958 : i32
      %ne3A_960 = arith.xori %lt3A_957, %lt3A_959 : i1
      %and3A_961 = arith.andi %ne3A_960, %ne3A_955 : i1
      %add3A_962 = arith.addi %rem3A_953, %select_n3A_952 : i32
      %select_n3A_963 = arith.select %and3A_961, %add3A_962, %rem3A_953 : i32
      %mul3A_964 = arith.constant 80 : i32
      %mul3A_965 = arith.muli %select_n3A_963, %mul3A_964 : i32
      %add3A_966 = arith.constant 0 : i32
      %add3A_967 = arith.addi %mul3A_965, %add3A_966 : i32
      %get3A_968 = arith.index_cast %add3A_967 : i32 to index
      %get3A_969 = tpu.vector_load %arg18[%get3A_968] {strides = array<i32>} : memref<2000xi32, #tpu.memory_space<vmem>>, vector<16xi32>,
      tpu.vector_store_idx %arg14[%get3A_969], %broadcast_in_dim3A_3 {add = true} : memref<10016xf32, #tpu.memory_space<vmem>>[vector<16xi32>], vector<16xf32>,
      %add3A_970 = arith.constant 16 : i32
      %add3A_971 = arith.addi %mul3A_965, %add3A_970 : i32
      %get3A_972 = arith.index_cast %add3A_971 : i32 to index
      %get3A_973 = tpu.vector_load %arg18[%get3A_972] {strides = array<i32>} : memref<2000xi32, #tpu.memory_space<vmem>>, vector<16xi32>,
      tpu.vector_store_idx %arg14[%get3A_973], %broadcast_in_dim3A_3 {add = true} : memref<10016xf32, #tpu.memory_space<vmem>>[vector<16xi32>], vector<16xf32>,
      %add3A_974 = arith.constant 32 : i32
      %add3A_975 = arith.addi %mul3A_965, %add3A_974 : i32
      %get3A_976 = arith.index_cast %add3A_975 : i32 to index
      %get3A_977 = tpu.vector_load %arg18[%get3A_976] {strides = array<i32>} : memref<2000xi32, #tpu.memory_space<vmem>>, vector<16xi32>,
      tpu.vector_store_idx %arg14[%get3A_977], %broadcast_in_dim3A_3 {add = true} : memref<10016xf32, #tpu.memory_space<vmem>>[vector<16xi32>], vector<16xf32>,
      %add3A_978 = arith.constant 48 : i32
      %add3A_979 = arith.addi %mul3A_965, %add3A_978 : i32
      %get3A_980 = arith.index_cast %add3A_979 : i32 to index
      %get3A_981 = tpu.vector_load %arg18[%get3A_980] {strides = array<i32>} : memref<2000xi32, #tpu.memory_space<vmem>>, vector<16xi32>,
      tpu.vector_store_idx %arg14[%get3A_981], %broadcast_in_dim3A_3 {add = true} : memref<10016xf32, #tpu.memory_space<vmem>>[vector<16xi32>], vector<16xf32>,
      %add3A_982 = arith.constant 64 : i32
      %add3A_983 = arith.addi %mul3A_965, %add3A_982 : i32
      %get3A_984 = arith.index_cast %add3A_983 : i32 to index
      %get3A_985 = tpu.vector_load %arg18[%get3A_984] {strides = array<i32>} : memref<2000xi32, #tpu.memory_space<vmem>>, vector<16xi32>,
      tpu.vector_store_idx %arg14[%get3A_985], %broadcast_in_dim3A_3 {add = true} : memref<10016xf32, #tpu.memory_space<vmem>>[vector<16xi32>], vector<16xf32>,
      %ge3A_986 = arith.constant 1 : i32
      %ge3A_987 = arith.cmpi sge, %add3A_675, %ge3A_986 : i32
      %convert_element_type3A_988 = arith.extui %ge3A_987 : i1 to i32
      %cond3A_989 = arith.constant 0 : i32
      %cond3A_990 = arith.cmpi ne, %convert_element_type3A_988, %cond3A_989 : i32
      scf.if %cond3A_990 {
        %dma_wait3A_1006 = arith.constant 0 : i32
        %dma_wait3A_1007 = arith.constant 0 : i32
        %dma_wait3A_1008 = tpu.memref_slice %arg6[%dma_wait3A_1006, %dma_wait3A_1007] : memref<320000x256xf32, #tpu.memory_space<hbm>> -> memref<80x256xf32, #tpu.memory_space<hbm>>
        %dma_wait3A_1009 = arith.constant 0 : i32
        %dma_wait3A_1010 = arith.constant 0 : i32
        %dma_wait3A_1011 = tpu.memref_slice %arg6[%dma_wait3A_1009, %dma_wait3A_1010] : memref<320000x256xf32, #tpu.memory_space<hbm>> -> memref<80x256xf32, #tpu.memory_space<hbm>>
        tpu.wait_dma2 semaphore(%arg24 : memref<!tpu.dma_semaphore, #tpu.memory_space<semaphore_mem>>) src(%arg10 : memref<80x256xf32, #tpu.memory_space<vmem>>) dst(%dma_wait3A_1011 : memref<80x256xf32, #tpu.memory_space<hbm>>)
      } else {
      }
      %add3A_991 = arith.constant 1 : i32
      %add3A_992 = arith.addi %add3A_675, %add3A_991 : i32
      %lt3A_993 = arith.constant 125 : i32
      %lt3A_994 = arith.cmpi slt, %add3A_992, %lt3A_993 : i32
      %convert_element_type3A_995 = arith.extui %lt3A_994 : i1 to i32
      %cond3A_996 = arith.constant 0 : i32
      %cond3A_997 = arith.cmpi ne, %convert_element_type3A_995, %cond3A_996 : i32
      scf.if %cond3A_997 {
        %add3A_1006 = arith.constant 1 : i32
        %add3A_1007 = arith.addi %add3A_675, %add3A_1006 : i32
        %mul3A_1008 = arith.constant 80 : i32
        %mul3A_1009 = arith.muli %add3A_1007, %mul3A_1008 : i32
        %add3A_1010 = arith.addi %mul3A_2, %mul3A_1009 : i32
        %add3A_1011 = arith.constant 1 : i32
        %add3A_1012 = arith.addi %add3A_675, %add3A_1011 : i32
        %jit3A_1013 = arith.constant 25 : i32
        %eq3A_1014 = arith.constant 0 : i32
        %eq3A_1015 = arith.cmpi eq, %jit3A_1013, %eq3A_1014 : i32
        %jit3A_1016 = arith.constant 1 : i32
        %select_n3A_1017 = arith.select %eq3A_1015, %jit3A_1016, %jit3A_1013 : i32
        %rem3A_1018 = arith.remsi %add3A_1012, %select_n3A_1017 : i32
        %ne3A_1019 = arith.constant 0 : i32
        %ne3A_1020 = arith.cmpi ne, %rem3A_1018, %ne3A_1019 : i32
        %lt3A_1021 = arith.constant 0 : i32
        %lt3A_1022 = arith.cmpi slt, %rem3A_1018, %lt3A_1021 : i32
        %lt3A_1023 = arith.constant 0 : i32
        %lt3A_1024 = arith.cmpi slt, %select_n3A_1017, %lt3A_1023 : i32
        %ne3A_1025 = arith.xori %lt3A_1022, %lt3A_1024 : i1
        %and3A_1026 = arith.andi %ne3A_1025, %ne3A_1020 : i1
        %add3A_1027 = arith.addi %rem3A_1018, %select_n3A_1017 : i32
        %select_n3A_1028 = arith.select %and3A_1026, %add3A_1027, %rem3A_1018 : i32
        %eq3A_1029 = arith.constant 0 : i32
        %eq3A_1030 = arith.cmpi eq, %select_n3A_1028, %eq3A_1029 : i32
        %convert_element_type3A_1031 = arith.extui %eq3A_1030 : i1 to i32
        %cond3A_1032 = arith.constant 0 : i32
        %cond3A_1033 = arith.cmpi ne, %convert_element_type3A_1031, %cond3A_1032 : i32
        scf.if %cond3A_1033 {
          "tpu.region"() ({
            %run_scoped3A = tpu.sem_alloc : memref<!tpu.dma_semaphore, #tpu.memory_space<semaphore_mem>>
            %dma_start3A_1063 = tpu.memref_slice %arg4[%add3A_1010] : memref<320000xi32, #tpu.memory_space<hbm>> -> memref<2000xi32, #tpu.memory_space<hbm>>
            %dma_start3A_1064 = tpu.memref_slice %arg4[%add3A_1010] : memref<320000xi32, #tpu.memory_space<hbm>> -> memref<2000xi32, #tpu.memory_space<hbm>>
            tpu.enqueue_dma source(%dma_start3A_1064 : memref<2000xi32, #tpu.memory_space<hbm>>) target(%arg17 : memref<2000xi32, #tpu.memory_space<vmem>>) target_semaphore(%run_scoped3A : memref<!tpu.dma_semaphore, #tpu.memory_space<semaphore_mem>>)
            %dma_wait3A_1065 = tpu.memref_slice %arg4[%add3A_1010] : memref<320000xi32, #tpu.memory_space<hbm>> -> memref<2000xi32, #tpu.memory_space<hbm>>
            %dma_wait3A_1066 = tpu.memref_slice %arg4[%add3A_1010] : memref<320000xi32, #tpu.memory_space<hbm>> -> memref<2000xi32, #tpu.memory_space<hbm>>
            tpu.wait_dma2 semaphore(%run_scoped3A : memref<!tpu.dma_semaphore, #tpu.memory_space<semaphore_mem>>) src(%dma_wait3A_1066 : memref<2000xi32, #tpu.memory_space<hbm>>) dst(%arg17 : memref<2000xi32, #tpu.memory_space<vmem>>)
            tpu.yield
          }) : () -> ()
          "tpu.region"() ({
            %run_scoped3A = tpu.sem_alloc : memref<!tpu.dma_semaphore, #tpu.memory_space<semaphore_mem>>
            %dma_start3A_1063 = tpu.memref_slice %arg5[%add3A_1010] : memref<320000xi32, #tpu.memory_space<hbm>> -> memref<2000xi32, #tpu.memory_space<hbm>>
            %dma_start3A_1064 = tpu.memref_slice %arg5[%add3A_1010] : memref<320000xi32, #tpu.memory_space<hbm>> -> memref<2000xi32, #tpu.memory_space<hbm>>
            tpu.enqueue_dma source(%dma_start3A_1064 : memref<2000xi32, #tpu.memory_space<hbm>>) target(%arg18 : memref<2000xi32, #tpu.memory_space<vmem>>) target_semaphore(%run_scoped3A : memref<!tpu.dma_semaphore, #tpu.memory_space<semaphore_mem>>)
            %dma_wait3A_1065 = tpu.memref_slice %arg5[%add3A_1010] : memref<320000xi32, #tpu.memory_space<hbm>> -> memref<2000xi32, #tpu.memory_space<hbm>>
            %dma_wait3A_1066 = tpu.memref_slice %arg5[%add3A_1010] : memref<320000xi32, #tpu.memory_space<hbm>> -> memref<2000xi32, #tpu.memory_space<hbm>>
            tpu.wait_dma2 semaphore(%run_scoped3A : memref<!tpu.dma_semaphore, #tpu.memory_space<semaphore_mem>>) src(%dma_wait3A_1066 : memref<2000xi32, #tpu.memory_space<hbm>>) dst(%arg18 : memref<2000xi32, #tpu.memory_space<vmem>>)
            tpu.yield
          }) : () -> ()
        } else {
        }
        %add3A_1034 = arith.constant 1 : i32
        %add3A_1035 = arith.addi %add3A_675, %add3A_1034 : i32
        %jit3A_1036 = arith.constant 25 : i32
        %eq3A_1037 = arith.constant 0 : i32
        %eq3A_1038 = arith.cmpi eq, %jit3A_1036, %eq3A_1037 : i32
        %jit3A_1039 = arith.constant 1 : i32
        %select_n3A_1040 = arith.select %eq3A_1038, %jit3A_1039, %jit3A_1036 : i32
        %rem3A_1041 = arith.remsi %add3A_1035, %select_n3A_1040 : i32
        %ne3A_1042 = arith.constant 0 : i32
        %ne3A_1043 = arith.cmpi ne, %rem3A_1041, %ne3A_1042 : i32
        %lt3A_1044 = arith.constant 0 : i32
        %lt3A_1045 = arith.cmpi slt, %rem3A_1041, %lt3A_1044 : i32
        %lt3A_1046 = arith.constant 0 : i32
        %lt3A_1047 = arith.cmpi slt, %select_n3A_1040, %lt3A_1046 : i32
        %ne3A_1048 = arith.xori %lt3A_1045, %lt3A_1047 : i1
        %and3A_1049 = arith.andi %ne3A_1048, %ne3A_1043 : i1
        %add3A_1050 = arith.addi %rem3A_1041, %select_n3A_1040 : i32
        %select_n3A_1051 = arith.select %and3A_1049, %add3A_1050, %rem3A_1041 : i32
        %mul3A_1052 = arith.constant 80 : i32
        %mul3A_1053 = arith.muli %select_n3A_1051, %mul3A_1052 : i32
        %multiple_of3A_1054 = tpu.assume_multiple %mul3A_1053, 8 : i32
        %dma_start3A_1055 = tpu.memref_slice %arg18[%multiple_of3A_1054] : memref<2000xi32, #tpu.memory_space<vmem>> -> memref<80xi32, #tpu.memory_space<vmem>>
        %dma_start3A_1056 = arith.constant 0 : i32
        %dma_start3A_1057 = arith.constant 0 : i32
        %dma_start3A_1058 = tpu.memref_slice %arg2[%dma_start3A_1056, %dma_start3A_1057] : memref<10000x256xf32, #tpu.memory_space<hbm>> -> memref<10000x256xf32, #tpu.memory_space<hbm>>
        tpu.enqueue_indirect_dma source(%dma_start3A_1058 : memref<10000x256xf32, #tpu.memory_space<hbm>>) target(%arg10 : memref<80x256xf32, #tpu.memory_space<vmem>>) offsets(%dma_start3A_1055 : memref<80xi32, #tpu.memory_space<vmem>>) semaphore(%arg20 : memref<!tpu.dma_semaphore, #tpu.memory_space<semaphore_mem>>)
        %dma_start3A_1059 = tpu.memref_slice %arg17[%multiple_of3A_1054] : memref<2000xi32, #tpu.memory_space<vmem>> -> memref<80xi32, #tpu.memory_space<vmem>>
        %dma_start3A_1060 = arith.constant 0 : i32
        %dma_start3A_1061 = arith.constant 0 : i32
        %dma_start3A_1062 = tpu.memref_slice %arg3[%dma_start3A_1060, %dma_start3A_1061] : memref<10000x256xf32, #tpu.memory_space<hbm>> -> memref<10000x256xf32, #tpu.memory_space<hbm>>
        tpu.enqueue_indirect_dma source(%dma_start3A_1062 : memref<10000x256xf32, #tpu.memory_space<hbm>>) target(%arg12 : memref<80x256xf32, #tpu.memory_space<vmem>>) offsets(%dma_start3A_1059 : memref<80xi32, #tpu.memory_space<vmem>>) semaphore(%arg22 : memref<!tpu.dma_semaphore, #tpu.memory_space<semaphore_mem>>)
      } else {
      }
      %mul3A_998 = arith.constant 80 : i32
      %mul3A_999 = arith.muli %add3A_675, %mul3A_998 : i32
      %add3A_1000 = arith.addi %mul3A_2, %mul3A_999 : i32
      %dma_start3A_1001 = arith.constant 0 : i32
      %dma_start3A_1002 = tpu.memref_slice %arg6[%add3A_1000, %dma_start3A_1001] : memref<320000x256xf32, #tpu.memory_space<hbm>> -> memref<80x256xf32, #tpu.memory_space<hbm>>
      %dma_start3A_1003 = arith.constant 0 : i32
      %dma_start3A_1004 = tpu.memref_slice %arg6[%add3A_1000, %dma_start3A_1003] : memref<320000x256xf32, #tpu.memory_space<hbm>> -> memref<80x256xf32, #tpu.memory_space<hbm>>
      tpu.enqueue_dma source(%arg11 : memref<80x256xf32, #tpu.memory_space<vmem>>) target(%dma_start3A_1004 : memref<80x256xf32, #tpu.memory_space<hbm>>) target_semaphore(%arg25 : memref<!tpu.dma_semaphore, #tpu.memory_space<semaphore_mem>>)
      %scan3A_1005 = arith.constant 0 : i32
      scf.yield %scan3A_1005 : i32
    }
    %scan3A_37 = arith.constant 62 : i32
    %dma_wait3A = arith.constant 0 : i32
    %dma_wait3A_38 = tpu.memref_slice %arg18[%dma_wait3A] : memref<2000xi32, #tpu.memory_space<vmem>> -> memref<80xi32, #tpu.memory_space<vmem>>
    %dma_wait3A_39 = arith.constant 0 : i32
    %dma_wait3A_40 = arith.constant 0 : i32
    %dma_wait3A_41 = tpu.memref_slice %arg2[%dma_wait3A_39, %dma_wait3A_40] : memref<10000x256xf32, #tpu.memory_space<hbm>> -> memref<10000x256xf32, #tpu.memory_space<hbm>>
    tpu.wait_indirect_dma semaphore(%arg20 : memref<!tpu.dma_semaphore, #tpu.memory_space<semaphore_mem>>) src(%dma_wait3A_41 : memref<10000x256xf32, #tpu.memory_space<hbm>>) dst(%arg10 : memref<80x256xf32, #tpu.memory_space<vmem>>)
    %dma_wait3A_42 = arith.constant 0 : i32
    %dma_wait3A_43 = tpu.memref_slice %arg17[%dma_wait3A_42] : memref<2000xi32, #tpu.memory_space<vmem>> -> memref<80xi32, #tpu.memory_space<vmem>>
    %dma_wait3A_44 = arith.constant 0 : i32
    %dma_wait3A_45 = arith.constant 0 : i32
    %dma_wait3A_46 = tpu.memref_slice %arg3[%dma_wait3A_44, %dma_wait3A_45] : memref<10000x256xf32, #tpu.memory_space<hbm>> -> memref<10000x256xf32, #tpu.memory_space<hbm>>
    tpu.wait_indirect_dma semaphore(%arg22 : memref<!tpu.dma_semaphore, #tpu.memory_space<semaphore_mem>>) src(%dma_wait3A_46 : memref<10000x256xf32, #tpu.memory_space<hbm>>) dst(%arg12 : memref<80x256xf32, #tpu.memory_space<vmem>>)
    %get3A = arith.constant 0 : i32
    %get3A_47 = arith.index_cast %get3A : i32 to index
    %get3A_48 = arith.constant 0 : index
    %get3A_49 = tpu.vector_load %arg19[%get3A_47, %get3A_48] {strides = array<i32>} : memref<8x256xf32, #tpu.memory_space<vmem>>, vector<16xf32>,
    %get3A_50 = arith.constant 1 : i32
    %get3A_51 = arith.index_cast %get3A_50 : i32 to index
    %get3A_52 = arith.constant 0 : index
    %get3A_53 = tpu.vector_load %arg19[%get3A_51, %get3A_52] {strides = array<i32>} : memref<8x256xf32, #tpu.memory_space<vmem>>, vector<16xf32>,
    %get3A_54 = arith.constant 0 : i32
    %get3A_55 = arith.index_cast %get3A_54 : i32 to index
    %get3A_56 = arith.constant 16 : index
    %get3A_57 = tpu.vector_load %arg19[%get3A_55, %get3A_56] {strides = array<i32>} : memref<8x256xf32, #tpu.memory_space<vmem>>, vector<16xf32>,
    %get3A_58 = arith.constant 1 : i32
    %get3A_59 = arith.index_cast %get3A_58 : i32 to index
    %get3A_60 = arith.constant 16 : index
    %get3A_61 = tpu.vector_load %arg19[%get3A_59, %get3A_60] {strides = array<i32>} : memref<8x256xf32, #tpu.memory_space<vmem>>, vector<16xf32>,
    %get3A_62 = arith.constant 0 : i32
    %get3A_63 = arith.index_cast %get3A_62 : i32 to index
    %get3A_64 = arith.constant 32 : index
    %get3A_65 = tpu.vector_load %arg19[%get3A_63, %get3A_64] {strides = array<i32>} : memref<8x256xf32, #tpu.memory_space<vmem>>, vector<16xf32>,
    %get3A_66 = arith.constant 1 : i32
    %get3A_67 = arith.index_cast %get3A_66 : i32 to index
    %get3A_68 = arith.constant 32 : index
    %get3A_69 = tpu.vector_load %arg19[%get3A_67, %get3A_68] {strides = array<i32>} : memref<8x256xf32, #tpu.memory_space<vmem>>, vector<16xf32>,
    %get3A_70 = arith.constant 0 : i32
    %get3A_71 = arith.index_cast %get3A_70 : i32 to index
    %get3A_72 = arith.constant 48 : index
    %get3A_73 = tpu.vector_load %arg19[%get3A_71, %get3A_72] {strides = array<i32>} : memref<8x256xf32, #tpu.memory_space<vmem>>, vector<16xf32>,
    %get3A_74 = arith.constant 1 : i32
    %get3A_75 = arith.index_cast %get3A_74 : i32 to index
    %get3A_76 = arith.constant 48 : index
    %get3A_77 = tpu.vector_load %arg19[%get3A_75, %get3A_76] {strides = array<i32>} : memref<8x256xf32, #tpu.memory_space<vmem>>, vector<16xf32>,
    %get3A_78 = arith.constant 0 : i32
    %get3A_79 = arith.index_cast %get3A_78 : i32 to index
    %get3A_80 = arith.constant 64 : index
    %get3A_81 = tpu.vector_load %arg19[%get3A_79, %get3A_80] {strides = array<i32>} : memref<8x256xf32, #tpu.memory_space<vmem>>, vector<16xf32>,
    %get3A_82 = arith.constant 1 : i32
    %get3A_83 = arith.index_cast %get3A_82 : i32 to index
    %get3A_84 = arith.constant 64 : index
    %get3A_85 = tpu.vector_load %arg19[%get3A_83, %get3A_84] {strides = array<i32>} : memref<8x256xf32, #tpu.memory_space<vmem>>, vector<16xf32>,
    %get3A_86 = arith.constant 0 : i32
    %get3A_87 = arith.index_cast %get3A_86 : i32 to index
    %get3A_88 = arith.constant 80 : index
    %get3A_89 = tpu.vector_load %arg19[%get3A_87, %get3A_88] {strides = array<i32>} : memref<8x256xf32, #tpu.memory_space<vmem>>, vector<16xf32>,
    %get3A_90 = arith.constant 1 : i32
    %get3A_91 = arith.index_cast %get3A_90 : i32 to index
    %get3A_92 = arith.constant 80 : index
    %get3A_93 = tpu.vector_load %arg19[%get3A_91, %get3A_92] {strides = array<i32>} : memref<8x256xf32, #tpu.memory_space<vmem>>, vector<16xf32>,
    %get3A_94 = arith.constant 0 : i32
    %get3A_95 = arith.index_cast %get3A_94 : i32 to index
    %get3A_96 = arith.constant 96 : index
    %get3A_97 = tpu.vector_load %arg19[%get3A_95, %get3A_96] {strides = array<i32>} : memref<8x256xf32, #tpu.memory_space<vmem>>, vector<16xf32>,
    %get3A_98 = arith.constant 1 : i32
    %get3A_99 = arith.index_cast %get3A_98 : i32 to index
    %get3A_100 = arith.constant 96 : index
    %get3A_101 = tpu.vector_load %arg19[%get3A_99, %get3A_100] {strides = array<i32>} : memref<8x256xf32, #tpu.memory_space<vmem>>, vector<16xf32>,
    %get3A_102 = arith.constant 0 : i32
    %get3A_103 = arith.index_cast %get3A_102 : i32 to index
    %get3A_104 = arith.constant 112 : index
    %get3A_105 = tpu.vector_load %arg19[%get3A_103, %get3A_104] {strides = array<i32>} : memref<8x256xf32, #tpu.memory_space<vmem>>, vector<16xf32>,
    %get3A_106 = arith.constant 1 : i32
    %get3A_107 = arith.index_cast %get3A_106 : i32 to index
    %get3A_108 = arith.constant 112 : index
    %get3A_109 = tpu.vector_load %arg19[%get3A_107, %get3A_108] {strides = array<i32>} : memref<8x256xf32, #tpu.memory_space<vmem>>, vector<16xf32>,
    %get3A_110 = arith.constant 0 : i32
    %get3A_111 = arith.index_cast %get3A_110 : i32 to index
    %get3A_112 = arith.constant 128 : index
    %get3A_113 = tpu.vector_load %arg19[%get3A_111, %get3A_112] {strides = array<i32>} : memref<8x256xf32, #tpu.memory_space<vmem>>, vector<16xf32>,
    %get3A_114 = arith.constant 1 : i32
    %get3A_115 = arith.index_cast %get3A_114 : i32 to index
    %get3A_116 = arith.constant 128 : index
    %get3A_117 = tpu.vector_load %arg19[%get3A_115, %get3A_116] {strides = array<i32>} : memref<8x256xf32, #tpu.memory_space<vmem>>, vector<16xf32>,
    %get3A_118 = arith.constant 0 : i32
    %get3A_119 = arith.index_cast %get3A_118 : i32 to index
    %get3A_120 = arith.constant 144 : index
    %get3A_121 = tpu.vector_load %arg19[%get3A_119, %get3A_120] {strides = array<i32>} : memref<8x256xf32, #tpu.memory_space<vmem>>, vector<16xf32>,
    %get3A_122 = arith.constant 1 : i32
    %get3A_123 = arith.index_cast %get3A_122 : i32 to index
    %get3A_124 = arith.constant 144 : index
    %get3A_125 = tpu.vector_load %arg19[%get3A_123, %get3A_124] {strides = array<i32>} : memref<8x256xf32, #tpu.memory_space<vmem>>, vector<16xf32>,
    %get3A_126 = arith.constant 0 : i32
    %get3A_127 = arith.index_cast %get3A_126 : i32 to index
    %get3A_128 = arith.constant 160 : index
    %get3A_129 = tpu.vector_load %arg19[%get3A_127, %get3A_128] {strides = array<i32>} : memref<8x256xf32, #tpu.memory_space<vmem>>, vector<16xf32>,
    %get3A_130 = arith.constant 1 : i32
    %get3A_131 = arith.index_cast %get3A_130 : i32 to index
    %get3A_132 = arith.constant 160 : index
    %get3A_133 = tpu.vector_load %arg19[%get3A_131, %get3A_132] {strides = array<i32>} : memref<8x256xf32, #tpu.memory_space<vmem>>, vector<16xf32>,
    %get3A_134 = arith.constant 0 : i32
    %get3A_135 = arith.index_cast %get3A_134 : i32 to index
    %get3A_136 = arith.constant 176 : index
    %get3A_137 = tpu.vector_load %arg19[%get3A_135, %get3A_136] {strides = array<i32>} : memref<8x256xf32, #tpu.memory_space<vmem>>, vector<16xf32>,
    %get3A_138 = arith.constant 1 : i32
    %get3A_139 = arith.index_cast %get3A_138 : i32 to index
    %get3A_140 = arith.constant 176 : index
    %get3A_141 = tpu.vector_load %arg19[%get3A_139, %get3A_140] {strides = array<i32>} : memref<8x256xf32, #tpu.memory_space<vmem>>, vector<16xf32>,
    %get3A_142 = arith.constant 0 : i32
    %get3A_143 = arith.index_cast %get3A_142 : i32 to index
    %get3A_144 = arith.constant 192 : index
    %get3A_145 = tpu.vector_load %arg19[%get3A_143, %get3A_144] {strides = array<i32>} : memref<8x256xf32, #tpu.memory_space<vmem>>, vector<16xf32>,
    %get3A_146 = arith.constant 1 : i32
    %get3A_147 = arith.index_cast %get3A_146 : i32 to index
    %get3A_148 = arith.constant 192 : index
    %get3A_149 = tpu.vector_load %arg19[%get3A_147, %get3A_148] {strides = array<i32>} : memref<8x256xf32, #tpu.memory_space<vmem>>, vector<16xf32>,
    %get3A_150 = arith.constant 0 : i32
    %get3A_151 = arith.index_cast %get3A_150 : i32 to index
    %get3A_152 = arith.constant 208 : index
    %get3A_153 = tpu.vector_load %arg19[%get3A_151, %get3A_152] {strides = array<i32>} : memref<8x256xf32, #tpu.memory_space<vmem>>, vector<16xf32>,
    %get3A_154 = arith.constant 1 : i32
    %get3A_155 = arith.index_cast %get3A_154 : i32 to index
    %get3A_156 = arith.constant 208 : index
    %get3A_157 = tpu.vector_load %arg19[%get3A_155, %get3A_156] {strides = array<i32>} : memref<8x256xf32, #tpu.memory_space<vmem>>, vector<16xf32>,
    %get3A_158 = arith.constant 0 : i32
    %get3A_159 = arith.index_cast %get3A_158 : i32 to index
    %get3A_160 = arith.constant 224 : index
    %get3A_161 = tpu.vector_load %arg19[%get3A_159, %get3A_160] {strides = array<i32>} : memref<8x256xf32, #tpu.memory_space<vmem>>, vector<16xf32>,
    %get3A_162 = arith.constant 1 : i32
    %get3A_163 = arith.index_cast %get3A_162 : i32 to index
    %get3A_164 = arith.constant 224 : index
    %get3A_165 = tpu.vector_load %arg19[%get3A_163, %get3A_164] {strides = array<i32>} : memref<8x256xf32, #tpu.memory_space<vmem>>, vector<16xf32>,
    %get3A_166 = arith.constant 0 : i32
    %get3A_167 = arith.index_cast %get3A_166 : i32 to index
    %get3A_168 = arith.constant 240 : index
    %get3A_169 = tpu.vector_load %arg19[%get3A_167, %get3A_168] {strides = array<i32>} : memref<8x256xf32, #tpu.memory_space<vmem>>, vector<16xf32>,
    %get3A_170 = arith.constant 1 : i32
    %get3A_171 = arith.index_cast %get3A_170 : i32 to index
    %get3A_172 = arith.constant 240 : index
    %get3A_173 = tpu.vector_load %arg19[%get3A_171, %get3A_172] {strides = array<i32>} : memref<8x256xf32, #tpu.memory_space<vmem>>, vector<16xf32>,
    %scan3A_174 = arith.constant 0 : i32
    %scan3A_175 = arith.constant 80 : i32
    %scan3A_176 = arith.addi %scan3A_174, %scan3A_175 : i32
    %scan3A_177 = arith.constant 1 : i32
    %scan3A_178:32 = scf.for %scan3A_347 = %scan3A_174 to %scan3A_176 step %scan3A_177 iter_args(%scan3A_348 = %get3A_49, %scan3A_349 = %get3A_53, %scan3A_350 = %get3A_57, %scan3A_351 = %get3A_61, %scan3A_352 = %get3A_65, %scan3A_353 = %get3A_69, %scan3A_354 = %get3A_73, %scan3A_355 = %get3A_77, %scan3A_356 = %get3A_81, %scan3A_357 = %get3A_85, %scan3A_358 = %get3A_89, %scan3A_359 = %get3A_93, %scan3A_360 = %get3A_97, %scan3A_361 = %get3A_101, %scan3A_362 = %get3A_105, %scan3A_363 = %get3A_109, %scan3A_364 = %get3A_113, %scan3A_365 = %get3A_117, %scan3A_366 = %get3A_121, %scan3A_367 = %get3A_125, %scan3A_368 = %get3A_129, %scan3A_369 = %get3A_133, %scan3A_370 = %get3A_137, %scan3A_371 = %get3A_141, %scan3A_372 = %get3A_145, %scan3A_373 = %get3A_149, %scan3A_374 = %get3A_153, %scan3A_375 = %get3A_157, %scan3A_376 = %get3A_161, %scan3A_377 = %get3A_165, %scan3A_378 = %get3A_169, %scan3A_379 = %get3A_173) -> (vector<16xf32>, vector<16xf32>, vector<16xf32>, vector<16xf32>, vector<16xf32>, vector<16xf32>, vector<16xf32>, vector<16xf32>, vector<16xf32>, vector<16xf32>, vector<16xf32>, vector<16xf32>, vector<16xf32>, vector<16xf32>, vector<16xf32>, vector<16xf32>, vector<16xf32>, vector<16xf32>, vector<16xf32>, vector<16xf32>, vector<16xf32>, vector<16xf32>, vector<16xf32>, vector<16xf32>, vector<16xf32>, vector<16xf32>, vector<16xf32>, vector<16xf32>, vector<16xf32>, vector<16xf32>, vector<16xf32>, vector<16xf32>)  : i32 {
      %get3A_380 = arith.index_cast %scan3A_347 : i32 to index
      %get3A_381 = arith.constant 0 : index
      %get3A_382 = tpu.vector_load %arg10[%get3A_380, %get3A_381] {strides = array<i32>} : memref<80x256xf32, #tpu.memory_space<vmem>>, vector<16xf32>,
      %get3A_383 = arith.index_cast %scan3A_347 : i32 to index
      %get3A_384 = arith.constant 0 : index
      %get3A_385 = tpu.vector_load %arg12[%get3A_383, %get3A_384] {strides = array<i32>} : memref<80x256xf32, #tpu.memory_space<vmem>>, vector<16xf32>,
      %add3A_386 = arith.addf %get3A_382, %get3A_385 : vector<16xf32>
      %swap3A_387 = arith.index_cast %scan3A_347 : i32 to index
      %swap3A_388 = arith.constant 0 : index
      %swap3A_389 = tpu.vector_load %arg10[%swap3A_387, %swap3A_388] {strides = array<i32>} : memref<80x256xf32, #tpu.memory_space<vmem>>, vector<16xf32>,
      tpu.vector_store %arg10[%swap3A_387, %swap3A_388], %add3A_386 {strides = array<i32>} : memref<80x256xf32, #tpu.memory_space<vmem>>, vector<16xf32>,
      %add3A_390 = arith.addf %scan3A_348, %add3A_386 : vector<16xf32>
      %mul3A_391 = arith.mulf %add3A_386, %add3A_386 : vector<16xf32>
      %add3A_392 = arith.addf %scan3A_349, %mul3A_391 : vector<16xf32>
      %get3A_393 = arith.index_cast %scan3A_347 : i32 to index
      %get3A_394 = arith.constant 16 : index
      %get3A_395 = tpu.vector_load %arg10[%get3A_393, %get3A_394] {strides = array<i32>} : memref<80x256xf32, #tpu.memory_space<vmem>>, vector<16xf32>,
      %get3A_396 = arith.index_cast %scan3A_347 : i32 to index
      %get3A_397 = arith.constant 16 : index
      %get3A_398 = tpu.vector_load %arg12[%get3A_396, %get3A_397] {strides = array<i32>} : memref<80x256xf32, #tpu.memory_space<vmem>>, vector<16xf32>,
      %add3A_399 = arith.addf %get3A_395, %get3A_398 : vector<16xf32>
      %swap3A_400 = arith.index_cast %scan3A_347 : i32 to index
      %swap3A_401 = arith.constant 16 : index
      %swap3A_402 = tpu.vector_load %arg10[%swap3A_400, %swap3A_401] {strides = array<i32>} : memref<80x256xf32, #tpu.memory_space<vmem>>, vector<16xf32>,
      tpu.vector_store %arg10[%swap3A_400, %swap3A_401], %add3A_399 {strides = array<i32>} : memref<80x256xf32, #tpu.memory_space<vmem>>, vector<16xf32>,
      %add3A_403 = arith.addf %scan3A_350, %add3A_399 : vector<16xf32>
      %mul3A_404 = arith.mulf %add3A_399, %add3A_399 : vector<16xf32>
      %add3A_405 = arith.addf %scan3A_351, %mul3A_404 : vector<16xf32>
      %get3A_406 = arith.index_cast %scan3A_347 : i32 to index
      %get3A_407 = arith.constant 32 : index
      %get3A_408 = tpu.vector_load %arg10[%get3A_406, %get3A_407] {strides = array<i32>} : memref<80x256xf32, #tpu.memory_space<vmem>>, vector<16xf32>,
      %get3A_409 = arith.index_cast %scan3A_347 : i32 to index
      %get3A_410 = arith.constant 32 : index
      %get3A_411 = tpu.vector_load %arg12[%get3A_409, %get3A_410] {strides = array<i32>} : memref<80x256xf32, #tpu.memory_space<vmem>>, vector<16xf32>,
      %add3A_412 = arith.addf %get3A_408, %get3A_411 : vector<16xf32>
      %swap3A_413 = arith.index_cast %scan3A_347 : i32 to index
      %swap3A_414 = arith.constant 32 : index
      %swap3A_415 = tpu.vector_load %arg10[%swap3A_413, %swap3A_414] {strides = array<i32>} : memref<80x256xf32, #tpu.memory_space<vmem>>, vector<16xf32>,
      tpu.vector_store %arg10[%swap3A_413, %swap3A_414], %add3A_412 {strides = array<i32>} : memref<80x256xf32, #tpu.memory_space<vmem>>, vector<16xf32>,
      %add3A_416 = arith.addf %scan3A_352, %add3A_412 : vector<16xf32>
      %mul3A_417 = arith.mulf %add3A_412, %add3A_412 : vector<16xf32>
      %add3A_418 = arith.addf %scan3A_353, %mul3A_417 : vector<16xf32>
      %get3A_419 = arith.index_cast %scan3A_347 : i32 to index
      %get3A_420 = arith.constant 48 : index
      %get3A_421 = tpu.vector_load %arg10[%get3A_419, %get3A_420] {strides = array<i32>} : memref<80x256xf32, #tpu.memory_space<vmem>>, vector<16xf32>,
      %get3A_422 = arith.index_cast %scan3A_347 : i32 to index
      %get3A_423 = arith.constant 48 : index
      %get3A_424 = tpu.vector_load %arg12[%get3A_422, %get3A_423] {strides = array<i32>} : memref<80x256xf32, #tpu.memory_space<vmem>>, vector<16xf32>,
      %add3A_425 = arith.addf %get3A_421, %get3A_424 : vector<16xf32>
      %swap3A_426 = arith.index_cast %scan3A_347 : i32 to index
      %swap3A_427 = arith.constant 48 : index
      %swap3A_428 = tpu.vector_load %arg10[%swap3A_426, %swap3A_427] {strides = array<i32>} : memref<80x256xf32, #tpu.memory_space<vmem>>, vector<16xf32>,
      tpu.vector_store %arg10[%swap3A_426, %swap3A_427], %add3A_425 {strides = array<i32>} : memref<80x256xf32, #tpu.memory_space<vmem>>, vector<16xf32>,
      %add3A_429 = arith.addf %scan3A_354, %add3A_425 : vector<16xf32>
      %mul3A_430 = arith.mulf %add3A_425, %add3A_425 : vector<16xf32>
      %add3A_431 = arith.addf %scan3A_355, %mul3A_430 : vector<16xf32>
      %get3A_432 = arith.index_cast %scan3A_347 : i32 to index
      %get3A_433 = arith.constant 64 : index
      %get3A_434 = tpu.vector_load %arg10[%get3A_432, %get3A_433] {strides = array<i32>} : memref<80x256xf32, #tpu.memory_space<vmem>>, vector<16xf32>,
      %get3A_435 = arith.index_cast %scan3A_347 : i32 to index
      %get3A_436 = arith.constant 64 : index
      %get3A_437 = tpu.vector_load %arg12[%get3A_435, %get3A_436] {strides = array<i32>} : memref<80x256xf32, #tpu.memory_space<vmem>>, vector<16xf32>,
      %add3A_438 = arith.addf %get3A_434, %get3A_437 : vector<16xf32>
      %swap3A_439 = arith.index_cast %scan3A_347 : i32 to index
      %swap3A_440 = arith.constant 64 : index
      %swap3A_441 = tpu.vector_load %arg10[%swap3A_439, %swap3A_440] {strides = array<i32>} : memref<80x256xf32, #tpu.memory_space<vmem>>, vector<16xf32>,
      tpu.vector_store %arg10[%swap3A_439, %swap3A_440], %add3A_438 {strides = array<i32>} : memref<80x256xf32, #tpu.memory_space<vmem>>, vector<16xf32>,
      %add3A_442 = arith.addf %scan3A_356, %add3A_438 : vector<16xf32>
      %mul3A_443 = arith.mulf %add3A_438, %add3A_438 : vector<16xf32>
      %add3A_444 = arith.addf %scan3A_357, %mul3A_443 : vector<16xf32>
      %get3A_445 = arith.index_cast %scan3A_347 : i32 to index
      %get3A_446 = arith.constant 80 : index
      %get3A_447 = tpu.vector_load %arg10[%get3A_445, %get3A_446] {strides = array<i32>} : memref<80x256xf32, #tpu.memory_space<vmem>>, vector<16xf32>,
      %get3A_448 = arith.index_cast %scan3A_347 : i32 to index
      %get3A_449 = arith.constant 80 : index
      %get3A_450 = tpu.vector_load %arg12[%get3A_448, %get3A_449] {strides = array<i32>} : memref<80x256xf32, #tpu.memory_space<vmem>>, vector<16xf32>,
      %add3A_451 = arith.addf %get3A_447, %get3A_450 : vector<16xf32>
      %swap3A_452 = arith.index_cast %scan3A_347 : i32 to index
      %swap3A_453 = arith.constant 80 : index
      %swap3A_454 = tpu.vector_load %arg10[%swap3A_452, %swap3A_453] {strides = array<i32>} : memref<80x256xf32, #tpu.memory_space<vmem>>, vector<16xf32>,
      tpu.vector_store %arg10[%swap3A_452, %swap3A_453], %add3A_451 {strides = array<i32>} : memref<80x256xf32, #tpu.memory_space<vmem>>, vector<16xf32>,
      %add3A_455 = arith.addf %scan3A_358, %add3A_451 : vector<16xf32>
      %mul3A_456 = arith.mulf %add3A_451, %add3A_451 : vector<16xf32>
      %add3A_457 = arith.addf %scan3A_359, %mul3A_456 : vector<16xf32>
      %get3A_458 = arith.index_cast %scan3A_347 : i32 to index
      %get3A_459 = arith.constant 96 : index
      %get3A_460 = tpu.vector_load %arg10[%get3A_458, %get3A_459] {strides = array<i32>} : memref<80x256xf32, #tpu.memory_space<vmem>>, vector<16xf32>,
      %get3A_461 = arith.index_cast %scan3A_347 : i32 to index
      %get3A_462 = arith.constant 96 : index
      %get3A_463 = tpu.vector_load %arg12[%get3A_461, %get3A_462] {strides = array<i32>} : memref<80x256xf32, #tpu.memory_space<vmem>>, vector<16xf32>,
      %add3A_464 = arith.addf %get3A_460, %get3A_463 : vector<16xf32>
      %swap3A_465 = arith.index_cast %scan3A_347 : i32 to index
      %swap3A_466 = arith.constant 96 : index
      %swap3A_467 = tpu.vector_load %arg10[%swap3A_465, %swap3A_466] {strides = array<i32>} : memref<80x256xf32, #tpu.memory_space<vmem>>, vector<16xf32>,
      tpu.vector_store %arg10[%swap3A_465, %swap3A_466], %add3A_464 {strides = array<i32>} : memref<80x256xf32, #tpu.memory_space<vmem>>, vector<16xf32>,
      %add3A_468 = arith.addf %scan3A_360, %add3A_464 : vector<16xf32>
      %mul3A_469 = arith.mulf %add3A_464, %add3A_464 : vector<16xf32>
      %add3A_470 = arith.addf %scan3A_361, %mul3A_469 : vector<16xf32>
      %get3A_471 = arith.index_cast %scan3A_347 : i32 to index
      %get3A_472 = arith.constant 112 : index
      %get3A_473 = tpu.vector_load %arg10[%get3A_471, %get3A_472] {strides = array<i32>} : memref<80x256xf32, #tpu.memory_space<vmem>>, vector<16xf32>,
      %get3A_474 = arith.index_cast %scan3A_347 : i32 to index
      %get3A_475 = arith.constant 112 : index
      %get3A_476 = tpu.vector_load %arg12[%get3A_474, %get3A_475] {strides = array<i32>} : memref<80x256xf32, #tpu.memory_space<vmem>>, vector<16xf32>,
      %add3A_477 = arith.addf %get3A_473, %get3A_476 : vector<16xf32>
      %swap3A_478 = arith.index_cast %scan3A_347 : i32 to index
      %swap3A_479 = arith.constant 112 : index
      %swap3A_480 = tpu.vector_load %arg10[%swap3A_478, %swap3A_479] {strides = array<i32>} : memref<80x256xf32, #tpu.memory_space<vmem>>, vector<16xf32>,
      tpu.vector_store %arg10[%swap3A_478, %swap3A_479], %add3A_477 {strides = array<i32>} : memref<80x256xf32, #tpu.memory_space<vmem>>, vector<16xf32>,
      %add3A_481 = arith.addf %scan3A_362, %add3A_477 : vector<16xf32>
      %mul3A_482 = arith.mulf %add3A_477, %add3A_477 : vector<16xf32>
      %add3A_483 = arith.addf %scan3A_363, %mul3A_482 : vector<16xf32>
      %get3A_484 = arith.index_cast %scan3A_347 : i32 to index
      %get3A_485 = arith.constant 128 : index
      %get3A_486 = tpu.vector_load %arg10[%get3A_484, %get3A_485] {strides = array<i32>} : memref<80x256xf32, #tpu.memory_space<vmem>>, vector<16xf32>,
      %get3A_487 = arith.index_cast %scan3A_347 : i32 to index
      %get3A_488 = arith.constant 128 : index
      %get3A_489 = tpu.vector_load %arg12[%get3A_487, %get3A_488] {strides = array<i32>} : memref<80x256xf32, #tpu.memory_space<vmem>>, vector<16xf32>,
      %add3A_490 = arith.addf %get3A_486, %get3A_489 : vector<16xf32>
      %swap3A_491 = arith.index_cast %scan3A_347 : i32 to index
      %swap3A_492 = arith.constant 128 : index
      %swap3A_493 = tpu.vector_load %arg10[%swap3A_491, %swap3A_492] {strides = array<i32>} : memref<80x256xf32, #tpu.memory_space<vmem>>, vector<16xf32>,
      tpu.vector_store %arg10[%swap3A_491, %swap3A_492], %add3A_490 {strides = array<i32>} : memref<80x256xf32, #tpu.memory_space<vmem>>, vector<16xf32>,
      %add3A_494 = arith.addf %scan3A_364, %add3A_490 : vector<16xf32>
      %mul3A_495 = arith.mulf %add3A_490, %add3A_490 : vector<16xf32>
      %add3A_496 = arith.addf %scan3A_365, %mul3A_495 : vector<16xf32>
      %get3A_497 = arith.index_cast %scan3A_347 : i32 to index
      %get3A_498 = arith.constant 144 : index
      %get3A_499 = tpu.vector_load %arg10[%get3A_497, %get3A_498] {strides = array<i32>} : memref<80x256xf32, #tpu.memory_space<vmem>>, vector<16xf32>,
      %get3A_500 = arith.index_cast %scan3A_347 : i32 to index
      %get3A_501 = arith.constant 144 : index
      %get3A_502 = tpu.vector_load %arg12[%get3A_500, %get3A_501] {strides = array<i32>} : memref<80x256xf32, #tpu.memory_space<vmem>>, vector<16xf32>,
      %add3A_503 = arith.addf %get3A_499, %get3A_502 : vector<16xf32>
      %swap3A_504 = arith.index_cast %scan3A_347 : i32 to index
      %swap3A_505 = arith.constant 144 : index
      %swap3A_506 = tpu.vector_load %arg10[%swap3A_504, %swap3A_505] {strides = array<i32>} : memref<80x256xf32, #tpu.memory_space<vmem>>, vector<16xf32>,
      tpu.vector_store %arg10[%swap3A_504, %swap3A_505], %add3A_503 {strides = array<i32>} : memref<80x256xf32, #tpu.memory_space<vmem>>, vector<16xf32>,
      %add3A_507 = arith.addf %scan3A_366, %add3A_503 : vector<16xf32>
      %mul3A_508 = arith.mulf %add3A_503, %add3A_503 : vector<16xf32>
      %add3A_509 = arith.addf %scan3A_367, %mul3A_508 : vector<16xf32>
      %get3A_510 = arith.index_cast %scan3A_347 : i32 to index
      %get3A_511 = arith.constant 160 : index
      %get3A_512 = tpu.vector_load %arg10[%get3A_510, %get3A_511] {strides = array<i32>} : memref<80x256xf32, #tpu.memory_space<vmem>>, vector<16xf32>,
      %get3A_513 = arith.index_cast %scan3A_347 : i32 to index
      %get3A_514 = arith.constant 160 : index
      %get3A_515 = tpu.vector_load %arg12[%get3A_513, %get3A_514] {strides = array<i32>} : memref<80x256xf32, #tpu.memory_space<vmem>>, vector<16xf32>,
      %add3A_516 = arith.addf %get3A_512, %get3A_515 : vector<16xf32>
      %swap3A_517 = arith.index_cast %scan3A_347 : i32 to index
      %swap3A_518 = arith.constant 160 : index
      %swap3A_519 = tpu.vector_load %arg10[%swap3A_517, %swap3A_518] {strides = array<i32>} : memref<80x256xf32, #tpu.memory_space<vmem>>, vector<16xf32>,
      tpu.vector_store %arg10[%swap3A_517, %swap3A_518], %add3A_516 {strides = array<i32>} : memref<80x256xf32, #tpu.memory_space<vmem>>, vector<16xf32>,
      %add3A_520 = arith.addf %scan3A_368, %add3A_516 : vector<16xf32>
      %mul3A_521 = arith.mulf %add3A_516, %add3A_516 : vector<16xf32>
      %add3A_522 = arith.addf %scan3A_369, %mul3A_521 : vector<16xf32>
      %get3A_523 = arith.index_cast %scan3A_347 : i32 to index
      %get3A_524 = arith.constant 176 : index
      %get3A_525 = tpu.vector_load %arg10[%get3A_523, %get3A_524] {strides = array<i32>} : memref<80x256xf32, #tpu.memory_space<vmem>>, vector<16xf32>,
      %get3A_526 = arith.index_cast %scan3A_347 : i32 to index
      %get3A_527 = arith.constant 176 : index
      %get3A_528 = tpu.vector_load %arg12[%get3A_526, %get3A_527] {strides = array<i32>} : memref<80x256xf32, #tpu.memory_space<vmem>>, vector<16xf32>,
      %add3A_529 = arith.addf %get3A_525, %get3A_528 : vector<16xf32>
      %swap3A_530 = arith.index_cast %scan3A_347 : i32 to index
      %swap3A_531 = arith.constant 176 : index
      %swap3A_532 = tpu.vector_load %arg10[%swap3A_530, %swap3A_531] {strides = array<i32>} : memref<80x256xf32, #tpu.memory_space<vmem>>, vector<16xf32>,
      tpu.vector_store %arg10[%swap3A_530, %swap3A_531], %add3A_529 {strides = array<i32>} : memref<80x256xf32, #tpu.memory_space<vmem>>, vector<16xf32>,
      %add3A_533 = arith.addf %scan3A_370, %add3A_529 : vector<16xf32>
      %mul3A_534 = arith.mulf %add3A_529, %add3A_529 : vector<16xf32>
      %add3A_535 = arith.addf %scan3A_371, %mul3A_534 : vector<16xf32>
      %get3A_536 = arith.index_cast %scan3A_347 : i32 to index
      %get3A_537 = arith.constant 192 : index
      %get3A_538 = tpu.vector_load %arg10[%get3A_536, %get3A_537] {strides = array<i32>} : memref<80x256xf32, #tpu.memory_space<vmem>>, vector<16xf32>,
      %get3A_539 = arith.index_cast %scan3A_347 : i32 to index
      %get3A_540 = arith.constant 192 : index
      %get3A_541 = tpu.vector_load %arg12[%get3A_539, %get3A_540] {strides = array<i32>} : memref<80x256xf32, #tpu.memory_space<vmem>>, vector<16xf32>,
      %add3A_542 = arith.addf %get3A_538, %get3A_541 : vector<16xf32>
      %swap3A_543 = arith.index_cast %scan3A_347 : i32 to index
      %swap3A_544 = arith.constant 192 : index
      %swap3A_545 = tpu.vector_load %arg10[%swap3A_543, %swap3A_544] {strides = array<i32>} : memref<80x256xf32, #tpu.memory_space<vmem>>, vector<16xf32>,
      tpu.vector_store %arg10[%swap3A_543, %swap3A_544], %add3A_542 {strides = array<i32>} : memref<80x256xf32, #tpu.memory_space<vmem>>, vector<16xf32>,
      %add3A_546 = arith.addf %scan3A_372, %add3A_542 : vector<16xf32>
      %mul3A_547 = arith.mulf %add3A_542, %add3A_542 : vector<16xf32>
      %add3A_548 = arith.addf %scan3A_373, %mul3A_547 : vector<16xf32>
      %get3A_549 = arith.index_cast %scan3A_347 : i32 to index
      %get3A_550 = arith.constant 208 : index
      %get3A_551 = tpu.vector_load %arg10[%get3A_549, %get3A_550] {strides = array<i32>} : memref<80x256xf32, #tpu.memory_space<vmem>>, vector<16xf32>,
      %get3A_552 = arith.index_cast %scan3A_347 : i32 to index
      %get3A_553 = arith.constant 208 : index
      %get3A_554 = tpu.vector_load %arg12[%get3A_552, %get3A_553] {strides = array<i32>} : memref<80x256xf32, #tpu.memory_space<vmem>>, vector<16xf32>,
      %add3A_555 = arith.addf %get3A_551, %get3A_554 : vector<16xf32>
      %swap3A_556 = arith.index_cast %scan3A_347 : i32 to index
      %swap3A_557 = arith.constant 208 : index
      %swap3A_558 = tpu.vector_load %arg10[%swap3A_556, %swap3A_557] {strides = array<i32>} : memref<80x256xf32, #tpu.memory_space<vmem>>, vector<16xf32>,
      tpu.vector_store %arg10[%swap3A_556, %swap3A_557], %add3A_555 {strides = array<i32>} : memref<80x256xf32, #tpu.memory_space<vmem>>, vector<16xf32>,
      %add3A_559 = arith.addf %scan3A_374, %add3A_555 : vector<16xf32>
      %mul3A_560 = arith.mulf %add3A_555, %add3A_555 : vector<16xf32>
      %add3A_561 = arith.addf %scan3A_375, %mul3A_560 : vector<16xf32>
      %get3A_562 = arith.index_cast %scan3A_347 : i32 to index
      %get3A_563 = arith.constant 224 : index
      %get3A_564 = tpu.vector_load %arg10[%get3A_562, %get3A_563] {strides = array<i32>} : memref<80x256xf32, #tpu.memory_space<vmem>>, vector<16xf32>,
      %get3A_565 = arith.index_cast %scan3A_347 : i32 to index
      %get3A_566 = arith.constant 224 : index
      %get3A_567 = tpu.vector_load %arg12[%get3A_565, %get3A_566] {strides = array<i32>} : memref<80x256xf32, #tpu.memory_space<vmem>>, vector<16xf32>,
      %add3A_568 = arith.addf %get3A_564, %get3A_567 : vector<16xf32>
      %swap3A_569 = arith.index_cast %scan3A_347 : i32 to index
      %swap3A_570 = arith.constant 224 : index
      %swap3A_571 = tpu.vector_load %arg10[%swap3A_569, %swap3A_570] {strides = array<i32>} : memref<80x256xf32, #tpu.memory_space<vmem>>, vector<16xf32>,
      tpu.vector_store %arg10[%swap3A_569, %swap3A_570], %add3A_568 {strides = array<i32>} : memref<80x256xf32, #tpu.memory_space<vmem>>, vector<16xf32>,
      %add3A_572 = arith.addf %scan3A_376, %add3A_568 : vector<16xf32>
      %mul3A_573 = arith.mulf %add3A_568, %add3A_568 : vector<16xf32>
      %add3A_574 = arith.addf %scan3A_377, %mul3A_573 : vector<16xf32>
      %get3A_575 = arith.index_cast %scan3A_347 : i32 to index
      %get3A_576 = arith.constant 240 : index
      %get3A_577 = tpu.vector_load %arg10[%get3A_575, %get3A_576] {strides = array<i32>} : memref<80x256xf32, #tpu.memory_space<vmem>>, vector<16xf32>,
      %get3A_578 = arith.index_cast %scan3A_347 : i32 to index
      %get3A_579 = arith.constant 240 : index
      %get3A_580 = tpu.vector_load %arg12[%get3A_578, %get3A_579] {strides = array<i32>} : memref<80x256xf32, #tpu.memory_space<vmem>>, vector<16xf32>,
      %add3A_581 = arith.addf %get3A_577, %get3A_580 : vector<16xf32>
      %swap3A_582 = arith.index_cast %scan3A_347 : i32 to index
      %swap3A_583 = arith.constant 240 : index
      %swap3A_584 = tpu.vector_load %arg10[%swap3A_582, %swap3A_583] {strides = array<i32>} : memref<80x256xf32, #tpu.memory_space<vmem>>, vector<16xf32>,
      tpu.vector_store %arg10[%swap3A_582, %swap3A_583], %add3A_581 {strides = array<i32>} : memref<80x256xf32, #tpu.memory_space<vmem>>, vector<16xf32>,
      %add3A_585 = arith.addf %scan3A_378, %add3A_581 : vector<16xf32>
      %mul3A_586 = arith.mulf %add3A_581, %add3A_581 : vector<16xf32>
      %add3A_587 = arith.addf %scan3A_379, %mul3A_586 : vector<16xf32>
      scf.yield %add3A_390, %add3A_392, %add3A_403, %add3A_405, %add3A_416, %add3A_418, %add3A_429, %add3A_431, %add3A_442, %add3A_444, %add3A_455, %add3A_457, %add3A_468, %add3A_470, %add3A_481, %add3A_483, %add3A_494, %add3A_496, %add3A_507, %add3A_509, %add3A_520, %add3A_522, %add3A_533, %add3A_535, %add3A_546, %add3A_548, %add3A_559, %add3A_561, %add3A_572, %add3A_574, %add3A_585, %add3A_587 : vector<16xf32>, vector<16xf32>, vector<16xf32>, vector<16xf32>, vector<16xf32>, vector<16xf32>, vector<16xf32>, vector<16xf32>, vector<16xf32>, vector<16xf32>, vector<16xf32>, vector<16xf32>, vector<16xf32>, vector<16xf32>, vector<16xf32>, vector<16xf32>, vector<16xf32>, vector<16xf32>, vector<16xf32>, vector<16xf32>, vector<16xf32>, vector<16xf32>, vector<16xf32>, vector<16xf32>, vector<16xf32>, vector<16xf32>, vector<16xf32>, vector<16xf32>, vector<16xf32>, vector<16xf32>, vector<16xf32>, vector<16xf32>
    }
    %scan3A_179 = arith.constant 80 : i32
    %swap3A = arith.constant 0 : i32
    %swap3A_180 = arith.index_cast %swap3A : i32 to index
    %swap3A_181 = arith.constant 0 : index
    %swap3A_182 = tpu.vector_load %arg19[%swap3A_180, %swap3A_181] {strides = array<i32>} : memref<8x256xf32, #tpu.memory_space<vmem>>, vector<16xf32>,
    tpu.vector_store %arg19[%swap3A_180, %swap3A_181], %scan3A_178#0 {strides = array<i32>} : memref<8x256xf32, #tpu.memory_space<vmem>>, vector<16xf32>,
    %swap3A_183 = arith.constant 1 : i32
    %swap3A_184 = arith.index_cast %swap3A_183 : i32 to index
    %swap3A_185 = arith.constant 0 : index
    %swap3A_186 = tpu.vector_load %arg19[%swap3A_184, %swap3A_185] {strides = array<i32>} : memref<8x256xf32, #tpu.memory_space<vmem>>, vector<16xf32>,
    tpu.vector_store %arg19[%swap3A_184, %swap3A_185], %scan3A_178#1 {strides = array<i32>} : memref<8x256xf32, #tpu.memory_space<vmem>>, vector<16xf32>,
    %swap3A_187 = arith.constant 0 : i32
    %swap3A_188 = arith.index_cast %swap3A_187 : i32 to index
    %swap3A_189 = arith.constant 16 : index
    %swap3A_190 = tpu.vector_load %arg19[%swap3A_188, %swap3A_189] {strides = array<i32>} : memref<8x256xf32, #tpu.memory_space<vmem>>, vector<16xf32>,
    tpu.vector_store %arg19[%swap3A_188, %swap3A_189], %scan3A_178#2 {strides = array<i32>} : memref<8x256xf32, #tpu.memory_space<vmem>>, vector<16xf32>,
    %swap3A_191 = arith.constant 1 : i32
    %swap3A_192 = arith.index_cast %swap3A_191 : i32 to index
    %swap3A_193 = arith.constant 16 : index
    %swap3A_194 = tpu.vector_load %arg19[%swap3A_192, %swap3A_193] {strides = array<i32>} : memref<8x256xf32, #tpu.memory_space<vmem>>, vector<16xf32>,
    tpu.vector_store %arg19[%swap3A_192, %swap3A_193], %scan3A_178#3 {strides = array<i32>} : memref<8x256xf32, #tpu.memory_space<vmem>>, vector<16xf32>,
    %swap3A_195 = arith.constant 0 : i32
    %swap3A_196 = arith.index_cast %swap3A_195 : i32 to index
    %swap3A_197 = arith.constant 32 : index
    %swap3A_198 = tpu.vector_load %arg19[%swap3A_196, %swap3A_197] {strides = array<i32>} : memref<8x256xf32, #tpu.memory_space<vmem>>, vector<16xf32>,
    tpu.vector_store %arg19[%swap3A_196, %swap3A_197], %scan3A_178#4 {strides = array<i32>} : memref<8x256xf32, #tpu.memory_space<vmem>>, vector<16xf32>,
    %swap3A_199 = arith.constant 1 : i32
    %swap3A_200 = arith.index_cast %swap3A_199 : i32 to index
    %swap3A_201 = arith.constant 32 : index
    %swap3A_202 = tpu.vector_load %arg19[%swap3A_200, %swap3A_201] {strides = array<i32>} : memref<8x256xf32, #tpu.memory_space<vmem>>, vector<16xf32>,
    tpu.vector_store %arg19[%swap3A_200, %swap3A_201], %scan3A_178#5 {strides = array<i32>} : memref<8x256xf32, #tpu.memory_space<vmem>>, vector<16xf32>,
    %swap3A_203 = arith.constant 0 : i32
    %swap3A_204 = arith.index_cast %swap3A_203 : i32 to index
    %swap3A_205 = arith.constant 48 : index
    %swap3A_206 = tpu.vector_load %arg19[%swap3A_204, %swap3A_205] {strides = array<i32>} : memref<8x256xf32, #tpu.memory_space<vmem>>, vector<16xf32>,
    tpu.vector_store %arg19[%swap3A_204, %swap3A_205], %scan3A_178#6 {strides = array<i32>} : memref<8x256xf32, #tpu.memory_space<vmem>>, vector<16xf32>,
    %swap3A_207 = arith.constant 1 : i32
    %swap3A_208 = arith.index_cast %swap3A_207 : i32 to index
    %swap3A_209 = arith.constant 48 : index
    %swap3A_210 = tpu.vector_load %arg19[%swap3A_208, %swap3A_209] {strides = array<i32>} : memref<8x256xf32, #tpu.memory_space<vmem>>, vector<16xf32>,
    tpu.vector_store %arg19[%swap3A_208, %swap3A_209], %scan3A_178#7 {strides = array<i32>} : memref<8x256xf32, #tpu.memory_space<vmem>>, vector<16xf32>,
    %swap3A_211 = arith.constant 0 : i32
    %swap3A_212 = arith.index_cast %swap3A_211 : i32 to index
    %swap3A_213 = arith.constant 64 : index
    %swap3A_214 = tpu.vector_load %arg19[%swap3A_212, %swap3A_213] {strides = array<i32>} : memref<8x256xf32, #tpu.memory_space<vmem>>, vector<16xf32>,
    tpu.vector_store %arg19[%swap3A_212, %swap3A_213], %scan3A_178#8 {strides = array<i32>} : memref<8x256xf32, #tpu.memory_space<vmem>>, vector<16xf32>,
    %swap3A_215 = arith.constant 1 : i32
    %swap3A_216 = arith.index_cast %swap3A_215 : i32 to index
    %swap3A_217 = arith.constant 64 : index
    %swap3A_218 = tpu.vector_load %arg19[%swap3A_216, %swap3A_217] {strides = array<i32>} : memref<8x256xf32, #tpu.memory_space<vmem>>, vector<16xf32>,
    tpu.vector_store %arg19[%swap3A_216, %swap3A_217], %scan3A_178#9 {strides = array<i32>} : memref<8x256xf32, #tpu.memory_space<vmem>>, vector<16xf32>,
    %swap3A_219 = arith.constant 0 : i32
    %swap3A_220 = arith.index_cast %swap3A_219 : i32 to index
    %swap3A_221 = arith.constant 80 : index
    %swap3A_222 = tpu.vector_load %arg19[%swap3A_220, %swap3A_221] {strides = array<i32>} : memref<8x256xf32, #tpu.memory_space<vmem>>, vector<16xf32>,
    tpu.vector_store %arg19[%swap3A_220, %swap3A_221], %scan3A_178#10 {strides = array<i32>} : memref<8x256xf32, #tpu.memory_space<vmem>>, vector<16xf32>,
    %swap3A_223 = arith.constant 1 : i32
    %swap3A_224 = arith.index_cast %swap3A_223 : i32 to index
    %swap3A_225 = arith.constant 80 : index
    %swap3A_226 = tpu.vector_load %arg19[%swap3A_224, %swap3A_225] {strides = array<i32>} : memref<8x256xf32, #tpu.memory_space<vmem>>, vector<16xf32>,
    tpu.vector_store %arg19[%swap3A_224, %swap3A_225], %scan3A_178#11 {strides = array<i32>} : memref<8x256xf32, #tpu.memory_space<vmem>>, vector<16xf32>,
    %swap3A_227 = arith.constant 0 : i32
    %swap3A_228 = arith.index_cast %swap3A_227 : i32 to index
    %swap3A_229 = arith.constant 96 : index
    %swap3A_230 = tpu.vector_load %arg19[%swap3A_228, %swap3A_229] {strides = array<i32>} : memref<8x256xf32, #tpu.memory_space<vmem>>, vector<16xf32>,
    tpu.vector_store %arg19[%swap3A_228, %swap3A_229], %scan3A_178#12 {strides = array<i32>} : memref<8x256xf32, #tpu.memory_space<vmem>>, vector<16xf32>,
    %swap3A_231 = arith.constant 1 : i32
    %swap3A_232 = arith.index_cast %swap3A_231 : i32 to index
    %swap3A_233 = arith.constant 96 : index
    %swap3A_234 = tpu.vector_load %arg19[%swap3A_232, %swap3A_233] {strides = array<i32>} : memref<8x256xf32, #tpu.memory_space<vmem>>, vector<16xf32>,
    tpu.vector_store %arg19[%swap3A_232, %swap3A_233], %scan3A_178#13 {strides = array<i32>} : memref<8x256xf32, #tpu.memory_space<vmem>>, vector<16xf32>,
    %swap3A_235 = arith.constant 0 : i32
    %swap3A_236 = arith.index_cast %swap3A_235 : i32 to index
    %swap3A_237 = arith.constant 112 : index
    %swap3A_238 = tpu.vector_load %arg19[%swap3A_236, %swap3A_237] {strides = array<i32>} : memref<8x256xf32, #tpu.memory_space<vmem>>, vector<16xf32>,
    tpu.vector_store %arg19[%swap3A_236, %swap3A_237], %scan3A_178#14 {strides = array<i32>} : memref<8x256xf32, #tpu.memory_space<vmem>>, vector<16xf32>,
    %swap3A_239 = arith.constant 1 : i32
    %swap3A_240 = arith.index_cast %swap3A_239 : i32 to index
    %swap3A_241 = arith.constant 112 : index
    %swap3A_242 = tpu.vector_load %arg19[%swap3A_240, %swap3A_241] {strides = array<i32>} : memref<8x256xf32, #tpu.memory_space<vmem>>, vector<16xf32>,
    tpu.vector_store %arg19[%swap3A_240, %swap3A_241], %scan3A_178#15 {strides = array<i32>} : memref<8x256xf32, #tpu.memory_space<vmem>>, vector<16xf32>,
    %swap3A_243 = arith.constant 0 : i32
    %swap3A_244 = arith.index_cast %swap3A_243 : i32 to index
    %swap3A_245 = arith.constant 128 : index
    %swap3A_246 = tpu.vector_load %arg19[%swap3A_244, %swap3A_245] {strides = array<i32>} : memref<8x256xf32, #tpu.memory_space<vmem>>, vector<16xf32>,
    tpu.vector_store %arg19[%swap3A_244, %swap3A_245], %scan3A_178#16 {strides = array<i32>} : memref<8x256xf32, #tpu.memory_space<vmem>>, vector<16xf32>,
    %swap3A_247 = arith.constant 1 : i32
    %swap3A_248 = arith.index_cast %swap3A_247 : i32 to index
    %swap3A_249 = arith.constant 128 : index
    %swap3A_250 = tpu.vector_load %arg19[%swap3A_248, %swap3A_249] {strides = array<i32>} : memref<8x256xf32, #tpu.memory_space<vmem>>, vector<16xf32>,
    tpu.vector_store %arg19[%swap3A_248, %swap3A_249], %scan3A_178#17 {strides = array<i32>} : memref<8x256xf32, #tpu.memory_space<vmem>>, vector<16xf32>,
    %swap3A_251 = arith.constant 0 : i32
    %swap3A_252 = arith.index_cast %swap3A_251 : i32 to index
    %swap3A_253 = arith.constant 144 : index
    %swap3A_254 = tpu.vector_load %arg19[%swap3A_252, %swap3A_253] {strides = array<i32>} : memref<8x256xf32, #tpu.memory_space<vmem>>, vector<16xf32>,
    tpu.vector_store %arg19[%swap3A_252, %swap3A_253], %scan3A_178#18 {strides = array<i32>} : memref<8x256xf32, #tpu.memory_space<vmem>>, vector<16xf32>,
    %swap3A_255 = arith.constant 1 : i32
    %swap3A_256 = arith.index_cast %swap3A_255 : i32 to index
    %swap3A_257 = arith.constant 144 : index
    %swap3A_258 = tpu.vector_load %arg19[%swap3A_256, %swap3A_257] {strides = array<i32>} : memref<8x256xf32, #tpu.memory_space<vmem>>, vector<16xf32>,
    tpu.vector_store %arg19[%swap3A_256, %swap3A_257], %scan3A_178#19 {strides = array<i32>} : memref<8x256xf32, #tpu.memory_space<vmem>>, vector<16xf32>,
    %swap3A_259 = arith.constant 0 : i32
    %swap3A_260 = arith.index_cast %swap3A_259 : i32 to index
    %swap3A_261 = arith.constant 160 : index
    %swap3A_262 = tpu.vector_load %arg19[%swap3A_260, %swap3A_261] {strides = array<i32>} : memref<8x256xf32, #tpu.memory_space<vmem>>, vector<16xf32>,
    tpu.vector_store %arg19[%swap3A_260, %swap3A_261], %scan3A_178#20 {strides = array<i32>} : memref<8x256xf32, #tpu.memory_space<vmem>>, vector<16xf32>,
    %swap3A_263 = arith.constant 1 : i32
    %swap3A_264 = arith.index_cast %swap3A_263 : i32 to index
    %swap3A_265 = arith.constant 160 : index
    %swap3A_266 = tpu.vector_load %arg19[%swap3A_264, %swap3A_265] {strides = array<i32>} : memref<8x256xf32, #tpu.memory_space<vmem>>, vector<16xf32>,
    tpu.vector_store %arg19[%swap3A_264, %swap3A_265], %scan3A_178#21 {strides = array<i32>} : memref<8x256xf32, #tpu.memory_space<vmem>>, vector<16xf32>,
    %swap3A_267 = arith.constant 0 : i32
    %swap3A_268 = arith.index_cast %swap3A_267 : i32 to index
    %swap3A_269 = arith.constant 176 : index
    %swap3A_270 = tpu.vector_load %arg19[%swap3A_268, %swap3A_269] {strides = array<i32>} : memref<8x256xf32, #tpu.memory_space<vmem>>, vector<16xf32>,
    tpu.vector_store %arg19[%swap3A_268, %swap3A_269], %scan3A_178#22 {strides = array<i32>} : memref<8x256xf32, #tpu.memory_space<vmem>>, vector<16xf32>,
    %swap3A_271 = arith.constant 1 : i32
    %swap3A_272 = arith.index_cast %swap3A_271 : i32 to index
    %swap3A_273 = arith.constant 176 : index
    %swap3A_274 = tpu.vector_load %arg19[%swap3A_272, %swap3A_273] {strides = array<i32>} : memref<8x256xf32, #tpu.memory_space<vmem>>, vector<16xf32>,
    tpu.vector_store %arg19[%swap3A_272, %swap3A_273], %scan3A_178#23 {strides = array<i32>} : memref<8x256xf32, #tpu.memory_space<vmem>>, vector<16xf32>,
    %swap3A_275 = arith.constant 0 : i32
    %swap3A_276 = arith.index_cast %swap3A_275 : i32 to index
    %swap3A_277 = arith.constant 192 : index
    %swap3A_278 = tpu.vector_load %arg19[%swap3A_276, %swap3A_277] {strides = array<i32>} : memref<8x256xf32, #tpu.memory_space<vmem>>, vector<16xf32>,
    tpu.vector_store %arg19[%swap3A_276, %swap3A_277], %scan3A_178#24 {strides = array<i32>} : memref<8x256xf32, #tpu.memory_space<vmem>>, vector<16xf32>,
    %swap3A_279 = arith.constant 1 : i32
    %swap3A_280 = arith.index_cast %swap3A_279 : i32 to index
    %swap3A_281 = arith.constant 192 : index
    %swap3A_282 = tpu.vector_load %arg19[%swap3A_280, %swap3A_281] {strides = array<i32>} : memref<8x256xf32, #tpu.memory_space<vmem>>, vector<16xf32>,
    tpu.vector_store %arg19[%swap3A_280, %swap3A_281], %scan3A_178#25 {strides = array<i32>} : memref<8x256xf32, #tpu.memory_space<vmem>>, vector<16xf32>,
    %swap3A_283 = arith.constant 0 : i32
    %swap3A_284 = arith.index_cast %swap3A_283 : i32 to index
    %swap3A_285 = arith.constant 208 : index
    %swap3A_286 = tpu.vector_load %arg19[%swap3A_284, %swap3A_285] {strides = array<i32>} : memref<8x256xf32, #tpu.memory_space<vmem>>, vector<16xf32>,
    tpu.vector_store %arg19[%swap3A_284, %swap3A_285], %scan3A_178#26 {strides = array<i32>} : memref<8x256xf32, #tpu.memory_space<vmem>>, vector<16xf32>,
    %swap3A_287 = arith.constant 1 : i32
    %swap3A_288 = arith.index_cast %swap3A_287 : i32 to index
    %swap3A_289 = arith.constant 208 : index
    %swap3A_290 = tpu.vector_load %arg19[%swap3A_288, %swap3A_289] {strides = array<i32>} : memref<8x256xf32, #tpu.memory_space<vmem>>, vector<16xf32>,
    tpu.vector_store %arg19[%swap3A_288, %swap3A_289], %scan3A_178#27 {strides = array<i32>} : memref<8x256xf32, #tpu.memory_space<vmem>>, vector<16xf32>,
    %swap3A_291 = arith.constant 0 : i32
    %swap3A_292 = arith.index_cast %swap3A_291 : i32 to index
    %swap3A_293 = arith.constant 224 : index
    %swap3A_294 = tpu.vector_load %arg19[%swap3A_292, %swap3A_293] {strides = array<i32>} : memref<8x256xf32, #tpu.memory_space<vmem>>, vector<16xf32>,
    tpu.vector_store %arg19[%swap3A_292, %swap3A_293], %scan3A_178#28 {strides = array<i32>} : memref<8x256xf32, #tpu.memory_space<vmem>>, vector<16xf32>,
    %swap3A_295 = arith.constant 1 : i32
    %swap3A_296 = arith.index_cast %swap3A_295 : i32 to index
    %swap3A_297 = arith.constant 224 : index
    %swap3A_298 = tpu.vector_load %arg19[%swap3A_296, %swap3A_297] {strides = array<i32>} : memref<8x256xf32, #tpu.memory_space<vmem>>, vector<16xf32>,
    tpu.vector_store %arg19[%swap3A_296, %swap3A_297], %scan3A_178#29 {strides = array<i32>} : memref<8x256xf32, #tpu.memory_space<vmem>>, vector<16xf32>,
    %swap3A_299 = arith.constant 0 : i32
    %swap3A_300 = arith.index_cast %swap3A_299 : i32 to index
    %swap3A_301 = arith.constant 240 : index
    %swap3A_302 = tpu.vector_load %arg19[%swap3A_300, %swap3A_301] {strides = array<i32>} : memref<8x256xf32, #tpu.memory_space<vmem>>, vector<16xf32>,
    tpu.vector_store %arg19[%swap3A_300, %swap3A_301], %scan3A_178#30 {strides = array<i32>} : memref<8x256xf32, #tpu.memory_space<vmem>>, vector<16xf32>,
    %swap3A_303 = arith.constant 1 : i32
    %swap3A_304 = arith.index_cast %swap3A_303 : i32 to index
    %swap3A_305 = arith.constant 240 : index
    %swap3A_306 = tpu.vector_load %arg19[%swap3A_304, %swap3A_305] {strides = array<i32>} : memref<8x256xf32, #tpu.memory_space<vmem>>, vector<16xf32>,
    tpu.vector_store %arg19[%swap3A_304, %swap3A_305], %scan3A_178#31 {strides = array<i32>} : memref<8x256xf32, #tpu.memory_space<vmem>>, vector<16xf32>,
    %get3A_307 = arith.constant 1920 : index
    %get3A_308 = tpu.vector_load %arg18[%get3A_307] {strides = array<i32>} : memref<2000xi32, #tpu.memory_space<vmem>>, vector<16xi32>,
    tpu.vector_store_idx %arg14[%get3A_308], %broadcast_in_dim3A_3 {add = true} : memref<10016xf32, #tpu.memory_space<vmem>>[vector<16xi32>], vector<16xf32>,
    %get3A_309 = arith.constant 1936 : index
    %get3A_310 = tpu.vector_load %arg18[%get3A_309] {strides = array<i32>} : memref<2000xi32, #tpu.memory_space<vmem>>, vector<16xi32>,
    tpu.vector_store_idx %arg14[%get3A_310], %broadcast_in_dim3A_3 {add = true} : memref<10016xf32, #tpu.memory_space<vmem>>[vector<16xi32>], vector<16xf32>,
    %get3A_311 = arith.constant 1952 : index
    %get3A_312 = tpu.vector_load %arg18[%get3A_311] {strides = array<i32>} : memref<2000xi32, #tpu.memory_space<vmem>>, vector<16xi32>,
    tpu.vector_store_idx %arg14[%get3A_312], %broadcast_in_dim3A_3 {add = true} : memref<10016xf32, #tpu.memory_space<vmem>>[vector<16xi32>], vector<16xf32>,
    %get3A_313 = arith.constant 1968 : index
    %get3A_314 = tpu.vector_load %arg18[%get3A_313] {strides = array<i32>} : memref<2000xi32, #tpu.memory_space<vmem>>, vector<16xi32>,
    tpu.vector_store_idx %arg14[%get3A_314], %broadcast_in_dim3A_3 {add = true} : memref<10016xf32, #tpu.memory_space<vmem>>[vector<16xi32>], vector<16xf32>,
    %get3A_315 = arith.constant 1984 : index
    %get3A_316 = tpu.vector_load %arg18[%get3A_315] {strides = array<i32>} : memref<2000xi32, #tpu.memory_space<vmem>>, vector<16xi32>,
    tpu.vector_store_idx %arg14[%get3A_316], %broadcast_in_dim3A_3 {add = true} : memref<10016xf32, #tpu.memory_space<vmem>>[vector<16xi32>], vector<16xf32>,
    %dma_wait3A_317 = arith.constant 0 : i32
    %dma_wait3A_318 = arith.constant 0 : i32
    %dma_wait3A_319 = tpu.memref_slice %arg6[%dma_wait3A_317, %dma_wait3A_318] : memref<320000x256xf32, #tpu.memory_space<hbm>> -> memref<80x256xf32, #tpu.memory_space<hbm>>
    %dma_wait3A_320 = arith.constant 0 : i32
    %dma_wait3A_321 = arith.constant 0 : i32
    %dma_wait3A_322 = tpu.memref_slice %arg6[%dma_wait3A_320, %dma_wait3A_321] : memref<320000x256xf32, #tpu.memory_space<hbm>> -> memref<80x256xf32, #tpu.memory_space<hbm>>
    tpu.wait_dma2 semaphore(%arg25 : memref<!tpu.dma_semaphore, #tpu.memory_space<semaphore_mem>>) src(%arg11 : memref<80x256xf32, #tpu.memory_space<vmem>>) dst(%dma_wait3A_322 : memref<80x256xf32, #tpu.memory_space<hbm>>)
    %add3A_323 = arith.constant 9920 : i32
    %add3A_324 = arith.addi %mul3A_2, %add3A_323 : i32
    %dma_start3A_325 = arith.constant 0 : i32
    %dma_start3A_326 = tpu.memref_slice %arg6[%add3A_324, %dma_start3A_325] : memref<320000x256xf32, #tpu.memory_space<hbm>> -> memref<80x256xf32, #tpu.memory_space<hbm>>
    %dma_start3A_327 = arith.constant 0 : i32
    %dma_start3A_328 = tpu.memref_slice %arg6[%add3A_324, %dma_start3A_327] : memref<320000x256xf32, #tpu.memory_space<hbm>> -> memref<80x256xf32, #tpu.memory_space<hbm>>
    tpu.enqueue_dma source(%arg10 : memref<80x256xf32, #tpu.memory_space<vmem>>) target(%dma_start3A_328 : memref<80x256xf32, #tpu.memory_space<hbm>>) target_semaphore(%arg24 : memref<!tpu.dma_semaphore, #tpu.memory_space<semaphore_mem>>)
    %dma_wait3A_329 = arith.constant 0 : i32
    %dma_wait3A_330 = arith.constant 0 : i32
    %dma_wait3A_331 = tpu.memref_slice %arg6[%dma_wait3A_329, %dma_wait3A_330] : memref<320000x256xf32, #tpu.memory_space<hbm>> -> memref<80x256xf32, #tpu.memory_space<hbm>>
    %dma_wait3A_332 = arith.constant 0 : i32
    %dma_wait3A_333 = arith.constant 0 : i32
    %dma_wait3A_334 = tpu.memref_slice %arg6[%dma_wait3A_332, %dma_wait3A_333] : memref<320000x256xf32, #tpu.memory_space<hbm>> -> memref<80x256xf32, #tpu.memory_space<hbm>>
    tpu.wait_dma2 semaphore(%arg24 : memref<!tpu.dma_semaphore, #tpu.memory_space<semaphore_mem>>) src(%arg10 : memref<80x256xf32, #tpu.memory_space<vmem>>) dst(%dma_wait3A_334 : memref<80x256xf32, #tpu.memory_space<hbm>>)
    %mul3A_335 = arith.constant 8 : i32
    %mul3A_336 = arith.muli %add3A, %mul3A_335 : i32
    %multiple_of3A = tpu.assume_multiple %mul3A_336, 8 : i32
    "tpu.region"() ({
      %run_scoped3A = tpu.sem_alloc : memref<!tpu.dma_semaphore, #tpu.memory_space<semaphore_mem>>
      %dma_start3A_347 = arith.constant 0 : i32
      %dma_start3A_348 = tpu.memref_slice %arg8[%multiple_of3A, %dma_start3A_347] : memref<256x256xf32, #tpu.memory_space<hbm>> -> memref<8x256xf32, #tpu.memory_space<hbm>>
      %dma_start3A_349 = arith.constant 0 : i32
      %dma_start3A_350 = tpu.memref_slice %arg8[%multiple_of3A, %dma_start3A_349] : memref<256x256xf32, #tpu.memory_space<hbm>> -> memref<8x256xf32, #tpu.memory_space<hbm>>
      tpu.enqueue_dma source(%arg19 : memref<8x256xf32, #tpu.memory_space<vmem>>) target(%dma_start3A_350 : memref<8x256xf32, #tpu.memory_space<hbm>>) target_semaphore(%run_scoped3A : memref<!tpu.dma_semaphore, #tpu.memory_space<semaphore_mem>>)
      %dma_wait3A_351 = arith.constant 0 : i32
      %dma_wait3A_352 = tpu.memref_slice %arg8[%multiple_of3A, %dma_wait3A_351] : memref<256x256xf32, #tpu.memory_space<hbm>> -> memref<8x256xf32, #tpu.memory_space<hbm>>
      %dma_wait3A_353 = arith.constant 0 : i32
      %dma_wait3A_354 = tpu.memref_slice %arg8[%multiple_of3A, %dma_wait3A_353] : memref<256x256xf32, #tpu.memory_space<hbm>> -> memref<8x256xf32, #tpu.memory_space<hbm>>
      tpu.wait_dma2 semaphore(%run_scoped3A : memref<!tpu.dma_semaphore, #tpu.memory_space<semaphore_mem>>) src(%arg19 : memref<8x256xf32, #tpu.memory_space<vmem>>) dst(%dma_wait3A_354 : memref<8x256xf32, #tpu.memory_space<hbm>>)
      tpu.yield
    }) : () -> ()
    %mul3A_337 = arith.constant 10000 : i32
    %mul3A_338 = arith.muli %arg1, %mul3A_337 : i32
    %multiple_of3A_339 = tpu.assume_multiple %mul3A_338, 8 : i32
    "tpu.region"() ({
      %run_scoped3A = tpu.sem_alloc : memref<!tpu.dma_semaphore, #tpu.memory_space<semaphore_mem>>
      %dma_start3A_347 = arith.constant 0 : i32
      %dma_start3A_348 = tpu.memref_slice %arg14[%dma_start3A_347] : memref<10016xf32, #tpu.memory_space<vmem>> -> memref<10000xf32, #tpu.memory_space<vmem>>
      %dma_start3A_349 = tpu.memref_slice %arg9[%multiple_of3A_339] : memref<160000xf32, #tpu.memory_space<vmem_shared>> -> memref<10000xf32, #tpu.memory_space<vmem_shared>>
      %dma_start3A_350 = tpu.memref_slice %arg9[%multiple_of3A_339] : memref<160000xf32, #tpu.memory_space<vmem_shared>> -> memref<10000xf32, #tpu.memory_space<vmem_shared>>
      %dma_start3A_351 = arith.constant 0 : i32
      %dma_start3A_352 = tpu.memref_slice %arg14[%dma_start3A_351] : memref<10016xf32, #tpu.memory_space<vmem>> -> memref<10000xf32, #tpu.memory_space<vmem>>
      tpu.enqueue_dma source(%dma_start3A_352 : memref<10000xf32, #tpu.memory_space<vmem>>) target(%dma_start3A_350 : memref<10000xf32, #tpu.memory_space<vmem_shared>>) target_semaphore(%run_scoped3A : memref<!tpu.dma_semaphore, #tpu.memory_space<semaphore_mem>>)
      %dma_wait3A_353 = arith.constant 0 : i32
      %dma_wait3A_354 = tpu.memref_slice %arg14[%dma_wait3A_353] : memref<10016xf32, #tpu.memory_space<vmem>> -> memref<10000xf32, #tpu.memory_space<vmem>>
      %dma_wait3A_355 = tpu.memref_slice %arg9[%multiple_of3A_339] : memref<160000xf32, #tpu.memory_space<vmem_shared>> -> memref<10000xf32, #tpu.memory_space<vmem_shared>>
      %dma_wait3A_356 = tpu.memref_slice %arg9[%multiple_of3A_339] : memref<160000xf32, #tpu.memory_space<vmem_shared>> -> memref<10000xf32, #tpu.memory_space<vmem_shared>>
      %dma_wait3A_357 = arith.constant 0 : i32
      %dma_wait3A_358 = tpu.memref_slice %arg14[%dma_wait3A_357] : memref<10016xf32, #tpu.memory_space<vmem>> -> memref<10000xf32, #tpu.memory_space<vmem>>
      tpu.wait_dma2 semaphore(%run_scoped3A : memref<!tpu.dma_semaphore, #tpu.memory_space<semaphore_mem>>) src(%dma_wait3A_358 : memref<10000xf32, #tpu.memory_space<vmem>>) dst(%dma_wait3A_356 : memref<10000xf32, #tpu.memory_space<vmem_shared>>)
      tpu.yield
    }) : () -> ()
    %barrier3A = arith.constant 0 : index
    tpu.barrier barrier_id(%barrier3A)
    %scan3A_340 = arith.constant 0 : i32
    %scan3A_341 = arith.constant 0 : i32
    %scan3A_342 = arith.constant 2 : i32
    %scan3A_343 = arith.addi %scan3A_341, %scan3A_342 : i32
    %scan3A_344 = arith.constant 1 : i32
    %scan3A_345 = scf.for %scan3A_347 = %scan3A_341 to %scan3A_343 step %scan3A_344 iter_args(%scan3A_348 = %scan3A_340) -> (i32)  : i32 {
      %mul3A_349 = arith.constant 16 : i32
      %mul3A_350 = arith.muli %scan3A_347, %mul3A_349 : i32
      %add3A_351 = arith.addi %arg1, %mul3A_350 : i32
      %lt3A = arith.constant 25 : i32
      %lt3A_352 = arith.cmpi slt, %add3A_351, %lt3A : i32
      %convert_element_type3A = arith.extui %lt3A_352 : i1 to i32
      %cond3A = arith.constant 0 : i32
      %cond3A_353 = arith.cmpi ne, %convert_element_type3A, %cond3A : i32
      scf.if %cond3A_353 {
        %mul3A_355 = arith.constant 400 : i32
        %mul3A_356 = arith.muli %add3A_351, %mul3A_355 : i32
        %add3A_357 = arith.constant 0 : i32
        %add3A_358 = arith.addi %add3A_357, %mul3A_356 : i32
        %multiple_of3A_359 = tpu.assume_multiple %add3A_358, 8 : i32
        "tpu.region"() ({
          %run_scoped3A = tpu.sem_alloc : memref<!tpu.dma_semaphore, #tpu.memory_space<semaphore_mem>>
          %dma_start3A_416 = arith.constant 0 : i32
          %dma_start3A_417 = tpu.memref_slice %arg15[%dma_start3A_416] : memref<6400xf32, #tpu.memory_space<vmem>> -> memref<400xf32, #tpu.memory_space<vmem>>
          %dma_start3A_418 = tpu.memref_slice %arg9[%multiple_of3A_359] : memref<160000xf32, #tpu.memory_space<vmem_shared>> -> memref<400xf32, #tpu.memory_space<vmem_shared>>
          %dma_start3A_419 = arith.constant 0 : i32
          %dma_start3A_420 = tpu.memref_slice %arg15[%dma_start3A_419] : memref<6400xf32, #tpu.memory_space<vmem>> -> memref<400xf32, #tpu.memory_space<vmem>>
          %dma_start3A_421 = tpu.memref_slice %arg9[%multiple_of3A_359] : memref<160000xf32, #tpu.memory_space<vmem_shared>> -> memref<400xf32, #tpu.memory_space<vmem_shared>>
          tpu.enqueue_dma source(%dma_start3A_421 : memref<400xf32, #tpu.memory_space<vmem_shared>>) target(%dma_start3A_420 : memref<400xf32, #tpu.memory_space<vmem>>) target_semaphore(%run_scoped3A : memref<!tpu.dma_semaphore, #tpu.memory_space<semaphore_mem>>)
          %dma_wait3A_422 = arith.constant 0 : i32
          %dma_wait3A_423 = tpu.memref_slice %arg15[%dma_wait3A_422] : memref<6400xf32, #tpu.memory_space<vmem>> -> memref<400xf32, #tpu.memory_space<vmem>>
          %dma_wait3A_424 = tpu.memref_slice %arg9[%multiple_of3A_359] : memref<160000xf32, #tpu.memory_space<vmem_shared>> -> memref<400xf32, #tpu.memory_space<vmem_shared>>
          %dma_wait3A_425 = arith.constant 0 : i32
          %dma_wait3A_426 = tpu.memref_slice %arg15[%dma_wait3A_425] : memref<6400xf32, #tpu.memory_space<vmem>> -> memref<400xf32, #tpu.memory_space<vmem>>
          %dma_wait3A_427 = tpu.memref_slice %arg9[%multiple_of3A_359] : memref<160000xf32, #tpu.memory_space<vmem_shared>> -> memref<400xf32, #tpu.memory_space<vmem_shared>>
          tpu.wait_dma2 semaphore(%run_scoped3A : memref<!tpu.dma_semaphore, #tpu.memory_space<semaphore_mem>>) src(%dma_wait3A_427 : memref<400xf32, #tpu.memory_space<vmem_shared>>) dst(%dma_wait3A_426 : memref<400xf32, #tpu.memory_space<vmem>>)
          tpu.yield
        }) : () -> ()
        %add3A_360 = arith.constant 10000 : i32
        %add3A_361 = arith.addi %add3A_360, %mul3A_356 : i32
        %multiple_of3A_362 = tpu.assume_multiple %add3A_361, 8 : i32
        "tpu.region"() ({
          %run_scoped3A = tpu.sem_alloc : memref<!tpu.dma_semaphore, #tpu.memory_space<semaphore_mem>>
          %dma_start3A_416 = arith.constant 400 : i32
          %dma_start3A_417 = tpu.memref_slice %arg15[%dma_start3A_416] : memref<6400xf32, #tpu.memory_space<vmem>> -> memref<400xf32, #tpu.memory_space<vmem>>
          %dma_start3A_418 = tpu.memref_slice %arg9[%multiple_of3A_362] : memref<160000xf32, #tpu.memory_space<vmem_shared>> -> memref<400xf32, #tpu.memory_space<vmem_shared>>
          %dma_start3A_419 = arith.constant 400 : i32
          %dma_start3A_420 = tpu.memref_slice %arg15[%dma_start3A_419] : memref<6400xf32, #tpu.memory_space<vmem>> -> memref<400xf32, #tpu.memory_space<vmem>>
          %dma_start3A_421 = tpu.memref_slice %arg9[%multiple_of3A_362] : memref<160000xf32, #tpu.memory_space<vmem_shared>> -> memref<400xf32, #tpu.memory_space<vmem_shared>>
          tpu.enqueue_dma source(%dma_start3A_421 : memref<400xf32, #tpu.memory_space<vmem_shared>>) target(%dma_start3A_420 : memref<400xf32, #tpu.memory_space<vmem>>) target_semaphore(%run_scoped3A : memref<!tpu.dma_semaphore, #tpu.memory_space<semaphore_mem>>)
          %dma_wait3A_422 = arith.constant 400 : i32
          %dma_wait3A_423 = tpu.memref_slice %arg15[%dma_wait3A_422] : memref<6400xf32, #tpu.memory_space<vmem>> -> memref<400xf32, #tpu.memory_space<vmem>>
          %dma_wait3A_424 = tpu.memref_slice %arg9[%multiple_of3A_362] : memref<160000xf32, #tpu.memory_space<vmem_shared>> -> memref<400xf32, #tpu.memory_space<vmem_shared>>
          %dma_wait3A_425 = arith.constant 400 : i32
          %dma_wait3A_426 = tpu.memref_slice %arg15[%dma_wait3A_425] : memref<6400xf32, #tpu.memory_space<vmem>> -> memref<400xf32, #tpu.memory_space<vmem>>
          %dma_wait3A_427 = tpu.memref_slice %arg9[%multiple_of3A_362] : memref<160000xf32, #tpu.memory_space<vmem_shared>> -> memref<400xf32, #tpu.memory_space<vmem_shared>>
          tpu.wait_dma2 semaphore(%run_scoped3A : memref<!tpu.dma_semaphore, #tpu.memory_space<semaphore_mem>>) src(%dma_wait3A_427 : memref<400xf32, #tpu.memory_space<vmem_shared>>) dst(%dma_wait3A_426 : memref<400xf32, #tpu.memory_space<vmem>>)
          tpu.yield
        }) : () -> ()
        %add3A_363 = arith.constant 20000 : i32
        %add3A_364 = arith.addi %add3A_363, %mul3A_356 : i32
        %multiple_of3A_365 = tpu.assume_multiple %add3A_364, 8 : i32
        "tpu.region"() ({
          %run_scoped3A = tpu.sem_alloc : memref<!tpu.dma_semaphore, #tpu.memory_space<semaphore_mem>>
          %dma_start3A_416 = arith.constant 800 : i32
          %dma_start3A_417 = tpu.memref_slice %arg15[%dma_start3A_416] : memref<6400xf32, #tpu.memory_space<vmem>> -> memref<400xf32, #tpu.memory_space<vmem>>
          %dma_start3A_418 = tpu.memref_slice %arg9[%multiple_of3A_365] : memref<160000xf32, #tpu.memory_space<vmem_shared>> -> memref<400xf32, #tpu.memory_space<vmem_shared>>
          %dma_start3A_419 = arith.constant 800 : i32
          %dma_start3A_420 = tpu.memref_slice %arg15[%dma_start3A_419] : memref<6400xf32, #tpu.memory_space<vmem>> -> memref<400xf32, #tpu.memory_space<vmem>>
          %dma_start3A_421 = tpu.memref_slice %arg9[%multiple_of3A_365] : memref<160000xf32, #tpu.memory_space<vmem_shared>> -> memref<400xf32, #tpu.memory_space<vmem_shared>>
          tpu.enqueue_dma source(%dma_start3A_421 : memref<400xf32, #tpu.memory_space<vmem_shared>>) target(%dma_start3A_420 : memref<400xf32, #tpu.memory_space<vmem>>) target_semaphore(%run_scoped3A : memref<!tpu.dma_semaphore, #tpu.memory_space<semaphore_mem>>)
          %dma_wait3A_422 = arith.constant 800 : i32
          %dma_wait3A_423 = tpu.memref_slice %arg15[%dma_wait3A_422] : memref<6400xf32, #tpu.memory_space<vmem>> -> memref<400xf32, #tpu.memory_space<vmem>>
          %dma_wait3A_424 = tpu.memref_slice %arg9[%multiple_of3A_365] : memref<160000xf32, #tpu.memory_space<vmem_shared>> -> memref<400xf32, #tpu.memory_space<vmem_shared>>
          %dma_wait3A_425 = arith.constant 800 : i32
          %dma_wait3A_426 = tpu.memref_slice %arg15[%dma_wait3A_425] : memref<6400xf32, #tpu.memory_space<vmem>> -> memref<400xf32, #tpu.memory_space<vmem>>
          %dma_wait3A_427 = tpu.memref_slice %arg9[%multiple_of3A_365] : memref<160000xf32, #tpu.memory_space<vmem_shared>> -> memref<400xf32, #tpu.memory_space<vmem_shared>>
          tpu.wait_dma2 semaphore(%run_scoped3A : memref<!tpu.dma_semaphore, #tpu.memory_space<semaphore_mem>>) src(%dma_wait3A_427 : memref<400xf32, #tpu.memory_space<vmem_shared>>) dst(%dma_wait3A_426 : memref<400xf32, #tpu.memory_space<vmem>>)
          tpu.yield
        }) : () -> ()
        %add3A_366 = arith.constant 30000 : i32
        %add3A_367 = arith.addi %add3A_366, %mul3A_356 : i32
        %multiple_of3A_368 = tpu.assume_multiple %add3A_367, 8 : i32
        "tpu.region"() ({
          %run_scoped3A = tpu.sem_alloc : memref<!tpu.dma_semaphore, #tpu.memory_space<semaphore_mem>>
          %dma_start3A_416 = arith.constant 1200 : i32
          %dma_start3A_417 = tpu.memref_slice %arg15[%dma_start3A_416] : memref<6400xf32, #tpu.memory_space<vmem>> -> memref<400xf32, #tpu.memory_space<vmem>>
          %dma_start3A_418 = tpu.memref_slice %arg9[%multiple_of3A_368] : memref<160000xf32, #tpu.memory_space<vmem_shared>> -> memref<400xf32, #tpu.memory_space<vmem_shared>>
          %dma_start3A_419 = arith.constant 1200 : i32
          %dma_start3A_420 = tpu.memref_slice %arg15[%dma_start3A_419] : memref<6400xf32, #tpu.memory_space<vmem>> -> memref<400xf32, #tpu.memory_space<vmem>>
          %dma_start3A_421 = tpu.memref_slice %arg9[%multiple_of3A_368] : memref<160000xf32, #tpu.memory_space<vmem_shared>> -> memref<400xf32, #tpu.memory_space<vmem_shared>>
          tpu.enqueue_dma source(%dma_start3A_421 : memref<400xf32, #tpu.memory_space<vmem_shared>>) target(%dma_start3A_420 : memref<400xf32, #tpu.memory_space<vmem>>) target_semaphore(%run_scoped3A : memref<!tpu.dma_semaphore, #tpu.memory_space<semaphore_mem>>)
          %dma_wait3A_422 = arith.constant 1200 : i32
          %dma_wait3A_423 = tpu.memref_slice %arg15[%dma_wait3A_422] : memref<6400xf32, #tpu.memory_space<vmem>> -> memref<400xf32, #tpu.memory_space<vmem>>
          %dma_wait3A_424 = tpu.memref_slice %arg9[%multiple_of3A_368] : memref<160000xf32, #tpu.memory_space<vmem_shared>> -> memref<400xf32, #tpu.memory_space<vmem_shared>>
          %dma_wait3A_425 = arith.constant 1200 : i32
          %dma_wait3A_426 = tpu.memref_slice %arg15[%dma_wait3A_425] : memref<6400xf32, #tpu.memory_space<vmem>> -> memref<400xf32, #tpu.memory_space<vmem>>
          %dma_wait3A_427 = tpu.memref_slice %arg9[%multiple_of3A_368] : memref<160000xf32, #tpu.memory_space<vmem_shared>> -> memref<400xf32, #tpu.memory_space<vmem_shared>>
          tpu.wait_dma2 semaphore(%run_scoped3A : memref<!tpu.dma_semaphore, #tpu.memory_space<semaphore_mem>>) src(%dma_wait3A_427 : memref<400xf32, #tpu.memory_space<vmem_shared>>) dst(%dma_wait3A_426 : memref<400xf32, #tpu.memory_space<vmem>>)
          tpu.yield
        }) : () -> ()
        %add3A_369 = arith.constant 40000 : i32
        %add3A_370 = arith.addi %add3A_369, %mul3A_356 : i32
        %multiple_of3A_371 = tpu.assume_multiple %add3A_370, 8 : i32
        "tpu.region"() ({
          %run_scoped3A = tpu.sem_alloc : memref<!tpu.dma_semaphore, #tpu.memory_space<semaphore_mem>>
          %dma_start3A_416 = arith.constant 1600 : i32
          %dma_start3A_417 = tpu.memref_slice %arg15[%dma_start3A_416] : memref<6400xf32, #tpu.memory_space<vmem>> -> memref<400xf32, #tpu.memory_space<vmem>>
          %dma_start3A_418 = tpu.memref_slice %arg9[%multiple_of3A_371] : memref<160000xf32, #tpu.memory_space<vmem_shared>> -> memref<400xf32, #tpu.memory_space<vmem_shared>>
          %dma_start3A_419 = arith.constant 1600 : i32
          %dma_start3A_420 = tpu.memref_slice %arg15[%dma_start3A_419] : memref<6400xf32, #tpu.memory_space<vmem>> -> memref<400xf32, #tpu.memory_space<vmem>>
          %dma_start3A_421 = tpu.memref_slice %arg9[%multiple_of3A_371] : memref<160000xf32, #tpu.memory_space<vmem_shared>> -> memref<400xf32, #tpu.memory_space<vmem_shared>>
          tpu.enqueue_dma source(%dma_start3A_421 : memref<400xf32, #tpu.memory_space<vmem_shared>>) target(%dma_start3A_420 : memref<400xf32, #tpu.memory_space<vmem>>) target_semaphore(%run_scoped3A : memref<!tpu.dma_semaphore, #tpu.memory_space<semaphore_mem>>)
          %dma_wait3A_422 = arith.constant 1600 : i32
          %dma_wait3A_423 = tpu.memref_slice %arg15[%dma_wait3A_422] : memref<6400xf32, #tpu.memory_space<vmem>> -> memref<400xf32, #tpu.memory_space<vmem>>
          %dma_wait3A_424 = tpu.memref_slice %arg9[%multiple_of3A_371] : memref<160000xf32, #tpu.memory_space<vmem_shared>> -> memref<400xf32, #tpu.memory_space<vmem_shared>>
          %dma_wait3A_425 = arith.constant 1600 : i32
          %dma_wait3A_426 = tpu.memref_slice %arg15[%dma_wait3A_425] : memref<6400xf32, #tpu.memory_space<vmem>> -> memref<400xf32, #tpu.memory_space<vmem>>
          %dma_wait3A_427 = tpu.memref_slice %arg9[%multiple_of3A_371] : memref<160000xf32, #tpu.memory_space<vmem_shared>> -> memref<400xf32, #tpu.memory_space<vmem_shared>>
          tpu.wait_dma2 semaphore(%run_scoped3A : memref<!tpu.dma_semaphore, #tpu.memory_space<semaphore_mem>>) src(%dma_wait3A_427 : memref<400xf32, #tpu.memory_space<vmem_shared>>) dst(%dma_wait3A_426 : memref<400xf32, #tpu.memory_space<vmem>>)
          tpu.yield
        }) : () -> ()
        %add3A_372 = arith.constant 50000 : i32
        %add3A_373 = arith.addi %add3A_372, %mul3A_356 : i32
        %multiple_of3A_374 = tpu.assume_multiple %add3A_373, 8 : i32
        "tpu.region"() ({
          %run_scoped3A = tpu.sem_alloc : memref<!tpu.dma_semaphore, #tpu.memory_space<semaphore_mem>>
          %dma_start3A_416 = arith.constant 2000 : i32
          %dma_start3A_417 = tpu.memref_slice %arg15[%dma_start3A_416] : memref<6400xf32, #tpu.memory_space<vmem>> -> memref<400xf32, #tpu.memory_space<vmem>>
          %dma_start3A_418 = tpu.memref_slice %arg9[%multiple_of3A_374] : memref<160000xf32, #tpu.memory_space<vmem_shared>> -> memref<400xf32, #tpu.memory_space<vmem_shared>>
          %dma_start3A_419 = arith.constant 2000 : i32
          %dma_start3A_420 = tpu.memref_slice %arg15[%dma_start3A_419] : memref<6400xf32, #tpu.memory_space<vmem>> -> memref<400xf32, #tpu.memory_space<vmem>>
          %dma_start3A_421 = tpu.memref_slice %arg9[%multiple_of3A_374] : memref<160000xf32, #tpu.memory_space<vmem_shared>> -> memref<400xf32, #tpu.memory_space<vmem_shared>>
          tpu.enqueue_dma source(%dma_start3A_421 : memref<400xf32, #tpu.memory_space<vmem_shared>>) target(%dma_start3A_420 : memref<400xf32, #tpu.memory_space<vmem>>) target_semaphore(%run_scoped3A : memref<!tpu.dma_semaphore, #tpu.memory_space<semaphore_mem>>)
          %dma_wait3A_422 = arith.constant 2000 : i32
          %dma_wait3A_423 = tpu.memref_slice %arg15[%dma_wait3A_422] : memref<6400xf32, #tpu.memory_space<vmem>> -> memref<400xf32, #tpu.memory_space<vmem>>
          %dma_wait3A_424 = tpu.memref_slice %arg9[%multiple_of3A_374] : memref<160000xf32, #tpu.memory_space<vmem_shared>> -> memref<400xf32, #tpu.memory_space<vmem_shared>>
          %dma_wait3A_425 = arith.constant 2000 : i32
          %dma_wait3A_426 = tpu.memref_slice %arg15[%dma_wait3A_425] : memref<6400xf32, #tpu.memory_space<vmem>> -> memref<400xf32, #tpu.memory_space<vmem>>
          %dma_wait3A_427 = tpu.memref_slice %arg9[%multiple_of3A_374] : memref<160000xf32, #tpu.memory_space<vmem_shared>> -> memref<400xf32, #tpu.memory_space<vmem_shared>>
          tpu.wait_dma2 semaphore(%run_scoped3A : memref<!tpu.dma_semaphore, #tpu.memory_space<semaphore_mem>>) src(%dma_wait3A_427 : memref<400xf32, #tpu.memory_space<vmem_shared>>) dst(%dma_wait3A_426 : memref<400xf32, #tpu.memory_space<vmem>>)
          tpu.yield
        }) : () -> ()
        %add3A_375 = arith.constant 60000 : i32
        %add3A_376 = arith.addi %add3A_375, %mul3A_356 : i32
        %multiple_of3A_377 = tpu.assume_multiple %add3A_376, 8 : i32
        "tpu.region"() ({
          %run_scoped3A = tpu.sem_alloc : memref<!tpu.dma_semaphore, #tpu.memory_space<semaphore_mem>>
          %dma_start3A_416 = arith.constant 2400 : i32
          %dma_start3A_417 = tpu.memref_slice %arg15[%dma_start3A_416] : memref<6400xf32, #tpu.memory_space<vmem>> -> memref<400xf32, #tpu.memory_space<vmem>>
          %dma_start3A_418 = tpu.memref_slice %arg9[%multiple_of3A_377] : memref<160000xf32, #tpu.memory_space<vmem_shared>> -> memref<400xf32, #tpu.memory_space<vmem_shared>>
          %dma_start3A_419 = arith.constant 2400 : i32
          %dma_start3A_420 = tpu.memref_slice %arg15[%dma_start3A_419] : memref<6400xf32, #tpu.memory_space<vmem>> -> memref<400xf32, #tpu.memory_space<vmem>>
          %dma_start3A_421 = tpu.memref_slice %arg9[%multiple_of3A_377] : memref<160000xf32, #tpu.memory_space<vmem_shared>> -> memref<400xf32, #tpu.memory_space<vmem_shared>>
          tpu.enqueue_dma source(%dma_start3A_421 : memref<400xf32, #tpu.memory_space<vmem_shared>>) target(%dma_start3A_420 : memref<400xf32, #tpu.memory_space<vmem>>) target_semaphore(%run_scoped3A : memref<!tpu.dma_semaphore, #tpu.memory_space<semaphore_mem>>)
          %dma_wait3A_422 = arith.constant 2400 : i32
          %dma_wait3A_423 = tpu.memref_slice %arg15[%dma_wait3A_422] : memref<6400xf32, #tpu.memory_space<vmem>> -> memref<400xf32, #tpu.memory_space<vmem>>
          %dma_wait3A_424 = tpu.memref_slice %arg9[%multiple_of3A_377] : memref<160000xf32, #tpu.memory_space<vmem_shared>> -> memref<400xf32, #tpu.memory_space<vmem_shared>>
          %dma_wait3A_425 = arith.constant 2400 : i32
          %dma_wait3A_426 = tpu.memref_slice %arg15[%dma_wait3A_425] : memref<6400xf32, #tpu.memory_space<vmem>> -> memref<400xf32, #tpu.memory_space<vmem>>
          %dma_wait3A_427 = tpu.memref_slice %arg9[%multiple_of3A_377] : memref<160000xf32, #tpu.memory_space<vmem_shared>> -> memref<400xf32, #tpu.memory_space<vmem_shared>>
          tpu.wait_dma2 semaphore(%run_scoped3A : memref<!tpu.dma_semaphore, #tpu.memory_space<semaphore_mem>>) src(%dma_wait3A_427 : memref<400xf32, #tpu.memory_space<vmem_shared>>) dst(%dma_wait3A_426 : memref<400xf32, #tpu.memory_space<vmem>>)
          tpu.yield
        }) : () -> ()
        %add3A_378 = arith.constant 70000 : i32
        %add3A_379 = arith.addi %add3A_378, %mul3A_356 : i32
        %multiple_of3A_380 = tpu.assume_multiple %add3A_379, 8 : i32
        "tpu.region"() ({
          %run_scoped3A = tpu.sem_alloc : memref<!tpu.dma_semaphore, #tpu.memory_space<semaphore_mem>>
          %dma_start3A_416 = arith.constant 2800 : i32
          %dma_start3A_417 = tpu.memref_slice %arg15[%dma_start3A_416] : memref<6400xf32, #tpu.memory_space<vmem>> -> memref<400xf32, #tpu.memory_space<vmem>>
          %dma_start3A_418 = tpu.memref_slice %arg9[%multiple_of3A_380] : memref<160000xf32, #tpu.memory_space<vmem_shared>> -> memref<400xf32, #tpu.memory_space<vmem_shared>>
          %dma_start3A_419 = arith.constant 2800 : i32
          %dma_start3A_420 = tpu.memref_slice %arg15[%dma_start3A_419] : memref<6400xf32, #tpu.memory_space<vmem>> -> memref<400xf32, #tpu.memory_space<vmem>>
          %dma_start3A_421 = tpu.memref_slice %arg9[%multiple_of3A_380] : memref<160000xf32, #tpu.memory_space<vmem_shared>> -> memref<400xf32, #tpu.memory_space<vmem_shared>>
          tpu.enqueue_dma source(%dma_start3A_421 : memref<400xf32, #tpu.memory_space<vmem_shared>>) target(%dma_start3A_420 : memref<400xf32, #tpu.memory_space<vmem>>) target_semaphore(%run_scoped3A : memref<!tpu.dma_semaphore, #tpu.memory_space<semaphore_mem>>)
          %dma_wait3A_422 = arith.constant 2800 : i32
          %dma_wait3A_423 = tpu.memref_slice %arg15[%dma_wait3A_422] : memref<6400xf32, #tpu.memory_space<vmem>> -> memref<400xf32, #tpu.memory_space<vmem>>
          %dma_wait3A_424 = tpu.memref_slice %arg9[%multiple_of3A_380] : memref<160000xf32, #tpu.memory_space<vmem_shared>> -> memref<400xf32, #tpu.memory_space<vmem_shared>>
          %dma_wait3A_425 = arith.constant 2800 : i32
          %dma_wait3A_426 = tpu.memref_slice %arg15[%dma_wait3A_425] : memref<6400xf32, #tpu.memory_space<vmem>> -> memref<400xf32, #tpu.memory_space<vmem>>
          %dma_wait3A_427 = tpu.memref_slice %arg9[%multiple_of3A_380] : memref<160000xf32, #tpu.memory_space<vmem_shared>> -> memref<400xf32, #tpu.memory_space<vmem_shared>>
          tpu.wait_dma2 semaphore(%run_scoped3A : memref<!tpu.dma_semaphore, #tpu.memory_space<semaphore_mem>>) src(%dma_wait3A_427 : memref<400xf32, #tpu.memory_space<vmem_shared>>) dst(%dma_wait3A_426 : memref<400xf32, #tpu.memory_space<vmem>>)
          tpu.yield
        }) : () -> ()
        %add3A_381 = arith.constant 80000 : i32
        %add3A_382 = arith.addi %add3A_381, %mul3A_356 : i32
        %multiple_of3A_383 = tpu.assume_multiple %add3A_382, 8 : i32
        "tpu.region"() ({
          %run_scoped3A = tpu.sem_alloc : memref<!tpu.dma_semaphore, #tpu.memory_space<semaphore_mem>>
          %dma_start3A_416 = arith.constant 3200 : i32
          %dma_start3A_417 = tpu.memref_slice %arg15[%dma_start3A_416] : memref<6400xf32, #tpu.memory_space<vmem>> -> memref<400xf32, #tpu.memory_space<vmem>>
          %dma_start3A_418 = tpu.memref_slice %arg9[%multiple_of3A_383] : memref<160000xf32, #tpu.memory_space<vmem_shared>> -> memref<400xf32, #tpu.memory_space<vmem_shared>>
          %dma_start3A_419 = arith.constant 3200 : i32
          %dma_start3A_420 = tpu.memref_slice %arg15[%dma_start3A_419] : memref<6400xf32, #tpu.memory_space<vmem>> -> memref<400xf32, #tpu.memory_space<vmem>>
          %dma_start3A_421 = tpu.memref_slice %arg9[%multiple_of3A_383] : memref<160000xf32, #tpu.memory_space<vmem_shared>> -> memref<400xf32, #tpu.memory_space<vmem_shared>>
          tpu.enqueue_dma source(%dma_start3A_421 : memref<400xf32, #tpu.memory_space<vmem_shared>>) target(%dma_start3A_420 : memref<400xf32, #tpu.memory_space<vmem>>) target_semaphore(%run_scoped3A : memref<!tpu.dma_semaphore, #tpu.memory_space<semaphore_mem>>)
          %dma_wait3A_422 = arith.constant 3200 : i32
          %dma_wait3A_423 = tpu.memref_slice %arg15[%dma_wait3A_422] : memref<6400xf32, #tpu.memory_space<vmem>> -> memref<400xf32, #tpu.memory_space<vmem>>
          %dma_wait3A_424 = tpu.memref_slice %arg9[%multiple_of3A_383] : memref<160000xf32, #tpu.memory_space<vmem_shared>> -> memref<400xf32, #tpu.memory_space<vmem_shared>>
          %dma_wait3A_425 = arith.constant 3200 : i32
          %dma_wait3A_426 = tpu.memref_slice %arg15[%dma_wait3A_425] : memref<6400xf32, #tpu.memory_space<vmem>> -> memref<400xf32, #tpu.memory_space<vmem>>
          %dma_wait3A_427 = tpu.memref_slice %arg9[%multiple_of3A_383] : memref<160000xf32, #tpu.memory_space<vmem_shared>> -> memref<400xf32, #tpu.memory_space<vmem_shared>>
          tpu.wait_dma2 semaphore(%run_scoped3A : memref<!tpu.dma_semaphore, #tpu.memory_space<semaphore_mem>>) src(%dma_wait3A_427 : memref<400xf32, #tpu.memory_space<vmem_shared>>) dst(%dma_wait3A_426 : memref<400xf32, #tpu.memory_space<vmem>>)
          tpu.yield
        }) : () -> ()
        %add3A_384 = arith.constant 90000 : i32
        %add3A_385 = arith.addi %add3A_384, %mul3A_356 : i32
        %multiple_of3A_386 = tpu.assume_multiple %add3A_385, 8 : i32
        "tpu.region"() ({
          %run_scoped3A = tpu.sem_alloc : memref<!tpu.dma_semaphore, #tpu.memory_space<semaphore_mem>>
          %dma_start3A_416 = arith.constant 3600 : i32
          %dma_start3A_417 = tpu.memref_slice %arg15[%dma_start3A_416] : memref<6400xf32, #tpu.memory_space<vmem>> -> memref<400xf32, #tpu.memory_space<vmem>>
          %dma_start3A_418 = tpu.memref_slice %arg9[%multiple_of3A_386] : memref<160000xf32, #tpu.memory_space<vmem_shared>> -> memref<400xf32, #tpu.memory_space<vmem_shared>>
          %dma_start3A_419 = arith.constant 3600 : i32
          %dma_start3A_420 = tpu.memref_slice %arg15[%dma_start3A_419] : memref<6400xf32, #tpu.memory_space<vmem>> -> memref<400xf32, #tpu.memory_space<vmem>>
          %dma_start3A_421 = tpu.memref_slice %arg9[%multiple_of3A_386] : memref<160000xf32, #tpu.memory_space<vmem_shared>> -> memref<400xf32, #tpu.memory_space<vmem_shared>>
          tpu.enqueue_dma source(%dma_start3A_421 : memref<400xf32, #tpu.memory_space<vmem_shared>>) target(%dma_start3A_420 : memref<400xf32, #tpu.memory_space<vmem>>) target_semaphore(%run_scoped3A : memref<!tpu.dma_semaphore, #tpu.memory_space<semaphore_mem>>)
          %dma_wait3A_422 = arith.constant 3600 : i32
          %dma_wait3A_423 = tpu.memref_slice %arg15[%dma_wait3A_422] : memref<6400xf32, #tpu.memory_space<vmem>> -> memref<400xf32, #tpu.memory_space<vmem>>
          %dma_wait3A_424 = tpu.memref_slice %arg9[%multiple_of3A_386] : memref<160000xf32, #tpu.memory_space<vmem_shared>> -> memref<400xf32, #tpu.memory_space<vmem_shared>>
          %dma_wait3A_425 = arith.constant 3600 : i32
          %dma_wait3A_426 = tpu.memref_slice %arg15[%dma_wait3A_425] : memref<6400xf32, #tpu.memory_space<vmem>> -> memref<400xf32, #tpu.memory_space<vmem>>
          %dma_wait3A_427 = tpu.memref_slice %arg9[%multiple_of3A_386] : memref<160000xf32, #tpu.memory_space<vmem_shared>> -> memref<400xf32, #tpu.memory_space<vmem_shared>>
          tpu.wait_dma2 semaphore(%run_scoped3A : memref<!tpu.dma_semaphore, #tpu.memory_space<semaphore_mem>>) src(%dma_wait3A_427 : memref<400xf32, #tpu.memory_space<vmem_shared>>) dst(%dma_wait3A_426 : memref<400xf32, #tpu.memory_space<vmem>>)
          tpu.yield
        }) : () -> ()
        %add3A_387 = arith.constant 100000 : i32
        %add3A_388 = arith.addi %add3A_387, %mul3A_356 : i32
        %multiple_of3A_389 = tpu.assume_multiple %add3A_388, 8 : i32
        "tpu.region"() ({
          %run_scoped3A = tpu.sem_alloc : memref<!tpu.dma_semaphore, #tpu.memory_space<semaphore_mem>>
          %dma_start3A_416 = arith.constant 4000 : i32
          %dma_start3A_417 = tpu.memref_slice %arg15[%dma_start3A_416] : memref<6400xf32, #tpu.memory_space<vmem>> -> memref<400xf32, #tpu.memory_space<vmem>>
          %dma_start3A_418 = tpu.memref_slice %arg9[%multiple_of3A_389] : memref<160000xf32, #tpu.memory_space<vmem_shared>> -> memref<400xf32, #tpu.memory_space<vmem_shared>>
          %dma_start3A_419 = arith.constant 4000 : i32
          %dma_start3A_420 = tpu.memref_slice %arg15[%dma_start3A_419] : memref<6400xf32, #tpu.memory_space<vmem>> -> memref<400xf32, #tpu.memory_space<vmem>>
          %dma_start3A_421 = tpu.memref_slice %arg9[%multiple_of3A_389] : memref<160000xf32, #tpu.memory_space<vmem_shared>> -> memref<400xf32, #tpu.memory_space<vmem_shared>>
          tpu.enqueue_dma source(%dma_start3A_421 : memref<400xf32, #tpu.memory_space<vmem_shared>>) target(%dma_start3A_420 : memref<400xf32, #tpu.memory_space<vmem>>) target_semaphore(%run_scoped3A : memref<!tpu.dma_semaphore, #tpu.memory_space<semaphore_mem>>)
          %dma_wait3A_422 = arith.constant 4000 : i32
          %dma_wait3A_423 = tpu.memref_slice %arg15[%dma_wait3A_422] : memref<6400xf32, #tpu.memory_space<vmem>> -> memref<400xf32, #tpu.memory_space<vmem>>
          %dma_wait3A_424 = tpu.memref_slice %arg9[%multiple_of3A_389] : memref<160000xf32, #tpu.memory_space<vmem_shared>> -> memref<400xf32, #tpu.memory_space<vmem_shared>>
          %dma_wait3A_425 = arith.constant 4000 : i32
          %dma_wait3A_426 = tpu.memref_slice %arg15[%dma_wait3A_425] : memref<6400xf32, #tpu.memory_space<vmem>> -> memref<400xf32, #tpu.memory_space<vmem>>
          %dma_wait3A_427 = tpu.memref_slice %arg9[%multiple_of3A_389] : memref<160000xf32, #tpu.memory_space<vmem_shared>> -> memref<400xf32, #tpu.memory_space<vmem_shared>>
          tpu.wait_dma2 semaphore(%run_scoped3A : memref<!tpu.dma_semaphore, #tpu.memory_space<semaphore_mem>>) src(%dma_wait3A_427 : memref<400xf32, #tpu.memory_space<vmem_shared>>) dst(%dma_wait3A_426 : memref<400xf32, #tpu.memory_space<vmem>>)
          tpu.yield
        }) : () -> ()
        %add3A_390 = arith.constant 110000 : i32
        %add3A_391 = arith.addi %add3A_390, %mul3A_356 : i32
        %multiple_of3A_392 = tpu.assume_multiple %add3A_391, 8 : i32
        "tpu.region"() ({
          %run_scoped3A = tpu.sem_alloc : memref<!tpu.dma_semaphore, #tpu.memory_space<semaphore_mem>>
          %dma_start3A_416 = arith.constant 4400 : i32
          %dma_start3A_417 = tpu.memref_slice %arg15[%dma_start3A_416] : memref<6400xf32, #tpu.memory_space<vmem>> -> memref<400xf32, #tpu.memory_space<vmem>>
          %dma_start3A_418 = tpu.memref_slice %arg9[%multiple_of3A_392] : memref<160000xf32, #tpu.memory_space<vmem_shared>> -> memref<400xf32, #tpu.memory_space<vmem_shared>>
          %dma_start3A_419 = arith.constant 4400 : i32
          %dma_start3A_420 = tpu.memref_slice %arg15[%dma_start3A_419] : memref<6400xf32, #tpu.memory_space<vmem>> -> memref<400xf32, #tpu.memory_space<vmem>>
          %dma_start3A_421 = tpu.memref_slice %arg9[%multiple_of3A_392] : memref<160000xf32, #tpu.memory_space<vmem_shared>> -> memref<400xf32, #tpu.memory_space<vmem_shared>>
          tpu.enqueue_dma source(%dma_start3A_421 : memref<400xf32, #tpu.memory_space<vmem_shared>>) target(%dma_start3A_420 : memref<400xf32, #tpu.memory_space<vmem>>) target_semaphore(%run_scoped3A : memref<!tpu.dma_semaphore, #tpu.memory_space<semaphore_mem>>)
          %dma_wait3A_422 = arith.constant 4400 : i32
          %dma_wait3A_423 = tpu.memref_slice %arg15[%dma_wait3A_422] : memref<6400xf32, #tpu.memory_space<vmem>> -> memref<400xf32, #tpu.memory_space<vmem>>
          %dma_wait3A_424 = tpu.memref_slice %arg9[%multiple_of3A_392] : memref<160000xf32, #tpu.memory_space<vmem_shared>> -> memref<400xf32, #tpu.memory_space<vmem_shared>>
          %dma_wait3A_425 = arith.constant 4400 : i32
          %dma_wait3A_426 = tpu.memref_slice %arg15[%dma_wait3A_425] : memref<6400xf32, #tpu.memory_space<vmem>> -> memref<400xf32, #tpu.memory_space<vmem>>
          %dma_wait3A_427 = tpu.memref_slice %arg9[%multiple_of3A_392] : memref<160000xf32, #tpu.memory_space<vmem_shared>> -> memref<400xf32, #tpu.memory_space<vmem_shared>>
          tpu.wait_dma2 semaphore(%run_scoped3A : memref<!tpu.dma_semaphore, #tpu.memory_space<semaphore_mem>>) src(%dma_wait3A_427 : memref<400xf32, #tpu.memory_space<vmem_shared>>) dst(%dma_wait3A_426 : memref<400xf32, #tpu.memory_space<vmem>>)
          tpu.yield
        }) : () -> ()
        %add3A_393 = arith.constant 120000 : i32
        %add3A_394 = arith.addi %add3A_393, %mul3A_356 : i32
        %multiple_of3A_395 = tpu.assume_multiple %add3A_394, 8 : i32
        "tpu.region"() ({
          %run_scoped3A = tpu.sem_alloc : memref<!tpu.dma_semaphore, #tpu.memory_space<semaphore_mem>>
          %dma_start3A_416 = arith.constant 4800 : i32
          %dma_start3A_417 = tpu.memref_slice %arg15[%dma_start3A_416] : memref<6400xf32, #tpu.memory_space<vmem>> -> memref<400xf32, #tpu.memory_space<vmem>>
          %dma_start3A_418 = tpu.memref_slice %arg9[%multiple_of3A_395] : memref<160000xf32, #tpu.memory_space<vmem_shared>> -> memref<400xf32, #tpu.memory_space<vmem_shared>>
          %dma_start3A_419 = arith.constant 4800 : i32
          %dma_start3A_420 = tpu.memref_slice %arg15[%dma_start3A_419] : memref<6400xf32, #tpu.memory_space<vmem>> -> memref<400xf32, #tpu.memory_space<vmem>>
          %dma_start3A_421 = tpu.memref_slice %arg9[%multiple_of3A_395] : memref<160000xf32, #tpu.memory_space<vmem_shared>> -> memref<400xf32, #tpu.memory_space<vmem_shared>>
          tpu.enqueue_dma source(%dma_start3A_421 : memref<400xf32, #tpu.memory_space<vmem_shared>>) target(%dma_start3A_420 : memref<400xf32, #tpu.memory_space<vmem>>) target_semaphore(%run_scoped3A : memref<!tpu.dma_semaphore, #tpu.memory_space<semaphore_mem>>)
          %dma_wait3A_422 = arith.constant 4800 : i32
          %dma_wait3A_423 = tpu.memref_slice %arg15[%dma_wait3A_422] : memref<6400xf32, #tpu.memory_space<vmem>> -> memref<400xf32, #tpu.memory_space<vmem>>
          %dma_wait3A_424 = tpu.memref_slice %arg9[%multiple_of3A_395] : memref<160000xf32, #tpu.memory_space<vmem_shared>> -> memref<400xf32, #tpu.memory_space<vmem_shared>>
          %dma_wait3A_425 = arith.constant 4800 : i32
          %dma_wait3A_426 = tpu.memref_slice %arg15[%dma_wait3A_425] : memref<6400xf32, #tpu.memory_space<vmem>> -> memref<400xf32, #tpu.memory_space<vmem>>
          %dma_wait3A_427 = tpu.memref_slice %arg9[%multiple_of3A_395] : memref<160000xf32, #tpu.memory_space<vmem_shared>> -> memref<400xf32, #tpu.memory_space<vmem_shared>>
          tpu.wait_dma2 semaphore(%run_scoped3A : memref<!tpu.dma_semaphore, #tpu.memory_space<semaphore_mem>>) src(%dma_wait3A_427 : memref<400xf32, #tpu.memory_space<vmem_shared>>) dst(%dma_wait3A_426 : memref<400xf32, #tpu.memory_space<vmem>>)
          tpu.yield
        }) : () -> ()
        %add3A_396 = arith.constant 130000 : i32
        %add3A_397 = arith.addi %add3A_396, %mul3A_356 : i32
        %multiple_of3A_398 = tpu.assume_multiple %add3A_397, 8 : i32
        "tpu.region"() ({
          %run_scoped3A = tpu.sem_alloc : memref<!tpu.dma_semaphore, #tpu.memory_space<semaphore_mem>>
          %dma_start3A_416 = arith.constant 5200 : i32
          %dma_start3A_417 = tpu.memref_slice %arg15[%dma_start3A_416] : memref<6400xf32, #tpu.memory_space<vmem>> -> memref<400xf32, #tpu.memory_space<vmem>>
          %dma_start3A_418 = tpu.memref_slice %arg9[%multiple_of3A_398] : memref<160000xf32, #tpu.memory_space<vmem_shared>> -> memref<400xf32, #tpu.memory_space<vmem_shared>>
          %dma_start3A_419 = arith.constant 5200 : i32
          %dma_start3A_420 = tpu.memref_slice %arg15[%dma_start3A_419] : memref<6400xf32, #tpu.memory_space<vmem>> -> memref<400xf32, #tpu.memory_space<vmem>>
          %dma_start3A_421 = tpu.memref_slice %arg9[%multiple_of3A_398] : memref<160000xf32, #tpu.memory_space<vmem_shared>> -> memref<400xf32, #tpu.memory_space<vmem_shared>>
          tpu.enqueue_dma source(%dma_start3A_421 : memref<400xf32, #tpu.memory_space<vmem_shared>>) target(%dma_start3A_420 : memref<400xf32, #tpu.memory_space<vmem>>) target_semaphore(%run_scoped3A : memref<!tpu.dma_semaphore, #tpu.memory_space<semaphore_mem>>)
          %dma_wait3A_422 = arith.constant 5200 : i32
          %dma_wait3A_423 = tpu.memref_slice %arg15[%dma_wait3A_422] : memref<6400xf32, #tpu.memory_space<vmem>> -> memref<400xf32, #tpu.memory_space<vmem>>
          %dma_wait3A_424 = tpu.memref_slice %arg9[%multiple_of3A_398] : memref<160000xf32, #tpu.memory_space<vmem_shared>> -> memref<400xf32, #tpu.memory_space<vmem_shared>>
          %dma_wait3A_425 = arith.constant 5200 : i32
          %dma_wait3A_426 = tpu.memref_slice %arg15[%dma_wait3A_425] : memref<6400xf32, #tpu.memory_space<vmem>> -> memref<400xf32, #tpu.memory_space<vmem>>
          %dma_wait3A_427 = tpu.memref_slice %arg9[%multiple_of3A_398] : memref<160000xf32, #tpu.memory_space<vmem_shared>> -> memref<400xf32, #tpu.memory_space<vmem_shared>>
          tpu.wait_dma2 semaphore(%run_scoped3A : memref<!tpu.dma_semaphore, #tpu.memory_space<semaphore_mem>>) src(%dma_wait3A_427 : memref<400xf32, #tpu.memory_space<vmem_shared>>) dst(%dma_wait3A_426 : memref<400xf32, #tpu.memory_space<vmem>>)
          tpu.yield
        }) : () -> ()
        %add3A_399 = arith.constant 140000 : i32
        %add3A_400 = arith.addi %add3A_399, %mul3A_356 : i32
        %multiple_of3A_401 = tpu.assume_multiple %add3A_400, 8 : i32
        "tpu.region"() ({
          %run_scoped3A = tpu.sem_alloc : memref<!tpu.dma_semaphore, #tpu.memory_space<semaphore_mem>>
          %dma_start3A_416 = arith.constant 5600 : i32
          %dma_start3A_417 = tpu.memref_slice %arg15[%dma_start3A_416] : memref<6400xf32, #tpu.memory_space<vmem>> -> memref<400xf32, #tpu.memory_space<vmem>>
          %dma_start3A_418 = tpu.memref_slice %arg9[%multiple_of3A_401] : memref<160000xf32, #tpu.memory_space<vmem_shared>> -> memref<400xf32, #tpu.memory_space<vmem_shared>>
          %dma_start3A_419 = arith.constant 5600 : i32
          %dma_start3A_420 = tpu.memref_slice %arg15[%dma_start3A_419] : memref<6400xf32, #tpu.memory_space<vmem>> -> memref<400xf32, #tpu.memory_space<vmem>>
          %dma_start3A_421 = tpu.memref_slice %arg9[%multiple_of3A_401] : memref<160000xf32, #tpu.memory_space<vmem_shared>> -> memref<400xf32, #tpu.memory_space<vmem_shared>>
          tpu.enqueue_dma source(%dma_start3A_421 : memref<400xf32, #tpu.memory_space<vmem_shared>>) target(%dma_start3A_420 : memref<400xf32, #tpu.memory_space<vmem>>) target_semaphore(%run_scoped3A : memref<!tpu.dma_semaphore, #tpu.memory_space<semaphore_mem>>)
          %dma_wait3A_422 = arith.constant 5600 : i32
          %dma_wait3A_423 = tpu.memref_slice %arg15[%dma_wait3A_422] : memref<6400xf32, #tpu.memory_space<vmem>> -> memref<400xf32, #tpu.memory_space<vmem>>
          %dma_wait3A_424 = tpu.memref_slice %arg9[%multiple_of3A_401] : memref<160000xf32, #tpu.memory_space<vmem_shared>> -> memref<400xf32, #tpu.memory_space<vmem_shared>>
          %dma_wait3A_425 = arith.constant 5600 : i32
          %dma_wait3A_426 = tpu.memref_slice %arg15[%dma_wait3A_425] : memref<6400xf32, #tpu.memory_space<vmem>> -> memref<400xf32, #tpu.memory_space<vmem>>
          %dma_wait3A_427 = tpu.memref_slice %arg9[%multiple_of3A_401] : memref<160000xf32, #tpu.memory_space<vmem_shared>> -> memref<400xf32, #tpu.memory_space<vmem_shared>>
          tpu.wait_dma2 semaphore(%run_scoped3A : memref<!tpu.dma_semaphore, #tpu.memory_space<semaphore_mem>>) src(%dma_wait3A_427 : memref<400xf32, #tpu.memory_space<vmem_shared>>) dst(%dma_wait3A_426 : memref<400xf32, #tpu.memory_space<vmem>>)
          tpu.yield
        }) : () -> ()
        %add3A_402 = arith.constant 150000 : i32
        %add3A_403 = arith.addi %add3A_402, %mul3A_356 : i32
        %multiple_of3A_404 = tpu.assume_multiple %add3A_403, 8 : i32
        "tpu.region"() ({
          %run_scoped3A = tpu.sem_alloc : memref<!tpu.dma_semaphore, #tpu.memory_space<semaphore_mem>>
          %dma_start3A_416 = arith.constant 6000 : i32
          %dma_start3A_417 = tpu.memref_slice %arg15[%dma_start3A_416] : memref<6400xf32, #tpu.memory_space<vmem>> -> memref<400xf32, #tpu.memory_space<vmem>>
          %dma_start3A_418 = tpu.memref_slice %arg9[%multiple_of3A_404] : memref<160000xf32, #tpu.memory_space<vmem_shared>> -> memref<400xf32, #tpu.memory_space<vmem_shared>>
          %dma_start3A_419 = arith.constant 6000 : i32
          %dma_start3A_420 = tpu.memref_slice %arg15[%dma_start3A_419] : memref<6400xf32, #tpu.memory_space<vmem>> -> memref<400xf32, #tpu.memory_space<vmem>>
          %dma_start3A_421 = tpu.memref_slice %arg9[%multiple_of3A_404] : memref<160000xf32, #tpu.memory_space<vmem_shared>> -> memref<400xf32, #tpu.memory_space<vmem_shared>>
          tpu.enqueue_dma source(%dma_start3A_421 : memref<400xf32, #tpu.memory_space<vmem_shared>>) target(%dma_start3A_420 : memref<400xf32, #tpu.memory_space<vmem>>) target_semaphore(%run_scoped3A : memref<!tpu.dma_semaphore, #tpu.memory_space<semaphore_mem>>)
          %dma_wait3A_422 = arith.constant 6000 : i32
          %dma_wait3A_423 = tpu.memref_slice %arg15[%dma_wait3A_422] : memref<6400xf32, #tpu.memory_space<vmem>> -> memref<400xf32, #tpu.memory_space<vmem>>
          %dma_wait3A_424 = tpu.memref_slice %arg9[%multiple_of3A_404] : memref<160000xf32, #tpu.memory_space<vmem_shared>> -> memref<400xf32, #tpu.memory_space<vmem_shared>>
          %dma_wait3A_425 = arith.constant 6000 : i32
          %dma_wait3A_426 = tpu.memref_slice %arg15[%dma_wait3A_425] : memref<6400xf32, #tpu.memory_space<vmem>> -> memref<400xf32, #tpu.memory_space<vmem>>
          %dma_wait3A_427 = tpu.memref_slice %arg9[%multiple_of3A_404] : memref<160000xf32, #tpu.memory_space<vmem_shared>> -> memref<400xf32, #tpu.memory_space<vmem_shared>>
          tpu.wait_dma2 semaphore(%run_scoped3A : memref<!tpu.dma_semaphore, #tpu.memory_space<semaphore_mem>>) src(%dma_wait3A_427 : memref<400xf32, #tpu.memory_space<vmem_shared>>) dst(%dma_wait3A_426 : memref<400xf32, #tpu.memory_space<vmem>>)
          tpu.yield
        }) : () -> ()
        %scan3A_405 = arith.constant 0 : i32
        %scan3A_406 = arith.constant 0 : i32
        %scan3A_407 = arith.constant 25 : i32
        %scan3A_408 = arith.addi %scan3A_406, %scan3A_407 : i32
        %scan3A_409 = arith.constant 1 : i32
        %scan3A_410 = scf.for %scan3A_416 = %scan3A_406 to %scan3A_408 step %scan3A_409 iter_args(%scan3A_417 = %scan3A_405) -> (i32)  : i32 {
          %mul3A_418 = arith.constant 16 : i32
          %mul3A_419 = arith.muli %scan3A_416, %mul3A_418 : i32
          %get3A_420 = arith.index_cast %mul3A_419 : i32 to index
          %get3A_421 = tpu.vector_load %arg15[%get3A_420] {strides = array<i32>} : memref<6400xf32, #tpu.memory_space<vmem>>, vector<16xf32>,
          %mul3A_422 = arith.constant 16 : i32
          %mul3A_423 = arith.muli %scan3A_416, %mul3A_422 : i32
          %add3A_424 = arith.constant 400 : i32
          %add3A_425 = arith.addi %add3A_424, %mul3A_423 : i32
          %get3A_426 = arith.index_cast %add3A_425 : i32 to index
          %get3A_427 = tpu.vector_load %arg15[%get3A_426] {strides = array<i32>} : memref<6400xf32, #tpu.memory_space<vmem>>, vector<16xf32>,
          %add3A_428 = arith.addf %get3A_421, %get3A_427 : vector<16xf32>
          %mul3A_429 = arith.constant 16 : i32
          %mul3A_430 = arith.muli %scan3A_416, %mul3A_429 : i32
          %add3A_431 = arith.constant 800 : i32
          %add3A_432 = arith.addi %add3A_431, %mul3A_430 : i32
          %get3A_433 = arith.index_cast %add3A_432 : i32 to index
          %get3A_434 = tpu.vector_load %arg15[%get3A_433] {strides = array<i32>} : memref<6400xf32, #tpu.memory_space<vmem>>, vector<16xf32>,
          %add3A_435 = arith.addf %add3A_428, %get3A_434 : vector<16xf32>
          %mul3A_436 = arith.constant 16 : i32
          %mul3A_437 = arith.muli %scan3A_416, %mul3A_436 : i32
          %add3A_438 = arith.constant 1200 : i32
          %add3A_439 = arith.addi %add3A_438, %mul3A_437 : i32
          %get3A_440 = arith.index_cast %add3A_439 : i32 to index
          %get3A_441 = tpu.vector_load %arg15[%get3A_440] {strides = array<i32>} : memref<6400xf32, #tpu.memory_space<vmem>>, vector<16xf32>,
          %add3A_442 = arith.addf %add3A_435, %get3A_441 : vector<16xf32>
          %mul3A_443 = arith.constant 16 : i32
          %mul3A_444 = arith.muli %scan3A_416, %mul3A_443 : i32
          %add3A_445 = arith.constant 1600 : i32
          %add3A_446 = arith.addi %add3A_445, %mul3A_444 : i32
          %get3A_447 = arith.index_cast %add3A_446 : i32 to index
          %get3A_448 = tpu.vector_load %arg15[%get3A_447] {strides = array<i32>} : memref<6400xf32, #tpu.memory_space<vmem>>, vector<16xf32>,
          %add3A_449 = arith.addf %add3A_442, %get3A_448 : vector<16xf32>
          %mul3A_450 = arith.constant 16 : i32
          %mul3A_451 = arith.muli %scan3A_416, %mul3A_450 : i32
          %add3A_452 = arith.constant 2000 : i32
          %add3A_453 = arith.addi %add3A_452, %mul3A_451 : i32
          %get3A_454 = arith.index_cast %add3A_453 : i32 to index
          %get3A_455 = tpu.vector_load %arg15[%get3A_454] {strides = array<i32>} : memref<6400xf32, #tpu.memory_space<vmem>>, vector<16xf32>,
          %add3A_456 = arith.addf %add3A_449, %get3A_455 : vector<16xf32>
          %mul3A_457 = arith.constant 16 : i32
          %mul3A_458 = arith.muli %scan3A_416, %mul3A_457 : i32
          %add3A_459 = arith.constant 2400 : i32
          %add3A_460 = arith.addi %add3A_459, %mul3A_458 : i32
          %get3A_461 = arith.index_cast %add3A_460 : i32 to index
          %get3A_462 = tpu.vector_load %arg15[%get3A_461] {strides = array<i32>} : memref<6400xf32, #tpu.memory_space<vmem>>, vector<16xf32>,
          %add3A_463 = arith.addf %add3A_456, %get3A_462 : vector<16xf32>
          %mul3A_464 = arith.constant 16 : i32
          %mul3A_465 = arith.muli %scan3A_416, %mul3A_464 : i32
          %add3A_466 = arith.constant 2800 : i32
          %add3A_467 = arith.addi %add3A_466, %mul3A_465 : i32
          %get3A_468 = arith.index_cast %add3A_467 : i32 to index
          %get3A_469 = tpu.vector_load %arg15[%get3A_468] {strides = array<i32>} : memref<6400xf32, #tpu.memory_space<vmem>>, vector<16xf32>,
          %add3A_470 = arith.addf %add3A_463, %get3A_469 : vector<16xf32>
          %mul3A_471 = arith.constant 16 : i32
          %mul3A_472 = arith.muli %scan3A_416, %mul3A_471 : i32
          %add3A_473 = arith.constant 3200 : i32
          %add3A_474 = arith.addi %add3A_473, %mul3A_472 : i32
          %get3A_475 = arith.index_cast %add3A_474 : i32 to index
          %get3A_476 = tpu.vector_load %arg15[%get3A_475] {strides = array<i32>} : memref<6400xf32, #tpu.memory_space<vmem>>, vector<16xf32>,
          %add3A_477 = arith.addf %add3A_470, %get3A_476 : vector<16xf32>
          %mul3A_478 = arith.constant 16 : i32
          %mul3A_479 = arith.muli %scan3A_416, %mul3A_478 : i32
          %add3A_480 = arith.constant 3600 : i32
          %add3A_481 = arith.addi %add3A_480, %mul3A_479 : i32
          %get3A_482 = arith.index_cast %add3A_481 : i32 to index
          %get3A_483 = tpu.vector_load %arg15[%get3A_482] {strides = array<i32>} : memref<6400xf32, #tpu.memory_space<vmem>>, vector<16xf32>,
          %add3A_484 = arith.addf %add3A_477, %get3A_483 : vector<16xf32>
          %mul3A_485 = arith.constant 16 : i32
          %mul3A_486 = arith.muli %scan3A_416, %mul3A_485 : i32
          %add3A_487 = arith.constant 4000 : i32
          %add3A_488 = arith.addi %add3A_487, %mul3A_486 : i32
          %get3A_489 = arith.index_cast %add3A_488 : i32 to index
          %get3A_490 = tpu.vector_load %arg15[%get3A_489] {strides = array<i32>} : memref<6400xf32, #tpu.memory_space<vmem>>, vector<16xf32>,
          %add3A_491 = arith.addf %add3A_484, %get3A_490 : vector<16xf32>
          %mul3A_492 = arith.constant 16 : i32
          %mul3A_493 = arith.muli %scan3A_416, %mul3A_492 : i32
          %add3A_494 = arith.constant 4400 : i32
          %add3A_495 = arith.addi %add3A_494, %mul3A_493 : i32
          %get3A_496 = arith.index_cast %add3A_495 : i32 to index
          %get3A_497 = tpu.vector_load %arg15[%get3A_496] {strides = array<i32>} : memref<6400xf32, #tpu.memory_space<vmem>>, vector<16xf32>,
          %add3A_498 = arith.addf %add3A_491, %get3A_497 : vector<16xf32>
          %mul3A_499 = arith.constant 16 : i32
          %mul3A_500 = arith.muli %scan3A_416, %mul3A_499 : i32
          %add3A_501 = arith.constant 4800 : i32
          %add3A_502 = arith.addi %add3A_501, %mul3A_500 : i32
          %get3A_503 = arith.index_cast %add3A_502 : i32 to index
          %get3A_504 = tpu.vector_load %arg15[%get3A_503] {strides = array<i32>} : memref<6400xf32, #tpu.memory_space<vmem>>, vector<16xf32>,
          %add3A_505 = arith.addf %add3A_498, %get3A_504 : vector<16xf32>
          %mul3A_506 = arith.constant 16 : i32
          %mul3A_507 = arith.muli %scan3A_416, %mul3A_506 : i32
          %add3A_508 = arith.constant 5200 : i32
          %add3A_509 = arith.addi %add3A_508, %mul3A_507 : i32
          %get3A_510 = arith.index_cast %add3A_509 : i32 to index
          %get3A_511 = tpu.vector_load %arg15[%get3A_510] {strides = array<i32>} : memref<6400xf32, #tpu.memory_space<vmem>>, vector<16xf32>,
          %add3A_512 = arith.addf %add3A_505, %get3A_511 : vector<16xf32>
          %mul3A_513 = arith.constant 16 : i32
          %mul3A_514 = arith.muli %scan3A_416, %mul3A_513 : i32
          %add3A_515 = arith.constant 5600 : i32
          %add3A_516 = arith.addi %add3A_515, %mul3A_514 : i32
          %get3A_517 = arith.index_cast %add3A_516 : i32 to index
          %get3A_518 = tpu.vector_load %arg15[%get3A_517] {strides = array<i32>} : memref<6400xf32, #tpu.memory_space<vmem>>, vector<16xf32>,
          %add3A_519 = arith.addf %add3A_512, %get3A_518 : vector<16xf32>
          %mul3A_520 = arith.constant 16 : i32
          %mul3A_521 = arith.muli %scan3A_416, %mul3A_520 : i32
          %add3A_522 = arith.constant 6000 : i32
          %add3A_523 = arith.addi %add3A_522, %mul3A_521 : i32
          %get3A_524 = arith.index_cast %add3A_523 : i32 to index
          %get3A_525 = tpu.vector_load %arg15[%get3A_524] {strides = array<i32>} : memref<6400xf32, #tpu.memory_space<vmem>>, vector<16xf32>,
          %add3A_526 = arith.addf %add3A_519, %get3A_525 : vector<16xf32>
          %mul3A_527 = arith.constant 16 : i32
          %mul3A_528 = arith.muli %scan3A_416, %mul3A_527 : i32
          %swap3A_529 = arith.index_cast %mul3A_528 : i32 to index
          %swap3A_530 = tpu.vector_load %arg16[%swap3A_529] {strides = array<i32>} : memref<400xf32, #tpu.memory_space<vmem>>, vector<16xf32>,
          tpu.vector_store %arg16[%swap3A_529], %add3A_526 {strides = array<i32>} : memref<400xf32, #tpu.memory_space<vmem>>, vector<16xf32>,
          %scan3A_531 = arith.constant 0 : i32
          scf.yield %scan3A_531 : i32
        }
        %scan3A_411 = arith.constant 25 : i32
        %mul3A_412 = arith.constant 10000 : i32
        %mul3A_413 = arith.muli %arg0, %mul3A_412 : i32
        %add3A_414 = arith.addi %mul3A_413, %mul3A_356 : i32
        %multiple_of3A_415 = tpu.assume_multiple %add3A_414, 8 : i32
        "tpu.region"() ({
          %run_scoped3A = tpu.sem_alloc : memref<!tpu.dma_semaphore, #tpu.memory_space<semaphore_mem>>
          %dma_start3A_416 = tpu.memref_slice %arg7[%multiple_of3A_415] : memref<20000xf32, #tpu.memory_space<hbm>> -> memref<400xf32, #tpu.memory_space<hbm>>
          %dma_start3A_417 = tpu.memref_slice %arg7[%multiple_of3A_415] : memref<20000xf32, #tpu.memory_space<hbm>> -> memref<400xf32, #tpu.memory_space<hbm>>
          tpu.enqueue_dma source(%arg16 : memref<400xf32, #tpu.memory_space<vmem>>) target(%dma_start3A_417 : memref<400xf32, #tpu.memory_space<hbm>>) target_semaphore(%run_scoped3A : memref<!tpu.dma_semaphore, #tpu.memory_space<semaphore_mem>>)
          %dma_wait3A_418 = tpu.memref_slice %arg7[%multiple_of3A_415] : memref<20000xf32, #tpu.memory_space<hbm>> -> memref<400xf32, #tpu.memory_space<hbm>>
          %dma_wait3A_419 = tpu.memref_slice %arg7[%multiple_of3A_415] : memref<20000xf32, #tpu.memory_space<hbm>> -> memref<400xf32, #tpu.memory_space<hbm>>
          tpu.wait_dma2 semaphore(%run_scoped3A : memref<!tpu.dma_semaphore, #tpu.memory_space<semaphore_mem>>) src(%arg16 : memref<400xf32, #tpu.memory_space<vmem>>) dst(%dma_wait3A_419 : memref<400xf32, #tpu.memory_space<hbm>>)
          tpu.yield
        }) : () -> ()
      } else {
      }
      %scan3A_354 = arith.constant 0 : i32
      scf.yield %scan3A_354 : i32
    }
    %scan3A_346 = arith.constant 2 : i32
    return
  }
}

#map = affine_map<(d0, d1) -> (0, 0)>
#map1 = affine_map<(d0, d1) -> (0)>
module attributes {stable_mosaic.version = 14 : i64} {
  func.func @_scatter_body(%arg0: i32, %arg1: i32, %arg2: memref<320000x128xf32, #tpu.memory_space<hbm>>, %arg3: memref<320000x128xf32, #tpu.memory_space<hbm>>, %arg4: memref<320000xi32, #tpu.memory_space<hbm>>, %arg5: memref<256xf32, #tpu.memory_space<hbm>>, %arg6: memref<256xf32, #tpu.memory_space<hbm>>, %arg7: memref<16x128xf32, #tpu.memory_space<hbm>>, %arg8: memref<10000x256xf32, #tpu.memory_space<hbm>>, %arg9: memref<10000x128xf32, #tpu.memory_space<vmem_shared>>, %arg10: memref<80x128xf32, #tpu.memory_space<vmem>>, %arg11: memref<80x128xf32, #tpu.memory_space<vmem>>, %arg12: memref<80xi32, #tpu.memory_space<vmem>>, %arg13: memref<80xi32, #tpu.memory_space<vmem>>, %arg14: memref<128xf32, #tpu.memory_space<vmem>>, %arg15: memref<128xf32, #tpu.memory_space<vmem>>, %arg16: memref<!tpu.dma_semaphore, #tpu.memory_space<semaphore_mem>>, %arg17: memref<!tpu.dma_semaphore, #tpu.memory_space<semaphore_mem>>, %arg18: memref<!tpu.dma_semaphore, #tpu.memory_space<semaphore_mem>>, %arg19: memref<!tpu.dma_semaphore, #tpu.memory_space<semaphore_mem>>, %arg20: memref<!tpu.dma_semaphore, #tpu.memory_space<semaphore_mem>>, %arg21: memref<!tpu.dma_semaphore, #tpu.memory_space<semaphore_mem>>) attributes {dimension_semantics = [#tpu.dimension_semantics<core_parallel>, #tpu.dimension_semantics<subcore_parallel>], iteration_bounds = array<i64: 2, 16>, scalar_prefetch = 0 : i64, scratch_operands = 13 : i64, tpu.core_type = #tpu.core_type<sc_vector_subcore>, window_params = [{transform_indices = #map}, {transform_indices = #map}, {transform_indices = #map1}, {transform_indices = #map1}, {transform_indices = #map1}, {transform_indices = #map}, {transform_indices = #map}]} {
    %mul3A = arith.constant 128 : i32
    %mul3A_0 = arith.muli %arg0, %mul3A : i32
    %multiple_of3A = tpu.assume_multiple %mul3A_0, 128 : i32
    "tpu.region"() ({
      %run_scoped3A = tpu.sem_alloc : memref<!tpu.dma_semaphore, #tpu.memory_space<semaphore_mem>>
      %dma_start3A_37 = tpu.memref_slice %arg5[%multiple_of3A] : memref<256xf32, #tpu.memory_space<hbm>> -> memref<128xf32, #tpu.memory_space<hbm>>
      %dma_start3A_38 = tpu.memref_slice %arg5[%multiple_of3A] : memref<256xf32, #tpu.memory_space<hbm>> -> memref<128xf32, #tpu.memory_space<hbm>>
      tpu.enqueue_dma source(%dma_start3A_38 : memref<128xf32, #tpu.memory_space<hbm>>) target(%arg14 : memref<128xf32, #tpu.memory_space<vmem>>) target_semaphore(%run_scoped3A : memref<!tpu.dma_semaphore, #tpu.memory_space<semaphore_mem>>)
      %dma_wait3A_39 = tpu.memref_slice %arg5[%multiple_of3A] : memref<256xf32, #tpu.memory_space<hbm>> -> memref<128xf32, #tpu.memory_space<hbm>>
      %dma_wait3A_40 = tpu.memref_slice %arg5[%multiple_of3A] : memref<256xf32, #tpu.memory_space<hbm>> -> memref<128xf32, #tpu.memory_space<hbm>>
      tpu.wait_dma2 semaphore(%run_scoped3A : memref<!tpu.dma_semaphore, #tpu.memory_space<semaphore_mem>>) src(%dma_wait3A_40 : memref<128xf32, #tpu.memory_space<hbm>>) dst(%arg14 : memref<128xf32, #tpu.memory_space<vmem>>)
      tpu.yield
    }) : () -> ()
    "tpu.region"() ({
      %run_scoped3A = tpu.sem_alloc : memref<!tpu.dma_semaphore, #tpu.memory_space<semaphore_mem>>
      %dma_start3A_37 = tpu.memref_slice %arg6[%multiple_of3A] : memref<256xf32, #tpu.memory_space<hbm>> -> memref<128xf32, #tpu.memory_space<hbm>>
      %dma_start3A_38 = tpu.memref_slice %arg6[%multiple_of3A] : memref<256xf32, #tpu.memory_space<hbm>> -> memref<128xf32, #tpu.memory_space<hbm>>
      tpu.enqueue_dma source(%dma_start3A_38 : memref<128xf32, #tpu.memory_space<hbm>>) target(%arg15 : memref<128xf32, #tpu.memory_space<vmem>>) target_semaphore(%run_scoped3A : memref<!tpu.dma_semaphore, #tpu.memory_space<semaphore_mem>>)
      %dma_wait3A_39 = tpu.memref_slice %arg6[%multiple_of3A] : memref<256xf32, #tpu.memory_space<hbm>> -> memref<128xf32, #tpu.memory_space<hbm>>
      %dma_wait3A_40 = tpu.memref_slice %arg6[%multiple_of3A] : memref<256xf32, #tpu.memory_space<hbm>> -> memref<128xf32, #tpu.memory_space<hbm>>
      tpu.wait_dma2 semaphore(%run_scoped3A : memref<!tpu.dma_semaphore, #tpu.memory_space<semaphore_mem>>) src(%dma_wait3A_40 : memref<128xf32, #tpu.memory_space<hbm>>) dst(%arg15 : memref<128xf32, #tpu.memory_space<vmem>>)
      tpu.yield
    }) : () -> ()
    %scan3A = arith.constant 0 : i32
    %scan3A_1 = arith.constant 0 : i32
    %scan3A_2 = arith.constant 40 : i32
    %scan3A_3 = arith.addi %scan3A_1, %scan3A_2 : i32
    %scan3A_4 = arith.constant 1 : i32
    %scan3A_5 = scf.for %scan3A_37 = %scan3A_1 to %scan3A_3 step %scan3A_4 iter_args(%scan3A_38 = %scan3A) -> (i32)  : i32 {
      %mul3A_39 = arith.constant 16 : i32
      %mul3A_40 = arith.muli %scan3A_37, %mul3A_39 : i32
      %add3A = arith.addi %arg1, %mul3A_40 : i32
      %lt3A = arith.constant 625 : i32
      %lt3A_41 = arith.cmpi slt, %add3A, %lt3A : i32
      %convert_element_type3A_42 = arith.extui %lt3A_41 : i1 to i32
      %cond3A_43 = arith.constant 0 : i32
      %cond3A_44 = arith.cmpi ne, %convert_element_type3A_42, %cond3A_43 : i32
      scf.if %cond3A_44 {
        %mul3A_46 = arith.constant 16 : i32
        %mul3A_47 = arith.muli %add3A, %mul3A_46 : i32
        "tpu.region"() ({
          %run_scoped3A = tpu.sem_alloc : memref<!tpu.dma_semaphore, #tpu.memory_space<semaphore_mem>>
          %dma_start3A_48 = arith.constant 0 : i32
          %dma_start3A_49 = tpu.memref_slice %arg9[%mul3A_47, %dma_start3A_48] : memref<10000x128xf32, #tpu.memory_space<vmem_shared>> -> memref<16x128xf32, #tpu.memory_space<vmem_shared>>
          tpu.enqueue_dma source(%arg7 : memref<16x128xf32, #tpu.memory_space<hbm>>) target(%dma_start3A_49 : memref<16x128xf32, #tpu.memory_space<vmem_shared>>) target_semaphore(%run_scoped3A : memref<!tpu.dma_semaphore, #tpu.memory_space<semaphore_mem>>)
          %dma_wait3A_50 = arith.constant 0 : i32
          %dma_wait3A_51 = tpu.memref_slice %arg9[%mul3A_47, %dma_wait3A_50] : memref<10000x128xf32, #tpu.memory_space<vmem_shared>> -> memref<16x128xf32, #tpu.memory_space<vmem_shared>>
          tpu.wait_dma2 semaphore(%run_scoped3A : memref<!tpu.dma_semaphore, #tpu.memory_space<semaphore_mem>>) src(%arg7 : memref<16x128xf32, #tpu.memory_space<hbm>>) dst(%dma_wait3A_51 : memref<16x128xf32, #tpu.memory_space<vmem_shared>>)
          tpu.yield
        }) : () -> ()
      } else {
      }
      %scan3A_45 = arith.constant 0 : i32
      scf.yield %scan3A_45 : i32
    }
    %scan3A_6 = arith.constant 40 : i32
    %barrier3A = arith.constant 0 : index
    tpu.barrier barrier_id(%barrier3A)
    %mul3A_7 = arith.constant 20000 : i32
    %mul3A_8 = arith.muli %arg1, %mul3A_7 : i32
    %eq3A = arith.constant 0 : i32
    %eq3A_9 = arith.cmpi eq, %arg0, %eq3A : i32
    %convert_element_type3A = arith.extui %eq3A_9 : i1 to i32
    %cond3A = arith.constant 0 : i32
    %cond3A_10 = arith.cmpi ne, %convert_element_type3A, %cond3A : i32
    scf.if %cond3A_10 {
      %dma_start3A_37 = arith.constant 0 : i32
      %dma_start3A_38 = tpu.memref_slice %arg2[%mul3A_8, %dma_start3A_37] : memref<320000x128xf32, #tpu.memory_space<hbm>> -> memref<80x128xf32, #tpu.memory_space<hbm>>
      %dma_start3A_39 = arith.constant 0 : i32
      %dma_start3A_40 = tpu.memref_slice %arg2[%mul3A_8, %dma_start3A_39] : memref<320000x128xf32, #tpu.memory_space<hbm>> -> memref<80x128xf32, #tpu.memory_space<hbm>>
      tpu.enqueue_dma source(%dma_start3A_40 : memref<80x128xf32, #tpu.memory_space<hbm>>) target(%arg10 : memref<80x128xf32, #tpu.memory_space<vmem>>) target_semaphore(%arg16 : memref<!tpu.dma_semaphore, #tpu.memory_space<semaphore_mem>>)
    } else {
    }
    %eq3A_11 = arith.constant 1 : i32
    %eq3A_12 = arith.cmpi eq, %arg0, %eq3A_11 : i32
    %convert_element_type3A_13 = arith.extui %eq3A_12 : i1 to i32
    %cond3A_14 = arith.constant 0 : i32
    %cond3A_15 = arith.cmpi ne, %convert_element_type3A_13, %cond3A_14 : i32
    scf.if %cond3A_15 {
      %dma_start3A_37 = arith.constant 0 : i32
      %dma_start3A_38 = tpu.memref_slice %arg3[%mul3A_8, %dma_start3A_37] : memref<320000x128xf32, #tpu.memory_space<hbm>> -> memref<80x128xf32, #tpu.memory_space<hbm>>
      %dma_start3A_39 = arith.constant 0 : i32
      %dma_start3A_40 = tpu.memref_slice %arg3[%mul3A_8, %dma_start3A_39] : memref<320000x128xf32, #tpu.memory_space<hbm>> -> memref<80x128xf32, #tpu.memory_space<hbm>>
      tpu.enqueue_dma source(%dma_start3A_40 : memref<80x128xf32, #tpu.memory_space<hbm>>) target(%arg10 : memref<80x128xf32, #tpu.memory_space<vmem>>) target_semaphore(%arg16 : memref<!tpu.dma_semaphore, #tpu.memory_space<semaphore_mem>>)
    } else {
    }
    %dma_start3A = tpu.memref_slice %arg4[%mul3A_8] : memref<320000xi32, #tpu.memory_space<hbm>> -> memref<80xi32, #tpu.memory_space<hbm>>
    %dma_start3A_16 = tpu.memref_slice %arg4[%mul3A_8] : memref<320000xi32, #tpu.memory_space<hbm>> -> memref<80xi32, #tpu.memory_space<hbm>>
    tpu.enqueue_dma source(%dma_start3A_16 : memref<80xi32, #tpu.memory_space<hbm>>) target(%arg12 : memref<80xi32, #tpu.memory_space<vmem>>) target_semaphore(%arg18 : memref<!tpu.dma_semaphore, #tpu.memory_space<semaphore_mem>>)
    %scan3A_17 = arith.constant 0 : i32
    %scan3A_18 = arith.constant 0 : i32
    %scan3A_19 = arith.constant 125 : i32
    %scan3A_20 = arith.addi %scan3A_18, %scan3A_19 : i32
    %scan3A_21 = arith.constant 1 : i32
    %scan3A_22 = scf.for %scan3A_37 = %scan3A_18 to %scan3A_20 step %scan3A_21 iter_args(%scan3A_38 = %scan3A_17) -> (i32)  : i32 {
      %mul3A_39 = arith.constant 2 : i32
      %mul3A_40 = arith.muli %mul3A_39, %scan3A_37 : i32
      %add3A = arith.constant 0 : i32
      %add3A_41 = arith.addi %mul3A_40, %add3A : i32
      %dma_wait3A_42 = arith.constant 0 : i32
      %dma_wait3A_43 = arith.constant 0 : i32
      %dma_wait3A_44 = tpu.memref_slice %arg2[%dma_wait3A_42, %dma_wait3A_43] : memref<320000x128xf32, #tpu.memory_space<hbm>> -> memref<80x128xf32, #tpu.memory_space<hbm>>
      %dma_wait3A_45 = arith.constant 0 : i32
      %dma_wait3A_46 = arith.constant 0 : i32
      %dma_wait3A_47 = tpu.memref_slice %arg2[%dma_wait3A_45, %dma_wait3A_46] : memref<320000x128xf32, #tpu.memory_space<hbm>> -> memref<80x128xf32, #tpu.memory_space<hbm>>
      tpu.wait_dma2 semaphore(%arg16 : memref<!tpu.dma_semaphore, #tpu.memory_space<semaphore_mem>>) src(%dma_wait3A_47 : memref<80x128xf32, #tpu.memory_space<hbm>>) dst(%arg10 : memref<80x128xf32, #tpu.memory_space<vmem>>)
      %dma_wait3A_48 = arith.constant 0 : i32
      %dma_wait3A_49 = tpu.memref_slice %arg4[%dma_wait3A_48] : memref<320000xi32, #tpu.memory_space<hbm>> -> memref<80xi32, #tpu.memory_space<hbm>>
      %dma_wait3A_50 = arith.constant 0 : i32
      %dma_wait3A_51 = tpu.memref_slice %arg4[%dma_wait3A_50] : memref<320000xi32, #tpu.memory_space<hbm>> -> memref<80xi32, #tpu.memory_space<hbm>>
      tpu.wait_dma2 semaphore(%arg18 : memref<!tpu.dma_semaphore, #tpu.memory_space<semaphore_mem>>) src(%dma_wait3A_51 : memref<80xi32, #tpu.memory_space<hbm>>) dst(%arg12 : memref<80xi32, #tpu.memory_space<vmem>>)
      %scan3A_52 = arith.constant 0 : i32
      %scan3A_53 = arith.constant 0 : i32
      %scan3A_54 = arith.constant 80 : i32
      %scan3A_55 = arith.addi %scan3A_53, %scan3A_54 : i32
      %scan3A_56 = arith.constant 2 : i32
      %scan3A_57 = scf.for %scan3A_109 = %scan3A_53 to %scan3A_55 step %scan3A_56 iter_args(%scan3A_110 = %scan3A_52) -> (i32)  : i32 {
        %get3A = arith.index_cast %scan3A_109 : i32 to index
        %get3A_111 = arith.constant 0 : index
        %get3A_112 = tpu.vector_load %arg10[%get3A, %get3A_111] {strides = array<i32>} : memref<80x128xf32, #tpu.memory_space<vmem>>, vector<1x16xf32>,
        %get3A_113 = vector.shape_cast %get3A_112 : vector<1x16xf32> to vector<16xf32>
        %get3A_114 = arith.constant 0 : index
        %get3A_115 = tpu.vector_load %arg14[%get3A_114] {strides = array<i32>} : memref<128xf32, #tpu.memory_space<vmem>>, vector<16xf32>,
        %get3A_116 = vector.shape_cast %get3A_115 : vector<16xf32> to vector<16xf32>
        %mul3A_117 = arith.mulf %get3A_113, %get3A_116 : vector<16xf32>
        %get3A_118 = arith.constant 0 : index
        %get3A_119 = tpu.vector_load %arg15[%get3A_118] {strides = array<i32>} : memref<128xf32, #tpu.memory_space<vmem>>, vector<16xf32>,
        %get3A_120 = vector.shape_cast %get3A_119 : vector<16xf32> to vector<16xf32>
        %add3A_121 = arith.addf %mul3A_117, %get3A_120 : vector<16xf32>
        %max3A = arith.constant 0.000000e+00 : f32
        %max3A_122 = vector.broadcast %max3A : f32 to vector<16xf32>
        %max3A_123 = arith.maximumf %add3A_121, %max3A_122 : vector<16xf32>
        %swap3A = arith.index_cast %scan3A_109 : i32 to index
        %swap3A_124 = arith.constant 0 : index
        %swap3A_125 = tpu.vector_load %arg10[%swap3A, %swap3A_124] {strides = array<i32>} : memref<80x128xf32, #tpu.memory_space<vmem>>, vector<1x16xf32>,
        %swap3A_126 = vector.shape_cast %swap3A_125 : vector<1x16xf32> to vector<16xf32>
        %swap3A_127 = vector.shape_cast %max3A_123 : vector<16xf32> to vector<1x16xf32>
        tpu.vector_store %arg10[%swap3A, %swap3A_124], %swap3A_127 {strides = array<i32>} : memref<80x128xf32, #tpu.memory_space<vmem>>, vector<1x16xf32>,
        %get3A_128 = arith.index_cast %scan3A_109 : i32 to index
        %get3A_129 = arith.constant 16 : index
        %get3A_130 = tpu.vector_load %arg10[%get3A_128, %get3A_129] {strides = array<i32>} : memref<80x128xf32, #tpu.memory_space<vmem>>, vector<1x16xf32>,
        %get3A_131 = vector.shape_cast %get3A_130 : vector<1x16xf32> to vector<16xf32>
        %get3A_132 = arith.constant 16 : index
        %get3A_133 = tpu.vector_load %arg14[%get3A_132] {strides = array<i32>} : memref<128xf32, #tpu.memory_space<vmem>>, vector<16xf32>,
        %get3A_134 = vector.shape_cast %get3A_133 : vector<16xf32> to vector<16xf32>
        %mul3A_135 = arith.mulf %get3A_131, %get3A_134 : vector<16xf32>
        %get3A_136 = arith.constant 16 : index
        %get3A_137 = tpu.vector_load %arg15[%get3A_136] {strides = array<i32>} : memref<128xf32, #tpu.memory_space<vmem>>, vector<16xf32>,
        %get3A_138 = vector.shape_cast %get3A_137 : vector<16xf32> to vector<16xf32>
        %add3A_139 = arith.addf %mul3A_135, %get3A_138 : vector<16xf32>
        %max3A_140 = arith.constant 0.000000e+00 : f32
        %max3A_141 = vector.broadcast %max3A_140 : f32 to vector<16xf32>
        %max3A_142 = arith.maximumf %add3A_139, %max3A_141 : vector<16xf32>
        %swap3A_143 = arith.index_cast %scan3A_109 : i32 to index
        %swap3A_144 = arith.constant 16 : index
        %swap3A_145 = tpu.vector_load %arg10[%swap3A_143, %swap3A_144] {strides = array<i32>} : memref<80x128xf32, #tpu.memory_space<vmem>>, vector<1x16xf32>,
        %swap3A_146 = vector.shape_cast %swap3A_145 : vector<1x16xf32> to vector<16xf32>
        %swap3A_147 = vector.shape_cast %max3A_142 : vector<16xf32> to vector<1x16xf32>
        tpu.vector_store %arg10[%swap3A_143, %swap3A_144], %swap3A_147 {strides = array<i32>} : memref<80x128xf32, #tpu.memory_space<vmem>>, vector<1x16xf32>,
        %get3A_148 = arith.index_cast %scan3A_109 : i32 to index
        %get3A_149 = arith.constant 32 : index
        %get3A_150 = tpu.vector_load %arg10[%get3A_148, %get3A_149] {strides = array<i32>} : memref<80x128xf32, #tpu.memory_space<vmem>>, vector<1x16xf32>,
        %get3A_151 = vector.shape_cast %get3A_150 : vector<1x16xf32> to vector<16xf32>
        %get3A_152 = arith.constant 32 : index
        %get3A_153 = tpu.vector_load %arg14[%get3A_152] {strides = array<i32>} : memref<128xf32, #tpu.memory_space<vmem>>, vector<16xf32>,
        %get3A_154 = vector.shape_cast %get3A_153 : vector<16xf32> to vector<16xf32>
        %mul3A_155 = arith.mulf %get3A_151, %get3A_154 : vector<16xf32>
        %get3A_156 = arith.constant 32 : index
        %get3A_157 = tpu.vector_load %arg15[%get3A_156] {strides = array<i32>} : memref<128xf32, #tpu.memory_space<vmem>>, vector<16xf32>,
        %get3A_158 = vector.shape_cast %get3A_157 : vector<16xf32> to vector<16xf32>
        %add3A_159 = arith.addf %mul3A_155, %get3A_158 : vector<16xf32>
        %max3A_160 = arith.constant 0.000000e+00 : f32
        %max3A_161 = vector.broadcast %max3A_160 : f32 to vector<16xf32>
        %max3A_162 = arith.maximumf %add3A_159, %max3A_161 : vector<16xf32>
        %swap3A_163 = arith.index_cast %scan3A_109 : i32 to index
        %swap3A_164 = arith.constant 32 : index
        %swap3A_165 = tpu.vector_load %arg10[%swap3A_163, %swap3A_164] {strides = array<i32>} : memref<80x128xf32, #tpu.memory_space<vmem>>, vector<1x16xf32>,
        %swap3A_166 = vector.shape_cast %swap3A_165 : vector<1x16xf32> to vector<16xf32>
        %swap3A_167 = vector.shape_cast %max3A_162 : vector<16xf32> to vector<1x16xf32>
        tpu.vector_store %arg10[%swap3A_163, %swap3A_164], %swap3A_167 {strides = array<i32>} : memref<80x128xf32, #tpu.memory_space<vmem>>, vector<1x16xf32>,
        %get3A_168 = arith.index_cast %scan3A_109 : i32 to index
        %get3A_169 = arith.constant 48 : index
        %get3A_170 = tpu.vector_load %arg10[%get3A_168, %get3A_169] {strides = array<i32>} : memref<80x128xf32, #tpu.memory_space<vmem>>, vector<1x16xf32>,
        %get3A_171 = vector.shape_cast %get3A_170 : vector<1x16xf32> to vector<16xf32>
        %get3A_172 = arith.constant 48 : index
        %get3A_173 = tpu.vector_load %arg14[%get3A_172] {strides = array<i32>} : memref<128xf32, #tpu.memory_space<vmem>>, vector<16xf32>,
        %get3A_174 = vector.shape_cast %get3A_173 : vector<16xf32> to vector<16xf32>
        %mul3A_175 = arith.mulf %get3A_171, %get3A_174 : vector<16xf32>
        %get3A_176 = arith.constant 48 : index
        %get3A_177 = tpu.vector_load %arg15[%get3A_176] {strides = array<i32>} : memref<128xf32, #tpu.memory_space<vmem>>, vector<16xf32>,
        %get3A_178 = vector.shape_cast %get3A_177 : vector<16xf32> to vector<16xf32>
        %add3A_179 = arith.addf %mul3A_175, %get3A_178 : vector<16xf32>
        %max3A_180 = arith.constant 0.000000e+00 : f32
        %max3A_181 = vector.broadcast %max3A_180 : f32 to vector<16xf32>
        %max3A_182 = arith.maximumf %add3A_179, %max3A_181 : vector<16xf32>
        %swap3A_183 = arith.index_cast %scan3A_109 : i32 to index
        %swap3A_184 = arith.constant 48 : index
        %swap3A_185 = tpu.vector_load %arg10[%swap3A_183, %swap3A_184] {strides = array<i32>} : memref<80x128xf32, #tpu.memory_space<vmem>>, vector<1x16xf32>,
        %swap3A_186 = vector.shape_cast %swap3A_185 : vector<1x16xf32> to vector<16xf32>
        %swap3A_187 = vector.shape_cast %max3A_182 : vector<16xf32> to vector<1x16xf32>
        tpu.vector_store %arg10[%swap3A_183, %swap3A_184], %swap3A_187 {strides = array<i32>} : memref<80x128xf32, #tpu.memory_space<vmem>>, vector<1x16xf32>,
        %get3A_188 = arith.index_cast %scan3A_109 : i32 to index
        %get3A_189 = arith.constant 64 : index
        %get3A_190 = tpu.vector_load %arg10[%get3A_188, %get3A_189] {strides = array<i32>} : memref<80x128xf32, #tpu.memory_space<vmem>>, vector<1x16xf32>,
        %get3A_191 = vector.shape_cast %get3A_190 : vector<1x16xf32> to vector<16xf32>
        %get3A_192 = arith.constant 64 : index
        %get3A_193 = tpu.vector_load %arg14[%get3A_192] {strides = array<i32>} : memref<128xf32, #tpu.memory_space<vmem>>, vector<16xf32>,
        %get3A_194 = vector.shape_cast %get3A_193 : vector<16xf32> to vector<16xf32>
        %mul3A_195 = arith.mulf %get3A_191, %get3A_194 : vector<16xf32>
        %get3A_196 = arith.constant 64 : index
        %get3A_197 = tpu.vector_load %arg15[%get3A_196] {strides = array<i32>} : memref<128xf32, #tpu.memory_space<vmem>>, vector<16xf32>,
        %get3A_198 = vector.shape_cast %get3A_197 : vector<16xf32> to vector<16xf32>
        %add3A_199 = arith.addf %mul3A_195, %get3A_198 : vector<16xf32>
        %max3A_200 = arith.constant 0.000000e+00 : f32
        %max3A_201 = vector.broadcast %max3A_200 : f32 to vector<16xf32>
        %max3A_202 = arith.maximumf %add3A_199, %max3A_201 : vector<16xf32>
        %swap3A_203 = arith.index_cast %scan3A_109 : i32 to index
        %swap3A_204 = arith.constant 64 : index
        %swap3A_205 = tpu.vector_load %arg10[%swap3A_203, %swap3A_204] {strides = array<i32>} : memref<80x128xf32, #tpu.memory_space<vmem>>, vector<1x16xf32>,
        %swap3A_206 = vector.shape_cast %swap3A_205 : vector<1x16xf32> to vector<16xf32>
        %swap3A_207 = vector.shape_cast %max3A_202 : vector<16xf32> to vector<1x16xf32>
        tpu.vector_store %arg10[%swap3A_203, %swap3A_204], %swap3A_207 {strides = array<i32>} : memref<80x128xf32, #tpu.memory_space<vmem>>, vector<1x16xf32>,
        %get3A_208 = arith.index_cast %scan3A_109 : i32 to index
        %get3A_209 = arith.constant 80 : index
        %get3A_210 = tpu.vector_load %arg10[%get3A_208, %get3A_209] {strides = array<i32>} : memref<80x128xf32, #tpu.memory_space<vmem>>, vector<1x16xf32>,
        %get3A_211 = vector.shape_cast %get3A_210 : vector<1x16xf32> to vector<16xf32>
        %get3A_212 = arith.constant 80 : index
        %get3A_213 = tpu.vector_load %arg14[%get3A_212] {strides = array<i32>} : memref<128xf32, #tpu.memory_space<vmem>>, vector<16xf32>,
        %get3A_214 = vector.shape_cast %get3A_213 : vector<16xf32> to vector<16xf32>
        %mul3A_215 = arith.mulf %get3A_211, %get3A_214 : vector<16xf32>
        %get3A_216 = arith.constant 80 : index
        %get3A_217 = tpu.vector_load %arg15[%get3A_216] {strides = array<i32>} : memref<128xf32, #tpu.memory_space<vmem>>, vector<16xf32>,
        %get3A_218 = vector.shape_cast %get3A_217 : vector<16xf32> to vector<16xf32>
        %add3A_219 = arith.addf %mul3A_215, %get3A_218 : vector<16xf32>
        %max3A_220 = arith.constant 0.000000e+00 : f32
        %max3A_221 = vector.broadcast %max3A_220 : f32 to vector<16xf32>
        %max3A_222 = arith.maximumf %add3A_219, %max3A_221 : vector<16xf32>
        %swap3A_223 = arith.index_cast %scan3A_109 : i32 to index
        %swap3A_224 = arith.constant 80 : index
        %swap3A_225 = tpu.vector_load %arg10[%swap3A_223, %swap3A_224] {strides = array<i32>} : memref<80x128xf32, #tpu.memory_space<vmem>>, vector<1x16xf32>,
        %swap3A_226 = vector.shape_cast %swap3A_225 : vector<1x16xf32> to vector<16xf32>
        %swap3A_227 = vector.shape_cast %max3A_222 : vector<16xf32> to vector<1x16xf32>
        tpu.vector_store %arg10[%swap3A_223, %swap3A_224], %swap3A_227 {strides = array<i32>} : memref<80x128xf32, #tpu.memory_space<vmem>>, vector<1x16xf32>,
        %get3A_228 = arith.index_cast %scan3A_109 : i32 to index
        %get3A_229 = arith.constant 96 : index
        %get3A_230 = tpu.vector_load %arg10[%get3A_228, %get3A_229] {strides = array<i32>} : memref<80x128xf32, #tpu.memory_space<vmem>>, vector<1x16xf32>,
        %get3A_231 = vector.shape_cast %get3A_230 : vector<1x16xf32> to vector<16xf32>
        %get3A_232 = arith.constant 96 : index
        %get3A_233 = tpu.vector_load %arg14[%get3A_232] {strides = array<i32>} : memref<128xf32, #tpu.memory_space<vmem>>, vector<16xf32>,
        %get3A_234 = vector.shape_cast %get3A_233 : vector<16xf32> to vector<16xf32>
        %mul3A_235 = arith.mulf %get3A_231, %get3A_234 : vector<16xf32>
        %get3A_236 = arith.constant 96 : index
        %get3A_237 = tpu.vector_load %arg15[%get3A_236] {strides = array<i32>} : memref<128xf32, #tpu.memory_space<vmem>>, vector<16xf32>,
        %get3A_238 = vector.shape_cast %get3A_237 : vector<16xf32> to vector<16xf32>
        %add3A_239 = arith.addf %mul3A_235, %get3A_238 : vector<16xf32>
        %max3A_240 = arith.constant 0.000000e+00 : f32
        %max3A_241 = vector.broadcast %max3A_240 : f32 to vector<16xf32>
        %max3A_242 = arith.maximumf %add3A_239, %max3A_241 : vector<16xf32>
        %swap3A_243 = arith.index_cast %scan3A_109 : i32 to index
        %swap3A_244 = arith.constant 96 : index
        %swap3A_245 = tpu.vector_load %arg10[%swap3A_243, %swap3A_244] {strides = array<i32>} : memref<80x128xf32, #tpu.memory_space<vmem>>, vector<1x16xf32>,
        %swap3A_246 = vector.shape_cast %swap3A_245 : vector<1x16xf32> to vector<16xf32>
        %swap3A_247 = vector.shape_cast %max3A_242 : vector<16xf32> to vector<1x16xf32>
        tpu.vector_store %arg10[%swap3A_243, %swap3A_244], %swap3A_247 {strides = array<i32>} : memref<80x128xf32, #tpu.memory_space<vmem>>, vector<1x16xf32>,
        %get3A_248 = arith.index_cast %scan3A_109 : i32 to index
        %get3A_249 = arith.constant 112 : index
        %get3A_250 = tpu.vector_load %arg10[%get3A_248, %get3A_249] {strides = array<i32>} : memref<80x128xf32, #tpu.memory_space<vmem>>, vector<1x16xf32>,
        %get3A_251 = vector.shape_cast %get3A_250 : vector<1x16xf32> to vector<16xf32>
        %get3A_252 = arith.constant 112 : index
        %get3A_253 = tpu.vector_load %arg14[%get3A_252] {strides = array<i32>} : memref<128xf32, #tpu.memory_space<vmem>>, vector<16xf32>,
        %get3A_254 = vector.shape_cast %get3A_253 : vector<16xf32> to vector<16xf32>
        %mul3A_255 = arith.mulf %get3A_251, %get3A_254 : vector<16xf32>
        %get3A_256 = arith.constant 112 : index
        %get3A_257 = tpu.vector_load %arg15[%get3A_256] {strides = array<i32>} : memref<128xf32, #tpu.memory_space<vmem>>, vector<16xf32>,
        %get3A_258 = vector.shape_cast %get3A_257 : vector<16xf32> to vector<16xf32>
        %add3A_259 = arith.addf %mul3A_255, %get3A_258 : vector<16xf32>
        %max3A_260 = arith.constant 0.000000e+00 : f32
        %max3A_261 = vector.broadcast %max3A_260 : f32 to vector<16xf32>
        %max3A_262 = arith.maximumf %add3A_259, %max3A_261 : vector<16xf32>
        %swap3A_263 = arith.index_cast %scan3A_109 : i32 to index
        %swap3A_264 = arith.constant 112 : index
        %swap3A_265 = tpu.vector_load %arg10[%swap3A_263, %swap3A_264] {strides = array<i32>} : memref<80x128xf32, #tpu.memory_space<vmem>>, vector<1x16xf32>,
        %swap3A_266 = vector.shape_cast %swap3A_265 : vector<1x16xf32> to vector<16xf32>
        %swap3A_267 = vector.shape_cast %max3A_262 : vector<16xf32> to vector<1x16xf32>
        tpu.vector_store %arg10[%swap3A_263, %swap3A_264], %swap3A_267 {strides = array<i32>} : memref<80x128xf32, #tpu.memory_space<vmem>>, vector<1x16xf32>,
        %scan3A_268 = arith.constant 0 : i32
        %scan3A_269 = arith.constant 1 : i32
        %scan3A_270 = arith.addi %scan3A_109, %scan3A_269 : i32
        %get3A_271 = arith.index_cast %scan3A_270 : i32 to index
        %get3A_272 = arith.constant 0 : index
        %get3A_273 = tpu.vector_load %arg10[%get3A_271, %get3A_272] {strides = array<i32>} : memref<80x128xf32, #tpu.memory_space<vmem>>, vector<1x16xf32>,
        %get3A_274 = vector.shape_cast %get3A_273 : vector<1x16xf32> to vector<16xf32>
        %get3A_275 = arith.constant 0 : index
        %get3A_276 = tpu.vector_load %arg14[%get3A_275] {strides = array<i32>} : memref<128xf32, #tpu.memory_space<vmem>>, vector<16xf32>,
        %get3A_277 = vector.shape_cast %get3A_276 : vector<16xf32> to vector<16xf32>
        %mul3A_278 = arith.mulf %get3A_274, %get3A_277 : vector<16xf32>
        %get3A_279 = arith.constant 0 : index
        %get3A_280 = tpu.vector_load %arg15[%get3A_279] {strides = array<i32>} : memref<128xf32, #tpu.memory_space<vmem>>, vector<16xf32>,
        %get3A_281 = vector.shape_cast %get3A_280 : vector<16xf32> to vector<16xf32>
        %add3A_282 = arith.addf %mul3A_278, %get3A_281 : vector<16xf32>
        %max3A_283 = arith.constant 0.000000e+00 : f32
        %max3A_284 = vector.broadcast %max3A_283 : f32 to vector<16xf32>
        %max3A_285 = arith.maximumf %add3A_282, %max3A_284 : vector<16xf32>
        %swap3A_286 = arith.index_cast %scan3A_270 : i32 to index
        %swap3A_287 = arith.constant 0 : index
        %swap3A_288 = tpu.vector_load %arg10[%swap3A_286, %swap3A_287] {strides = array<i32>} : memref<80x128xf32, #tpu.memory_space<vmem>>, vector<1x16xf32>,
        %swap3A_289 = vector.shape_cast %swap3A_288 : vector<1x16xf32> to vector<16xf32>
        %swap3A_290 = vector.shape_cast %max3A_285 : vector<16xf32> to vector<1x16xf32>
        tpu.vector_store %arg10[%swap3A_286, %swap3A_287], %swap3A_290 {strides = array<i32>} : memref<80x128xf32, #tpu.memory_space<vmem>>, vector<1x16xf32>,
        %get3A_291 = arith.index_cast %scan3A_270 : i32 to index
        %get3A_292 = arith.constant 16 : index
        %get3A_293 = tpu.vector_load %arg10[%get3A_291, %get3A_292] {strides = array<i32>} : memref<80x128xf32, #tpu.memory_space<vmem>>, vector<1x16xf32>,
        %get3A_294 = vector.shape_cast %get3A_293 : vector<1x16xf32> to vector<16xf32>
        %get3A_295 = arith.constant 16 : index
        %get3A_296 = tpu.vector_load %arg14[%get3A_295] {strides = array<i32>} : memref<128xf32, #tpu.memory_space<vmem>>, vector<16xf32>,
        %get3A_297 = vector.shape_cast %get3A_296 : vector<16xf32> to vector<16xf32>
        %mul3A_298 = arith.mulf %get3A_294, %get3A_297 : vector<16xf32>
        %get3A_299 = arith.constant 16 : index
        %get3A_300 = tpu.vector_load %arg15[%get3A_299] {strides = array<i32>} : memref<128xf32, #tpu.memory_space<vmem>>, vector<16xf32>,
        %get3A_301 = vector.shape_cast %get3A_300 : vector<16xf32> to vector<16xf32>
        %add3A_302 = arith.addf %mul3A_298, %get3A_301 : vector<16xf32>
        %max3A_303 = arith.constant 0.000000e+00 : f32
        %max3A_304 = vector.broadcast %max3A_303 : f32 to vector<16xf32>
        %max3A_305 = arith.maximumf %add3A_302, %max3A_304 : vector<16xf32>
        %swap3A_306 = arith.index_cast %scan3A_270 : i32 to index
        %swap3A_307 = arith.constant 16 : index
        %swap3A_308 = tpu.vector_load %arg10[%swap3A_306, %swap3A_307] {strides = array<i32>} : memref<80x128xf32, #tpu.memory_space<vmem>>, vector<1x16xf32>,
        %swap3A_309 = vector.shape_cast %swap3A_308 : vector<1x16xf32> to vector<16xf32>
        %swap3A_310 = vector.shape_cast %max3A_305 : vector<16xf32> to vector<1x16xf32>
        tpu.vector_store %arg10[%swap3A_306, %swap3A_307], %swap3A_310 {strides = array<i32>} : memref<80x128xf32, #tpu.memory_space<vmem>>, vector<1x16xf32>,
        %get3A_311 = arith.index_cast %scan3A_270 : i32 to index
        %get3A_312 = arith.constant 32 : index
        %get3A_313 = tpu.vector_load %arg10[%get3A_311, %get3A_312] {strides = array<i32>} : memref<80x128xf32, #tpu.memory_space<vmem>>, vector<1x16xf32>,
        %get3A_314 = vector.shape_cast %get3A_313 : vector<1x16xf32> to vector<16xf32>
        %get3A_315 = arith.constant 32 : index
        %get3A_316 = tpu.vector_load %arg14[%get3A_315] {strides = array<i32>} : memref<128xf32, #tpu.memory_space<vmem>>, vector<16xf32>,
        %get3A_317 = vector.shape_cast %get3A_316 : vector<16xf32> to vector<16xf32>
        %mul3A_318 = arith.mulf %get3A_314, %get3A_317 : vector<16xf32>
        %get3A_319 = arith.constant 32 : index
        %get3A_320 = tpu.vector_load %arg15[%get3A_319] {strides = array<i32>} : memref<128xf32, #tpu.memory_space<vmem>>, vector<16xf32>,
        %get3A_321 = vector.shape_cast %get3A_320 : vector<16xf32> to vector<16xf32>
        %add3A_322 = arith.addf %mul3A_318, %get3A_321 : vector<16xf32>
        %max3A_323 = arith.constant 0.000000e+00 : f32
        %max3A_324 = vector.broadcast %max3A_323 : f32 to vector<16xf32>
        %max3A_325 = arith.maximumf %add3A_322, %max3A_324 : vector<16xf32>
        %swap3A_326 = arith.index_cast %scan3A_270 : i32 to index
        %swap3A_327 = arith.constant 32 : index
        %swap3A_328 = tpu.vector_load %arg10[%swap3A_326, %swap3A_327] {strides = array<i32>} : memref<80x128xf32, #tpu.memory_space<vmem>>, vector<1x16xf32>,
        %swap3A_329 = vector.shape_cast %swap3A_328 : vector<1x16xf32> to vector<16xf32>
        %swap3A_330 = vector.shape_cast %max3A_325 : vector<16xf32> to vector<1x16xf32>
        tpu.vector_store %arg10[%swap3A_326, %swap3A_327], %swap3A_330 {strides = array<i32>} : memref<80x128xf32, #tpu.memory_space<vmem>>, vector<1x16xf32>,
        %get3A_331 = arith.index_cast %scan3A_270 : i32 to index
        %get3A_332 = arith.constant 48 : index
        %get3A_333 = tpu.vector_load %arg10[%get3A_331, %get3A_332] {strides = array<i32>} : memref<80x128xf32, #tpu.memory_space<vmem>>, vector<1x16xf32>,
        %get3A_334 = vector.shape_cast %get3A_333 : vector<1x16xf32> to vector<16xf32>
        %get3A_335 = arith.constant 48 : index
        %get3A_336 = tpu.vector_load %arg14[%get3A_335] {strides = array<i32>} : memref<128xf32, #tpu.memory_space<vmem>>, vector<16xf32>,
        %get3A_337 = vector.shape_cast %get3A_336 : vector<16xf32> to vector<16xf32>
        %mul3A_338 = arith.mulf %get3A_334, %get3A_337 : vector<16xf32>
        %get3A_339 = arith.constant 48 : index
        %get3A_340 = tpu.vector_load %arg15[%get3A_339] {strides = array<i32>} : memref<128xf32, #tpu.memory_space<vmem>>, vector<16xf32>,
        %get3A_341 = vector.shape_cast %get3A_340 : vector<16xf32> to vector<16xf32>
        %add3A_342 = arith.addf %mul3A_338, %get3A_341 : vector<16xf32>
        %max3A_343 = arith.constant 0.000000e+00 : f32
        %max3A_344 = vector.broadcast %max3A_343 : f32 to vector<16xf32>
        %max3A_345 = arith.maximumf %add3A_342, %max3A_344 : vector<16xf32>
        %swap3A_346 = arith.index_cast %scan3A_270 : i32 to index
        %swap3A_347 = arith.constant 48 : index
        %swap3A_348 = tpu.vector_load %arg10[%swap3A_346, %swap3A_347] {strides = array<i32>} : memref<80x128xf32, #tpu.memory_space<vmem>>, vector<1x16xf32>,
        %swap3A_349 = vector.shape_cast %swap3A_348 : vector<1x16xf32> to vector<16xf32>
        %swap3A_350 = vector.shape_cast %max3A_345 : vector<16xf32> to vector<1x16xf32>
        tpu.vector_store %arg10[%swap3A_346, %swap3A_347], %swap3A_350 {strides = array<i32>} : memref<80x128xf32, #tpu.memory_space<vmem>>, vector<1x16xf32>,
        %get3A_351 = arith.index_cast %scan3A_270 : i32 to index
        %get3A_352 = arith.constant 64 : index
        %get3A_353 = tpu.vector_load %arg10[%get3A_351, %get3A_352] {strides = array<i32>} : memref<80x128xf32, #tpu.memory_space<vmem>>, vector<1x16xf32>,
        %get3A_354 = vector.shape_cast %get3A_353 : vector<1x16xf32> to vector<16xf32>
        %get3A_355 = arith.constant 64 : index
        %get3A_356 = tpu.vector_load %arg14[%get3A_355] {strides = array<i32>} : memref<128xf32, #tpu.memory_space<vmem>>, vector<16xf32>,
        %get3A_357 = vector.shape_cast %get3A_356 : vector<16xf32> to vector<16xf32>
        %mul3A_358 = arith.mulf %get3A_354, %get3A_357 : vector<16xf32>
        %get3A_359 = arith.constant 64 : index
        %get3A_360 = tpu.vector_load %arg15[%get3A_359] {strides = array<i32>} : memref<128xf32, #tpu.memory_space<vmem>>, vector<16xf32>,
        %get3A_361 = vector.shape_cast %get3A_360 : vector<16xf32> to vector<16xf32>
        %add3A_362 = arith.addf %mul3A_358, %get3A_361 : vector<16xf32>
        %max3A_363 = arith.constant 0.000000e+00 : f32
        %max3A_364 = vector.broadcast %max3A_363 : f32 to vector<16xf32>
        %max3A_365 = arith.maximumf %add3A_362, %max3A_364 : vector<16xf32>
        %swap3A_366 = arith.index_cast %scan3A_270 : i32 to index
        %swap3A_367 = arith.constant 64 : index
        %swap3A_368 = tpu.vector_load %arg10[%swap3A_366, %swap3A_367] {strides = array<i32>} : memref<80x128xf32, #tpu.memory_space<vmem>>, vector<1x16xf32>,
        %swap3A_369 = vector.shape_cast %swap3A_368 : vector<1x16xf32> to vector<16xf32>
        %swap3A_370 = vector.shape_cast %max3A_365 : vector<16xf32> to vector<1x16xf32>
        tpu.vector_store %arg10[%swap3A_366, %swap3A_367], %swap3A_370 {strides = array<i32>} : memref<80x128xf32, #tpu.memory_space<vmem>>, vector<1x16xf32>,
        %get3A_371 = arith.index_cast %scan3A_270 : i32 to index
        %get3A_372 = arith.constant 80 : index
        %get3A_373 = tpu.vector_load %arg10[%get3A_371, %get3A_372] {strides = array<i32>} : memref<80x128xf32, #tpu.memory_space<vmem>>, vector<1x16xf32>,
        %get3A_374 = vector.shape_cast %get3A_373 : vector<1x16xf32> to vector<16xf32>
        %get3A_375 = arith.constant 80 : index
        %get3A_376 = tpu.vector_load %arg14[%get3A_375] {strides = array<i32>} : memref<128xf32, #tpu.memory_space<vmem>>, vector<16xf32>,
        %get3A_377 = vector.shape_cast %get3A_376 : vector<16xf32> to vector<16xf32>
        %mul3A_378 = arith.mulf %get3A_374, %get3A_377 : vector<16xf32>
        %get3A_379 = arith.constant 80 : index
        %get3A_380 = tpu.vector_load %arg15[%get3A_379] {strides = array<i32>} : memref<128xf32, #tpu.memory_space<vmem>>, vector<16xf32>,
        %get3A_381 = vector.shape_cast %get3A_380 : vector<16xf32> to vector<16xf32>
        %add3A_382 = arith.addf %mul3A_378, %get3A_381 : vector<16xf32>
        %max3A_383 = arith.constant 0.000000e+00 : f32
        %max3A_384 = vector.broadcast %max3A_383 : f32 to vector<16xf32>
        %max3A_385 = arith.maximumf %add3A_382, %max3A_384 : vector<16xf32>
        %swap3A_386 = arith.index_cast %scan3A_270 : i32 to index
        %swap3A_387 = arith.constant 80 : index
        %swap3A_388 = tpu.vector_load %arg10[%swap3A_386, %swap3A_387] {strides = array<i32>} : memref<80x128xf32, #tpu.memory_space<vmem>>, vector<1x16xf32>,
        %swap3A_389 = vector.shape_cast %swap3A_388 : vector<1x16xf32> to vector<16xf32>
        %swap3A_390 = vector.shape_cast %max3A_385 : vector<16xf32> to vector<1x16xf32>
        tpu.vector_store %arg10[%swap3A_386, %swap3A_387], %swap3A_390 {strides = array<i32>} : memref<80x128xf32, #tpu.memory_space<vmem>>, vector<1x16xf32>,
        %get3A_391 = arith.index_cast %scan3A_270 : i32 to index
        %get3A_392 = arith.constant 96 : index
        %get3A_393 = tpu.vector_load %arg10[%get3A_391, %get3A_392] {strides = array<i32>} : memref<80x128xf32, #tpu.memory_space<vmem>>, vector<1x16xf32>,
        %get3A_394 = vector.shape_cast %get3A_393 : vector<1x16xf32> to vector<16xf32>
        %get3A_395 = arith.constant 96 : index
        %get3A_396 = tpu.vector_load %arg14[%get3A_395] {strides = array<i32>} : memref<128xf32, #tpu.memory_space<vmem>>, vector<16xf32>,
        %get3A_397 = vector.shape_cast %get3A_396 : vector<16xf32> to vector<16xf32>
        %mul3A_398 = arith.mulf %get3A_394, %get3A_397 : vector<16xf32>
        %get3A_399 = arith.constant 96 : index
        %get3A_400 = tpu.vector_load %arg15[%get3A_399] {strides = array<i32>} : memref<128xf32, #tpu.memory_space<vmem>>, vector<16xf32>,
        %get3A_401 = vector.shape_cast %get3A_400 : vector<16xf32> to vector<16xf32>
        %add3A_402 = arith.addf %mul3A_398, %get3A_401 : vector<16xf32>
        %max3A_403 = arith.constant 0.000000e+00 : f32
        %max3A_404 = vector.broadcast %max3A_403 : f32 to vector<16xf32>
        %max3A_405 = arith.maximumf %add3A_402, %max3A_404 : vector<16xf32>
        %swap3A_406 = arith.index_cast %scan3A_270 : i32 to index
        %swap3A_407 = arith.constant 96 : index
        %swap3A_408 = tpu.vector_load %arg10[%swap3A_406, %swap3A_407] {strides = array<i32>} : memref<80x128xf32, #tpu.memory_space<vmem>>, vector<1x16xf32>,
        %swap3A_409 = vector.shape_cast %swap3A_408 : vector<1x16xf32> to vector<16xf32>
        %swap3A_410 = vector.shape_cast %max3A_405 : vector<16xf32> to vector<1x16xf32>
        tpu.vector_store %arg10[%swap3A_406, %swap3A_407], %swap3A_410 {strides = array<i32>} : memref<80x128xf32, #tpu.memory_space<vmem>>, vector<1x16xf32>,
        %get3A_411 = arith.index_cast %scan3A_270 : i32 to index
        %get3A_412 = arith.constant 112 : index
        %get3A_413 = tpu.vector_load %arg10[%get3A_411, %get3A_412] {strides = array<i32>} : memref<80x128xf32, #tpu.memory_space<vmem>>, vector<1x16xf32>,
        %get3A_414 = vector.shape_cast %get3A_413 : vector<1x16xf32> to vector<16xf32>
        %get3A_415 = arith.constant 112 : index
        %get3A_416 = tpu.vector_load %arg14[%get3A_415] {strides = array<i32>} : memref<128xf32, #tpu.memory_space<vmem>>, vector<16xf32>,
        %get3A_417 = vector.shape_cast %get3A_416 : vector<16xf32> to vector<16xf32>
        %mul3A_418 = arith.mulf %get3A_414, %get3A_417 : vector<16xf32>
        %get3A_419 = arith.constant 112 : index
        %get3A_420 = tpu.vector_load %arg15[%get3A_419] {strides = array<i32>} : memref<128xf32, #tpu.memory_space<vmem>>, vector<16xf32>,
        %get3A_421 = vector.shape_cast %get3A_420 : vector<16xf32> to vector<16xf32>
        %add3A_422 = arith.addf %mul3A_418, %get3A_421 : vector<16xf32>
        %max3A_423 = arith.constant 0.000000e+00 : f32
        %max3A_424 = vector.broadcast %max3A_423 : f32 to vector<16xf32>
        %max3A_425 = arith.maximumf %add3A_422, %max3A_424 : vector<16xf32>
        %swap3A_426 = arith.index_cast %scan3A_270 : i32 to index
        %swap3A_427 = arith.constant 112 : index
        %swap3A_428 = tpu.vector_load %arg10[%swap3A_426, %swap3A_427] {strides = array<i32>} : memref<80x128xf32, #tpu.memory_space<vmem>>, vector<1x16xf32>,
        %swap3A_429 = vector.shape_cast %swap3A_428 : vector<1x16xf32> to vector<16xf32>
        %swap3A_430 = vector.shape_cast %max3A_425 : vector<16xf32> to vector<1x16xf32>
        tpu.vector_store %arg10[%swap3A_426, %swap3A_427], %swap3A_430 {strides = array<i32>} : memref<80x128xf32, #tpu.memory_space<vmem>>, vector<1x16xf32>,
        %scan3A_431 = arith.constant 0 : i32
        scf.yield %scan3A_431 : i32
      }
      %scan3A_58 = arith.constant 80 : i32
      %ge3A = arith.constant 1 : i32
      %ge3A_59 = arith.cmpi sge, %add3A_41, %ge3A : i32
      %convert_element_type3A_60 = arith.extui %ge3A_59 : i1 to i32
      %cond3A_61 = arith.constant 0 : i32
      %cond3A_62 = arith.cmpi ne, %convert_element_type3A_60, %cond3A_61 : i32
      scf.if %cond3A_62 {
        %dma_wait3A_109 = arith.constant 0 : i32
        %dma_wait3A_110 = arith.constant 0 : i32
        %dma_wait3A_111 = tpu.memref_slice %arg2[%dma_wait3A_109, %dma_wait3A_110] : memref<320000x128xf32, #tpu.memory_space<hbm>> -> memref<80x128xf32, #tpu.memory_space<hbm>>
        %dma_wait3A_112 = arith.constant 0 : i32
        %dma_wait3A_113 = arith.constant 0 : i32
        %dma_wait3A_114 = tpu.memref_slice %arg2[%dma_wait3A_112, %dma_wait3A_113] : memref<320000x128xf32, #tpu.memory_space<hbm>> -> memref<80x128xf32, #tpu.memory_space<hbm>>
        tpu.wait_dma2 semaphore(%arg21 : memref<!tpu.dma_semaphore, #tpu.memory_space<semaphore_mem>>) src(%dma_wait3A_114 : memref<80x128xf32, #tpu.memory_space<hbm>>) dst(%arg11 : memref<80x128xf32, #tpu.memory_space<vmem>>)
      } else {
      }
      %add3A_63 = arith.constant 1 : i32
      %add3A_64 = arith.addi %add3A_41, %add3A_63 : i32
      %lt3A = arith.constant 250 : i32
      %lt3A_65 = arith.cmpi slt, %add3A_64, %lt3A : i32
      %convert_element_type3A_66 = arith.extui %lt3A_65 : i1 to i32
      %cond3A_67 = arith.constant 0 : i32
      %cond3A_68 = arith.cmpi ne, %convert_element_type3A_66, %cond3A_67 : i32
      scf.if %cond3A_68 {
        %add3A_109 = arith.constant 1 : i32
        %add3A_110 = arith.addi %add3A_41, %add3A_109 : i32
        %mul3A_111 = arith.constant 80 : i32
        %mul3A_112 = arith.muli %add3A_110, %mul3A_111 : i32
        %add3A_113 = arith.addi %mul3A_8, %mul3A_112 : i32
        %eq3A_114 = arith.constant 0 : i32
        %eq3A_115 = arith.cmpi eq, %arg0, %eq3A_114 : i32
        %convert_element_type3A_116 = arith.extui %eq3A_115 : i1 to i32
        %cond3A_117 = arith.constant 0 : i32
        %cond3A_118 = arith.cmpi ne, %convert_element_type3A_116, %cond3A_117 : i32
        scf.if %cond3A_118 {
          %dma_start3A_126 = arith.constant 0 : i32
          %dma_start3A_127 = tpu.memref_slice %arg2[%add3A_113, %dma_start3A_126] : memref<320000x128xf32, #tpu.memory_space<hbm>> -> memref<80x128xf32, #tpu.memory_space<hbm>>
          %dma_start3A_128 = arith.constant 0 : i32
          %dma_start3A_129 = tpu.memref_slice %arg2[%add3A_113, %dma_start3A_128] : memref<320000x128xf32, #tpu.memory_space<hbm>> -> memref<80x128xf32, #tpu.memory_space<hbm>>
          tpu.enqueue_dma source(%dma_start3A_129 : memref<80x128xf32, #tpu.memory_space<hbm>>) target(%arg11 : memref<80x128xf32, #tpu.memory_space<vmem>>) target_semaphore(%arg17 : memref<!tpu.dma_semaphore, #tpu.memory_space<semaphore_mem>>)
        } else {
        }
        %eq3A_119 = arith.constant 1 : i32
        %eq3A_120 = arith.cmpi eq, %arg0, %eq3A_119 : i32
        %convert_element_type3A_121 = arith.extui %eq3A_120 : i1 to i32
        %cond3A_122 = arith.constant 0 : i32
        %cond3A_123 = arith.cmpi ne, %convert_element_type3A_121, %cond3A_122 : i32
        scf.if %cond3A_123 {
          %dma_start3A_126 = arith.constant 0 : i32
          %dma_start3A_127 = tpu.memref_slice %arg3[%add3A_113, %dma_start3A_126] : memref<320000x128xf32, #tpu.memory_space<hbm>> -> memref<80x128xf32, #tpu.memory_space<hbm>>
          %dma_start3A_128 = arith.constant 0 : i32
          %dma_start3A_129 = tpu.memref_slice %arg3[%add3A_113, %dma_start3A_128] : memref<320000x128xf32, #tpu.memory_space<hbm>> -> memref<80x128xf32, #tpu.memory_space<hbm>>
          tpu.enqueue_dma source(%dma_start3A_129 : memref<80x128xf32, #tpu.memory_space<hbm>>) target(%arg11 : memref<80x128xf32, #tpu.memory_space<vmem>>) target_semaphore(%arg17 : memref<!tpu.dma_semaphore, #tpu.memory_space<semaphore_mem>>)
        } else {
        }
        %dma_start3A_124 = tpu.memref_slice %arg4[%add3A_113] : memref<320000xi32, #tpu.memory_space<hbm>> -> memref<80xi32, #tpu.memory_space<hbm>>
        %dma_start3A_125 = tpu.memref_slice %arg4[%add3A_113] : memref<320000xi32, #tpu.memory_space<hbm>> -> memref<80xi32, #tpu.memory_space<hbm>>
        tpu.enqueue_dma source(%dma_start3A_125 : memref<80xi32, #tpu.memory_space<hbm>>) target(%arg13 : memref<80xi32, #tpu.memory_space<vmem>>) target_semaphore(%arg19 : memref<!tpu.dma_semaphore, #tpu.memory_space<semaphore_mem>>)
      } else {
      }
      %dma_start3A_69 = arith.constant 0 : i32
      %dma_start3A_70 = arith.constant 0 : i32
      %dma_start3A_71 = tpu.memref_slice %arg9[%dma_start3A_69, %dma_start3A_70] : memref<10000x128xf32, #tpu.memory_space<vmem_shared>> -> memref<10000x128xf32, #tpu.memory_space<vmem_shared>>
      tpu.enqueue_indirect_dma source(%arg10 : memref<80x128xf32, #tpu.memory_space<vmem>>) target(%dma_start3A_71 : memref<10000x128xf32, #tpu.memory_space<vmem_shared>>) offsets(%arg12 : memref<80xi32, #tpu.memory_space<vmem>>) semaphore(%arg20 : memref<!tpu.dma_semaphore, #tpu.memory_space<semaphore_mem>>) {add = true}
      %mul3A_72 = arith.constant 2 : i32
      %mul3A_73 = arith.muli %mul3A_72, %scan3A_37 : i32
      %add3A_74 = arith.constant 1 : i32
      %add3A_75 = arith.addi %mul3A_73, %add3A_74 : i32
      %dma_wait3A_76 = arith.constant 0 : i32
      %dma_wait3A_77 = arith.constant 0 : i32
      %dma_wait3A_78 = tpu.memref_slice %arg2[%dma_wait3A_76, %dma_wait3A_77] : memref<320000x128xf32, #tpu.memory_space<hbm>> -> memref<80x128xf32, #tpu.memory_space<hbm>>
      %dma_wait3A_79 = arith.constant 0 : i32
      %dma_wait3A_80 = arith.constant 0 : i32
      %dma_wait3A_81 = tpu.memref_slice %arg2[%dma_wait3A_79, %dma_wait3A_80] : memref<320000x128xf32, #tpu.memory_space<hbm>> -> memref<80x128xf32, #tpu.memory_space<hbm>>
      tpu.wait_dma2 semaphore(%arg17 : memref<!tpu.dma_semaphore, #tpu.memory_space<semaphore_mem>>) src(%dma_wait3A_81 : memref<80x128xf32, #tpu.memory_space<hbm>>) dst(%arg11 : memref<80x128xf32, #tpu.memory_space<vmem>>)
      %dma_wait3A_82 = arith.constant 0 : i32
      %dma_wait3A_83 = tpu.memref_slice %arg4[%dma_wait3A_82] : memref<320000xi32, #tpu.memory_space<hbm>> -> memref<80xi32, #tpu.memory_space<hbm>>
      %dma_wait3A_84 = arith.constant 0 : i32
      %dma_wait3A_85 = tpu.memref_slice %arg4[%dma_wait3A_84] : memref<320000xi32, #tpu.memory_space<hbm>> -> memref<80xi32, #tpu.memory_space<hbm>>
      tpu.wait_dma2 semaphore(%arg19 : memref<!tpu.dma_semaphore, #tpu.memory_space<semaphore_mem>>) src(%dma_wait3A_85 : memref<80xi32, #tpu.memory_space<hbm>>) dst(%arg13 : memref<80xi32, #tpu.memory_space<vmem>>)
      %scan3A_86 = arith.constant 0 : i32
      %scan3A_87 = arith.constant 0 : i32
      %scan3A_88 = arith.constant 80 : i32
      %scan3A_89 = arith.addi %scan3A_87, %scan3A_88 : i32
      %scan3A_90 = arith.constant 2 : i32
      %scan3A_91 = scf.for %scan3A_109 = %scan3A_87 to %scan3A_89 step %scan3A_90 iter_args(%scan3A_110 = %scan3A_86) -> (i32)  : i32 {
        %get3A = arith.index_cast %scan3A_109 : i32 to index
        %get3A_111 = arith.constant 0 : index
        %get3A_112 = tpu.vector_load %arg11[%get3A, %get3A_111] {strides = array<i32>} : memref<80x128xf32, #tpu.memory_space<vmem>>, vector<1x16xf32>,
        %get3A_113 = vector.shape_cast %get3A_112 : vector<1x16xf32> to vector<16xf32>
        %get3A_114 = arith.constant 0 : index
        %get3A_115 = tpu.vector_load %arg14[%get3A_114] {strides = array<i32>} : memref<128xf32, #tpu.memory_space<vmem>>, vector<16xf32>,
        %get3A_116 = vector.shape_cast %get3A_115 : vector<16xf32> to vector<16xf32>
        %mul3A_117 = arith.mulf %get3A_113, %get3A_116 : vector<16xf32>
        %get3A_118 = arith.constant 0 : index
        %get3A_119 = tpu.vector_load %arg15[%get3A_118] {strides = array<i32>} : memref<128xf32, #tpu.memory_space<vmem>>, vector<16xf32>,
        %get3A_120 = vector.shape_cast %get3A_119 : vector<16xf32> to vector<16xf32>
        %add3A_121 = arith.addf %mul3A_117, %get3A_120 : vector<16xf32>
        %max3A = arith.constant 0.000000e+00 : f32
        %max3A_122 = vector.broadcast %max3A : f32 to vector<16xf32>
        %max3A_123 = arith.maximumf %add3A_121, %max3A_122 : vector<16xf32>
        %swap3A = arith.index_cast %scan3A_109 : i32 to index
        %swap3A_124 = arith.constant 0 : index
        %swap3A_125 = tpu.vector_load %arg11[%swap3A, %swap3A_124] {strides = array<i32>} : memref<80x128xf32, #tpu.memory_space<vmem>>, vector<1x16xf32>,
        %swap3A_126 = vector.shape_cast %swap3A_125 : vector<1x16xf32> to vector<16xf32>
        %swap3A_127 = vector.shape_cast %max3A_123 : vector<16xf32> to vector<1x16xf32>
        tpu.vector_store %arg11[%swap3A, %swap3A_124], %swap3A_127 {strides = array<i32>} : memref<80x128xf32, #tpu.memory_space<vmem>>, vector<1x16xf32>,
        %get3A_128 = arith.index_cast %scan3A_109 : i32 to index
        %get3A_129 = arith.constant 16 : index
        %get3A_130 = tpu.vector_load %arg11[%get3A_128, %get3A_129] {strides = array<i32>} : memref<80x128xf32, #tpu.memory_space<vmem>>, vector<1x16xf32>,
        %get3A_131 = vector.shape_cast %get3A_130 : vector<1x16xf32> to vector<16xf32>
        %get3A_132 = arith.constant 16 : index
        %get3A_133 = tpu.vector_load %arg14[%get3A_132] {strides = array<i32>} : memref<128xf32, #tpu.memory_space<vmem>>, vector<16xf32>,
        %get3A_134 = vector.shape_cast %get3A_133 : vector<16xf32> to vector<16xf32>
        %mul3A_135 = arith.mulf %get3A_131, %get3A_134 : vector<16xf32>
        %get3A_136 = arith.constant 16 : index
        %get3A_137 = tpu.vector_load %arg15[%get3A_136] {strides = array<i32>} : memref<128xf32, #tpu.memory_space<vmem>>, vector<16xf32>,
        %get3A_138 = vector.shape_cast %get3A_137 : vector<16xf32> to vector<16xf32>
        %add3A_139 = arith.addf %mul3A_135, %get3A_138 : vector<16xf32>
        %max3A_140 = arith.constant 0.000000e+00 : f32
        %max3A_141 = vector.broadcast %max3A_140 : f32 to vector<16xf32>
        %max3A_142 = arith.maximumf %add3A_139, %max3A_141 : vector<16xf32>
        %swap3A_143 = arith.index_cast %scan3A_109 : i32 to index
        %swap3A_144 = arith.constant 16 : index
        %swap3A_145 = tpu.vector_load %arg11[%swap3A_143, %swap3A_144] {strides = array<i32>} : memref<80x128xf32, #tpu.memory_space<vmem>>, vector<1x16xf32>,
        %swap3A_146 = vector.shape_cast %swap3A_145 : vector<1x16xf32> to vector<16xf32>
        %swap3A_147 = vector.shape_cast %max3A_142 : vector<16xf32> to vector<1x16xf32>
        tpu.vector_store %arg11[%swap3A_143, %swap3A_144], %swap3A_147 {strides = array<i32>} : memref<80x128xf32, #tpu.memory_space<vmem>>, vector<1x16xf32>,
        %get3A_148 = arith.index_cast %scan3A_109 : i32 to index
        %get3A_149 = arith.constant 32 : index
        %get3A_150 = tpu.vector_load %arg11[%get3A_148, %get3A_149] {strides = array<i32>} : memref<80x128xf32, #tpu.memory_space<vmem>>, vector<1x16xf32>,
        %get3A_151 = vector.shape_cast %get3A_150 : vector<1x16xf32> to vector<16xf32>
        %get3A_152 = arith.constant 32 : index
        %get3A_153 = tpu.vector_load %arg14[%get3A_152] {strides = array<i32>} : memref<128xf32, #tpu.memory_space<vmem>>, vector<16xf32>,
        %get3A_154 = vector.shape_cast %get3A_153 : vector<16xf32> to vector<16xf32>
        %mul3A_155 = arith.mulf %get3A_151, %get3A_154 : vector<16xf32>
        %get3A_156 = arith.constant 32 : index
        %get3A_157 = tpu.vector_load %arg15[%get3A_156] {strides = array<i32>} : memref<128xf32, #tpu.memory_space<vmem>>, vector<16xf32>,
        %get3A_158 = vector.shape_cast %get3A_157 : vector<16xf32> to vector<16xf32>
        %add3A_159 = arith.addf %mul3A_155, %get3A_158 : vector<16xf32>
        %max3A_160 = arith.constant 0.000000e+00 : f32
        %max3A_161 = vector.broadcast %max3A_160 : f32 to vector<16xf32>
        %max3A_162 = arith.maximumf %add3A_159, %max3A_161 : vector<16xf32>
        %swap3A_163 = arith.index_cast %scan3A_109 : i32 to index
        %swap3A_164 = arith.constant 32 : index
        %swap3A_165 = tpu.vector_load %arg11[%swap3A_163, %swap3A_164] {strides = array<i32>} : memref<80x128xf32, #tpu.memory_space<vmem>>, vector<1x16xf32>,
        %swap3A_166 = vector.shape_cast %swap3A_165 : vector<1x16xf32> to vector<16xf32>
        %swap3A_167 = vector.shape_cast %max3A_162 : vector<16xf32> to vector<1x16xf32>
        tpu.vector_store %arg11[%swap3A_163, %swap3A_164], %swap3A_167 {strides = array<i32>} : memref<80x128xf32, #tpu.memory_space<vmem>>, vector<1x16xf32>,
        %get3A_168 = arith.index_cast %scan3A_109 : i32 to index
        %get3A_169 = arith.constant 48 : index
        %get3A_170 = tpu.vector_load %arg11[%get3A_168, %get3A_169] {strides = array<i32>} : memref<80x128xf32, #tpu.memory_space<vmem>>, vector<1x16xf32>,
        %get3A_171 = vector.shape_cast %get3A_170 : vector<1x16xf32> to vector<16xf32>
        %get3A_172 = arith.constant 48 : index
        %get3A_173 = tpu.vector_load %arg14[%get3A_172] {strides = array<i32>} : memref<128xf32, #tpu.memory_space<vmem>>, vector<16xf32>,
        %get3A_174 = vector.shape_cast %get3A_173 : vector<16xf32> to vector<16xf32>
        %mul3A_175 = arith.mulf %get3A_171, %get3A_174 : vector<16xf32>
        %get3A_176 = arith.constant 48 : index
        %get3A_177 = tpu.vector_load %arg15[%get3A_176] {strides = array<i32>} : memref<128xf32, #tpu.memory_space<vmem>>, vector<16xf32>,
        %get3A_178 = vector.shape_cast %get3A_177 : vector<16xf32> to vector<16xf32>
        %add3A_179 = arith.addf %mul3A_175, %get3A_178 : vector<16xf32>
        %max3A_180 = arith.constant 0.000000e+00 : f32
        %max3A_181 = vector.broadcast %max3A_180 : f32 to vector<16xf32>
        %max3A_182 = arith.maximumf %add3A_179, %max3A_181 : vector<16xf32>
        %swap3A_183 = arith.index_cast %scan3A_109 : i32 to index
        %swap3A_184 = arith.constant 48 : index
        %swap3A_185 = tpu.vector_load %arg11[%swap3A_183, %swap3A_184] {strides = array<i32>} : memref<80x128xf32, #tpu.memory_space<vmem>>, vector<1x16xf32>,
        %swap3A_186 = vector.shape_cast %swap3A_185 : vector<1x16xf32> to vector<16xf32>
        %swap3A_187 = vector.shape_cast %max3A_182 : vector<16xf32> to vector<1x16xf32>
        tpu.vector_store %arg11[%swap3A_183, %swap3A_184], %swap3A_187 {strides = array<i32>} : memref<80x128xf32, #tpu.memory_space<vmem>>, vector<1x16xf32>,
        %get3A_188 = arith.index_cast %scan3A_109 : i32 to index
        %get3A_189 = arith.constant 64 : index
        %get3A_190 = tpu.vector_load %arg11[%get3A_188, %get3A_189] {strides = array<i32>} : memref<80x128xf32, #tpu.memory_space<vmem>>, vector<1x16xf32>,
        %get3A_191 = vector.shape_cast %get3A_190 : vector<1x16xf32> to vector<16xf32>
        %get3A_192 = arith.constant 64 : index
        %get3A_193 = tpu.vector_load %arg14[%get3A_192] {strides = array<i32>} : memref<128xf32, #tpu.memory_space<vmem>>, vector<16xf32>,
        %get3A_194 = vector.shape_cast %get3A_193 : vector<16xf32> to vector<16xf32>
        %mul3A_195 = arith.mulf %get3A_191, %get3A_194 : vector<16xf32>
        %get3A_196 = arith.constant 64 : index
        %get3A_197 = tpu.vector_load %arg15[%get3A_196] {strides = array<i32>} : memref<128xf32, #tpu.memory_space<vmem>>, vector<16xf32>,
        %get3A_198 = vector.shape_cast %get3A_197 : vector<16xf32> to vector<16xf32>
        %add3A_199 = arith.addf %mul3A_195, %get3A_198 : vector<16xf32>
        %max3A_200 = arith.constant 0.000000e+00 : f32
        %max3A_201 = vector.broadcast %max3A_200 : f32 to vector<16xf32>
        %max3A_202 = arith.maximumf %add3A_199, %max3A_201 : vector<16xf32>
        %swap3A_203 = arith.index_cast %scan3A_109 : i32 to index
        %swap3A_204 = arith.constant 64 : index
        %swap3A_205 = tpu.vector_load %arg11[%swap3A_203, %swap3A_204] {strides = array<i32>} : memref<80x128xf32, #tpu.memory_space<vmem>>, vector<1x16xf32>,
        %swap3A_206 = vector.shape_cast %swap3A_205 : vector<1x16xf32> to vector<16xf32>
        %swap3A_207 = vector.shape_cast %max3A_202 : vector<16xf32> to vector<1x16xf32>
        tpu.vector_store %arg11[%swap3A_203, %swap3A_204], %swap3A_207 {strides = array<i32>} : memref<80x128xf32, #tpu.memory_space<vmem>>, vector<1x16xf32>,
        %get3A_208 = arith.index_cast %scan3A_109 : i32 to index
        %get3A_209 = arith.constant 80 : index
        %get3A_210 = tpu.vector_load %arg11[%get3A_208, %get3A_209] {strides = array<i32>} : memref<80x128xf32, #tpu.memory_space<vmem>>, vector<1x16xf32>,
        %get3A_211 = vector.shape_cast %get3A_210 : vector<1x16xf32> to vector<16xf32>
        %get3A_212 = arith.constant 80 : index
        %get3A_213 = tpu.vector_load %arg14[%get3A_212] {strides = array<i32>} : memref<128xf32, #tpu.memory_space<vmem>>, vector<16xf32>,
        %get3A_214 = vector.shape_cast %get3A_213 : vector<16xf32> to vector<16xf32>
        %mul3A_215 = arith.mulf %get3A_211, %get3A_214 : vector<16xf32>
        %get3A_216 = arith.constant 80 : index
        %get3A_217 = tpu.vector_load %arg15[%get3A_216] {strides = array<i32>} : memref<128xf32, #tpu.memory_space<vmem>>, vector<16xf32>,
        %get3A_218 = vector.shape_cast %get3A_217 : vector<16xf32> to vector<16xf32>
        %add3A_219 = arith.addf %mul3A_215, %get3A_218 : vector<16xf32>
        %max3A_220 = arith.constant 0.000000e+00 : f32
        %max3A_221 = vector.broadcast %max3A_220 : f32 to vector<16xf32>
        %max3A_222 = arith.maximumf %add3A_219, %max3A_221 : vector<16xf32>
        %swap3A_223 = arith.index_cast %scan3A_109 : i32 to index
        %swap3A_224 = arith.constant 80 : index
        %swap3A_225 = tpu.vector_load %arg11[%swap3A_223, %swap3A_224] {strides = array<i32>} : memref<80x128xf32, #tpu.memory_space<vmem>>, vector<1x16xf32>,
        %swap3A_226 = vector.shape_cast %swap3A_225 : vector<1x16xf32> to vector<16xf32>
        %swap3A_227 = vector.shape_cast %max3A_222 : vector<16xf32> to vector<1x16xf32>
        tpu.vector_store %arg11[%swap3A_223, %swap3A_224], %swap3A_227 {strides = array<i32>} : memref<80x128xf32, #tpu.memory_space<vmem>>, vector<1x16xf32>,
        %get3A_228 = arith.index_cast %scan3A_109 : i32 to index
        %get3A_229 = arith.constant 96 : index
        %get3A_230 = tpu.vector_load %arg11[%get3A_228, %get3A_229] {strides = array<i32>} : memref<80x128xf32, #tpu.memory_space<vmem>>, vector<1x16xf32>,
        %get3A_231 = vector.shape_cast %get3A_230 : vector<1x16xf32> to vector<16xf32>
        %get3A_232 = arith.constant 96 : index
        %get3A_233 = tpu.vector_load %arg14[%get3A_232] {strides = array<i32>} : memref<128xf32, #tpu.memory_space<vmem>>, vector<16xf32>,
        %get3A_234 = vector.shape_cast %get3A_233 : vector<16xf32> to vector<16xf32>
        %mul3A_235 = arith.mulf %get3A_231, %get3A_234 : vector<16xf32>
        %get3A_236 = arith.constant 96 : index
        %get3A_237 = tpu.vector_load %arg15[%get3A_236] {strides = array<i32>} : memref<128xf32, #tpu.memory_space<vmem>>, vector<16xf32>,
        %get3A_238 = vector.shape_cast %get3A_237 : vector<16xf32> to vector<16xf32>
        %add3A_239 = arith.addf %mul3A_235, %get3A_238 : vector<16xf32>
        %max3A_240 = arith.constant 0.000000e+00 : f32
        %max3A_241 = vector.broadcast %max3A_240 : f32 to vector<16xf32>
        %max3A_242 = arith.maximumf %add3A_239, %max3A_241 : vector<16xf32>
        %swap3A_243 = arith.index_cast %scan3A_109 : i32 to index
        %swap3A_244 = arith.constant 96 : index
        %swap3A_245 = tpu.vector_load %arg11[%swap3A_243, %swap3A_244] {strides = array<i32>} : memref<80x128xf32, #tpu.memory_space<vmem>>, vector<1x16xf32>,
        %swap3A_246 = vector.shape_cast %swap3A_245 : vector<1x16xf32> to vector<16xf32>
        %swap3A_247 = vector.shape_cast %max3A_242 : vector<16xf32> to vector<1x16xf32>
        tpu.vector_store %arg11[%swap3A_243, %swap3A_244], %swap3A_247 {strides = array<i32>} : memref<80x128xf32, #tpu.memory_space<vmem>>, vector<1x16xf32>,
        %get3A_248 = arith.index_cast %scan3A_109 : i32 to index
        %get3A_249 = arith.constant 112 : index
        %get3A_250 = tpu.vector_load %arg11[%get3A_248, %get3A_249] {strides = array<i32>} : memref<80x128xf32, #tpu.memory_space<vmem>>, vector<1x16xf32>,
        %get3A_251 = vector.shape_cast %get3A_250 : vector<1x16xf32> to vector<16xf32>
        %get3A_252 = arith.constant 112 : index
        %get3A_253 = tpu.vector_load %arg14[%get3A_252] {strides = array<i32>} : memref<128xf32, #tpu.memory_space<vmem>>, vector<16xf32>,
        %get3A_254 = vector.shape_cast %get3A_253 : vector<16xf32> to vector<16xf32>
        %mul3A_255 = arith.mulf %get3A_251, %get3A_254 : vector<16xf32>
        %get3A_256 = arith.constant 112 : index
        %get3A_257 = tpu.vector_load %arg15[%get3A_256] {strides = array<i32>} : memref<128xf32, #tpu.memory_space<vmem>>, vector<16xf32>,
        %get3A_258 = vector.shape_cast %get3A_257 : vector<16xf32> to vector<16xf32>
        %add3A_259 = arith.addf %mul3A_255, %get3A_258 : vector<16xf32>
        %max3A_260 = arith.constant 0.000000e+00 : f32
        %max3A_261 = vector.broadcast %max3A_260 : f32 to vector<16xf32>
        %max3A_262 = arith.maximumf %add3A_259, %max3A_261 : vector<16xf32>
        %swap3A_263 = arith.index_cast %scan3A_109 : i32 to index
        %swap3A_264 = arith.constant 112 : index
        %swap3A_265 = tpu.vector_load %arg11[%swap3A_263, %swap3A_264] {strides = array<i32>} : memref<80x128xf32, #tpu.memory_space<vmem>>, vector<1x16xf32>,
        %swap3A_266 = vector.shape_cast %swap3A_265 : vector<1x16xf32> to vector<16xf32>
        %swap3A_267 = vector.shape_cast %max3A_262 : vector<16xf32> to vector<1x16xf32>
        tpu.vector_store %arg11[%swap3A_263, %swap3A_264], %swap3A_267 {strides = array<i32>} : memref<80x128xf32, #tpu.memory_space<vmem>>, vector<1x16xf32>,
        %scan3A_268 = arith.constant 0 : i32
        %scan3A_269 = arith.constant 1 : i32
        %scan3A_270 = arith.addi %scan3A_109, %scan3A_269 : i32
        %get3A_271 = arith.index_cast %scan3A_270 : i32 to index
        %get3A_272 = arith.constant 0 : index
        %get3A_273 = tpu.vector_load %arg11[%get3A_271, %get3A_272] {strides = array<i32>} : memref<80x128xf32, #tpu.memory_space<vmem>>, vector<1x16xf32>,
        %get3A_274 = vector.shape_cast %get3A_273 : vector<1x16xf32> to vector<16xf32>
        %get3A_275 = arith.constant 0 : index
        %get3A_276 = tpu.vector_load %arg14[%get3A_275] {strides = array<i32>} : memref<128xf32, #tpu.memory_space<vmem>>, vector<16xf32>,
        %get3A_277 = vector.shape_cast %get3A_276 : vector<16xf32> to vector<16xf32>
        %mul3A_278 = arith.mulf %get3A_274, %get3A_277 : vector<16xf32>
        %get3A_279 = arith.constant 0 : index
        %get3A_280 = tpu.vector_load %arg15[%get3A_279] {strides = array<i32>} : memref<128xf32, #tpu.memory_space<vmem>>, vector<16xf32>,
        %get3A_281 = vector.shape_cast %get3A_280 : vector<16xf32> to vector<16xf32>
        %add3A_282 = arith.addf %mul3A_278, %get3A_281 : vector<16xf32>
        %max3A_283 = arith.constant 0.000000e+00 : f32
        %max3A_284 = vector.broadcast %max3A_283 : f32 to vector<16xf32>
        %max3A_285 = arith.maximumf %add3A_282, %max3A_284 : vector<16xf32>
        %swap3A_286 = arith.index_cast %scan3A_270 : i32 to index
        %swap3A_287 = arith.constant 0 : index
        %swap3A_288 = tpu.vector_load %arg11[%swap3A_286, %swap3A_287] {strides = array<i32>} : memref<80x128xf32, #tpu.memory_space<vmem>>, vector<1x16xf32>,
        %swap3A_289 = vector.shape_cast %swap3A_288 : vector<1x16xf32> to vector<16xf32>
        %swap3A_290 = vector.shape_cast %max3A_285 : vector<16xf32> to vector<1x16xf32>
        tpu.vector_store %arg11[%swap3A_286, %swap3A_287], %swap3A_290 {strides = array<i32>} : memref<80x128xf32, #tpu.memory_space<vmem>>, vector<1x16xf32>,
        %get3A_291 = arith.index_cast %scan3A_270 : i32 to index
        %get3A_292 = arith.constant 16 : index
        %get3A_293 = tpu.vector_load %arg11[%get3A_291, %get3A_292] {strides = array<i32>} : memref<80x128xf32, #tpu.memory_space<vmem>>, vector<1x16xf32>,
        %get3A_294 = vector.shape_cast %get3A_293 : vector<1x16xf32> to vector<16xf32>
        %get3A_295 = arith.constant 16 : index
        %get3A_296 = tpu.vector_load %arg14[%get3A_295] {strides = array<i32>} : memref<128xf32, #tpu.memory_space<vmem>>, vector<16xf32>,
        %get3A_297 = vector.shape_cast %get3A_296 : vector<16xf32> to vector<16xf32>
        %mul3A_298 = arith.mulf %get3A_294, %get3A_297 : vector<16xf32>
        %get3A_299 = arith.constant 16 : index
        %get3A_300 = tpu.vector_load %arg15[%get3A_299] {strides = array<i32>} : memref<128xf32, #tpu.memory_space<vmem>>, vector<16xf32>,
        %get3A_301 = vector.shape_cast %get3A_300 : vector<16xf32> to vector<16xf32>
        %add3A_302 = arith.addf %mul3A_298, %get3A_301 : vector<16xf32>
        %max3A_303 = arith.constant 0.000000e+00 : f32
        %max3A_304 = vector.broadcast %max3A_303 : f32 to vector<16xf32>
        %max3A_305 = arith.maximumf %add3A_302, %max3A_304 : vector<16xf32>
        %swap3A_306 = arith.index_cast %scan3A_270 : i32 to index
        %swap3A_307 = arith.constant 16 : index
        %swap3A_308 = tpu.vector_load %arg11[%swap3A_306, %swap3A_307] {strides = array<i32>} : memref<80x128xf32, #tpu.memory_space<vmem>>, vector<1x16xf32>,
        %swap3A_309 = vector.shape_cast %swap3A_308 : vector<1x16xf32> to vector<16xf32>
        %swap3A_310 = vector.shape_cast %max3A_305 : vector<16xf32> to vector<1x16xf32>
        tpu.vector_store %arg11[%swap3A_306, %swap3A_307], %swap3A_310 {strides = array<i32>} : memref<80x128xf32, #tpu.memory_space<vmem>>, vector<1x16xf32>,
        %get3A_311 = arith.index_cast %scan3A_270 : i32 to index
        %get3A_312 = arith.constant 32 : index
        %get3A_313 = tpu.vector_load %arg11[%get3A_311, %get3A_312] {strides = array<i32>} : memref<80x128xf32, #tpu.memory_space<vmem>>, vector<1x16xf32>,
        %get3A_314 = vector.shape_cast %get3A_313 : vector<1x16xf32> to vector<16xf32>
        %get3A_315 = arith.constant 32 : index
        %get3A_316 = tpu.vector_load %arg14[%get3A_315] {strides = array<i32>} : memref<128xf32, #tpu.memory_space<vmem>>, vector<16xf32>,
        %get3A_317 = vector.shape_cast %get3A_316 : vector<16xf32> to vector<16xf32>
        %mul3A_318 = arith.mulf %get3A_314, %get3A_317 : vector<16xf32>
        %get3A_319 = arith.constant 32 : index
        %get3A_320 = tpu.vector_load %arg15[%get3A_319] {strides = array<i32>} : memref<128xf32, #tpu.memory_space<vmem>>, vector<16xf32>,
        %get3A_321 = vector.shape_cast %get3A_320 : vector<16xf32> to vector<16xf32>
        %add3A_322 = arith.addf %mul3A_318, %get3A_321 : vector<16xf32>
        %max3A_323 = arith.constant 0.000000e+00 : f32
        %max3A_324 = vector.broadcast %max3A_323 : f32 to vector<16xf32>
        %max3A_325 = arith.maximumf %add3A_322, %max3A_324 : vector<16xf32>
        %swap3A_326 = arith.index_cast %scan3A_270 : i32 to index
        %swap3A_327 = arith.constant 32 : index
        %swap3A_328 = tpu.vector_load %arg11[%swap3A_326, %swap3A_327] {strides = array<i32>} : memref<80x128xf32, #tpu.memory_space<vmem>>, vector<1x16xf32>,
        %swap3A_329 = vector.shape_cast %swap3A_328 : vector<1x16xf32> to vector<16xf32>
        %swap3A_330 = vector.shape_cast %max3A_325 : vector<16xf32> to vector<1x16xf32>
        tpu.vector_store %arg11[%swap3A_326, %swap3A_327], %swap3A_330 {strides = array<i32>} : memref<80x128xf32, #tpu.memory_space<vmem>>, vector<1x16xf32>,
        %get3A_331 = arith.index_cast %scan3A_270 : i32 to index
        %get3A_332 = arith.constant 48 : index
        %get3A_333 = tpu.vector_load %arg11[%get3A_331, %get3A_332] {strides = array<i32>} : memref<80x128xf32, #tpu.memory_space<vmem>>, vector<1x16xf32>,
        %get3A_334 = vector.shape_cast %get3A_333 : vector<1x16xf32> to vector<16xf32>
        %get3A_335 = arith.constant 48 : index
        %get3A_336 = tpu.vector_load %arg14[%get3A_335] {strides = array<i32>} : memref<128xf32, #tpu.memory_space<vmem>>, vector<16xf32>,
        %get3A_337 = vector.shape_cast %get3A_336 : vector<16xf32> to vector<16xf32>
        %mul3A_338 = arith.mulf %get3A_334, %get3A_337 : vector<16xf32>
        %get3A_339 = arith.constant 48 : index
        %get3A_340 = tpu.vector_load %arg15[%get3A_339] {strides = array<i32>} : memref<128xf32, #tpu.memory_space<vmem>>, vector<16xf32>,
        %get3A_341 = vector.shape_cast %get3A_340 : vector<16xf32> to vector<16xf32>
        %add3A_342 = arith.addf %mul3A_338, %get3A_341 : vector<16xf32>
        %max3A_343 = arith.constant 0.000000e+00 : f32
        %max3A_344 = vector.broadcast %max3A_343 : f32 to vector<16xf32>
        %max3A_345 = arith.maximumf %add3A_342, %max3A_344 : vector<16xf32>
        %swap3A_346 = arith.index_cast %scan3A_270 : i32 to index
        %swap3A_347 = arith.constant 48 : index
        %swap3A_348 = tpu.vector_load %arg11[%swap3A_346, %swap3A_347] {strides = array<i32>} : memref<80x128xf32, #tpu.memory_space<vmem>>, vector<1x16xf32>,
        %swap3A_349 = vector.shape_cast %swap3A_348 : vector<1x16xf32> to vector<16xf32>
        %swap3A_350 = vector.shape_cast %max3A_345 : vector<16xf32> to vector<1x16xf32>
        tpu.vector_store %arg11[%swap3A_346, %swap3A_347], %swap3A_350 {strides = array<i32>} : memref<80x128xf32, #tpu.memory_space<vmem>>, vector<1x16xf32>,
        %get3A_351 = arith.index_cast %scan3A_270 : i32 to index
        %get3A_352 = arith.constant 64 : index
        %get3A_353 = tpu.vector_load %arg11[%get3A_351, %get3A_352] {strides = array<i32>} : memref<80x128xf32, #tpu.memory_space<vmem>>, vector<1x16xf32>,
        %get3A_354 = vector.shape_cast %get3A_353 : vector<1x16xf32> to vector<16xf32>
        %get3A_355 = arith.constant 64 : index
        %get3A_356 = tpu.vector_load %arg14[%get3A_355] {strides = array<i32>} : memref<128xf32, #tpu.memory_space<vmem>>, vector<16xf32>,
        %get3A_357 = vector.shape_cast %get3A_356 : vector<16xf32> to vector<16xf32>
        %mul3A_358 = arith.mulf %get3A_354, %get3A_357 : vector<16xf32>
        %get3A_359 = arith.constant 64 : index
        %get3A_360 = tpu.vector_load %arg15[%get3A_359] {strides = array<i32>} : memref<128xf32, #tpu.memory_space<vmem>>, vector<16xf32>,
        %get3A_361 = vector.shape_cast %get3A_360 : vector<16xf32> to vector<16xf32>
        %add3A_362 = arith.addf %mul3A_358, %get3A_361 : vector<16xf32>
        %max3A_363 = arith.constant 0.000000e+00 : f32
        %max3A_364 = vector.broadcast %max3A_363 : f32 to vector<16xf32>
        %max3A_365 = arith.maximumf %add3A_362, %max3A_364 : vector<16xf32>
        %swap3A_366 = arith.index_cast %scan3A_270 : i32 to index
        %swap3A_367 = arith.constant 64 : index
        %swap3A_368 = tpu.vector_load %arg11[%swap3A_366, %swap3A_367] {strides = array<i32>} : memref<80x128xf32, #tpu.memory_space<vmem>>, vector<1x16xf32>,
        %swap3A_369 = vector.shape_cast %swap3A_368 : vector<1x16xf32> to vector<16xf32>
        %swap3A_370 = vector.shape_cast %max3A_365 : vector<16xf32> to vector<1x16xf32>
        tpu.vector_store %arg11[%swap3A_366, %swap3A_367], %swap3A_370 {strides = array<i32>} : memref<80x128xf32, #tpu.memory_space<vmem>>, vector<1x16xf32>,
        %get3A_371 = arith.index_cast %scan3A_270 : i32 to index
        %get3A_372 = arith.constant 80 : index
        %get3A_373 = tpu.vector_load %arg11[%get3A_371, %get3A_372] {strides = array<i32>} : memref<80x128xf32, #tpu.memory_space<vmem>>, vector<1x16xf32>,
        %get3A_374 = vector.shape_cast %get3A_373 : vector<1x16xf32> to vector<16xf32>
        %get3A_375 = arith.constant 80 : index
        %get3A_376 = tpu.vector_load %arg14[%get3A_375] {strides = array<i32>} : memref<128xf32, #tpu.memory_space<vmem>>, vector<16xf32>,
        %get3A_377 = vector.shape_cast %get3A_376 : vector<16xf32> to vector<16xf32>
        %mul3A_378 = arith.mulf %get3A_374, %get3A_377 : vector<16xf32>
        %get3A_379 = arith.constant 80 : index
        %get3A_380 = tpu.vector_load %arg15[%get3A_379] {strides = array<i32>} : memref<128xf32, #tpu.memory_space<vmem>>, vector<16xf32>,
        %get3A_381 = vector.shape_cast %get3A_380 : vector<16xf32> to vector<16xf32>
        %add3A_382 = arith.addf %mul3A_378, %get3A_381 : vector<16xf32>
        %max3A_383 = arith.constant 0.000000e+00 : f32
        %max3A_384 = vector.broadcast %max3A_383 : f32 to vector<16xf32>
        %max3A_385 = arith.maximumf %add3A_382, %max3A_384 : vector<16xf32>
        %swap3A_386 = arith.index_cast %scan3A_270 : i32 to index
        %swap3A_387 = arith.constant 80 : index
        %swap3A_388 = tpu.vector_load %arg11[%swap3A_386, %swap3A_387] {strides = array<i32>} : memref<80x128xf32, #tpu.memory_space<vmem>>, vector<1x16xf32>,
        %swap3A_389 = vector.shape_cast %swap3A_388 : vector<1x16xf32> to vector<16xf32>
        %swap3A_390 = vector.shape_cast %max3A_385 : vector<16xf32> to vector<1x16xf32>
        tpu.vector_store %arg11[%swap3A_386, %swap3A_387], %swap3A_390 {strides = array<i32>} : memref<80x128xf32, #tpu.memory_space<vmem>>, vector<1x16xf32>,
        %get3A_391 = arith.index_cast %scan3A_270 : i32 to index
        %get3A_392 = arith.constant 96 : index
        %get3A_393 = tpu.vector_load %arg11[%get3A_391, %get3A_392] {strides = array<i32>} : memref<80x128xf32, #tpu.memory_space<vmem>>, vector<1x16xf32>,
        %get3A_394 = vector.shape_cast %get3A_393 : vector<1x16xf32> to vector<16xf32>
        %get3A_395 = arith.constant 96 : index
        %get3A_396 = tpu.vector_load %arg14[%get3A_395] {strides = array<i32>} : memref<128xf32, #tpu.memory_space<vmem>>, vector<16xf32>,
        %get3A_397 = vector.shape_cast %get3A_396 : vector<16xf32> to vector<16xf32>
        %mul3A_398 = arith.mulf %get3A_394, %get3A_397 : vector<16xf32>
        %get3A_399 = arith.constant 96 : index
        %get3A_400 = tpu.vector_load %arg15[%get3A_399] {strides = array<i32>} : memref<128xf32, #tpu.memory_space<vmem>>, vector<16xf32>,
        %get3A_401 = vector.shape_cast %get3A_400 : vector<16xf32> to vector<16xf32>
        %add3A_402 = arith.addf %mul3A_398, %get3A_401 : vector<16xf32>
        %max3A_403 = arith.constant 0.000000e+00 : f32
        %max3A_404 = vector.broadcast %max3A_403 : f32 to vector<16xf32>
        %max3A_405 = arith.maximumf %add3A_402, %max3A_404 : vector<16xf32>
        %swap3A_406 = arith.index_cast %scan3A_270 : i32 to index
        %swap3A_407 = arith.constant 96 : index
        %swap3A_408 = tpu.vector_load %arg11[%swap3A_406, %swap3A_407] {strides = array<i32>} : memref<80x128xf32, #tpu.memory_space<vmem>>, vector<1x16xf32>,
        %swap3A_409 = vector.shape_cast %swap3A_408 : vector<1x16xf32> to vector<16xf32>
        %swap3A_410 = vector.shape_cast %max3A_405 : vector<16xf32> to vector<1x16xf32>
        tpu.vector_store %arg11[%swap3A_406, %swap3A_407], %swap3A_410 {strides = array<i32>} : memref<80x128xf32, #tpu.memory_space<vmem>>, vector<1x16xf32>,
        %get3A_411 = arith.index_cast %scan3A_270 : i32 to index
        %get3A_412 = arith.constant 112 : index
        %get3A_413 = tpu.vector_load %arg11[%get3A_411, %get3A_412] {strides = array<i32>} : memref<80x128xf32, #tpu.memory_space<vmem>>, vector<1x16xf32>,
        %get3A_414 = vector.shape_cast %get3A_413 : vector<1x16xf32> to vector<16xf32>
        %get3A_415 = arith.constant 112 : index
        %get3A_416 = tpu.vector_load %arg14[%get3A_415] {strides = array<i32>} : memref<128xf32, #tpu.memory_space<vmem>>, vector<16xf32>,
        %get3A_417 = vector.shape_cast %get3A_416 : vector<16xf32> to vector<16xf32>
        %mul3A_418 = arith.mulf %get3A_414, %get3A_417 : vector<16xf32>
        %get3A_419 = arith.constant 112 : index
        %get3A_420 = tpu.vector_load %arg15[%get3A_419] {strides = array<i32>} : memref<128xf32, #tpu.memory_space<vmem>>, vector<16xf32>,
        %get3A_421 = vector.shape_cast %get3A_420 : vector<16xf32> to vector<16xf32>
        %add3A_422 = arith.addf %mul3A_418, %get3A_421 : vector<16xf32>
        %max3A_423 = arith.constant 0.000000e+00 : f32
        %max3A_424 = vector.broadcast %max3A_423 : f32 to vector<16xf32>
        %max3A_425 = arith.maximumf %add3A_422, %max3A_424 : vector<16xf32>
        %swap3A_426 = arith.index_cast %scan3A_270 : i32 to index
        %swap3A_427 = arith.constant 112 : index
        %swap3A_428 = tpu.vector_load %arg11[%swap3A_426, %swap3A_427] {strides = array<i32>} : memref<80x128xf32, #tpu.memory_space<vmem>>, vector<1x16xf32>,
        %swap3A_429 = vector.shape_cast %swap3A_428 : vector<1x16xf32> to vector<16xf32>
        %swap3A_430 = vector.shape_cast %max3A_425 : vector<16xf32> to vector<1x16xf32>
        tpu.vector_store %arg11[%swap3A_426, %swap3A_427], %swap3A_430 {strides = array<i32>} : memref<80x128xf32, #tpu.memory_space<vmem>>, vector<1x16xf32>,
        %scan3A_431 = arith.constant 0 : i32
        scf.yield %scan3A_431 : i32
      }
      %scan3A_92 = arith.constant 80 : i32
      %ge3A_93 = arith.constant 1 : i32
      %ge3A_94 = arith.cmpi sge, %add3A_75, %ge3A_93 : i32
      %convert_element_type3A_95 = arith.extui %ge3A_94 : i1 to i32
      %cond3A_96 = arith.constant 0 : i32
      %cond3A_97 = arith.cmpi ne, %convert_element_type3A_95, %cond3A_96 : i32
      scf.if %cond3A_97 {
        %dma_wait3A_109 = arith.constant 0 : i32
        %dma_wait3A_110 = arith.constant 0 : i32
        %dma_wait3A_111 = tpu.memref_slice %arg2[%dma_wait3A_109, %dma_wait3A_110] : memref<320000x128xf32, #tpu.memory_space<hbm>> -> memref<80x128xf32, #tpu.memory_space<hbm>>
        %dma_wait3A_112 = arith.constant 0 : i32
        %dma_wait3A_113 = arith.constant 0 : i32
        %dma_wait3A_114 = tpu.memref_slice %arg2[%dma_wait3A_112, %dma_wait3A_113] : memref<320000x128xf32, #tpu.memory_space<hbm>> -> memref<80x128xf32, #tpu.memory_space<hbm>>
        tpu.wait_dma2 semaphore(%arg20 : memref<!tpu.dma_semaphore, #tpu.memory_space<semaphore_mem>>) src(%dma_wait3A_114 : memref<80x128xf32, #tpu.memory_space<hbm>>) dst(%arg10 : memref<80x128xf32, #tpu.memory_space<vmem>>)
      } else {
      }
      %add3A_98 = arith.constant 1 : i32
      %add3A_99 = arith.addi %add3A_75, %add3A_98 : i32
      %lt3A_100 = arith.constant 250 : i32
      %lt3A_101 = arith.cmpi slt, %add3A_99, %lt3A_100 : i32
      %convert_element_type3A_102 = arith.extui %lt3A_101 : i1 to i32
      %cond3A_103 = arith.constant 0 : i32
      %cond3A_104 = arith.cmpi ne, %convert_element_type3A_102, %cond3A_103 : i32
      scf.if %cond3A_104 {
        %add3A_109 = arith.constant 1 : i32
        %add3A_110 = arith.addi %add3A_75, %add3A_109 : i32
        %mul3A_111 = arith.constant 80 : i32
        %mul3A_112 = arith.muli %add3A_110, %mul3A_111 : i32
        %add3A_113 = arith.addi %mul3A_8, %mul3A_112 : i32
        %eq3A_114 = arith.constant 0 : i32
        %eq3A_115 = arith.cmpi eq, %arg0, %eq3A_114 : i32
        %convert_element_type3A_116 = arith.extui %eq3A_115 : i1 to i32
        %cond3A_117 = arith.constant 0 : i32
        %cond3A_118 = arith.cmpi ne, %convert_element_type3A_116, %cond3A_117 : i32
        scf.if %cond3A_118 {
          %dma_start3A_126 = arith.constant 0 : i32
          %dma_start3A_127 = tpu.memref_slice %arg2[%add3A_113, %dma_start3A_126] : memref<320000x128xf32, #tpu.memory_space<hbm>> -> memref<80x128xf32, #tpu.memory_space<hbm>>
          %dma_start3A_128 = arith.constant 0 : i32
          %dma_start3A_129 = tpu.memref_slice %arg2[%add3A_113, %dma_start3A_128] : memref<320000x128xf32, #tpu.memory_space<hbm>> -> memref<80x128xf32, #tpu.memory_space<hbm>>
          tpu.enqueue_dma source(%dma_start3A_129 : memref<80x128xf32, #tpu.memory_space<hbm>>) target(%arg10 : memref<80x128xf32, #tpu.memory_space<vmem>>) target_semaphore(%arg16 : memref<!tpu.dma_semaphore, #tpu.memory_space<semaphore_mem>>)
        } else {
        }
        %eq3A_119 = arith.constant 1 : i32
        %eq3A_120 = arith.cmpi eq, %arg0, %eq3A_119 : i32
        %convert_element_type3A_121 = arith.extui %eq3A_120 : i1 to i32
        %cond3A_122 = arith.constant 0 : i32
        %cond3A_123 = arith.cmpi ne, %convert_element_type3A_121, %cond3A_122 : i32
        scf.if %cond3A_123 {
          %dma_start3A_126 = arith.constant 0 : i32
          %dma_start3A_127 = tpu.memref_slice %arg3[%add3A_113, %dma_start3A_126] : memref<320000x128xf32, #tpu.memory_space<hbm>> -> memref<80x128xf32, #tpu.memory_space<hbm>>
          %dma_start3A_128 = arith.constant 0 : i32
          %dma_start3A_129 = tpu.memref_slice %arg3[%add3A_113, %dma_start3A_128] : memref<320000x128xf32, #tpu.memory_space<hbm>> -> memref<80x128xf32, #tpu.memory_space<hbm>>
          tpu.enqueue_dma source(%dma_start3A_129 : memref<80x128xf32, #tpu.memory_space<hbm>>) target(%arg10 : memref<80x128xf32, #tpu.memory_space<vmem>>) target_semaphore(%arg16 : memref<!tpu.dma_semaphore, #tpu.memory_space<semaphore_mem>>)
        } else {
        }
        %dma_start3A_124 = tpu.memref_slice %arg4[%add3A_113] : memref<320000xi32, #tpu.memory_space<hbm>> -> memref<80xi32, #tpu.memory_space<hbm>>
        %dma_start3A_125 = tpu.memref_slice %arg4[%add3A_113] : memref<320000xi32, #tpu.memory_space<hbm>> -> memref<80xi32, #tpu.memory_space<hbm>>
        tpu.enqueue_dma source(%dma_start3A_125 : memref<80xi32, #tpu.memory_space<hbm>>) target(%arg12 : memref<80xi32, #tpu.memory_space<vmem>>) target_semaphore(%arg18 : memref<!tpu.dma_semaphore, #tpu.memory_space<semaphore_mem>>)
      } else {
      }
      %dma_start3A_105 = arith.constant 0 : i32
      %dma_start3A_106 = arith.constant 0 : i32
      %dma_start3A_107 = tpu.memref_slice %arg9[%dma_start3A_105, %dma_start3A_106] : memref<10000x128xf32, #tpu.memory_space<vmem_shared>> -> memref<10000x128xf32, #tpu.memory_space<vmem_shared>>
      tpu.enqueue_indirect_dma source(%arg11 : memref<80x128xf32, #tpu.memory_space<vmem>>) target(%dma_start3A_107 : memref<10000x128xf32, #tpu.memory_space<vmem_shared>>) offsets(%arg13 : memref<80xi32, #tpu.memory_space<vmem>>) semaphore(%arg21 : memref<!tpu.dma_semaphore, #tpu.memory_space<semaphore_mem>>) {add = true}
      %scan3A_108 = arith.constant 0 : i32
      scf.yield %scan3A_108 : i32
    }
    %scan3A_23 = arith.constant 125 : i32
    %dma_wait3A = arith.constant 0 : i32
    %dma_wait3A_24 = arith.constant 0 : i32
    %dma_wait3A_25 = tpu.memref_slice %arg2[%dma_wait3A, %dma_wait3A_24] : memref<320000x128xf32, #tpu.memory_space<hbm>> -> memref<80x128xf32, #tpu.memory_space<hbm>>
    %dma_wait3A_26 = arith.constant 0 : i32
    %dma_wait3A_27 = arith.constant 0 : i32
    %dma_wait3A_28 = tpu.memref_slice %arg2[%dma_wait3A_26, %dma_wait3A_27] : memref<320000x128xf32, #tpu.memory_space<hbm>> -> memref<80x128xf32, #tpu.memory_space<hbm>>
    tpu.wait_dma2 semaphore(%arg21 : memref<!tpu.dma_semaphore, #tpu.memory_space<semaphore_mem>>) src(%dma_wait3A_28 : memref<80x128xf32, #tpu.memory_space<hbm>>) dst(%arg11 : memref<80x128xf32, #tpu.memory_space<vmem>>)
    %barrier3A_29 = arith.constant 0 : index
    tpu.barrier barrier_id(%barrier3A_29)
    %scan3A_30 = arith.constant 0 : i32
    %scan3A_31 = arith.constant 0 : i32
    %scan3A_32 = arith.constant 40 : i32
    %scan3A_33 = arith.addi %scan3A_31, %scan3A_32 : i32
    %scan3A_34 = arith.constant 1 : i32
    %scan3A_35 = scf.for %scan3A_37 = %scan3A_31 to %scan3A_33 step %scan3A_34 iter_args(%scan3A_38 = %scan3A_30) -> (i32)  : i32 {
      %mul3A_39 = arith.constant 16 : i32
      %mul3A_40 = arith.muli %scan3A_37, %mul3A_39 : i32
      %add3A = arith.addi %arg1, %mul3A_40 : i32
      %lt3A = arith.constant 625 : i32
      %lt3A_41 = arith.cmpi slt, %add3A, %lt3A : i32
      %convert_element_type3A_42 = arith.extui %lt3A_41 : i1 to i32
      %cond3A_43 = arith.constant 0 : i32
      %cond3A_44 = arith.cmpi ne, %convert_element_type3A_42, %cond3A_43 : i32
      scf.if %cond3A_44 {
        %mul3A_46 = arith.constant 16 : i32
        %mul3A_47 = arith.muli %add3A, %mul3A_46 : i32
        "tpu.region"() ({
          %run_scoped3A = tpu.sem_alloc : memref<!tpu.dma_semaphore, #tpu.memory_space<semaphore_mem>>
          %dma_start3A_48 = tpu.memref_slice %arg8[%mul3A_47, %multiple_of3A] : memref<10000x256xf32, #tpu.memory_space<hbm>> -> memref<16x128xf32, #tpu.memory_space<hbm>>
          %dma_start3A_49 = arith.constant 0 : i32
          %dma_start3A_50 = tpu.memref_slice %arg9[%mul3A_47, %dma_start3A_49] : memref<10000x128xf32, #tpu.memory_space<vmem_shared>> -> memref<16x128xf32, #tpu.memory_space<vmem_shared>>
          tpu.enqueue_dma source(%dma_start3A_50 : memref<16x128xf32, #tpu.memory_space<vmem_shared>>) target(%dma_start3A_48 : memref<16x128xf32, #tpu.memory_space<hbm>>) target_semaphore(%run_scoped3A : memref<!tpu.dma_semaphore, #tpu.memory_space<semaphore_mem>>)
          %dma_wait3A_51 = tpu.memref_slice %arg8[%mul3A_47, %multiple_of3A] : memref<10000x256xf32, #tpu.memory_space<hbm>> -> memref<16x128xf32, #tpu.memory_space<hbm>>
          %dma_wait3A_52 = arith.constant 0 : i32
          %dma_wait3A_53 = tpu.memref_slice %arg9[%mul3A_47, %dma_wait3A_52] : memref<10000x128xf32, #tpu.memory_space<vmem_shared>> -> memref<16x128xf32, #tpu.memory_space<vmem_shared>>
          tpu.wait_dma2 semaphore(%run_scoped3A : memref<!tpu.dma_semaphore, #tpu.memory_space<semaphore_mem>>) src(%dma_wait3A_53 : memref<16x128xf32, #tpu.memory_space<vmem_shared>>) dst(%dma_wait3A_51 : memref<16x128xf32, #tpu.memory_space<hbm>>)
          tpu.yield
        }) : () -> ()
      } else {
      }
      %scan3A_45 = arith.constant 0 : i32
      scf.yield %scan3A_45 : i32
    }
    %scan3A_36 = arith.constant 40 : i32
    return
  }
}

module attributes {stable_mosaic.version = 14 : i64} {
  func.func @_uv_body(%arg0: i32, %arg1: memref<2000x128xf32, #tpu.memory_space<vmem>>, %arg2: memref<128x256xf32, #tpu.memory_space<vmem>>, %arg3: memref<128x256xf32, #tpu.memory_space<vmem>>, %arg4: memref<1x256xf32, #tpu.memory_space<vmem>>, %arg5: memref<2000x256xf32, #tpu.memory_space<vmem>>, %arg6: memref<2000x256xf32, #tpu.memory_space<vmem>>) attributes {dimension_semantics = [#tpu.dimension_semantics<arbitrary>], iteration_bounds = array<i64: 5>, scalar_prefetch = 0 : i64, scratch_operands = 0 : i64, tpu.core_type = #tpu.core_type<tc>, window_params = [{transform_indices = @transform_0, window_bounds = array<i64: 2000, 128>}, {pipeline_mode = #tpu.pipeline_mode<synchronous>, transform_indices = @transform_1, window_bounds = array<i64: 128, 256>}, {pipeline_mode = #tpu.pipeline_mode<synchronous>, transform_indices = @transform_2, window_bounds = array<i64: 128, 256>}, {pipeline_mode = #tpu.pipeline_mode<synchronous>, transform_indices = @transform_3, window_bounds = array<i64: 1, 256>}, {transform_indices = @transform_4, window_bounds = array<i64: 2000, 256>}, {transform_indices = @transform_5, window_bounds = array<i64: 2000, 256>}]} {
    %get3A = arith.constant 0 : index
    %get3A_0 = arith.constant 0 : index
    %get3A_1 = vector.load %arg1[%get3A, %get3A_0] : memref<2000x128xf32, #tpu.memory_space<vmem>>, vector<2000x128xf32>
    %get3A_2 = arith.constant 0 : index
    %get3A_3 = arith.constant 0 : index
    %get3A_4 = vector.load %arg2[%get3A_2, %get3A_3] : memref<128x256xf32, #tpu.memory_space<vmem>>, vector<128x256xf32>
    %dot_general3A = arith.constant dense<0.000000e+00> : vector<2000x256xf32>
    %dot_general3A_5 = tpu.matmul %get3A_1, %get3A_4, %dot_general3A {dimension_numbers = #tpu.dot_dimension_numbers<[1], [0], [0], [1], [0, 0, 1, 1], [], []>, transpose_lhs_hint = false} : vector<2000x128xf32>, vector<128x256xf32>, vector<2000x256xf32> -> vector<2000x256xf32>
    %get3A_6 = arith.constant 0 : index
    %get3A_7 = arith.constant 0 : index
    %get3A_8 = vector.load %arg4[%get3A_6, %get3A_7] : memref<1x256xf32, #tpu.memory_space<vmem>>, vector<1x256xf32>
    %add3A = vector.broadcast %get3A_8 : vector<1x256xf32> to vector<2000x256xf32>
    %add3A_9 = arith.addf %dot_general3A_5, %add3A : vector<2000x256xf32>
    %swap3A = arith.constant 0 : index
    %swap3A_10 = arith.constant 0 : index
    %swap3A_11 = vector.load %arg5[%swap3A, %swap3A_10] : memref<2000x256xf32, #tpu.memory_space<vmem>>, vector<2000x256xf32>
    tpu.vector_store %arg5[%swap3A, %swap3A_10], %add3A_9 {strides = array<i32>} : memref<2000x256xf32, #tpu.memory_space<vmem>>, vector<2000x256xf32>,
    %get3A_12 = arith.constant 0 : index
    %get3A_13 = arith.constant 0 : index
    %get3A_14 = vector.load %arg3[%get3A_12, %get3A_13] : memref<128x256xf32, #tpu.memory_space<vmem>>, vector<128x256xf32>
    %dot_general3A_15 = arith.constant dense<0.000000e+00> : vector<2000x256xf32>
    %dot_general3A_16 = tpu.matmul %get3A_1, %get3A_14, %dot_general3A_15 {dimension_numbers = #tpu.dot_dimension_numbers<[1], [0], [0], [1], [0, 0, 1, 1], [], []>, transpose_lhs_hint = false} : vector<2000x128xf32>, vector<128x256xf32>, vector<2000x256xf32> -> vector<2000x256xf32>
    %swap3A_17 = arith.constant 0 : index
    %swap3A_18 = arith.constant 0 : index
    %swap3A_19 = vector.load %arg6[%swap3A_17, %swap3A_18] : memref<2000x256xf32, #tpu.memory_space<vmem>>, vector<2000x256xf32>
    tpu.vector_store %arg6[%swap3A_17, %swap3A_18], %dot_general3A_16 {strides = array<i32>} : memref<2000x256xf32, #tpu.memory_space<vmem>>, vector<2000x256xf32>,
    return
  }
  func.func @transform_0(%arg0: i32) -> (i32, i32) {
    %c0_i32 = arith.constant 0 : i32
    %c0_i32_0 = arith.constant 0 : i32
    return %arg0, %c0_i32 : i32, i32
  }
  func.func @transform_1(%arg0: i32) -> (i32, i32) {
    %c0_i32 = arith.constant 0 : i32
    %c0_i32_0 = arith.constant 0 : i32
    %c0_i32_1 = arith.constant 0 : i32
    return %c0_i32, %c0_i32_0 : i32, i32
  }
  func.func @transform_2(%arg0: i32) -> (i32, i32) {
    %c0_i32 = arith.constant 0 : i32
    %c0_i32_0 = arith.constant 0 : i32
    %c0_i32_1 = arith.constant 0 : i32
    return %c0_i32, %c0_i32_0 : i32, i32
  }
  func.func @transform_3(%arg0: i32) -> (i32, i32) {
    %c0_i32 = arith.constant 0 : i32
    %c0_i32_0 = arith.constant 0 : i32
    %c0_i32_1 = arith.constant 0 : i32
    return %c0_i32, %c0_i32_0 : i32, i32
  }
  func.func @transform_4(%arg0: i32) -> (i32, i32) {
    %c0_i32 = arith.constant 0 : i32
    %c0_i32_0 = arith.constant 0 : i32
    return %arg0, %c0_i32 : i32, i32
  }
  func.func @transform_5(%arg0: i32) -> (i32, i32) {
    %c0_i32 = arith.constant 0 : i32
    %c0_i32_0 = arith.constant 0 : i32
    return %arg0, %c0_i32 : i32, i32
  }
}

module attributes {stable_mosaic.version = 14 : i64} {
  func.func @_mm_body(%arg0: i32, %arg1: memref<4000x256xf32, #tpu.memory_space<vmem>>, %arg2: memref<1x256xf32, #tpu.memory_space<vmem>>, %arg3: memref<1x256xf32, #tpu.memory_space<vmem>>, %arg4: memref<256x256xbf16, #tpu.memory_space<vmem>>, %arg5: memref<1x256xf32, #tpu.memory_space<vmem>>, %arg6: memref<4000x256xbf16, #tpu.memory_space<vmem>>, %arg7: memref<2x256xf32, #tpu.memory_space<vmem>>) attributes {dimension_semantics = [#tpu.dimension_semantics<arbitrary>], iteration_bounds = array<i64: 80>, scalar_prefetch = 0 : i64, scratch_operands = 0 : i64, tpu.core_type = #tpu.core_type<tc>, window_params = [{transform_indices = @transform_0, window_bounds = array<i64: 4000, 256>}, {pipeline_mode = #tpu.pipeline_mode<synchronous>, transform_indices = @transform_1, window_bounds = array<i64: 1, 256>}, {pipeline_mode = #tpu.pipeline_mode<synchronous>, transform_indices = @transform_2, window_bounds = array<i64: 1, 256>}, {pipeline_mode = #tpu.pipeline_mode<synchronous>, transform_indices = @transform_3, window_bounds = array<i64: 256, 256>}, {pipeline_mode = #tpu.pipeline_mode<synchronous>, transform_indices = @transform_4, window_bounds = array<i64: 1, 256>}, {transform_indices = @transform_5, window_bounds = array<i64: 4000, 256>}, {pipeline_mode = #tpu.pipeline_mode<synchronous>, transform_indices = @transform_6, window_bounds = array<i64: 2, 256>}]} {
    %get3A = arith.constant 0 : index
    %get3A_0 = arith.constant 0 : index
    %get3A_1 = vector.load %arg1[%get3A, %get3A_0] : memref<4000x256xf32, #tpu.memory_space<vmem>>, vector<4000x256xf32>
    %get3A_2 = arith.constant 0 : index
    %get3A_3 = arith.constant 0 : index
    %get3A_4 = vector.load %arg2[%get3A_2, %get3A_3] : memref<1x256xf32, #tpu.memory_space<vmem>>, vector<1x256xf32>
    %mul3A = vector.broadcast %get3A_4 : vector<1x256xf32> to vector<4000x256xf32>
    %mul3A_5 = arith.mulf %get3A_1, %mul3A : vector<4000x256xf32>
    %get3A_6 = arith.constant 0 : index
    %get3A_7 = arith.constant 0 : index
    %get3A_8 = vector.load %arg3[%get3A_6, %get3A_7] : memref<1x256xf32, #tpu.memory_space<vmem>>, vector<1x256xf32>
    %add3A = vector.broadcast %get3A_8 : vector<1x256xf32> to vector<4000x256xf32>
    %add3A_9 = arith.addf %mul3A_5, %add3A : vector<4000x256xf32>
    %max3A = arith.constant 0.000000e+00 : f32
    %max3A_10 = vector.broadcast %max3A : f32 to vector<4000x256xf32>
    %max3A_11 = arith.maximumf %add3A_9, %max3A_10 : vector<4000x256xf32>
    %convert_element_type3A = arith.truncf %max3A_11 : vector<4000x256xf32> to vector<4000x256xbf16>
    %get3A_12 = arith.constant 0 : index
    %get3A_13 = arith.constant 0 : index
    %get3A_14 = vector.load %arg4[%get3A_12, %get3A_13] : memref<256x256xbf16, #tpu.memory_space<vmem>>, vector<256x256xbf16>
    %dot_general3A = arith.constant dense<0.000000e+00> : vector<4000x256xf32>
    %dot_general3A_15 = tpu.matmul %convert_element_type3A, %get3A_14, %dot_general3A {dimension_numbers = #tpu.dot_dimension_numbers<[1], [0], [0], [1], [0, 0, 1, 1], [], []>, transpose_lhs_hint = false} : vector<4000x256xbf16>, vector<256x256xbf16>, vector<4000x256xf32> -> vector<4000x256xf32>
    %get3A_16 = arith.constant 0 : index
    %get3A_17 = arith.constant 0 : index
    %get3A_18 = vector.load %arg5[%get3A_16, %get3A_17] : memref<1x256xf32, #tpu.memory_space<vmem>>, vector<1x256xf32>
    %add3A_19 = vector.broadcast %get3A_18 : vector<1x256xf32> to vector<4000x256xf32>
    %add3A_20 = arith.addf %dot_general3A_15, %add3A_19 : vector<4000x256xf32>
    %convert_element_type3A_21 = arith.truncf %add3A_20 : vector<4000x256xf32> to vector<4000x256xbf16>
    %swap3A = arith.constant 0 : index
    %swap3A_22 = arith.constant 0 : index
    %swap3A_23 = vector.load %arg6[%swap3A, %swap3A_22] : memref<4000x256xbf16, #tpu.memory_space<vmem>>, vector<4000x256xbf16>
    tpu.vector_store %arg6[%swap3A, %swap3A_22], %convert_element_type3A_21 {strides = array<i32>} : memref<4000x256xbf16, #tpu.memory_space<vmem>>, vector<4000x256xbf16>,
    %reduce_sum3A = arith.constant dense<0.000000e+00> : vector<256xf32>
    %reduce_sum3A_24 = vector.multi_reduction <add>, %add3A_20, %reduce_sum3A [0] : vector<4000x256xf32> to vector<256xf32>
    %broadcast_in_dim3A = vector.shape_cast %reduce_sum3A_24 : vector<256xf32> to vector<1x256xf32>
    %mul3A_25 = arith.mulf %add3A_20, %add3A_20 : vector<4000x256xf32>
    %reduce_sum3A_26 = arith.constant dense<0.000000e+00> : vector<256xf32>
    %reduce_sum3A_27 = vector.multi_reduction <add>, %mul3A_25, %reduce_sum3A_26 [0] : vector<4000x256xf32> to vector<256xf32>
    %broadcast_in_dim3A_28 = vector.shape_cast %reduce_sum3A_27 : vector<256xf32> to vector<1x256xf32>
    %concatenate3A = tpu.concatenate %broadcast_in_dim3A, %broadcast_in_dim3A_28 in 0 : vector<1x256xf32>, vector<1x256xf32> -> vector<2x256xf32>
    %eq3A = arith.constant 0 : i32
    %eq3A_29 = arith.cmpi eq, %arg0, %eq3A : i32
    %convert_element_type3A_30 = arith.extui %eq3A_29 : i1 to i32
    %cond3A = arith.constant 0 : i32
    %cond3A_31 = arith.cmpi ne, %convert_element_type3A_30, %cond3A : i32
    scf.if %cond3A_31 {
      %swap3A_36 = arith.constant 0 : index
      %swap3A_37 = arith.constant 0 : index
      %swap3A_38 = vector.load %arg7[%swap3A_36, %swap3A_37] : memref<2x256xf32, #tpu.memory_space<vmem>>, vector<2x256xf32>
      tpu.vector_store %arg7[%swap3A_36, %swap3A_37], %concatenate3A {strides = array<i32>} : memref<2x256xf32, #tpu.memory_space<vmem>>, vector<2x256xf32>,
    } else {
    }
    %gt3A = arith.constant 0 : i32
    %gt3A_32 = arith.cmpi sgt, %arg0, %gt3A : i32
    %convert_element_type3A_33 = arith.extui %gt3A_32 : i1 to i32
    %cond3A_34 = arith.constant 0 : i32
    %cond3A_35 = arith.cmpi ne, %convert_element_type3A_33, %cond3A_34 : i32
    scf.if %cond3A_35 {
      %get3A_36 = arith.constant 0 : index
      %get3A_37 = arith.constant 0 : index
      %get3A_38 = vector.load %arg7[%get3A_36, %get3A_37] : memref<2x256xf32, #tpu.memory_space<vmem>>, vector<2x256xf32>
      %add3A_39 = arith.addf %get3A_38, %concatenate3A : vector<2x256xf32>
      %swap3A_40 = arith.constant 0 : index
      %swap3A_41 = arith.constant 0 : index
      %swap3A_42 = vector.load %arg7[%swap3A_40, %swap3A_41] : memref<2x256xf32, #tpu.memory_space<vmem>>, vector<2x256xf32>
      tpu.vector_store %arg7[%swap3A_40, %swap3A_41], %add3A_39 {strides = array<i32>} : memref<2x256xf32, #tpu.memory_space<vmem>>, vector<2x256xf32>,
    } else {
    }
    return
  }
  func.func @transform_0(%arg0: i32) -> (i32, i32) {
    %c0_i32 = arith.constant 0 : i32
    %c0_i32_0 = arith.constant 0 : i32
    return %arg0, %c0_i32 : i32, i32
  }
  func.func @transform_1(%arg0: i32) -> (i32, i32) {
    %c0_i32 = arith.constant 0 : i32
    %c0_i32_0 = arith.constant 0 : i32
    %c0_i32_1 = arith.constant 0 : i32
    return %c0_i32, %c0_i32_0 : i32, i32
  }
  func.func @transform_2(%arg0: i32) -> (i32, i32) {
    %c0_i32 = arith.constant 0 : i32
    %c0_i32_0 = arith.constant 0 : i32
    %c0_i32_1 = arith.constant 0 : i32
    return %c0_i32, %c0_i32_0 : i32, i32
  }
  func.func @transform_3(%arg0: i32) -> (i32, i32) {
    %c0_i32 = arith.constant 0 : i32
    %c0_i32_0 = arith.constant 0 : i32
    %c0_i32_1 = arith.constant 0 : i32
    return %c0_i32, %c0_i32_0 : i32, i32
  }
  func.func @transform_4(%arg0: i32) -> (i32, i32) {
    %c0_i32 = arith.constant 0 : i32
    %c0_i32_0 = arith.constant 0 : i32
    %c0_i32_1 = arith.constant 0 : i32
    return %c0_i32, %c0_i32_0 : i32, i32
  }
  func.func @transform_5(%arg0: i32) -> (i32, i32) {
    %c0_i32 = arith.constant 0 : i32
    %c0_i32_0 = arith.constant 0 : i32
    return %arg0, %c0_i32 : i32, i32
  }
  func.func @transform_6(%arg0: i32) -> (i32, i32) {
    %c0_i32 = arith.constant 0 : i32
    %c0_i32_0 = arith.constant 0 : i32
    %c0_i32_1 = arith.constant 0 : i32
    return %c0_i32, %c0_i32_0 : i32, i32
  }
}

module attributes {stable_mosaic.version = 14 : i64} {
  func.func @_mm3_body(%arg0: i32, %arg1: memref<4000x256xbf16, #tpu.memory_space<vmem>>, %arg2: memref<1x256xf32, #tpu.memory_space<vmem>>, %arg3: memref<1x256xf32, #tpu.memory_space<vmem>>, %arg4: memref<256x256xbf16, #tpu.memory_space<vmem>>, %arg5: memref<1x256xf32, #tpu.memory_space<vmem>>, %arg6: memref<4000x128xf32, #tpu.memory_space<vmem>>, %arg7: memref<4000x128xf32, #tpu.memory_space<vmem>>, %arg8: memref<2x256xf32, #tpu.memory_space<vmem>>) attributes {dimension_semantics = [#tpu.dimension_semantics<arbitrary>], iteration_bounds = array<i64: 80>, scalar_prefetch = 0 : i64, scratch_operands = 0 : i64, tpu.core_type = #tpu.core_type<tc>, window_params = [{transform_indices = @transform_0, window_bounds = array<i64: 4000, 256>}, {pipeline_mode = #tpu.pipeline_mode<synchronous>, transform_indices = @transform_1, window_bounds = array<i64: 1, 256>}, {pipeline_mode = #tpu.pipeline_mode<synchronous>, transform_indices = @transform_2, window_bounds = array<i64: 1, 256>}, {pipeline_mode = #tpu.pipeline_mode<synchronous>, transform_indices = @transform_3, window_bounds = array<i64: 256, 256>}, {pipeline_mode = #tpu.pipeline_mode<synchronous>, transform_indices = @transform_4, window_bounds = array<i64: 1, 256>}, {transform_indices = @transform_5, window_bounds = array<i64: 4000, 128>}, {transform_indices = @transform_6, window_bounds = array<i64: 4000, 128>}, {pipeline_mode = #tpu.pipeline_mode<synchronous>, transform_indices = @transform_7, window_bounds = array<i64: 2, 256>}]} {
    %get3A = arith.constant 0 : index
    %get3A_0 = arith.constant 0 : index
    %get3A_1 = vector.load %arg1[%get3A, %get3A_0] : memref<4000x256xbf16, #tpu.memory_space<vmem>>, vector<4000x256xbf16>
    %convert_element_type3A = arith.extf %get3A_1 : vector<4000x256xbf16> to vector<4000x256xf32>
    %get3A_2 = arith.constant 0 : index
    %get3A_3 = arith.constant 0 : index
    %get3A_4 = vector.load %arg2[%get3A_2, %get3A_3] : memref<1x256xf32, #tpu.memory_space<vmem>>, vector<1x256xf32>
    %mul3A = vector.broadcast %get3A_4 : vector<1x256xf32> to vector<4000x256xf32>
    %mul3A_5 = arith.mulf %convert_element_type3A, %mul3A : vector<4000x256xf32>
    %get3A_6 = arith.constant 0 : index
    %get3A_7 = arith.constant 0 : index
    %get3A_8 = vector.load %arg3[%get3A_6, %get3A_7] : memref<1x256xf32, #tpu.memory_space<vmem>>, vector<1x256xf32>
    %add3A = vector.broadcast %get3A_8 : vector<1x256xf32> to vector<4000x256xf32>
    %add3A_9 = arith.addf %mul3A_5, %add3A : vector<4000x256xf32>
    %max3A = arith.constant 0.000000e+00 : f32
    %max3A_10 = vector.broadcast %max3A : f32 to vector<4000x256xf32>
    %max3A_11 = arith.maximumf %add3A_9, %max3A_10 : vector<4000x256xf32>
    %convert_element_type3A_12 = arith.truncf %max3A_11 : vector<4000x256xf32> to vector<4000x256xbf16>
    %get3A_13 = arith.constant 0 : index
    %get3A_14 = arith.constant 0 : index
    %get3A_15 = vector.load %arg4[%get3A_13, %get3A_14] : memref<256x256xbf16, #tpu.memory_space<vmem>>, vector<256x256xbf16>
    %dot_general3A = arith.constant dense<0.000000e+00> : vector<4000x256xf32>
    %dot_general3A_16 = tpu.matmul %convert_element_type3A_12, %get3A_15, %dot_general3A {dimension_numbers = #tpu.dot_dimension_numbers<[1], [0], [0], [1], [0, 0, 1, 1], [], []>, transpose_lhs_hint = false} : vector<4000x256xbf16>, vector<256x256xbf16>, vector<4000x256xf32> -> vector<4000x256xf32>
    %get3A_17 = arith.constant 0 : index
    %get3A_18 = arith.constant 0 : index
    %get3A_19 = vector.load %arg5[%get3A_17, %get3A_18] : memref<1x256xf32, #tpu.memory_space<vmem>>, vector<1x256xf32>
    %add3A_20 = vector.broadcast %get3A_19 : vector<1x256xf32> to vector<4000x256xf32>
    %add3A_21 = arith.addf %dot_general3A_16, %add3A_20 : vector<4000x256xf32>
    %slice3A = vector.extract_strided_slice %add3A_21 {offsets = [0, 0], sizes = [4000, 128], strides = [1, 1]} : vector<4000x256xf32> to vector<4000x128xf32>
    %swap3A = arith.constant 0 : index
    %swap3A_22 = arith.constant 0 : index
    %swap3A_23 = vector.load %arg6[%swap3A, %swap3A_22] : memref<4000x128xf32, #tpu.memory_space<vmem>>, vector<4000x128xf32>
    tpu.vector_store %arg6[%swap3A, %swap3A_22], %slice3A {strides = array<i32>} : memref<4000x128xf32, #tpu.memory_space<vmem>>, vector<4000x128xf32>,
    %slice3A_24 = vector.extract_strided_slice %add3A_21 {offsets = [0, 128], sizes = [4000, 128], strides = [1, 1]} : vector<4000x256xf32> to vector<4000x128xf32>
    %swap3A_25 = arith.constant 0 : index
    %swap3A_26 = arith.constant 0 : index
    %swap3A_27 = vector.load %arg7[%swap3A_25, %swap3A_26] : memref<4000x128xf32, #tpu.memory_space<vmem>>, vector<4000x128xf32>
    tpu.vector_store %arg7[%swap3A_25, %swap3A_26], %slice3A_24 {strides = array<i32>} : memref<4000x128xf32, #tpu.memory_space<vmem>>, vector<4000x128xf32>,
    %reduce_sum3A = arith.constant dense<0.000000e+00> : vector<256xf32>
    %reduce_sum3A_28 = vector.multi_reduction <add>, %add3A_21, %reduce_sum3A [0] : vector<4000x256xf32> to vector<256xf32>
    %broadcast_in_dim3A = vector.shape_cast %reduce_sum3A_28 : vector<256xf32> to vector<1x256xf32>
    %mul3A_29 = arith.mulf %add3A_21, %add3A_21 : vector<4000x256xf32>
    %reduce_sum3A_30 = arith.constant dense<0.000000e+00> : vector<256xf32>
    %reduce_sum3A_31 = vector.multi_reduction <add>, %mul3A_29, %reduce_sum3A_30 [0] : vector<4000x256xf32> to vector<256xf32>
    %broadcast_in_dim3A_32 = vector.shape_cast %reduce_sum3A_31 : vector<256xf32> to vector<1x256xf32>
    %concatenate3A = tpu.concatenate %broadcast_in_dim3A, %broadcast_in_dim3A_32 in 0 : vector<1x256xf32>, vector<1x256xf32> -> vector<2x256xf32>
    %eq3A = arith.constant 0 : i32
    %eq3A_33 = arith.cmpi eq, %arg0, %eq3A : i32
    %convert_element_type3A_34 = arith.extui %eq3A_33 : i1 to i32
    %cond3A = arith.constant 0 : i32
    %cond3A_35 = arith.cmpi ne, %convert_element_type3A_34, %cond3A : i32
    scf.if %cond3A_35 {
      %swap3A_40 = arith.constant 0 : index
      %swap3A_41 = arith.constant 0 : index
      %swap3A_42 = vector.load %arg8[%swap3A_40, %swap3A_41] : memref<2x256xf32, #tpu.memory_space<vmem>>, vector<2x256xf32>
      tpu.vector_store %arg8[%swap3A_40, %swap3A_41], %concatenate3A {strides = array<i32>} : memref<2x256xf32, #tpu.memory_space<vmem>>, vector<2x256xf32>,
    } else {
    }
    %gt3A = arith.constant 0 : i32
    %gt3A_36 = arith.cmpi sgt, %arg0, %gt3A : i32
    %convert_element_type3A_37 = arith.extui %gt3A_36 : i1 to i32
    %cond3A_38 = arith.constant 0 : i32
    %cond3A_39 = arith.cmpi ne, %convert_element_type3A_37, %cond3A_38 : i32
    scf.if %cond3A_39 {
      %get3A_40 = arith.constant 0 : index
      %get3A_41 = arith.constant 0 : index
      %get3A_42 = vector.load %arg8[%get3A_40, %get3A_41] : memref<2x256xf32, #tpu.memory_space<vmem>>, vector<2x256xf32>
      %add3A_43 = arith.addf %get3A_42, %concatenate3A : vector<2x256xf32>
      %swap3A_44 = arith.constant 0 : index
      %swap3A_45 = arith.constant 0 : index
      %swap3A_46 = vector.load %arg8[%swap3A_44, %swap3A_45] : memref<2x256xf32, #tpu.memory_space<vmem>>, vector<2x256xf32>
      tpu.vector_store %arg8[%swap3A_44, %swap3A_45], %add3A_43 {strides = array<i32>} : memref<2x256xf32, #tpu.memory_space<vmem>>, vector<2x256xf32>,
    } else {
    }
    return
  }
  func.func @transform_0(%arg0: i32) -> (i32, i32) {
    %c0_i32 = arith.constant 0 : i32
    %c0_i32_0 = arith.constant 0 : i32
    return %arg0, %c0_i32 : i32, i32
  }
  func.func @transform_1(%arg0: i32) -> (i32, i32) {
    %c0_i32 = arith.constant 0 : i32
    %c0_i32_0 = arith.constant 0 : i32
    %c0_i32_1 = arith.constant 0 : i32
    return %c0_i32, %c0_i32_0 : i32, i32
  }
  func.func @transform_2(%arg0: i32) -> (i32, i32) {
    %c0_i32 = arith.constant 0 : i32
    %c0_i32_0 = arith.constant 0 : i32
    %c0_i32_1 = arith.constant 0 : i32
    return %c0_i32, %c0_i32_0 : i32, i32
  }
  func.func @transform_3(%arg0: i32) -> (i32, i32) {
    %c0_i32 = arith.constant 0 : i32
    %c0_i32_0 = arith.constant 0 : i32
    %c0_i32_1 = arith.constant 0 : i32
    return %c0_i32, %c0_i32_0 : i32, i32
  }
  func.func @transform_4(%arg0: i32) -> (i32, i32) {
    %c0_i32 = arith.constant 0 : i32
    %c0_i32_0 = arith.constant 0 : i32
    %c0_i32_1 = arith.constant 0 : i32
    return %c0_i32, %c0_i32_0 : i32, i32
  }
  func.func @transform_5(%arg0: i32) -> (i32, i32) {
    %c0_i32 = arith.constant 0 : i32
    %c0_i32_0 = arith.constant 0 : i32
    return %arg0, %c0_i32 : i32, i32
  }
  func.func @transform_6(%arg0: i32) -> (i32, i32) {
    %c0_i32 = arith.constant 0 : i32
    %c0_i32_0 = arith.constant 0 : i32
    return %arg0, %c0_i32 : i32, i32
  }
  func.func @transform_7(%arg0: i32) -> (i32, i32) {
    %c0_i32 = arith.constant 0 : i32
    %c0_i32_0 = arith.constant 0 : i32
    %c0_i32_1 = arith.constant 0 : i32
    return %c0_i32, %c0_i32_0 : i32, i32
  }
}

module attributes {stable_mosaic.version = 14 : i64} {
  func.func @_div_body(%arg0: i32, %arg1: memref<2000x256xf32, #tpu.memory_space<vmem>>, %arg2: memref<2000x1xf32, #tpu.memory_space<vmem>>, %arg3: memref<2000x1xf32, #tpu.memory_space<vmem>>, %arg4: memref<2000x256xf32, #tpu.memory_space<vmem>>) attributes {dimension_semantics = [#tpu.dimension_semantics<arbitrary>], iteration_bounds = array<i64: 5>, scalar_prefetch = 0 : i64, scratch_operands = 0 : i64, tpu.core_type = #tpu.core_type<tc>, window_params = [{transform_indices = @transform_0, window_bounds = array<i64: 2000, 256>}, {transform_indices = @transform_1, window_bounds = array<i64: 2000, 1>}, {transform_indices = @transform_2, window_bounds = array<i64: 2000, 1>}, {transform_indices = @transform_3, window_bounds = array<i64: 2000, 256>}]} {
    %get3A = arith.constant 0 : index
    %get3A_0 = arith.constant 0 : index
    %get3A_1 = vector.load %arg2[%get3A, %get3A_0] : memref<2000x1xf32, #tpu.memory_space<vmem>>, vector<2000x1xf32>
    %get3A_2 = arith.constant 0 : index
    %get3A_3 = arith.constant 0 : index
    %get3A_4 = vector.load %arg3[%get3A_2, %get3A_3] : memref<2000x1xf32, #tpu.memory_space<vmem>>, vector<2000x1xf32>
    %add3A = arith.addf %get3A_1, %get3A_4 : vector<2000x1xf32>
    %max3A = arith.constant 1.000000e+00 : f32
    %max3A_5 = vector.broadcast %max3A : f32 to vector<2000x1xf32>
    %max3A_6 = arith.maximumf %add3A, %max3A_5 : vector<2000x1xf32>
    %get3A_7 = arith.constant 0 : index
    %get3A_8 = arith.constant 0 : index
    %get3A_9 = vector.load %arg1[%get3A_7, %get3A_8] : memref<2000x256xf32, #tpu.memory_space<vmem>>, vector<2000x256xf32>
    %div3A = vector.broadcast %max3A_6 : vector<2000x1xf32> to vector<2000x256xf32>
    %div3A_10 = arith.divf %get3A_9, %div3A : vector<2000x256xf32>
    %swap3A = arith.constant 0 : index
    %swap3A_11 = arith.constant 0 : index
    %swap3A_12 = vector.load %arg4[%swap3A, %swap3A_11] : memref<2000x256xf32, #tpu.memory_space<vmem>>, vector<2000x256xf32>
    tpu.vector_store %arg4[%swap3A, %swap3A_11], %div3A_10 {strides = array<i32>} : memref<2000x256xf32, #tpu.memory_space<vmem>>, vector<2000x256xf32>,
    return
  }
  func.func @transform_0(%arg0: i32) -> (i32, i32) {
    %c0_i32 = arith.constant 0 : i32
    %c0_i32_0 = arith.constant 0 : i32
    return %arg0, %c0_i32 : i32, i32
  }
  func.func @transform_1(%arg0: i32) -> (i32, i32) {
    %c0_i32 = arith.constant 0 : i32
    %c0_i32_0 = arith.constant 0 : i32
    return %arg0, %c0_i32 : i32, i32
  }
  func.func @transform_2(%arg0: i32) -> (i32, i32) {
    %c0_i32 = arith.constant 0 : i32
    %c0_i32_0 = arith.constant 0 : i32
    return %arg0, %c0_i32 : i32, i32
  }
  func.func @transform_3(%arg0: i32) -> (i32, i32) {
    %c0_i32 = arith.constant 0 : i32
    %c0_i32_0 = arith.constant 0 : i32
    return %arg0, %c0_i32 : i32, i32
  }
}

</mosaic_0001>

<sc_bundles>
// kernel: kernel.11.cloned.1.call-start
scs
__scs_entry_jumppad:
0x0: {  	(pc) =	sbr.rel $0x88, $3  }
0x1: {  	(tag) =	ssettag $0x0;
	lr =	simm.s32 $0x1  }
0x2: {  	[smem:$0x3F93] =	sst lr;
	_ =	strace $0xD0000000  }
0x3: {  	_ = 	snop  }
0x4: {  	_ = 	snop  }
0x5: {  	_ = 	snop  }
0x6: {  	_ = 	snop  }
0x7: {  	_ = 	snop  }
__scs_overlays_trampoline_lowered:
0x8: {  	[smem:$0x3FA2] =	sst s0  }
0x9: {  	[smem:$0x3FA3] =	sst s1  }
0xa: {  	[smem:$0x3FA4] =	sst s2  }
0xb: {  	[smem:$0x3FA5] =	sst s3  }
0xc: {  	[smem:$0x3FA6] =	sst s4  }
0xd: {  	[smem:$0x3FA7] =	sst s5  }
0xe: {  	[smem:$0x3FA8] =	sst s6  }
0xf: {  	[smem:$0x3FA9] =	sst s7  }
0x10: {  	[smem:$0x3FAA] =	sst s8  }
0x11: {  	[smem:$0x3FAB] =	sst s9;
	s0 =	simm.s32 @!p0 $0x0  }
0x12: {  	s1 =	sld [smem:$0x3F91];
	s0 =	simm.s32 @p0 $0x1  }
0x13: {  	[smem:$0x3FAC] =	sst s0;
	s0 =	simm.s32 @!p1 $0x0  }
0x14: {  	s2 =	sld [smem:$0x3F90];
	s0 =	simm.s32 @p1 $0x1  }
0x15: {  	[smem:$0x3FAD] =	sst s0;
	s0 =	simm.s32 @!p2 $0x0  }
0x16: {  	s3 =	sld [smem:$0x3FDB];
	s0 =	simm.s32 @p2 $0x1  }
0x17: {  	s4 =	simm.s32 $0x1BF5;
	[smem:$0x3FAF] =	sst s0  }
0x18: {  	s0 =	sld [smem:$0x3F92];
	_ =	swait.ge [sflag:s4], $0x0  }
0x19: {  	s7 =	sld [smem:$0x3F93]  }
0x1a: {  	s8 =	sadd.s32 $0xFFFFE003, lr  }
0x1b: {  	s9 =	sadd.s32 $0xFFFFFEF7, lr;
	s5 =	simm.s32 $0xFFFFFFFF;
	p2 =	slt.u32 s8, $0xFFFFF086  }
0x1c: {  	p1 =	slt.u32 s9, $0xF7A;
	s5 =	simm.s32 @!p2 $0x0  }
0x1d: {  	s5 =	simm.s32 @p1 $0x1;
	p0 =	seq.s32 s7, s2  }
0x1e: {  	s7 =	smul.u32 @!p0 $0xF7A, s2;
	p2 =	seq.s32 @!p0 s5, $0x0  }
0x1f: {  	s9 =	smul.u32 $0xF7A, s1;
	s8 =	simm.s32 @!p0 $0x1BF5;
	p2 =	por !p2, p0  }
0x20: {  	[sflag:s8] =	ssyncset.s32 @!p0 $0xFFFFF086;
	s6 =	sadd.s32 @!p0 s3, s7;
	s7 =	simm.s32 @!p0 $0x108  }
0x21: {  	s3 =	sadd.s32 s3, s9;
	s6 =	sadd.s32 @!p0 $0x88, s6;
	s7 =	simm.s32 @p2 $0x1082  }
0x22: {  	[simem:s7], [sflag:s8] =	dma.local @!p0 [hbm:s6], $0xF7A  }
0x23: {  	s9 =	sor.u32 $0xD0000000, s2;
	s6 =	simm.s32 $0x108;
	_ =	swait.ge @!p0 [sflag:s8], $0x0  }
0x24: {  	s3 =	sadd.s32 $0x88, s3;
	s6 =	simm.s32 @!p1 $0x1082;
	[sflag:s4] =	ssyncset.s32 $0xFFFFF086  }
0x25: {  	[simem:s6], [sflag:s4] =	dma.local [hbm:s3], $0xF7A  }
0x26: {  	[smem:$0x3F93] =	sst s1;
	(tag) =	ssettag s2;
	_ =	strace s9  }
0x27: {  	s1 =	sld [smem:$0x3FA3]  }
0x28: {  	s2 =	sld [smem:$0x3FA4]  }
0x29: {  	s4 =	sld [smem:$0x3FA6]  }
0x2a: {  	p0 =	seq.s32 s5, $0x0;
	s5 =	sld [smem:$0x3FA7]  }
0x2b: {  	s6 =	sld [smem:$0x3FA8]  }
0x2c: {  	s7 =	sld [smem:$0x3FA9]  }
0x2d: {  	s3 =	simm.s32 $0x108;
	s8 =	sld [smem:$0x3FAA]  }
0x2e: {  	s3 =	simm.s32 @!p0 $0x1082;
	s9 =	sld [smem:$0x3FAB]  }
0x2f: {  	lr =	sadd.s32 s0, s3;
	s0 =	sld [smem:$0x3FA2]  }
0x30: {  	s3 =	sld [smem:$0x3FA5]  }
0x31: {  	[smem:$0x3FAE] =	sst s10  }
0x32: {  	s10 =	sld [smem:$0x3FAC];
	_ =	sdelay $0x3  }
0x33: {  	p0 =	seq.s32 s10, $0x1;
	s10 =	sld [smem:$0x3FAE];
	_ =	sdelay $0x3  }
0x34: {  	[smem:$0x3FAE] =	sst s10  }
0x35: {  	s10 =	sld [smem:$0x3FAD];
	_ =	sdelay $0x3  }
0x36: {  	p1 =	seq.s32 s10, $0x1;
	s10 =	sld [smem:$0x3FAE];
	_ =	sdelay $0x3  }
0x37: {  	[smem:$0x3FAE] =	sst s10  }
0x38: {  	s10 =	sld [smem:$0x3FAF]  }
0x39: {  	_ = 	snop;
	(pc) =	sbr.ind lr, $3  }
0x3a: {  	_ = 	snop  }
0x3b: {  	_ = 	snop  }
0x3c: {  	p2 =	seq.s32 s10, $0x1;
	s10 =	sld [smem:$0x3FAE]  }
0x3d: {  	_ =	shalt  }
0x3e: {  	_ =	shalt  }
0x3f: {  	_ =	shalt  }
0x40: {  	_ =	shalt  }
0x41: {  	_ =	shalt  }
0x42: {  	_ =	shalt  }
0x43: {  	_ =	shalt  }
0x44: {  	_ =	shalt  }
0x45: {  	_ =	shalt  }
0x46: {  	_ =	shalt  }
0x47: {  	_ =	shalt  }
0x48: {  	_ =	shalt  }
0x49: {  	_ =	shalt  }
0x4a: {  	_ =	shalt  }
0x4b: {  	_ =	shalt  }
0x4c: {  	_ =	shalt  }
0x4d: {  	_ =	shalt  }
0x4e: {  	_ =	shalt  }
0x4f: {  	_ =	shalt  }
0x50: {  	_ =	shalt  }
0x51: {  	_ =	shalt  }
0x52: {  	_ =	shalt  }
0x53: {  	_ =	shalt  }
0x54: {  	_ =	shalt  }
0x55: {  	_ =	shalt  }
0x56: {  	_ =	shalt  }
0x57: {  	_ =	shalt  }
0x58: {  	_ =	shalt  }
0x59: {  	_ =	shalt  }
0x5a: {  	_ =	shalt  }
0x5b: {  	_ =	shalt  }
0x5c: {  	_ =	shalt  }
0x5d: {  	_ =	shalt  }
0x5e: {  	_ =	shalt  }
0x5f: {  	_ =	shalt  }
0x60: {  	_ =	shalt  }
0x61: {  	_ =	shalt  }
0x62: {  	_ =	shalt  }
0x63: {  	_ =	shalt  }
0x64: {  	_ =	shalt  }
0x65: {  	_ =	shalt  }
0x66: {  	_ =	shalt  }
0x67: {  	_ =	shalt  }
0x68: {  	_ =	shalt  }
0x69: {  	_ =	shalt  }
0x6a: {  	_ =	shalt  }
0x6b: {  	_ =	shalt  }
0x6c: {  	_ =	shalt  }
0x6d: {  	_ =	shalt  }
0x6e: {  	_ =	shalt  }
0x6f: {  	_ =	shalt  }
0x70: {  	_ =	shalt  }
0x71: {  	_ =	shalt  }
0x72: {  	_ =	shalt  }
0x73: {  	_ =	shalt  }
0x74: {  	_ =	shalt  }
0x75: {  	_ =	shalt  }
0x76: {  	_ =	shalt  }
0x77: {  	_ =	shalt  }
0x78: {  	_ =	shalt  }
0x79: {  	_ =	shalt  }
0x7a: {  	_ =	shalt  }
0x7b: {  	_ =	shalt  }
0x7c: {  	_ =	shalt  }
0x7d: {  	_ =	shalt  }
0x7e: {  	_ =	shalt  }
0x7f: {  	_ =	shalt  }
0x80: {  	_ =	shalt  }
0x81: {  	_ =	shalt  }
0x82: {  	_ =	shalt  }
0x83: {  	_ =	shalt  }
0x84: {  	_ =	shalt  }
0x85: {  	_ =	shalt  }
0x86: {  	_ =	shalt  }
0x87: {  	_ =	shalt  }
.Lfunc_end0:
.L_simem_size_0:
called_computation.1_lowered:
.L_overlay_start_0:
0x88: {  	s2 =	sld [smem:$0x3FD9]  }
0x89: {  	s3 =	sld [smem:$0x3FFE];
	_ =	sdelay $0x1  }
0x8a: {  	s1 =	srdreg.scid  }
0x8b: {  	s0 =	sand.u32 $0x1, s1  }
0x8c: {  	s17 =	sshll.u32 s0, $0xA;
	s2 =	sadd.s32 s3, s2  }
0x8d: {  	s2 =	sadd.s32 s2, s17  }
0x8e: {  	[smem:$0x3FBA] =	sst s2  }
0x8f: {  	_ = 	snop  }
0x90: {  	s2 =	sld [smem:$0x3FD0];
	(tm) =	ssettm $0x1  }
0x91: {  	s18 =	sld [smem:$0x3FFB];
	_ =	sdelay $0x3  }
0x92: {  	_ =	strace s18  }
0x93: {  	s3 =	sld [smem:$0x3FFC];
	_ =	sdelay $0x3  }
0x94: {  	_ =	strace s3  }
0x95: {  	s3 =	sld [smem:$0x3FFD];
	_ =	sdelay $0x3  }
0x96: {  	_ =	strace s3  }
0x97: {  	_ =	strace $0x8FFFFFFF  }
0x98: {  	s19 =	sld [smem:$0x3FDB];
	_ =	sdelay $0x1  }
0x99: {  	s4 =	simm.s32 $_scs_section_size  }
0x9a: {  	s5 =	simm.s32 $_size__tile_overlayer_lowered;
	s6 =	simm.s32 $_tile_overlayer_lowered  }
0x9b: {  	s22 =	simm.s32 $0x1BFF;
	s21 =	sshll.u32 s6, $0x1;
	s3 =	sadd.s32 s4, s19  }
0x9c: {  	s7 =	simm.s32 $0x0;
	s20 =	sshll.u32 s5, $0x1;
	s5 =	sadd.s32 s21, s3  }
0x9d: {  	[timem:s7], [sflag:s22] =	dma.local [hbm:s5], s20  }
0x9e: {  	_ =	swait.ge [sflag:s22], s20  }
0x9f: {  	s4 =	ssub.s32 $0x0, s20;
	[sflag:s22] =	ssyncset.done $0x0  }
0xa0: {  	[sflag:s22] =	ssyncadd.s32 s4;
	_ =	sdelay $0x1  }
0xa1: {  	s23 =	simm.s32 $0x1B8B  }
0xa2: {  	_ =	swait.ge [sflag:s23], $0x1  }
0xa3: {  	[sflag:s23] =	ssyncset.done $0x0  }
0xa4: {  	s25 =	simm.s32 $0x1B8E;
	s24 =	sld [smem:$0x3FFE];
	[sflag:s23] =	ssyncadd.s32 $0xFFFFFFFF  }
0xa5: {  	s26 =	simm.s32 $execute0_lowered;
	[smem:$0x3FD2] =	sst s25  }
0xa6: {  	s5 =	sshll.u32 s26, $0x1;
	_ =	strace $0x80000049;
	[dreg:$0x1] =	wrdreg $0xFFFFFFFF  }
0xa7: {  	s28 =	simm.s32 $_size_execute0_lowered;
	s3 =	sadd.s32 s3, s5;
	[dreg:$0x0] =	wrdreg $0x0  }
0xa8: {  	s5 =	sshll.u32 s28, $0x1;
	[dreg:$0x2] =	wrdreg s3  }
0xa9: {  	[dreg:$0x3] =	wrdreg s5  }
0xaa: {  	[dreg:$0x4] =	wrdreg $0xC0  }
0xab: {  	_ =	task [dreg:s7], $0x5FFFF  }
0xac: {  	[dreg:$0x1] =	wrdreg $0xFFFFFFFF  }
0xad: {  	[dreg:$0x0] =	wrdreg $0x60  }
0xae: {  	[dreg:$0x2] =	wrdreg s24  }
0xaf: {  	[dreg:$0x3] =	wrdreg s2  }
0xb0: {  	[dreg:$0x4] =	wrdreg $0x0  }
0xb1: {  	[dreg:$0x5] =	wrdreg $0x9  }
0xb2: {  	_ =	task.clear_ibuf [dreg:s7], $0x6FFFF;
	_ =	strace $0x90000049  }
0xb3: {  	s29 =	simm.s32 $0x9;
	_ =	strace $0x8000004B  }
0xb4: {  	_ =	swait.ge [sflag:s29], $0x1  }
0xb5: {  	[sflag:s29] =	ssyncadd.s32 $0xFFFFFFFF  }
0xb6: {  	_ =	strace $0x9000004B  }
0xb7: {  	_ =	sfence  }
0xb8: {  	s30 =	sld [smem:$0x0];
	_ =	sdelay $0x2  }
0xb9: {  	s31 =	sshll.u32 s1, $0xD;
	s1 =	sshrl.u32 s1, $0x2  }
0xba: {  	s3 =	sand.u32 $0x4000, s31;
	s1 =	sadd.s32 s1, s30  }
0xbb: {  	s0 =	sor.u32 s3, s0;
	s1 =	sshll.u32 s1, $0x11  }
0xbc: {  	s0 =	sor.u32 s1, s0  }
0xbd: {  	s0 =	sadd.s32 $0x8F2B, s0  }
0xbe: {  	[sflag:s0] =	ssyncadd.remote.s32 $0x1  }
0xbf: {  	_ =	sfence.sel $0xFFFF  }
0xc0: {  	[dreg:$0x0] =	wrdreg $0xFFFFFFFF;
	(pc) =	sbr.abs _section_cstart, $3  }
0xc1: {  	[dreg:$0x1] =	wrdreg $0xFFFFFFFF  }
0xc2: {  	_ =	task.clear_ibuf [dreg:s7], $0x2FFFF;
	_ =	strace $0x9FFFFFFF  }
0xc3: {  	(tm) =	ssettm $0x7FFFFFFF  }
tec
execute0_lowered:
.L_overlay_start_1:
0x0: {  	(tag) =	ssettag $0x1  }
0x1: {  	s0 =	rddreg [dreg:$0x0]  }
0x2: {  	s6 =	rddreg [dreg:$0x1]  }
0x3: {  	s1 =	rddreg [dreg:$0x2]  }
0x4: {  	s2 =	simm.s32 $0x0;
	s3 =	srdreg.scid;
	s14 =	simm.s32 $0x16E00  }
0x5: {  	s17 =	simm.s32 $0x7;
	s19 =	simm.s32 $0x13880;
	s20 =	simm.s32 $0x18880  }
0x6: {  	s28 =	simm.s32 $0x4;
	s29 =	simm.s32 $0x5;
	s30 =	simm.s32 $0x6  }
0x7: {  	s31 =	simm.s32 $0x0;
	[smem:$0x7FF] =	sst s2;
	s4 =	sadd.s32 $0xD000, s0  }
0x8: {  	s7 =	sand.u32 $0x1, s3;
	s3 =	stileid.u32;
	_ =	strace $0x8000004A  }
0x9: {  	s5 =	sshll.u32 s7, $0x4;
	s8 =	ssub.s32 $0x2, s7;
	s11 =	smul.u32 $0x4E20, s3  }
0xa: {  	p0 =	seq.s32 s7, $0x0;
	s13 =	smul.u32 $0x4E200, s3;
	s7 =	sshll.u32 s7, $0x7  }
0xb: {  	s15 =	sshll.u32 s3, $0x9;
	s25 =	sshll.u32 s3, $0xB;
	s9 =	sadd.s32 s5, s0  }
0xc: {  	s10 =	sshrl.u32 s8, $0x1;
	s5 =	sadd.s32 $0x3600, s0;
	s14 =	simm.s32 @!p0 $0x4F8E00  }
0xd: {  	s6 =	sadd.s32 s15, s6;
	s12 =	ssub.s32 s8, s10;
	s21 =	sadd.s32 $0x3400, s9  }
0xe: {  	s22 =	sadd.s32 $0x3200, s9;
	s23 =	sshrl.u32 s11, $0x3;
	s9 =	sadd.s32 $0x50, s11  }
0xf: {  	s10 =	sadd.s32 $0xA0, s11;
	s15 =	sadd.s32 s7, s6;
	[dreg:$0x4] =	wrdreg s21  }
0x10: {  	[dreg:$0x5] =	wrdreg s22;
	s8 =	sadd.s32 s4, s23;
	s24 =	smax.u32 s12, $0x1  }
0x11: {  	s12 =	sadd.s32 s14, s0;
	s14 =	sadd.s32 s25, s1;
	s21 =	simm.s32 $0x1  }
0x12: {  	s22 =	simm.s32 $0x3;
	s23 =	simm.s32 $0x16080;
	[dreg:$0x6] =	wrdreg s8  }
0x13: {  	s25 =	simm.s32 $0x50;
	[dreg:$0x7] =	wrdreg s24;
	s26 =	sadd.s32 s12, s13  }
0x14: {  	s24 =	simm.s32 $0x18900;
	[dreg:$0x8] =	wrdreg s26;
	s26 =	simm.s32 $0x2  }
.LBB2_1:
0x15: {  	s0 =	rddreg [dreg:$0x4];
	s6 =	simm.s32 $0x18980  }
0x16: {  	[tilespmem:s6], [sflag:$0x7] =	stream.linear.gather [hbm4b:s0+s2], $0x80, $0x38;
	[tilespmem:$0x18A80] =	vst v63  }
0x17: {  	_ =	swait.ge [sflag:s17], $0x80  }
0x18: {  	s16 =	simm.s32 $0x18A00;
	[sflag:s17] =	ssyncset.done $0x0  }
0x19: {  	s18 =	sadd.s32 $0x0, s3;
	s13 =	rddreg [dreg:$0x5];
	[sflag:s17] =	ssyncadd.s32 $0xFFFFFF80  }
0x1a: {  	[tilespmem:s16], [sflag:$0x7] =	stream.linear.gather [hbm4b:s13+s2], $0x80, $0x38;
	[tilespmem:$0x18A80] =	vst v63  }
0x1b: {  	p0 =	sgt.u32 s18, $0x270;
	_ =	swait.ge [sflag:s17], $0x80  }
0x1c: {  	s0 =	sshll.u32 @!p0 s3, $0x6;
	s6 =	sshrl.u32 @!p0 s14, $0x3;
	[sflag:s17] =	ssyncset.done $0x0  }
0x1d: {  	s7 =	simm.s32 @!p0 $0x7;
	s0 =	sor.u32 @!p0 $0x1C07, s0;
	[sflag:s17] =	ssyncadd.s32 $0xFFFFFF80  }
0x1e: {  	[spmem:s6], [sflag:s0] =	dma.local @!p0 [hbm:s5], $0x100  }
0x1f: {  	s16 =	sadd.s32 $0x10, s3;
	_ =	swait.ge @!p0 [sflag:s7], $0x100  }
0x20: {  	s6 =	simm.s32 $0x20;
	s0 =	sadd.s32 $0x8000, s14;
	[sflag:s7] =	ssyncset.done @!p0 $0x0  }
.LBB2_2:
0x21: {  	[sflag:s7] =	ssyncadd.s32 @!p0 $0xFFFFFF00  }
0x22: {  	p0 =	sgt.u32 s16, $0x270;
	s16 =	smov.u32 s6;
	s6 =	sadd.s32 $0x10, s6  }
0x23: {  	p1 =	sne.s32 s6, $0x280  }
.Ltmp0:
0x24: {  	s7 =	sshll.u32 @!p0 s3, $0x6;
	s18 =	sshrl.u32 @!p0 s0, $0x3;
	(pc) =	sbr.rel @p1 .LBB2_2-.Ltmp0, $4  }
0x25: {  	s8 =	sor.u32 @!p0 $0x1C07, s7;
	s7 =	simm.s32 @!p0 $0x7  }
0x26: {  	[spmem:s18], [sflag:s8] =	dma.local @!p0 [hbm:s5], $0x100  }
0x27: {  	_ =	swait.ge @!p0 [sflag:s7], $0x100  }
0x28: {  	s16 =	sadd.s32 s16, s3;
	s0 =	sadd.s32 $0x8000, s0;
	[sflag:s7] =	ssyncset.done @!p0 $0x0  }
0x29: {  	p1 =	sgt.u32 s16, $0x270  }
0x2a: {  	[sflag:s7] =	ssyncadd.s32 @!p0 $0xFFFFFF00;
	s6 =	sshll.u32 @!p1 s3, $0x6  }
0x2b: {  	s0 =	sshrl.u32 @!p1 s0, $0x3;
	s7 =	simm.s32 @!p1 $0x7;
	s6 =	sor.u32 @!p1 $0x1C07, s6  }
0x2c: {  	[spmem:s0], [sflag:s6] =	dma.local @!p1 [hbm:s5], $0x100  }
0x2d: {  	_ =	swait.ge @!p1 [sflag:s7], $0x100  }
0x2e: {  	[sflag:s7] =	ssyncset.done @!p1 $0x0  }
0x2f: {  	[sflag:s7] =	ssyncadd.s32 @!p1 $0xFFFFFF00  }
0x30: {  	[bflag:$0x0] =	sbarrier.arrive $0xFFFF  }
0x31: {  	s0 =	simm.s32 $0x0;
	s16 =	rddreg [dreg:$0x8]  }
0x32: {  	[tilespmem:s19], [sflag:$0x1] =	stream.linear.gather [hbm4b:s16+s0], $0x2800, $0x38;
	[tilespmem:$0x18A80] =	vst v63  }
0x33: {  	s18 =	rddreg [dreg:$0x6]  }
0x34: {  	[tilespmem:s20], [sflag:$0x3] =	stream.linear.gather [hbm4b:s18+s0], $0x50, $0x38;
	[tilespmem:$0x18A80] =	vst v63  }
.LBB2_4:
0x35: {  	_ =	swait.ge [sflag:s21], $0x2800  }
0x36: {  	[sflag:s21] =	ssyncset.done $0x0  }
0x37: {  	[sflag:s21] =	ssyncadd.s32 $0xFFFFD800  }
0x38: {  	_ =	swait.ge [sflag:s22], $0x50  }
0x39: {  	[sflag:s22] =	ssyncset.done $0x0  }
0x3a: {  	s18 =	simm.s32 $0x13900;
	[sflag:s22] =	ssyncadd.s32 $0xFFFFFFB0  }
0x3b: {  	v0 =	vld [tilespmem:s18+$0xFFFFFF80]  }
0x3c: {  	v1 =	vld [tilespmem:$0x18980];
	_ =	sdelay $0x1  }
0x3d: {  	v2 =	vld [tilespmem:$0x18A00];
	_ =	sdelay $0x2  }
0x3e: {  	v0 =	vmul.f32 v1, v0;
	_ =	sdelay $0x1  }
0x3f: {  	v0 =	vadd.f32 v2, v0;
	_ =	sdelay $0x1  }
0x40: {  	v0 =	vmax.f32 v0, $0.0e+00  }
0x41: {  	[tilespmem:s18+$0xFFFFFF80] =	vst v0;
	v0 =	vld [tilespmem:s18+$0xFFFFFF90]  }
0x42: {  	v1 =	vld [tilespmem:$0x18990];
	_ =	sdelay $0x1  }
0x43: {  	v2 =	vld [tilespmem:$0x18A10];
	_ =	sdelay $0x2  }
0x44: {  	v0 =	vmul.f32 v1, v0;
	_ =	sdelay $0x1  }
0x45: {  	v0 =	vadd.f32 v2, v0;
	_ =	sdelay $0x1  }
0x46: {  	v0 =	vmax.f32 v0, $0.0e+00  }
0x47: {  	[tilespmem:s18+$0xFFFFFF90] =	vst v0;
	v0 =	vld [tilespmem:s18+$0xFFFFFFA0]  }
0x48: {  	v1 =	vld [tilespmem:$0x189A0];
	_ =	sdelay $0x1  }
0x49: {  	v2 =	vld [tilespmem:$0x18A20];
	_ =	sdelay $0x2  }
0x4a: {  	v0 =	vmul.f32 v1, v0;
	_ =	sdelay $0x1  }
0x4b: {  	v0 =	vadd.f32 v2, v0;
	_ =	sdelay $0x1  }
0x4c: {  	v0 =	vmax.f32 v0, $0.0e+00  }
0x4d: {  	[tilespmem:s18+$0xFFFFFFA0] =	vst v0;
	v0 =	vld [tilespmem:s18+$0xFFFFFFB0]  }
0x4e: {  	v1 =	vld [tilespmem:$0x189B0];
	_ =	sdelay $0x1  }
0x4f: {  	v2 =	vld [tilespmem:$0x18A30];
	_ =	sdelay $0x2  }
0x50: {  	v0 =	vmul.f32 v1, v0;
	_ =	sdelay $0x1  }
0x51: {  	v0 =	vadd.f32 v2, v0;
	_ =	sdelay $0x1  }
0x52: {  	v0 =	vmax.f32 v0, $0.0e+00  }
0x53: {  	[tilespmem:s18+$0xFFFFFFB0] =	vst v0;
	v0 =	vld [tilespmem:s18+$0xFFFFFFC0]  }
0x54: {  	v1 =	vld [tilespmem:$0x189C0];
	_ =	sdelay $0x1  }
0x55: {  	v2 =	vld [tilespmem:$0x18A40];
	_ =	sdelay $0x2  }
0x56: {  	v0 =	vmul.f32 v1, v0;
	_ =	sdelay $0x1  }
0x57: {  	v0 =	vadd.f32 v2, v0;
	_ =	sdelay $0x1  }
0x58: {  	v0 =	vmax.f32 v0, $0.0e+00  }
0x59: {  	[tilespmem:s18+$0xFFFFFFC0] =	vst v0;
	v0 =	vld [tilespmem:s18+$0xFFFFFFD0]  }
0x5a: {  	v1 =	vld [tilespmem:$0x189D0];
	_ =	sdelay $0x1  }
0x5b: {  	v2 =	vld [tilespmem:$0x18A50];
	_ =	sdelay $0x2  }
0x5c: {  	v0 =	vmul.f32 v1, v0;
	_ =	sdelay $0x1  }
0x5d: {  	v0 =	vadd.f32 v2, v0;
	_ =	sdelay $0x1  }
0x5e: {  	v0 =	vmax.f32 v0, $0.0e+00  }
0x5f: {  	[tilespmem:s18+$0xFFFFFFD0] =	vst v0;
	v0 =	vld [tilespmem:s18+$0xFFFFFFE0]  }
0x60: {  	v1 =	vld [tilespmem:$0x189E0];
	_ =	sdelay $0x1  }
0x61: {  	v2 =	vld [tilespmem:$0x18A60];
	_ =	sdelay $0x2  }
0x62: {  	v0 =	vmul.f32 v1, v0;
	_ =	sdelay $0x1  }
0x63: {  	v0 =	vadd.f32 v2, v0;
	_ =	sdelay $0x1  }
0x64: {  	v0 =	vmax.f32 v0, $0.0e+00  }
0x65: {  	[tilespmem:s18+$0xFFFFFFE0] =	vst v0;
	v0 =	vld [tilespmem:s18+$0xFFFFFFF0]  }
0x66: {  	v1 =	vld [tilespmem:$0x189F0];
	_ =	sdelay $0x1  }
0x67: {  	v2 =	vld [tilespmem:$0x18A70];
	_ =	sdelay $0x2  }
0x68: {  	v0 =	vmul.f32 v1, v0;
	_ =	sdelay $0x1  }
0x69: {  	v0 =	vadd.f32 v2, v0;
	_ =	sdelay $0x1  }
0x6a: {  	v0 =	vmax.f32 v0, $0.0e+00  }
0x6b: {  	[tilespmem:s18+$0xFFFFFFF0] =	vst v0;
	v0 =	vld [tilespmem:s18+$0x0]  }
0x6c: {  	v1 =	vld [tilespmem:$0x18980];
	_ =	sdelay $0x1  }
0x6d: {  	v2 =	vld [tilespmem:$0x18A00];
	_ =	sdelay $0x2  }
0x6e: {  	v0 =	vmul.f32 v1, v0;
	_ =	sdelay $0x1  }
0x6f: {  	v0 =	vadd.f32 v2, v0;
	_ =	sdelay $0x1  }
0x70: {  	v0 =	vmax.f32 v0, $0.0e+00  }
0x71: {  	[tilespmem:s18+$0x0] =	vst v0;
	v0 =	vld [tilespmem:s18+$0x10]  }
0x72: {  	v1 =	vld [tilespmem:$0x18990];
	_ =	sdelay $0x1  }
0x73: {  	v2 =	vld [tilespmem:$0x18A10];
	_ =	sdelay $0x2  }
0x74: {  	v0 =	vmul.f32 v1, v0;
	_ =	sdelay $0x1  }
0x75: {  	v0 =	vadd.f32 v2, v0;
	_ =	sdelay $0x1  }
0x76: {  	v0 =	vmax.f32 v0, $0.0e+00  }
0x77: {  	[tilespmem:s18+$0x10] =	vst v0;
	v0 =	vld [tilespmem:s18+$0x20]  }
0x78: {  	v1 =	vld [tilespmem:$0x189A0];
	_ =	sdelay $0x1  }
0x79: {  	v2 =	vld [tilespmem:$0x18A20];
	_ =	sdelay $0x2  }
0x7a: {  	v0 =	vmul.f32 v1, v0;
	_ =	sdelay $0x1  }
0x7b: {  	v0 =	vadd.f32 v2, v0;
	_ =	sdelay $0x1  }
0x7c: {  	v0 =	vmax.f32 v0, $0.0e+00  }
0x7d: {  	[tilespmem:s18+$0x20] =	vst v0;
	v0 =	vld [tilespmem:s18+$0x30]  }
0x7e: {  	v1 =	vld [tilespmem:$0x189B0];
	_ =	sdelay $0x1  }
0x7f: {  	v2 =	vld [tilespmem:$0x18A30];
	_ =	sdelay $0x2  }
0x80: {  	v0 =	vmul.f32 v1, v0;
	_ =	sdelay $0x1  }
0x81: {  	v0 =	vadd.f32 v2, v0;
	_ =	sdelay $0x1  }
0x82: {  	v0 =	vmax.f32 v0, $0.0e+00  }
0x83: {  	[tilespmem:s18+$0x30] =	vst v0;
	v0 =	vld [tilespmem:s18+$0x40]  }
0x84: {  	v1 =	vld [tilespmem:$0x189C0];
	_ =	sdelay $0x1  }
0x85: {  	v2 =	vld [tilespmem:$0x18A40];
	_ =	sdelay $0x2  }
0x86: {  	v0 =	vmul.f32 v1, v0;
	_ =	sdelay $0x1  }
0x87: {  	v0 =	vadd.f32 v2, v0;
	_ =	sdelay $0x1  }
0x88: {  	v0 =	vmax.f32 v0, $0.0e+00  }
0x89: {  	[tilespmem:s18+$0x40] =	vst v0;
	v0 =	vld [tilespmem:s18+$0x50]  }
0x8a: {  	v1 =	vld [tilespmem:$0x189D0];
	_ =	sdelay $0x1  }
0x8b: {  	v2 =	vld [tilespmem:$0x18A50];
	_ =	sdelay $0x2  }
0x8c: {  	v0 =	vmul.f32 v1, v0;
	_ =	sdelay $0x1  }
0x8d: {  	v0 =	vadd.f32 v2, v0;
	_ =	sdelay $0x1  }
0x8e: {  	v0 =	vmax.f32 v0, $0.0e+00  }
0x8f: {  	[tilespmem:s18+$0x50] =	vst v0;
	v0 =	vld [tilespmem:s18+$0x60]  }
0x90: {  	v1 =	vld [tilespmem:$0x189E0];
	_ =	sdelay $0x1  }
0x91: {  	v2 =	vld [tilespmem:$0x18A60];
	_ =	sdelay $0x2  }
0x92: {  	v0 =	vmul.f32 v1, v0;
	_ =	sdelay $0x1  }
0x93: {  	v0 =	vadd.f32 v2, v0;
	_ =	sdelay $0x1  }
0x94: {  	v0 =	vmax.f32 v0, $0.0e+00  }
0x95: {  	[tilespmem:s18+$0x60] =	vst v0;
	v0 =	vld [tilespmem:s18+$0x70]  }
0x96: {  	v1 =	vld [tilespmem:$0x189F0];
	_ =	sdelay $0x1  }
0x97: {  	v2 =	vld [tilespmem:$0x18A70];
	_ =	sdelay $0x2  }
0x98: {  	v0 =	vmul.f32 v1, v0;
	_ =	sdelay $0x1  }
0x99: {  	v0 =	vadd.f32 v2, v0;
	_ =	sdelay $0x1  }
0x9a: {  	s16 =	simm.s32 $0x0;
	s6 =	simm.s32 $0x13A00;
	v0 =	vmax.f32 v0, $0.0e+00  }
.LBB2_5:
0x9b: {  	v1 =	vld [tilespmem:s6+$0xFFFFFF80];
	s16 =	sadd.s32 $0x2, s16;
	[tilespmem:s18+$0x70] =	vst v0;
	s18 =	smov.u32 s6  }
0x9c: {  	v0 =	vld [tilespmem:$0x18980];
	p0 =	slt.u32 s16, $0x4E;
	_ =	sdelay $0x1  }
0x9d: {  	v2 =	vld [tilespmem:$0x18A00];
	_ =	sdelay $0x2  }
0x9e: {  	v0 =	vmul.f32 v0, v1;
	_ =	sdelay $0x1  }
0x9f: {  	v0 =	vadd.f32 v2, v0;
	_ =	sdelay $0x1  }
0xa0: {  	v0 =	vmax.f32 v0, $0.0e+00  }
0xa1: {  	[tilespmem:s6+$0xFFFFFF80] =	vst v0;
	v0 =	vld [tilespmem:s6+$0xFFFFFF90]  }
0xa2: {  	v1 =	vld [tilespmem:$0x18990];
	_ =	sdelay $0x1  }
0xa3: {  	v2 =	vld [tilespmem:$0x18A10];
	_ =	sdelay $0x2  }
0xa4: {  	v0 =	vmul.f32 v1, v0;
	_ =	sdelay $0x1  }
0xa5: {  	v0 =	vadd.f32 v2, v0;
	_ =	sdelay $0x1  }
0xa6: {  	v0 =	vmax.f32 v0, $0.0e+00  }
0xa7: {  	[tilespmem:s6+$0xFFFFFF90] =	vst v0;
	v0 =	vld [tilespmem:s6+$0xFFFFFFA0]  }
0xa8: {  	v1 =	vld [tilespmem:$0x189A0];
	_ =	sdelay $0x1  }
0xa9: {  	v2 =	vld [tilespmem:$0x18A20];
	_ =	sdelay $0x2  }
0xaa: {  	v0 =	vmul.f32 v1, v0;
	_ =	sdelay $0x1  }
0xab: {  	v0 =	vadd.f32 v2, v0;
	_ =	sdelay $0x1  }
0xac: {  	v0 =	vmax.f32 v0, $0.0e+00  }
0xad: {  	[tilespmem:s6+$0xFFFFFFA0] =	vst v0;
	v0 =	vld [tilespmem:s6+$0xFFFFFFB0]  }
0xae: {  	v1 =	vld [tilespmem:$0x189B0];
	_ =	sdelay $0x1  }
0xaf: {  	v2 =	vld [tilespmem:$0x18A30];
	_ =	sdelay $0x2  }
0xb0: {  	v0 =	vmul.f32 v1, v0;
	_ =	sdelay $0x1  }
0xb1: {  	v0 =	vadd.f32 v2, v0;
	_ =	sdelay $0x1  }
0xb2: {  	v0 =	vmax.f32 v0, $0.0e+00  }
0xb3: {  	[tilespmem:s6+$0xFFFFFFB0] =	vst v0;
	v0 =	vld [tilespmem:s6+$0xFFFFFFC0]  }
0xb4: {  	v1 =	vld [tilespmem:$0x189C0];
	_ =	sdelay $0x1  }
0xb5: {  	v2 =	vld [tilespmem:$0x18A40];
	_ =	sdelay $0x2  }
0xb6: {  	v0 =	vmul.f32 v1, v0;
	_ =	sdelay $0x1  }
0xb7: {  	v0 =	vadd.f32 v2, v0;
	_ =	sdelay $0x1  }
0xb8: {  	v0 =	vmax.f32 v0, $0.0e+00  }
0xb9: {  	[tilespmem:s6+$0xFFFFFFC0] =	vst v0;
	v0 =	vld [tilespmem:s6+$0xFFFFFFD0]  }
0xba: {  	v1 =	vld [tilespmem:$0x189D0];
	_ =	sdelay $0x1  }
0xbb: {  	v2 =	vld [tilespmem:$0x18A50];
	_ =	sdelay $0x2  }
0xbc: {  	v0 =	vmul.f32 v1, v0;
	_ =	sdelay $0x1  }
0xbd: {  	v0 =	vadd.f32 v2, v0;
	_ =	sdelay $0x1  }
0xbe: {  	v0 =	vmax.f32 v0, $0.0e+00  }
0xbf: {  	[tilespmem:s6+$0xFFFFFFD0] =	vst v0;
	v0 =	vld [tilespmem:s6+$0xFFFFFFE0]  }
0xc0: {  	v1 =	vld [tilespmem:$0x189E0];
	_ =	sdelay $0x1  }
0xc1: {  	v2 =	vld [tilespmem:$0x18A60];
	_ =	sdelay $0x2  }
0xc2: {  	v0 =	vmul.f32 v1, v0;
	_ =	sdelay $0x1  }
0xc3: {  	v0 =	vadd.f32 v2, v0;
	_ =	sdelay $0x1  }
0xc4: {  	v0 =	vmax.f32 v0, $0.0e+00  }
0xc5: {  	[tilespmem:s6+$0xFFFFFFE0] =	vst v0;
	v0 =	vld [tilespmem:s6+$0xFFFFFFF0]  }
0xc6: {  	v1 =	vld [tilespmem:$0x189F0];
	_ =	sdelay $0x1  }
0xc7: {  	v2 =	vld [tilespmem:$0x18A70];
	_ =	sdelay $0x2  }
0xc8: {  	v0 =	vmul.f32 v1, v0;
	_ =	sdelay $0x1  }
0xc9: {  	v0 =	vadd.f32 v2, v0;
	_ =	sdelay $0x1  }
0xca: {  	v0 =	vmax.f32 v0, $0.0e+00  }
0xcb: {  	[tilespmem:s6+$0xFFFFFFF0] =	vst v0;
	v0 =	vld [tilespmem:s6+$0x0]  }
0xcc: {  	v1 =	vld [tilespmem:$0x18980];
	_ =	sdelay $0x1  }
0xcd: {  	v2 =	vld [tilespmem:$0x18A00];
	_ =	sdelay $0x2  }
0xce: {  	v0 =	vmul.f32 v1, v0;
	_ =	sdelay $0x1  }
0xcf: {  	v0 =	vadd.f32 v2, v0;
	_ =	sdelay $0x1  }
0xd0: {  	v0 =	vmax.f32 v0, $0.0e+00  }
0xd1: {  	[tilespmem:s6+$0x0] =	vst v0;
	v0 =	vld [tilespmem:s6+$0x10]  }
0xd2: {  	v1 =	vld [tilespmem:$0x18990]  }
0xd3: {  	v2 =	vld [tilespmem:$0x18A10];
	_ =	sdelay $0x3  }
0xd4: {  	v0 =	vmul.f32 v1, v0;
	_ =	sdelay $0x1  }
0xd5: {  	v0 =	vadd.f32 v2, v0;
	_ =	sdelay $0x1  }
0xd6: {  	v0 =	vmax.f32 v0, $0.0e+00  }
0xd7: {  	[tilespmem:s6+$0x10] =	vst v0;
	v0 =	vld [tilespmem:s6+$0x20]  }
0xd8: {  	v1 =	vld [tilespmem:$0x189A0]  }
0xd9: {  	v2 =	vld [tilespmem:$0x18A20];
	_ =	sdelay $0x3  }
0xda: {  	v0 =	vmul.f32 v1, v0;
	_ =	sdelay $0x1  }
0xdb: {  	v0 =	vadd.f32 v2, v0;
	_ =	sdelay $0x1  }
0xdc: {  	v0 =	vmax.f32 v0, $0.0e+00  }
0xdd: {  	[tilespmem:s6+$0x20] =	vst v0;
	v0 =	vld [tilespmem:s6+$0x30]  }
0xde: {  	v1 =	vld [tilespmem:$0x189B0]  }
0xdf: {  	v2 =	vld [tilespmem:$0x18A30];
	_ =	sdelay $0x3  }
0xe0: {  	v0 =	vmul.f32 v1, v0;
	_ =	sdelay $0x1  }
0xe1: {  	v0 =	vadd.f32 v2, v0;
	_ =	sdelay $0x1  }
0xe2: {  	v0 =	vmax.f32 v0, $0.0e+00  }
0xe3: {  	[tilespmem:s6+$0x30] =	vst v0;
	v0 =	vld [tilespmem:s6+$0x40]  }
0xe4: {  	v1 =	vld [tilespmem:$0x189C0]  }
0xe5: {  	v2 =	vld [tilespmem:$0x18A40];
	_ =	sdelay $0x3  }
0xe6: {  	v0 =	vmul.f32 v1, v0;
	_ =	sdelay $0x1  }
0xe7: {  	v0 =	vadd.f32 v2, v0;
	_ =	sdelay $0x1  }
0xe8: {  	v0 =	vmax.f32 v0, $0.0e+00  }
0xe9: {  	[tilespmem:s6+$0x40] =	vst v0;
	v0 =	vld [tilespmem:s6+$0x50]  }
0xea: {  	v1 =	vld [tilespmem:$0x189D0]  }
0xeb: {  	v2 =	vld [tilespmem:$0x18A50];
	_ =	sdelay $0x3  }
0xec: {  	v0 =	vmul.f32 v1, v0;
	_ =	sdelay $0x1  }
0xed: {  	v0 =	vadd.f32 v2, v0;
	_ =	sdelay $0x1  }
0xee: {  	v0 =	vmax.f32 v0, $0.0e+00  }
0xef: {  	[tilespmem:s6+$0x50] =	vst v0;
	v0 =	vld [tilespmem:s6+$0x60]  }
0xf0: {  	v1 =	vld [tilespmem:$0x189E0]  }
0xf1: {  	v2 =	vld [tilespmem:$0x18A60];
	_ =	sdelay $0x3  }
0xf2: {  	v0 =	vmul.f32 v1, v0;
	_ =	sdelay $0x1  }
0xf3: {  	v0 =	vadd.f32 v2, v0;
	_ =	sdelay $0x1  }
0xf4: {  	v0 =	vmax.f32 v0, $0.0e+00  }
0xf5: {  	[tilespmem:s6+$0x60] =	vst v0;
	v0 =	vld [tilespmem:s6+$0x70]  }
0xf6: {  	v1 =	vld [tilespmem:$0x189F0]  }
0xf7: {  	v2 =	vld [tilespmem:$0x18A70];
	_ =	sdelay $0x3  }
.Ltmp1:
0xf8: {  	v0 =	vmul.f32 v1, v0;
	(pc) =	sbr.rel @p0 .LBB2_5-.Ltmp1, $3  }
0xf9: {  	_ = 	snop  }
0xfa: {  	v0 =	vadd.f32 v2, v0;
	_ =	sdelay $0x1  }
0xfb: {  	s6 =	sadd.s32 $0x100, s6;
	v0 =	vmax.f32 v0, $0.0e+00  }
0xfc: {  	p0 =	seq.s32 s0, $0x0;
	s16 =	smul.u32 $0xA0, s0  }
0xfd: {  	[tilespmem:s18+$0x70] =	vst v0;
	s6 =	simm.s32 @!p0 $0x6  }
0xfe: {  	_ =	swait.ge @!p0 [sflag:s6], $0x2800;
	s7 =	sadd.s32 s16, s9  }
0xff: {  	[sflag:s6] =	ssyncset.done @!p0 $0x0;
	s8 =	sshll.u32 s7, $0x4  }
0x100: {  	s18 =	sshrl.u32 s7, $0x3;
	[sflag:s6] =	ssyncadd.s32 @!p0 $0xFFFFD800;
	s13 =	sadd.s32 s12, s8  }
0x101: {  	[tilespmem:s23], [sflag:$0x2] =	stream.linear.gather [hbm4b:s13+s2], $0x2800, $0x38;
	[tilespmem:$0x18A80] =	vst v63  }
0x102: {  	s6 =	sadd.s32 s4, s18  }
0x103: {  	[tilespmem:s24], [sflag:$0x4] =	stream.linear.gather [hbm4b:s6+s2], $0x50, $0x38;
	[tilespmem:$0x18A80] =	vst v63  }
0x104: {  	_ = 	snop  }
0x105: {  	[spmem:s1] =	stream.indirect.scatter.add.f32 [tilespmem:s19], [sflag:$0x5], $0x80, s20, s25, $0xb8;
	[tilespmem:$0x18A80] =	vst v63  }
0x106: {  	_ =	swait.ge [sflag:s26], $0x2800  }
0x107: {  	[sflag:s26] =	ssyncset.done $0x0  }
0x108: {  	[sflag:s26] =	ssyncadd.s32 $0xFFFFD800  }
0x109: {  	_ =	swait.ge [sflag:s28], $0x50  }
0x10a: {  	[sflag:s28] =	ssyncset.done $0x0  }
0x10b: {  	s18 =	simm.s32 $0x16100;
	[sflag:s28] =	ssyncadd.s32 $0xFFFFFFB0  }
0x10c: {  	v0 =	vld [tilespmem:s18+$0xFFFFFF80]  }
0x10d: {  	v1 =	vld [tilespmem:$0x18980];
	_ =	sdelay $0x1  }
0x10e: {  	v2 =	vld [tilespmem:$0x18A00];
	_ =	sdelay $0x2  }
0x10f: {  	v0 =	vmul.f32 v1, v0;
	_ =	sdelay $0x1  }
0x110: {  	v0 =	vadd.f32 v2, v0;
	_ =	sdelay $0x1  }
0x111: {  	v0 =	vmax.f32 v0, $0.0e+00  }
0x112: {  	[tilespmem:s18+$0xFFFFFF80] =	vst v0;
	v0 =	vld [tilespmem:s18+$0xFFFFFF90]  }
0x113: {  	v1 =	vld [tilespmem:$0x18990];
	_ =	sdelay $0x1  }
0x114: {  	v2 =	vld [tilespmem:$0x18A10];
	_ =	sdelay $0x2  }
0x115: {  	v0 =	vmul.f32 v1, v0;
	_ =	sdelay $0x1  }
0x116: {  	v0 =	vadd.f32 v2, v0;
	_ =	sdelay $0x1  }
0x117: {  	v0 =	vmax.f32 v0, $0.0e+00  }
0x118: {  	[tilespmem:s18+$0xFFFFFF90] =	vst v0;
	v0 =	vld [tilespmem:s18+$0xFFFFFFA0]  }
0x119: {  	v1 =	vld [tilespmem:$0x189A0];
	_ =	sdelay $0x1  }
0x11a: {  	v2 =	vld [tilespmem:$0x18A20];
	_ =	sdelay $0x2  }
0x11b: {  	v0 =	vmul.f32 v1, v0;
	_ =	sdelay $0x1  }
0x11c: {  	v0 =	vadd.f32 v2, v0;
	_ =	sdelay $0x1  }
0x11d: {  	v0 =	vmax.f32 v0, $0.0e+00  }
0x11e: {  	[tilespmem:s18+$0xFFFFFFA0] =	vst v0;
	v0 =	vld [tilespmem:s18+$0xFFFFFFB0]  }
0x11f: {  	v1 =	vld [tilespmem:$0x189B0];
	_ =	sdelay $0x1  }
0x120: {  	v2 =	vld [tilespmem:$0x18A30];
	_ =	sdelay $0x2  }
0x121: {  	v0 =	vmul.f32 v1, v0;
	_ =	sdelay $0x1  }
0x122: {  	v0 =	vadd.f32 v2, v0;
	_ =	sdelay $0x1  }
0x123: {  	v0 =	vmax.f32 v0, $0.0e+00  }
0x124: {  	[tilespmem:s18+$0xFFFFFFB0] =	vst v0;
	v0 =	vld [tilespmem:s18+$0xFFFFFFC0]  }
0x125: {  	v1 =	vld [tilespmem:$0x189C0];
	_ =	sdelay $0x1  }
0x126: {  	v2 =	vld [tilespmem:$0x18A40];
	_ =	sdelay $0x2  }
0x127: {  	v0 =	vmul.f32 v1, v0;
	_ =	sdelay $0x1  }
0x128: {  	v0 =	vadd.f32 v2, v0;
	_ =	sdelay $0x1  }
0x129: {  	v0 =	vmax.f32 v0, $0.0e+00  }
0x12a: {  	[tilespmem:s18+$0xFFFFFFC0] =	vst v0;
	v0 =	vld [tilespmem:s18+$0xFFFFFFD0]  }
0x12b: {  	v1 =	vld [tilespmem:$0x189D0];
	_ =	sdelay $0x1  }
0x12c: {  	v2 =	vld [tilespmem:$0x18A50];
	_ =	sdelay $0x2  }
0x12d: {  	v0 =	vmul.f32 v1, v0;
	_ =	sdelay $0x1  }
0x12e: {  	v0 =	vadd.f32 v2, v0;
	_ =	sdelay $0x1  }
0x12f: {  	v0 =	vmax.f32 v0, $0.0e+00  }
0x130: {  	[tilespmem:s18+$0xFFFFFFD0] =	vst v0;
	v0 =	vld [tilespmem:s18+$0xFFFFFFE0]  }
0x131: {  	v1 =	vld [tilespmem:$0x189E0];
	_ =	sdelay $0x1  }
0x132: {  	v2 =	vld [tilespmem:$0x18A60];
	_ =	sdelay $0x2  }
0x133: {  	v0 =	vmul.f32 v1, v0;
	_ =	sdelay $0x1  }
0x134: {  	v0 =	vadd.f32 v2, v0;
	_ =	sdelay $0x1  }
0x135: {  	v0 =	vmax.f32 v0, $0.0e+00  }
0x136: {  	[tilespmem:s18+$0xFFFFFFE0] =	vst v0;
	v0 =	vld [tilespmem:s18+$0xFFFFFFF0]  }
0x137: {  	v1 =	vld [tilespmem:$0x189F0];
	_ =	sdelay $0x1  }
0x138: {  	v2 =	vld [tilespmem:$0x18A70];
	_ =	sdelay $0x2  }
0x139: {  	v0 =	vmul.f32 v1, v0;
	_ =	sdelay $0x1  }
0x13a: {  	v0 =	vadd.f32 v2, v0;
	_ =	sdelay $0x1  }
0x13b: {  	v0 =	vmax.f32 v0, $0.0e+00  }
0x13c: {  	[tilespmem:s18+$0xFFFFFFF0] =	vst v0;
	v0 =	vld [tilespmem:s18+$0x0]  }
0x13d: {  	v1 =	vld [tilespmem:$0x18980];
	_ =	sdelay $0x1  }
0x13e: {  	v2 =	vld [tilespmem:$0x18A00];
	_ =	sdelay $0x2  }
0x13f: {  	v0 =	vmul.f32 v1, v0;
	_ =	sdelay $0x1  }
0x140: {  	v0 =	vadd.f32 v2, v0;
	_ =	sdelay $0x1  }
0x141: {  	v0 =	vmax.f32 v0, $0.0e+00  }
0x142: {  	[tilespmem:s18+$0x0] =	vst v0;
	v0 =	vld [tilespmem:s18+$0x10]  }
0x143: {  	v1 =	vld [tilespmem:$0x18990];
	_ =	sdelay $0x1  }
0x144: {  	v2 =	vld [tilespmem:$0x18A10];
	_ =	sdelay $0x2  }
0x145: {  	v0 =	vmul.f32 v1, v0;
	_ =	sdelay $0x1  }
0x146: {  	v0 =	vadd.f32 v2, v0;
	_ =	sdelay $0x1  }
0x147: {  	v0 =	vmax.f32 v0, $0.0e+00  }
0x148: {  	[tilespmem:s18+$0x10] =	vst v0;
	v0 =	vld [tilespmem:s18+$0x20]  }
0x149: {  	v1 =	vld [tilespmem:$0x189A0];
	_ =	sdelay $0x1  }
0x14a: {  	v2 =	vld [tilespmem:$0x18A20];
	_ =	sdelay $0x2  }
0x14b: {  	v0 =	vmul.f32 v1, v0;
	_ =	sdelay $0x1  }
0x14c: {  	v0 =	vadd.f32 v2, v0;
	_ =	sdelay $0x1  }
0x14d: {  	v0 =	vmax.f32 v0, $0.0e+00  }
0x14e: {  	[tilespmem:s18+$0x20] =	vst v0;
	v0 =	vld [tilespmem:s18+$0x30]  }
0x14f: {  	v1 =	vld [tilespmem:$0x189B0];
	_ =	sdelay $0x1  }
0x150: {  	v2 =	vld [tilespmem:$0x18A30];
	_ =	sdelay $0x2  }
0x151: {  	v0 =	vmul.f32 v1, v0;
	_ =	sdelay $0x1  }
0x152: {  	v0 =	vadd.f32 v2, v0;
	_ =	sdelay $0x1  }
0x153: {  	v0 =	vmax.f32 v0, $0.0e+00  }
0x154: {  	[tilespmem:s18+$0x30] =	vst v0;
	v0 =	vld [tilespmem:s18+$0x40]  }
0x155: {  	v1 =	vld [tilespmem:$0x189C0];
	_ =	sdelay $0x1  }
0x156: {  	v2 =	vld [tilespmem:$0x18A40];
	_ =	sdelay $0x2  }
0x157: {  	v0 =	vmul.f32 v1, v0;
	_ =	sdelay $0x1  }
0x158: {  	v0 =	vadd.f32 v2, v0;
	_ =	sdelay $0x1  }
0x159: {  	v0 =	vmax.f32 v0, $0.0e+00  }
0x15a: {  	[tilespmem:s18+$0x40] =	vst v0;
	v0 =	vld [tilespmem:s18+$0x50]  }
0x15b: {  	v1 =	vld [tilespmem:$0x189D0];
	_ =	sdelay $0x1  }
0x15c: {  	v2 =	vld [tilespmem:$0x18A50];
	_ =	sdelay $0x2  }
0x15d: {  	v0 =	vmul.f32 v1, v0;
	_ =	sdelay $0x1  }
0x15e: {  	v0 =	vadd.f32 v2, v0;
	_ =	sdelay $0x1  }
0x15f: {  	v0 =	vmax.f32 v0, $0.0e+00  }
0x160: {  	[tilespmem:s18+$0x50] =	vst v0;
	v0 =	vld [tilespmem:s18+$0x60]  }
0x161: {  	v1 =	vld [tilespmem:$0x189E0];
	_ =	sdelay $0x1  }
0x162: {  	v2 =	vld [tilespmem:$0x18A60];
	_ =	sdelay $0x2  }
0x163: {  	v0 =	vmul.f32 v1, v0;
	_ =	sdelay $0x1  }
0x164: {  	v0 =	vadd.f32 v2, v0;
	_ =	sdelay $0x1  }
0x165: {  	v0 =	vmax.f32 v0, $0.0e+00  }
0x166: {  	[tilespmem:s18+$0x60] =	vst v0;
	v0 =	vld [tilespmem:s18+$0x70]  }
0x167: {  	v1 =	vld [tilespmem:$0x189F0];
	_ =	sdelay $0x1  }
0x168: {  	v2 =	vld [tilespmem:$0x18A70];
	_ =	sdelay $0x2  }
0x169: {  	v0 =	vmul.f32 v1, v0;
	_ =	sdelay $0x1  }
0x16a: {  	v0 =	vadd.f32 v2, v0;
	_ =	sdelay $0x1  }
0x16b: {  	s7 =	simm.s32 $0x16200;
	s6 =	simm.s32 $0x0;
	v0 =	vmax.f32 v0, $0.0e+00  }
.LBB2_7:
0x16c: {  	v1 =	vld [tilespmem:s7+$0xFFFFFF80];
	s6 =	sadd.s32 $0x2, s6;
	[tilespmem:s18+$0x70] =	vst v0;
	s18 =	smov.u32 s7  }
0x16d: {  	v0 =	vld [tilespmem:$0x18980];
	p0 =	slt.u32 s6, $0x4E;
	_ =	sdelay $0x1  }
0x16e: {  	v2 =	vld [tilespmem:$0x18A00];
	_ =	sdelay $0x2  }
0x16f: {  	v0 =	vmul.f32 v0, v1;
	_ =	sdelay $0x1  }
0x170: {  	v0 =	vadd.f32 v2, v0;
	_ =	sdelay $0x1  }
0x171: {  	v0 =	vmax.f32 v0, $0.0e+00  }
0x172: {  	[tilespmem:s7+$0xFFFFFF80] =	vst v0;
	v0 =	vld [tilespmem:s7+$0xFFFFFF90]  }
0x173: {  	v1 =	vld [tilespmem:$0x18990];
	_ =	sdelay $0x1  }
0x174: {  	v2 =	vld [tilespmem:$0x18A10];
	_ =	sdelay $0x2  }
0x175: {  	v0 =	vmul.f32 v1, v0;
	_ =	sdelay $0x1  }
0x176: {  	v0 =	vadd.f32 v2, v0;
	_ =	sdelay $0x1  }
0x177: {  	v0 =	vmax.f32 v0, $0.0e+00  }
0x178: {  	[tilespmem:s7+$0xFFFFFF90] =	vst v0;
	v0 =	vld [tilespmem:s7+$0xFFFFFFA0]  }
0x179: {  	v1 =	vld [tilespmem:$0x189A0];
	_ =	sdelay $0x1  }
0x17a: {  	v2 =	vld [tilespmem:$0x18A20];
	_ =	sdelay $0x2  }
0x17b: {  	v0 =	vmul.f32 v1, v0;
	_ =	sdelay $0x1  }
0x17c: {  	v0 =	vadd.f32 v2, v0;
	_ =	sdelay $0x1  }
0x17d: {  	v0 =	vmax.f32 v0, $0.0e+00  }
0x17e: {  	[tilespmem:s7+$0xFFFFFFA0] =	vst v0;
	v0 =	vld [tilespmem:s7+$0xFFFFFFB0]  }
0x17f: {  	v1 =	vld [tilespmem:$0x189B0];
	_ =	sdelay $0x1  }
0x180: {  	v2 =	vld [tilespmem:$0x18A30];
	_ =	sdelay $0x2  }
0x181: {  	v0 =	vmul.f32 v1, v0;
	_ =	sdelay $0x1  }
0x182: {  	v0 =	vadd.f32 v2, v0;
	_ =	sdelay $0x1  }
0x183: {  	v0 =	vmax.f32 v0, $0.0e+00  }
0x184: {  	[tilespmem:s7+$0xFFFFFFB0] =	vst v0;
	v0 =	vld [tilespmem:s7+$0xFFFFFFC0]  }
0x185: {  	v1 =	vld [tilespmem:$0x189C0];
	_ =	sdelay $0x1  }
0x186: {  	v2 =	vld [tilespmem:$0x18A40];
	_ =	sdelay $0x2  }
0x187: {  	v0 =	vmul.f32 v1, v0;
	_ =	sdelay $0x1  }
0x188: {  	v0 =	vadd.f32 v2, v0;
	_ =	sdelay $0x1  }
0x189: {  	v0 =	vmax.f32 v0, $0.0e+00  }
0x18a: {  	[tilespmem:s7+$0xFFFFFFC0] =	vst v0;
	v0 =	vld [tilespmem:s7+$0xFFFFFFD0]  }
0x18b: {  	v1 =	vld [tilespmem:$0x189D0];
	_ =	sdelay $0x1  }
0x18c: {  	v2 =	vld [tilespmem:$0x18A50];
	_ =	sdelay $0x2  }
0x18d: {  	v0 =	vmul.f32 v1, v0;
	_ =	sdelay $0x1  }
0x18e: {  	v0 =	vadd.f32 v2, v0;
	_ =	sdelay $0x1  }
0x18f: {  	v0 =	vmax.f32 v0, $0.0e+00  }
0x190: {  	[tilespmem:s7+$0xFFFFFFD0] =	vst v0;
	v0 =	vld [tilespmem:s7+$0xFFFFFFE0]  }
0x191: {  	v1 =	vld [tilespmem:$0x189E0];
	_ =	sdelay $0x1  }
0x192: {  	v2 =	vld [tilespmem:$0x18A60];
	_ =	sdelay $0x2  }
0x193: {  	v0 =	vmul.f32 v1, v0;
	_ =	sdelay $0x1  }
0x194: {  	v0 =	vadd.f32 v2, v0;
	_ =	sdelay $0x1  }
0x195: {  	v0 =	vmax.f32 v0, $0.0e+00  }
0x196: {  	[tilespmem:s7+$0xFFFFFFE0] =	vst v0;
	v0 =	vld [tilespmem:s7+$0xFFFFFFF0]  }
0x197: {  	v1 =	vld [tilespmem:$0x189F0];
	_ =	sdelay $0x1  }
0x198: {  	v2 =	vld [tilespmem:$0x18A70];
	_ =	sdelay $0x2  }
0x199: {  	v0 =	vmul.f32 v1, v0;
	_ =	sdelay $0x1  }
0x19a: {  	v0 =	vadd.f32 v2, v0;
	_ =	sdelay $0x1  }
0x19b: {  	v0 =	vmax.f32 v0, $0.0e+00  }
0x19c: {  	[tilespmem:s7+$0xFFFFFFF0] =	vst v0;
	v0 =	vld [tilespmem:s7+$0x0]  }
0x19d: {  	v1 =	vld [tilespmem:$0x18980];
	_ =	sdelay $0x1  }
0x19e: {  	v2 =	vld [tilespmem:$0x18A00];
	_ =	sdelay $0x2  }
0x19f: {  	v0 =	vmul.f32 v1, v0;
	_ =	sdelay $0x1  }
0x1a0: {  	v0 =	vadd.f32 v2, v0;
	_ =	sdelay $0x1  }
0x1a1: {  	v0 =	vmax.f32 v0, $0.0e+00  }
0x1a2: {  	[tilespmem:s7+$0x0] =	vst v0;
	v0 =	vld [tilespmem:s7+$0x10]  }
0x1a3: {  	v1 =	vld [tilespmem:$0x18990]  }
0x1a4: {  	v2 =	vld [tilespmem:$0x18A10];
	_ =	sdelay $0x3  }
0x1a5: {  	v0 =	vmul.f32 v1, v0;
	_ =	sdelay $0x1  }
0x1a6: {  	v0 =	vadd.f32 v2, v0;
	_ =	sdelay $0x1  }
0x1a7: {  	v0 =	vmax.f32 v0, $0.0e+00  }
0x1a8: {  	[tilespmem:s7+$0x10] =	vst v0;
	v0 =	vld [tilespmem:s7+$0x20]  }
0x1a9: {  	v1 =	vld [tilespmem:$0x189A0]  }
0x1aa: {  	v2 =	vld [tilespmem:$0x18A20];
	_ =	sdelay $0x3  }
0x1ab: {  	v0 =	vmul.f32 v1, v0;
	_ =	sdelay $0x1  }
0x1ac: {  	v0 =	vadd.f32 v2, v0;
	_ =	sdelay $0x1  }
0x1ad: {  	v0 =	vmax.f32 v0, $0.0e+00  }
0x1ae: {  	[tilespmem:s7+$0x20] =	vst v0;
	v0 =	vld [tilespmem:s7+$0x30]  }
0x1af: {  	v1 =	vld [tilespmem:$0x189B0]  }
0x1b0: {  	v2 =	vld [tilespmem:$0x18A30];
	_ =	sdelay $0x3  }
0x1b1: {  	v0 =	vmul.f32 v1, v0;
	_ =	sdelay $0x1  }
0x1b2: {  	v0 =	vadd.f32 v2, v0;
	_ =	sdelay $0x1  }
0x1b3: {  	v0 =	vmax.f32 v0, $0.0e+00  }
0x1b4: {  	[tilespmem:s7+$0x30] =	vst v0;
	v0 =	vld [tilespmem:s7+$0x40]  }
0x1b5: {  	v1 =	vld [tilespmem:$0x189C0]  }
0x1b6: {  	v2 =	vld [tilespmem:$0x18A40];
	_ =	sdelay $0x3  }
0x1b7: {  	v0 =	vmul.f32 v1, v0;
	_ =	sdelay $0x1  }
0x1b8: {  	v0 =	vadd.f32 v2, v0;
	_ =	sdelay $0x1  }
0x1b9: {  	v0 =	vmax.f32 v0, $0.0e+00  }
0x1ba: {  	[tilespmem:s7+$0x40] =	vst v0;
	v0 =	vld [tilespmem:s7+$0x50]  }
0x1bb: {  	v1 =	vld [tilespmem:$0x189D0]  }
0x1bc: {  	v2 =	vld [tilespmem:$0x18A50];
	_ =	sdelay $0x3  }
0x1bd: {  	v0 =	vmul.f32 v1, v0;
	_ =	sdelay $0x1  }
0x1be: {  	v0 =	vadd.f32 v2, v0;
	_ =	sdelay $0x1  }
0x1bf: {  	v0 =	vmax.f32 v0, $0.0e+00  }
0x1c0: {  	[tilespmem:s7+$0x50] =	vst v0;
	v0 =	vld [tilespmem:s7+$0x60]  }
0x1c1: {  	v1 =	vld [tilespmem:$0x189E0]  }
0x1c2: {  	v2 =	vld [tilespmem:$0x18A60];
	_ =	sdelay $0x3  }
0x1c3: {  	v0 =	vmul.f32 v1, v0;
	_ =	sdelay $0x1  }
0x1c4: {  	v0 =	vadd.f32 v2, v0;
	_ =	sdelay $0x1  }
0x1c5: {  	v0 =	vmax.f32 v0, $0.0e+00  }
0x1c6: {  	[tilespmem:s7+$0x60] =	vst v0;
	v0 =	vld [tilespmem:s7+$0x70]  }
0x1c7: {  	v1 =	vld [tilespmem:$0x189F0]  }
0x1c8: {  	v2 =	vld [tilespmem:$0x18A70];
	_ =	sdelay $0x3  }
.Ltmp2:
0x1c9: {  	v0 =	vmul.f32 v1, v0;
	(pc) =	sbr.rel @p0 .LBB2_7-.Ltmp2, $3  }
0x1ca: {  	_ = 	snop  }
0x1cb: {  	v0 =	vadd.f32 v2, v0;
	_ =	sdelay $0x1  }
0x1cc: {  	s7 =	sadd.s32 $0x100, s7;
	v0 =	vmax.f32 v0, $0.0e+00  }
0x1cd: {  	p0 =	seq.s32 s0, $0x7C  }
.Ltmp3:
0x1ce: {  	_ = 	snop;
	(pc) =	sbr.rel @p0 .LBB2_10-.Ltmp3, $4  }
0x1cf: {  	[tilespmem:s18+$0x70] =	vst v0  }
0x1d0: {  	_ =	swait.ge [sflag:s29], $0x2800  }
0x1d1: {  	[sflag:s29] =	ssyncset.done $0x0  }
0x1d2: {  	[sflag:s29] =	ssyncadd.s32 $0xFFFFD800  }
0x1d3: {  	s6 =	sadd.s32 s16, s10  }
0x1d4: {  	s7 =	sshll.u32 s6, $0x4  }
0x1d5: {  	s7 =	sadd.s32 s12, s7  }
0x1d6: {  	[tilespmem:s19], [sflag:$0x1] =	stream.linear.gather [hbm4b:s7+s2], $0x2800, $0x38;
	[tilespmem:$0x18A80] =	vst v63  }
.Ltmp4:
0x1d7: {  	s6 =	sshrl.u32 s6, $0x3;
	(pc) =	sbr.rel .LBB2_4-.Ltmp4, $4  }
0x1d8: {  	s6 =	sadd.s32 s4, s6  }
0x1d9: {  	[tilespmem:s20], [sflag:$0x3] =	stream.linear.gather [hbm4b:s6+s2], $0x50, $0x38;
	[tilespmem:$0x18A80] =	vst v63  }
0x1da: {  	s0 =	sadd.s32 $0x1, s0  }
0x1db: {  	[spmem:s1] =	stream.indirect.scatter.add.f32 [tilespmem:s23], [sflag:$0x6], $0x80, s24, s25, $0xb8;
	[tilespmem:$0x18A80] =	vst v63  }
.LBB2_10:
0x1dc: {  	[spmem:s1] =	stream.indirect.scatter.add.f32 [tilespmem:s23], [sflag:$0x6], $0x80, s24, s25, $0xb8;
	[tilespmem:$0x18A80] =	vst v63  }
0x1dd: {  	s0 =	sadd.s32 $0x0, s3  }
0x1de: {  	_ =	swait.ge [sflag:s30], $0x2800;
	p0 =	sgt.u32 s0, $0x270  }
0x1df: {  	[sflag:s30] =	ssyncset.done $0x0;
	s0 =	sshrl.u32 @!p0 s14, $0x3;
	s6 =	simm.s32 @!p0 $0x8  }
0x1e0: {  	s7 =	sshll.u32 @!p0 s3, $0x6;
	s8 =	simm.s32 @!p0 $0x100;
	[sflag:s30] =	ssyncadd.s32 $0xFFFFD800  }
0x1e1: {  	s16 =	simm.s32 @!p0 $0x80;
	s7 =	sor.u32 @!p0 $0x1C07, s7;
	[bflag:$0x0] =	sbarrier.arrive $0xFFFF  }
0x1e2: {  	[hbm:s15@s8], [sflag:s7] =	dma.strided @!p0 [spmem:s0@s16], $0x100, s6, $0x10   }
0x1e3: {  	s0 =	simm.s32 $0x10;
	s16 =	simm.s32 @!p0 $0x7  }
0x1e4: {  	p0 =	por p0, p0;
	s6 =	smov.u32 s14;
	s7 =	smov.u32 s15  }
.LBB2_11:
0x1e5: {  	s8 =	sadd.s32 s0, s3;
	_ =	swait.ge @!p0 [sflag:s16], $0x100;
	s6 =	sadd.s32 $0x8000, s6  }
0x1e6: {  	s7 =	sadd.s32 $0x2000, s7;
	s0 =	sadd.s32 $0x10, s0;
	p1 =	sgt.u32 s8, $0x270  }
0x1e7: {  	[sflag:s16] =	ssyncset.done @!p0 $0x0;
	p2 =	sne.s32 s0, $0x280;
	s8 =	sshrl.u32 @!p1 s6, $0x3  }
.Ltmp5:
0x1e8: {  	s18 =	simm.s32 @!p1 $0x8;
	[sflag:s16] =	ssyncadd.s32 @!p0 $0xFFFFFF00;
	(pc) =	sbr.rel @p2 .LBB2_11-.Ltmp5, $4  }
0x1e9: {  	s16 =	sshll.u32 @!p1 s3, $0x6;
	s11 =	simm.s32 @!p1 $0x100  }
0x1ea: {  	s13 =	simm.s32 @!p1 $0x80;
	s16 =	sor.u32 @!p1 $0x1C07, s16  }
0x1eb: {  	[hbm:s7@s11], [sflag:s16] =	dma.strided @!p1 [spmem:s8@s13], $0x100, s18, $0x10   }
0x1ec: {  	p0 =	por p1, p1;
	s16 =	simm.s32 @!p1 $0x7  }
0x1ed: {  	_ =	swait.ge @!p0 [sflag:s16], $0x100  }
0x1ee: {  	s31 =	sadd.s32 $0x1, s31;
	s0 =	rddreg [dreg:$0x7]  }
0x1ef: {  	p1 =	sne.s32 s31, s0  }
.Ltmp6:
0x1f0: {  	_ = 	snop;
	(pc) =	sbr.rel @p1 .LBB2_1-.Ltmp6, $3  }
0x1f1: {  	_ =	sdelay $0x1  }
0x1f2: {  	[sflag:s16] =	ssyncset.done @!p0 $0x0  }
0x1f3: {  	[sflag:s16] =	ssyncadd.s32 @!p0 $0xFFFFFF00  }
0x1f4: {  	_ =	sfence.sel $0x180000  }
0x1f5: {  	[bflag:$0x0] =	sbarrier.arrive $0xFFFF  }
0x1f6: {  	_ =	strace $0x9000004A  }
0x1f7: {  	[bflag:$0x2] =	sbarrier.arrive $0xFFFF  }
0x1f8: {  	p0 =	sne.s32 s3, $0x0;
	s0 =	rddreg [dreg:$0x3]  }
0x1f9: {  	s0 =	sadd.s32 @!p0 $0x100000, s0  }
0x1fa: {  	[sflag:s0] =	ssyncadd.tile.s32 @!p0 $0x1;
	_ =	shalt  }
.Lfunc_end2:
_tile_overlayer_lowered:
.L_overlay_start_2:
0x1fb: {  	(tag) =	ssettag $0x2  }
0x1fc: {  	s0 =	rddreg [dreg:$0x0];
	s2 =	stileid.u32  }
0x1fd: {  	s1 =	rddreg [dreg:$0x1];
	p0 =	sne.s32 s2, $0x0  }
0x1fe: {  	s3 =	rddreg [dreg:$0x2];
	[bflag:$0x3] =	sbarrier.arrive $0xFFFF;
	s2 =	simm.s32 @!p0 $0x1C07  }
0x1ff: {  	[timem:s3], [sflag:s2] =	dma.local @!p0 [hbm:s0], s1  }
0x200: {  	s0 =	simm.s32 @!p0 $0x7  }
0x201: {  	_ =	swait.ge @!p0 [sflag:s0], s1  }
0x202: {  	s1 =	ssub.s32 @!p0 $0x0, s1;
	[sflag:s0] =	ssyncset.done @!p0 $0x0  }
0x203: {  	[sflag:s0] =	ssyncadd.s32 @!p0 s1  }
0x204: {  	[bflag:$0x3] =	sbarrier.arrive $0xFFFF  }
0x205: {  	_ =	shalt  }

// kernel: kernel.8.cloned.1.call-start
scs
__scs_entry_jumppad:
0x0: {  	(pc) =	sbr.rel $0x88, $3  }
0x1: {  	(tag) =	ssettag $0x0;
	lr =	simm.s32 $0x1  }
0x2: {  	[smem:$0x3F93] =	sst lr;
	_ =	strace $0xD0000000  }
0x3: {  	_ = 	snop  }
0x4: {  	_ = 	snop  }
0x5: {  	_ = 	snop  }
0x6: {  	_ = 	snop  }
0x7: {  	_ = 	snop  }
__scs_overlays_trampoline_lowered:
0x8: {  	[smem:$0x3FA2] =	sst s0  }
0x9: {  	[smem:$0x3FA3] =	sst s1  }
0xa: {  	[smem:$0x3FA4] =	sst s2  }
0xb: {  	[smem:$0x3FA5] =	sst s3  }
0xc: {  	[smem:$0x3FA6] =	sst s4  }
0xd: {  	[smem:$0x3FA7] =	sst s5  }
0xe: {  	[smem:$0x3FA8] =	sst s6  }
0xf: {  	[smem:$0x3FA9] =	sst s7  }
0x10: {  	[smem:$0x3FAA] =	sst s8  }
0x11: {  	[smem:$0x3FAB] =	sst s9;
	s0 =	simm.s32 @!p0 $0x0  }
0x12: {  	s1 =	sld [smem:$0x3F91];
	s0 =	simm.s32 @p0 $0x1  }
0x13: {  	[smem:$0x3FAC] =	sst s0;
	s0 =	simm.s32 @!p1 $0x0  }
0x14: {  	s2 =	sld [smem:$0x3F90];
	s0 =	simm.s32 @p1 $0x1  }
0x15: {  	[smem:$0x3FAD] =	sst s0;
	s0 =	simm.s32 @!p2 $0x0  }
0x16: {  	s3 =	sld [smem:$0x3FDB];
	s0 =	simm.s32 @p2 $0x1  }
0x17: {  	s4 =	simm.s32 $0x1BF5;
	[smem:$0x3FAF] =	sst s0  }
0x18: {  	s0 =	sld [smem:$0x3F92];
	_ =	swait.ge [sflag:s4], $0x0  }
0x19: {  	s7 =	sld [smem:$0x3F93]  }
0x1a: {  	s8 =	sadd.s32 $0xFFFFE003, lr  }
0x1b: {  	s9 =	sadd.s32 $0xFFFFFEF7, lr;
	s5 =	simm.s32 $0xFFFFFFFF;
	p2 =	slt.u32 s8, $0xFFFFF086  }
0x1c: {  	p1 =	slt.u32 s9, $0xF7A;
	s5 =	simm.s32 @!p2 $0x0  }
0x1d: {  	s5 =	simm.s32 @p1 $0x1;
	p0 =	seq.s32 s7, s2  }
0x1e: {  	s7 =	smul.u32 @!p0 $0xF7A, s2;
	p2 =	seq.s32 @!p0 s5, $0x0  }
0x1f: {  	s9 =	smul.u32 $0xF7A, s1;
	s8 =	simm.s32 @!p0 $0x1BF5;
	p2 =	por !p2, p0  }
0x20: {  	[sflag:s8] =	ssyncset.s32 @!p0 $0xFFFFF086;
	s6 =	sadd.s32 @!p0 s3, s7;
	s7 =	simm.s32 @!p0 $0x108  }
0x21: {  	s3 =	sadd.s32 s3, s9;
	s6 =	sadd.s32 @!p0 $0x88, s6;
	s7 =	simm.s32 @p2 $0x1082  }
0x22: {  	[simem:s7], [sflag:s8] =	dma.local @!p0 [hbm:s6], $0xF7A  }
0x23: {  	s9 =	sor.u32 $0xD0000000, s2;
	s6 =	simm.s32 $0x108;
	_ =	swait.ge @!p0 [sflag:s8], $0x0  }
0x24: {  	s3 =	sadd.s32 $0x88, s3;
	s6 =	simm.s32 @!p1 $0x1082;
	[sflag:s4] =	ssyncset.s32 $0xFFFFF086  }
0x25: {  	[simem:s6], [sflag:s4] =	dma.local [hbm:s3], $0xF7A  }
0x26: {  	[smem:$0x3F93] =	sst s1;
	(tag) =	ssettag s2;
	_ =	strace s9  }
0x27: {  	s1 =	sld [smem:$0x3FA3]  }
0x28: {  	s2 =	sld [smem:$0x3FA4]  }
0x29: {  	s4 =	sld [smem:$0x3FA6]  }
0x2a: {  	p0 =	seq.s32 s5, $0x0;
	s5 =	sld [smem:$0x3FA7]  }
0x2b: {  	s6 =	sld [smem:$0x3FA8]  }
0x2c: {  	s7 =	sld [smem:$0x3FA9]  }
0x2d: {  	s3 =	simm.s32 $0x108;
	s8 =	sld [smem:$0x3FAA]  }
0x2e: {  	s3 =	simm.s32 @!p0 $0x1082;
	s9 =	sld [smem:$0x3FAB]  }
0x2f: {  	lr =	sadd.s32 s0, s3;
	s0 =	sld [smem:$0x3FA2]  }
0x30: {  	s3 =	sld [smem:$0x3FA5]  }
0x31: {  	[smem:$0x3FAE] =	sst s10  }
0x32: {  	s10 =	sld [smem:$0x3FAC];
	_ =	sdelay $0x3  }
0x33: {  	p0 =	seq.s32 s10, $0x1;
	s10 =	sld [smem:$0x3FAE];
	_ =	sdelay $0x3  }
0x34: {  	[smem:$0x3FAE] =	sst s10  }
0x35: {  	s10 =	sld [smem:$0x3FAD];
	_ =	sdelay $0x3  }
0x36: {  	p1 =	seq.s32 s10, $0x1;
	s10 =	sld [smem:$0x3FAE];
	_ =	sdelay $0x3  }
0x37: {  	[smem:$0x3FAE] =	sst s10  }
0x38: {  	s10 =	sld [smem:$0x3FAF]  }
0x39: {  	_ = 	snop;
	(pc) =	sbr.ind lr, $3  }
0x3a: {  	_ = 	snop  }
0x3b: {  	_ = 	snop  }
0x3c: {  	p2 =	seq.s32 s10, $0x1;
	s10 =	sld [smem:$0x3FAE]  }
0x3d: {  	_ =	shalt  }
0x3e: {  	_ =	shalt  }
0x3f: {  	_ =	shalt  }
0x40: {  	_ =	shalt  }
0x41: {  	_ =	shalt  }
0x42: {  	_ =	shalt  }
0x43: {  	_ =	shalt  }
0x44: {  	_ =	shalt  }
0x45: {  	_ =	shalt  }
0x46: {  	_ =	shalt  }
0x47: {  	_ =	shalt  }
0x48: {  	_ =	shalt  }
0x49: {  	_ =	shalt  }
0x4a: {  	_ =	shalt  }
0x4b: {  	_ =	shalt  }
0x4c: {  	_ =	shalt  }
0x4d: {  	_ =	shalt  }
0x4e: {  	_ =	shalt  }
0x4f: {  	_ =	shalt  }
0x50: {  	_ =	shalt  }
0x51: {  	_ =	shalt  }
0x52: {  	_ =	shalt  }
0x53: {  	_ =	shalt  }
0x54: {  	_ =	shalt  }
0x55: {  	_ =	shalt  }
0x56: {  	_ =	shalt  }
0x57: {  	_ =	shalt  }
0x58: {  	_ =	shalt  }
0x59: {  	_ =	shalt  }
0x5a: {  	_ =	shalt  }
0x5b: {  	_ =	shalt  }
0x5c: {  	_ =	shalt  }
0x5d: {  	_ =	shalt  }
0x5e: {  	_ =	shalt  }
0x5f: {  	_ =	shalt  }
0x60: {  	_ =	shalt  }
0x61: {  	_ =	shalt  }
0x62: {  	_ =	shalt  }
0x63: {  	_ =	shalt  }
0x64: {  	_ =	shalt  }
0x65: {  	_ =	shalt  }
0x66: {  	_ =	shalt  }
0x67: {  	_ =	shalt  }
0x68: {  	_ =	shalt  }
0x69: {  	_ =	shalt  }
0x6a: {  	_ =	shalt  }
0x6b: {  	_ =	shalt  }
0x6c: {  	_ =	shalt  }
0x6d: {  	_ =	shalt  }
0x6e: {  	_ =	shalt  }
0x6f: {  	_ =	shalt  }
0x70: {  	_ =	shalt  }
0x71: {  	_ =	shalt  }
0x72: {  	_ =	shalt  }
0x73: {  	_ =	shalt  }
0x74: {  	_ =	shalt  }
0x75: {  	_ =	shalt  }
0x76: {  	_ =	shalt  }
0x77: {  	_ =	shalt  }
0x78: {  	_ =	shalt  }
0x79: {  	_ =	shalt  }
0x7a: {  	_ =	shalt  }
0x7b: {  	_ =	shalt  }
0x7c: {  	_ =	shalt  }
0x7d: {  	_ =	shalt  }
0x7e: {  	_ =	shalt  }
0x7f: {  	_ =	shalt  }
0x80: {  	_ =	shalt  }
0x81: {  	_ =	shalt  }
0x82: {  	_ =	shalt  }
0x83: {  	_ =	shalt  }
0x84: {  	_ =	shalt  }
0x85: {  	_ =	shalt  }
0x86: {  	_ =	shalt  }
0x87: {  	_ =	shalt  }
.Lfunc_end0:
.L_simem_size_0:
called_computation_lowered:
.L_overlay_start_0:
0x88: {  	s2 =	sld [smem:$0x3FD9]  }
0x89: {  	s3 =	sld [smem:$0x3FFE];
	_ =	sdelay $0x1  }
0x8a: {  	s1 =	srdreg.scid  }
0x8b: {  	s0 =	sand.u32 $0x1, s1  }
0x8c: {  	s17 =	sshll.u32 s0, $0xA;
	s2 =	sadd.s32 s3, s2  }
0x8d: {  	s2 =	sadd.s32 s2, s17  }
0x8e: {  	[smem:$0x3FBA] =	sst s2  }
0x8f: {  	_ = 	snop  }
0x90: {  	s2 =	sld [smem:$0x3FD0];
	(tm) =	ssettm $0x1  }
0x91: {  	s18 =	sld [smem:$0x3FFB];
	_ =	sdelay $0x3  }
0x92: {  	_ =	strace s18  }
0x93: {  	s3 =	sld [smem:$0x3FFC];
	_ =	sdelay $0x3  }
0x94: {  	_ =	strace s3  }
0x95: {  	s3 =	sld [smem:$0x3FFD];
	_ =	sdelay $0x3  }
0x96: {  	_ =	strace s3  }
0x97: {  	_ =	strace $0x8FFFFFFF  }
0x98: {  	s19 =	sld [smem:$0x3FDB];
	_ =	sdelay $0x1  }
0x99: {  	s4 =	simm.s32 $_scs_section_size  }
0x9a: {  	s5 =	simm.s32 $_size__tile_overlayer_lowered;
	s6 =	simm.s32 $_tile_overlayer_lowered  }
0x9b: {  	s22 =	simm.s32 $0x1BFF;
	s21 =	sshll.u32 s6, $0x1;
	s3 =	sadd.s32 s4, s19  }
0x9c: {  	s7 =	simm.s32 $0x0;
	s20 =	sshll.u32 s5, $0x1;
	s5 =	sadd.s32 s21, s3  }
0x9d: {  	[timem:s7], [sflag:s22] =	dma.local [hbm:s5], s20  }
0x9e: {  	_ =	swait.ge [sflag:s22], s20  }
0x9f: {  	s4 =	ssub.s32 $0x0, s20;
	[sflag:s22] =	ssyncset.done $0x0  }
0xa0: {  	[sflag:s22] =	ssyncadd.s32 s4;
	_ =	sdelay $0x1  }
0xa1: {  	s23 =	simm.s32 $0x1B8B  }
0xa2: {  	_ =	swait.ge [sflag:s23], $0x1  }
0xa3: {  	[sflag:s23] =	ssyncset.done $0x0  }
0xa4: {  	s25 =	simm.s32 $0x1B8E;
	s24 =	sld [smem:$0x3FFE];
	[sflag:s23] =	ssyncadd.s32 $0xFFFFFFFF  }
0xa5: {  	s26 =	simm.s32 $execute0_lowered;
	[smem:$0x3FD2] =	sst s25  }
0xa6: {  	s5 =	sshll.u32 s26, $0x1;
	_ =	strace $0x80000046;
	[dreg:$0x1] =	wrdreg $0xFFFFFFFF  }
0xa7: {  	s28 =	simm.s32 $_size_execute0_lowered;
	s3 =	sadd.s32 s3, s5;
	[dreg:$0x0] =	wrdreg $0x0  }
0xa8: {  	s5 =	sshll.u32 s28, $0x1;
	[dreg:$0x2] =	wrdreg s3  }
0xa9: {  	[dreg:$0x3] =	wrdreg s5  }
0xaa: {  	[dreg:$0x4] =	wrdreg $0xC0  }
0xab: {  	_ =	task [dreg:s7], $0x5FFFF  }
0xac: {  	[dreg:$0x1] =	wrdreg $0xFFFFFFFF  }
0xad: {  	[dreg:$0x0] =	wrdreg $0x60  }
0xae: {  	[dreg:$0x2] =	wrdreg s24  }
0xaf: {  	[dreg:$0x3] =	wrdreg s2  }
0xb0: {  	[dreg:$0x4] =	wrdreg $0x0  }
0xb1: {  	[dreg:$0x5] =	wrdreg $0x9  }
0xb2: {  	_ =	task.clear_ibuf [dreg:s7], $0x6FFFF;
	_ =	strace $0x90000046  }
0xb3: {  	s29 =	simm.s32 $0x9;
	_ =	strace $0x80000048  }
0xb4: {  	_ =	swait.ge [sflag:s29], $0x1  }
0xb5: {  	[sflag:s29] =	ssyncadd.s32 $0xFFFFFFFF  }
0xb6: {  	_ =	strace $0x90000048  }
0xb7: {  	_ =	sfence  }
0xb8: {  	s30 =	sld [smem:$0x0];
	_ =	sdelay $0x2  }
0xb9: {  	s31 =	sshll.u32 s1, $0xD;
	s1 =	sshrl.u32 s1, $0x2  }
0xba: {  	s3 =	sand.u32 $0x4000, s31;
	s1 =	sadd.s32 s1, s30  }
0xbb: {  	s0 =	sor.u32 s3, s0;
	s1 =	sshll.u32 s1, $0x11  }
0xbc: {  	s0 =	sor.u32 s1, s0  }
0xbd: {  	s0 =	sadd.s32 $0x8F2B, s0  }
0xbe: {  	[sflag:s0] =	ssyncadd.remote.s32 $0x1  }
0xbf: {  	_ =	sfence.sel $0xFFFF  }
0xc0: {  	[dreg:$0x0] =	wrdreg $0xFFFFFFFF;
	(pc) =	sbr.abs _section_cstart, $3  }
0xc1: {  	[dreg:$0x1] =	wrdreg $0xFFFFFFFF  }
0xc2: {  	_ =	task.clear_ibuf [dreg:s7], $0x2FFFF;
	_ =	strace $0x9FFFFFFF  }
0xc3: {  	(tm) =	ssettm $0x7FFFFFFF  }
tec
execute0_lowered:
.L_overlay_start_1:
0x0: {  	(tag) =	ssettag $0x1  }
0x1: {  	s0 =	rddreg [dreg:$0x0]  }
0x2: {  	s1 =	rddreg [dreg:$0x1]  }
0x3: {  	s13 =	rddreg [dreg:$0x2]  }
0x4: {  	s4 =	simm.s32 $0x0;
	s2 =	srdreg.scid;
	s14 =	stileid.u32  }
0x5: {  	s19 =	simm.s32 $0x7;
	s21 =	simm.s32 $0x2710;
	s15 =	simm.s32 $0xFF10  }
0x6: {  	s17 =	simm.s32 $0x10710;
	s16 =	simm.s32 $0x16710;
	s22 =	simm.s32 $0x7710  }
0x7: {  	s23 =	simm.s32 $0x2;
	[smem:$0x7FF] =	sst s4;
	s5 =	sadd.s32 $0x16E00, s0  }
0x8: {  	s2 =	sand.u32 $0x1, s2;
	s3 =	sshll.u32 s14, $0x1;
	s6 =	sadd.s32 $0x3200, s0  }
0x9: {  	s7 =	sadd.s32 $0xD000, s0;
	s8 =	sadd.s32 $0x67000, s0;
	s31 =	sadd.s32 $0xA2B000, s0  }
0xa: {  	s25 =	smul.u32 $0x9C40, s14;
	s14 =	simm.s32 $0xF710;
	_ =	strace $0x80000047  }
0xb: {  	s3 =	sor.u32 s2, s3;
	s10 =	ssub.s32 $0x2, s2;
	s29 =	smul.u32 $0x2710, s2  }
0xc: {  	s2 =	simm.s32 $0x10F10;
	[dreg:$0x4] =	wrdreg s31;
	s9 =	smul.u32 $0x2710, s3  }
0xd: {  	s11 =	sshll.u32 s3, $0x8;
	s12 =	sshrl.u32 s10, $0x1;
	s3 =	smul.u32 $0x271000, s3  }
0xe: {  	s28 =	sshrl.u32 s25, $0x2;
	s25 =	simm.s32 $0x5;
	s0 =	sadd.s32 s11, s0  }
0xf: {  	s10 =	ssub.s32 s10, s12;
	[dreg:$0xa] =	wrdreg s29;
	s24 =	sshrl.u32 s9, $0x3  }
0x10: {  	s3 =	sshrl.u32 s3, $0x3;
	s0 =	sadd.s32 $0x65000, s0;
	s30 =	smax.u32 s10, $0x1  }
0x11: {  	s10 =	simm.s32 $0x3;
	s26 =	sadd.s32 s6, s24;
	[dreg:$0x8] =	wrdreg s0  }
.Ltmp0:
0x12: {  	s11 =	sadd.s32 s7, s24;
	[dreg:$0xb] =	wrdreg s30;
	(pc) =	sbr.rel .LBB2_1-.Ltmp0, $4  }
0x13: {  	s3 =	sadd.s32 s8, s3;
	s0 =	sadd.s32 s28, s13;
	[dreg:$0x5] =	wrdreg s26  }
0x14: {  	v3 =	vlaneseq.u32;
	v0 =	vimm.f32 $0.0e+00;
	s13 =	simm.s32 $0xEF10;
	s24 =	simm.s32 $0x4;
	[dreg:$0x6] =	wrdreg s11  }
0x15: {  	vm0 =	vmmov $0xffff;
	v4 =	vimm.f32 $1.000000000e+00;
	v2 =	vshrl.u32 v3, $0x3;
	s3 =	sadd.s32 $0x4D800, s3;
	[dreg:$0x9] =	wrdreg s0;
	s26 =	simm.s32 $0x8  }
0x16: {  	v1 =	vand.u32 $0x7, v3;
	v3 =	vor.u32 $0x8, v3;
	v2 =	vmul.u32 $0x8, v2;
	s11 =	simm.s32 $0x0;
	[dreg:$0x7] =	wrdreg s3;
	s3 =	simm.s32 $0x1  }
.LBB2_17:
0x17: {  	s11 =	rddreg [dreg:$0xc]  }
0x18: {  	s0 =	rddreg [dreg:$0xb];
	s11 =	sadd.s32 $0x1, s11  }
0x19: {  	p0 =	sne.s32 s11, s0  }
.Ltmp1:
0x1a: {  	_ = 	snop;
	(pc) =	sbr.rel @!p0 .LBB2_18-.Ltmp1, $1  }
0x1b: {  	_ =	sdelay $0x3  }
.LBB2_1:
0x1c: {  	[dreg:$0xc] =	wrdreg s11;
	s0 =	simm.s32 $0x40;
	s18 =	simm.s32 $0x0  }
.LBB2_2:
0x1d: {  	p0 =	sne.s32 s0, $0x9C40;
	[tilespmem:s18+$0x16710] =	vst v0;
	s18 =	smov.u32 s0;
	s0 =	sadd.s32 $0x40, s0  }
.Ltmp2:
0x1e: {  	(pc) =	sbr.rel @p0 .LBB2_2-.Ltmp2, $2  }
0x1f: {  	_ =	sdelay $0x2  }
0x20: {  	s18 =	sshra.s32 s18, $0x2  }
0x21: {  	[tilespmem:s18+$0x16710] =	vst v0  }
0x22: {  	[tilespmem:$0x1B990] =	vst v0  }
0x23: {  	[tilespmem:$0x1B9A0] =	vst v0  }
0x24: {  	[tilespmem:$0x1B9B0] =	vst v0  }
0x25: {  	[tilespmem:$0x1B9C0] =	vst v0  }
0x26: {  	[tilespmem:$0x1B9D0] =	vst v0  }
0x27: {  	[tilespmem:$0x1B9E0] =	vst v0  }
0x28: {  	[tilespmem:$0x1B9F0] =	vst v0  }
0x29: {  	[tilespmem:$0x1BA00] =	vst v0  }
0x2a: {  	[tilespmem:$0x1BD90] =	vst v0  }
0x2b: {  	[tilespmem:$0x1BDA0] =	vst v0  }
0x2c: {  	[tilespmem:$0x1BDB0] =	vst v0  }
0x2d: {  	[tilespmem:$0x1BDC0] =	vst v0  }
0x2e: {  	[tilespmem:$0x1BDD0] =	vst v0  }
0x2f: {  	[tilespmem:$0x1BDE0] =	vst v0  }
0x30: {  	[tilespmem:$0x1BDF0] =	vst v0  }
0x31: {  	[tilespmem:$0x1BE00] =	vst v0  }
0x32: {  	[tilespmem:$0x1BA10] =	vst v0  }
0x33: {  	[tilespmem:$0x1BA20] =	vst v0  }
0x34: {  	[tilespmem:$0x1BA30] =	vst v0  }
0x35: {  	[tilespmem:$0x1BA40] =	vst v0  }
0x36: {  	[tilespmem:$0x1BA50] =	vst v0  }
0x37: {  	[tilespmem:$0x1BA60] =	vst v0  }
0x38: {  	[tilespmem:$0x1BA70] =	vst v0  }
0x39: {  	[tilespmem:$0x1BA80] =	vst v0  }
0x3a: {  	[tilespmem:$0x1BE10] =	vst v0  }
0x3b: {  	[tilespmem:$0x1BE20] =	vst v0  }
0x3c: {  	[tilespmem:$0x1BE30] =	vst v0  }
0x3d: {  	[tilespmem:$0x1BE40] =	vst v0  }
0x3e: {  	[tilespmem:$0x1BE50] =	vst v0  }
0x3f: {  	[tilespmem:$0x1BE60] =	vst v0  }
0x40: {  	[tilespmem:$0x1BE70] =	vst v0  }
0x41: {  	[tilespmem:$0x1BE80] =	vst v0  }
0x42: {  	[tilespmem:$0x1BA90] =	vst v0  }
0x43: {  	[tilespmem:$0x1BAA0] =	vst v0  }
0x44: {  	[tilespmem:$0x1BAB0] =	vst v0  }
0x45: {  	[tilespmem:$0x1BAC0] =	vst v0  }
0x46: {  	[tilespmem:$0x1BAD0] =	vst v0  }
0x47: {  	[tilespmem:$0x1BAE0] =	vst v0  }
0x48: {  	[tilespmem:$0x1BAF0] =	vst v0  }
0x49: {  	[tilespmem:$0x1BB00] =	vst v0  }
0x4a: {  	[tilespmem:$0x1BE90] =	vst v0  }
0x4b: {  	[tilespmem:$0x1BEA0] =	vst v0  }
0x4c: {  	[tilespmem:$0x1BEB0] =	vst v0  }
0x4d: {  	[tilespmem:$0x1BEC0] =	vst v0  }
0x4e: {  	[tilespmem:$0x1BED0] =	vst v0  }
0x4f: {  	[tilespmem:$0x1BEE0] =	vst v0  }
0x50: {  	[tilespmem:$0x1BEF0] =	vst v0  }
0x51: {  	[tilespmem:$0x1BF00] =	vst v0  }
0x52: {  	[tilespmem:$0x1BB10] =	vst v0  }
0x53: {  	[tilespmem:$0x1BB20] =	vst v0  }
0x54: {  	[tilespmem:$0x1BB30] =	vst v0  }
0x55: {  	[tilespmem:$0x1BB40] =	vst v0  }
0x56: {  	[tilespmem:$0x1BB50] =	vst v0  }
0x57: {  	[tilespmem:$0x1BB60] =	vst v0  }
0x58: {  	[tilespmem:$0x1BB70] =	vst v0  }
0x59: {  	[tilespmem:$0x1BB80] =	vst v0  }
0x5a: {  	[tilespmem:$0x1BF10] =	vst v0  }
0x5b: {  	[tilespmem:$0x1BF20] =	vst v0  }
0x5c: {  	[tilespmem:$0x1BF30] =	vst v0  }
0x5d: {  	[tilespmem:$0x1BF40] =	vst v0  }
0x5e: {  	[tilespmem:$0x1BF50] =	vst v0  }
0x5f: {  	[tilespmem:$0x1BF60] =	vst v0  }
0x60: {  	[tilespmem:$0x1BF70] =	vst v0  }
0x61: {  	[tilespmem:$0x1BF80] =	vst v0  }
0x62: {  	[tilespmem:$0x1BB90] =	vst v0  }
0x63: {  	[tilespmem:$0x1BBA0] =	vst v0  }
0x64: {  	[tilespmem:$0x1BBB0] =	vst v0  }
0x65: {  	[tilespmem:$0x1BBC0] =	vst v0  }
0x66: {  	[tilespmem:$0x1BBD0] =	vst v0  }
0x67: {  	[tilespmem:$0x1BBE0] =	vst v0  }
0x68: {  	[tilespmem:$0x1BBF0] =	vst v0  }
0x69: {  	[tilespmem:$0x1BC00] =	vst v0  }
0x6a: {  	[tilespmem:$0x1BF90] =	vst v0  }
0x6b: {  	[tilespmem:$0x1BFA0] =	vst v0  }
0x6c: {  	[tilespmem:$0x1BFB0] =	vst v0  }
0x6d: {  	[tilespmem:$0x1BFC0] =	vst v0  }
0x6e: {  	[tilespmem:$0x1BFD0] =	vst v0  }
0x6f: {  	[tilespmem:$0x1BFE0] =	vst v0  }
0x70: {  	[tilespmem:$0x1BFF0] =	vst v0  }
0x71: {  	[tilespmem:$0x1C000] =	vst v0  }
0x72: {  	[tilespmem:$0x1BC10] =	vst v0  }
0x73: {  	[tilespmem:$0x1BC20] =	vst v0  }
0x74: {  	[tilespmem:$0x1BC30] =	vst v0  }
0x75: {  	[tilespmem:$0x1BC40] =	vst v0  }
0x76: {  	[tilespmem:$0x1BC50] =	vst v0  }
0x77: {  	[tilespmem:$0x1BC60] =	vst v0  }
0x78: {  	[tilespmem:$0x1BC70] =	vst v0  }
0x79: {  	[tilespmem:$0x1BC80] =	vst v0  }
0x7a: {  	[tilespmem:$0x1C010] =	vst v0  }
0x7b: {  	[tilespmem:$0x1C020] =	vst v0  }
0x7c: {  	[tilespmem:$0x1C030] =	vst v0  }
0x7d: {  	[tilespmem:$0x1C040] =	vst v0  }
0x7e: {  	[tilespmem:$0x1C050] =	vst v0  }
0x7f: {  	[tilespmem:$0x1C060] =	vst v0  }
0x80: {  	[tilespmem:$0x1C070] =	vst v0  }
0x81: {  	[tilespmem:$0x1C080] =	vst v0  }
0x82: {  	[tilespmem:$0x1BC90] =	vst v0  }
0x83: {  	[tilespmem:$0x1BCA0] =	vst v0  }
0x84: {  	[tilespmem:$0x1BCB0] =	vst v0  }
0x85: {  	[tilespmem:$0x1BCC0] =	vst v0  }
0x86: {  	[tilespmem:$0x1BCD0] =	vst v0  }
0x87: {  	[tilespmem:$0x1BCE0] =	vst v0  }
0x88: {  	[tilespmem:$0x1BCF0] =	vst v0  }
0x89: {  	[tilespmem:$0x1BD00] =	vst v0  }
0x8a: {  	[tilespmem:$0x1C090] =	vst v0  }
0x8b: {  	[tilespmem:$0x1C0A0] =	vst v0  }
0x8c: {  	[tilespmem:$0x1C0B0] =	vst v0  }
0x8d: {  	[tilespmem:$0x1C0C0] =	vst v0  }
0x8e: {  	[tilespmem:$0x1C0D0] =	vst v0  }
0x8f: {  	[tilespmem:$0x1C0E0] =	vst v0  }
0x90: {  	[tilespmem:$0x1C0F0] =	vst v0  }
0x91: {  	[tilespmem:$0x1C100] =	vst v0  }
0x92: {  	[tilespmem:$0x1BD10] =	vst v0  }
0x93: {  	[tilespmem:$0x1BD20] =	vst v0  }
0x94: {  	[tilespmem:$0x1BD30] =	vst v0  }
0x95: {  	[tilespmem:$0x1BD40] =	vst v0  }
0x96: {  	[tilespmem:$0x1BD50] =	vst v0  }
0x97: {  	[tilespmem:$0x1BD60] =	vst v0  }
0x98: {  	[tilespmem:$0x1BD70] =	vst v0  }
0x99: {  	[tilespmem:$0x1BD80] =	vst v0  }
0x9a: {  	[tilespmem:$0x1C110] =	vst v0  }
0x9b: {  	[tilespmem:$0x1C120] =	vst v0  }
0x9c: {  	[tilespmem:$0x1C130] =	vst v0  }
0x9d: {  	[tilespmem:$0x1C140] =	vst v0  }
0x9e: {  	[tilespmem:$0x1C150] =	vst v0  }
0x9f: {  	[tilespmem:$0x1C160] =	vst v0  }
0xa0: {  	[tilespmem:$0x1C170] =	vst v0  }
0xa1: {  	s28 =	simm.s32 $0x0;
	s0 =	rddreg [dreg:$0x5];
	s11 =	simm.s32 $0x1A990;
	[tilespmem:$0x1C180] =	vst v0  }
0xa2: {  	[tilespmem:s11], [sflag:$0x7] =	stream.linear.gather [hbm4b:s0+s28], $0x7D0, $0x38;
	[tilespmem:$0x1C190] =	vst v63  }
0xa3: {  	_ =	swait.ge [sflag:s19], $0x7D0  }
0xa4: {  	[sflag:s19] =	ssyncset.done $0x0  }
0xa5: {  	s20 =	simm.s32 $0x1B190;
	s18 =	rddreg [dreg:$0x6];
	[sflag:s19] =	ssyncadd.s32 $0xFFFFF830  }
0xa6: {  	[tilespmem:s20], [sflag:$0x7] =	stream.linear.gather [hbm4b:s18+s28], $0x7D0, $0x38;
	[tilespmem:$0x1C190] =	vst v63  }
0xa7: {  	_ =	swait.ge [sflag:s19], $0x7D0  }
0xa8: {  	[sflag:s19] =	ssyncset.done $0x0  }
0xa9: {  	[sflag:s19] =	ssyncadd.s32 $0xFFFFF830  }
0xaa: {  	v5 =	vld [tilespmem:$0x1B190];
	_ =	sdelay $0x4  }
0xab: {  	v6 =	vshll.u32 v5, $0x1  }
0xac: {  	v5 =	vand.u32 $0x7, v5;
	v6 =	vand.u32 $0xFFFFFFF0, v6  }
0xad: {  	v5 =	vor.u32 v5, v6  }
0xae: {  	v6 =	vperm.xlane v5, v1;
	_ =	sdelay $0x1  }
0xaf: {  	v5 =	vperm.xlane v5, v3;
	v6 =	vadd.s32 v2, v6;
	_ =	sdelay $0x1  }
0xb0: {  	v5 =	vadd.s32 v2, v5;
	_ =	sdelay $0x2  }
0xb1: {  	[tilespmem:s21], [sflag:$0x1] =	stream.indirect_vreg.gather [hbm4b:s5+s28], $0x80, v6, vm0, $0xb8;
	[tilespmem:$0x1C190] =	vst v63  }
0xb2: {  	s30 =	simm.s32 $0x2F10  }
0xb3: {  	[tilespmem:s30], [sflag:$0x1] =	stream.indirect_vreg.gather [hbm4b:s5+s28], $0x80, v5, vm0, $0xb8;
	[tilespmem:$0x1C190] =	vst v63  }
0xb4: {  	v5 =	vld [tilespmem:$0x1B1A0];
	_ =	sdelay $0x4  }
0xb5: {  	v6 =	vshll.u32 v5, $0x1  }
0xb6: {  	v5 =	vand.u32 $0x7, v5;
	v6 =	vand.u32 $0xFFFFFFF0, v6  }
0xb7: {  	v5 =	vor.u32 v5, v6  }
0xb8: {  	v6 =	vperm.xlane v5, v1;
	_ =	sdelay $0x1  }
0xb9: {  	v5 =	vperm.xlane v5, v3;
	v6 =	vadd.s32 v2, v6;
	_ =	sdelay $0x1  }
0xba: {  	v5 =	vadd.s32 v2, v5;
	_ =	sdelay $0x1  }
0xbb: {  	s31 =	simm.s32 $0x3710  }
0xbc: {  	[tilespmem:s31], [sflag:$0x1] =	stream.indirect_vreg.gather [hbm4b:s5+s28], $0x80, v6, vm0, $0xb8;
	[tilespmem:$0x1C190] =	vst v63  }
0xbd: {  	s11 =	simm.s32 $0x3F10  }
0xbe: {  	[tilespmem:s11], [sflag:$0x1] =	stream.indirect_vreg.gather [hbm4b:s5+s28], $0x80, v5, vm0, $0xb8;
	[tilespmem:$0x1C190] =	vst v63  }
0xbf: {  	v5 =	vld [tilespmem:$0x1B1B0];
	_ =	sdelay $0x4  }
0xc0: {  	v6 =	vshll.u32 v5, $0x1  }
0xc1: {  	v5 =	vand.u32 $0x7, v5;
	v6 =	vand.u32 $0xFFFFFFF0, v6  }
0xc2: {  	v5 =	vor.u32 v5, v6  }
0xc3: {  	v6 =	vperm.xlane v5, v1;
	_ =	sdelay $0x1  }
0xc4: {  	v5 =	vperm.xlane v5, v3;
	v6 =	vadd.s32 v2, v6;
	_ =	sdelay $0x1  }
0xc5: {  	v5 =	vadd.s32 v2, v5;
	_ =	sdelay $0x1  }
0xc6: {  	s12 =	simm.s32 $0x4710  }
0xc7: {  	[tilespmem:s12], [sflag:$0x1] =	stream.indirect_vreg.gather [hbm4b:s5+s28], $0x80, v6, vm0, $0xb8;
	[tilespmem:$0x1C190] =	vst v63  }
0xc8: {  	s18 =	simm.s32 $0x4F10  }
0xc9: {  	[tilespmem:s18], [sflag:$0x1] =	stream.indirect_vreg.gather [hbm4b:s5+s28], $0x80, v5, vm0, $0xb8;
	[tilespmem:$0x1C190] =	vst v63  }
0xca: {  	v5 =	vld [tilespmem:$0x1B1C0];
	_ =	sdelay $0x4  }
0xcb: {  	v6 =	vshll.u32 v5, $0x1  }
0xcc: {  	v5 =	vand.u32 $0x7, v5;
	v6 =	vand.u32 $0xFFFFFFF0, v6  }
0xcd: {  	v5 =	vor.u32 v5, v6  }
0xce: {  	v6 =	vperm.xlane v5, v1;
	_ =	sdelay $0x1  }
0xcf: {  	v5 =	vperm.xlane v5, v3;
	v6 =	vadd.s32 v2, v6;
	_ =	sdelay $0x1  }
0xd0: {  	v5 =	vadd.s32 v2, v5;
	_ =	sdelay $0x1  }
0xd1: {  	s20 =	simm.s32 $0x5710  }
0xd2: {  	[tilespmem:s20], [sflag:$0x1] =	stream.indirect_vreg.gather [hbm4b:s5+s28], $0x80, v6, vm0, $0xb8;
	[tilespmem:$0x1C190] =	vst v63  }
0xd3: {  	s30 =	simm.s32 $0x5F10  }
0xd4: {  	[tilespmem:s30], [sflag:$0x1] =	stream.indirect_vreg.gather [hbm4b:s5+s28], $0x80, v5, vm0, $0xb8;
	[tilespmem:$0x1C190] =	vst v63  }
0xd5: {  	v5 =	vld [tilespmem:$0x1B1D0];
	_ =	sdelay $0x4  }
0xd6: {  	v6 =	vshll.u32 v5, $0x1  }
0xd7: {  	v5 =	vand.u32 $0x7, v5;
	v6 =	vand.u32 $0xFFFFFFF0, v6  }
0xd8: {  	v5 =	vor.u32 v5, v6  }
0xd9: {  	v6 =	vperm.xlane v5, v1;
	_ =	sdelay $0x1  }
0xda: {  	v5 =	vperm.xlane v5, v3;
	v6 =	vadd.s32 v2, v6;
	_ =	sdelay $0x1  }
0xdb: {  	v5 =	vadd.s32 v2, v5;
	_ =	sdelay $0x1  }
0xdc: {  	s31 =	simm.s32 $0x6710  }
0xdd: {  	[tilespmem:s31], [sflag:$0x1] =	stream.indirect_vreg.gather [hbm4b:s5+s28], $0x80, v6, vm0, $0xb8;
	[tilespmem:$0x1C190] =	vst v63  }
0xde: {  	s11 =	simm.s32 $0x6F10  }
0xdf: {  	[tilespmem:s11], [sflag:$0x1] =	stream.indirect_vreg.gather [hbm4b:s5+s28], $0x80, v5, vm0, $0xb8;
	[tilespmem:$0x1C190] =	vst v63  }
0xe0: {  	v5 =	vld [tilespmem:$0x1A990];
	_ =	sdelay $0x4  }
0xe1: {  	v6 =	vshll.u32 v5, $0x1  }
0xe2: {  	v5 =	vand.u32 $0x7, v5;
	v6 =	vand.u32 $0xFFFFFFF0, v6  }
0xe3: {  	v5 =	vor.u32 v5, v6  }
0xe4: {  	v6 =	vperm.xlane v5, v1;
	_ =	sdelay $0x1  }
0xe5: {  	v5 =	vperm.xlane v5, v3;
	v6 =	vadd.s32 v2, v6;
	_ =	sdelay $0x1  }
0xe6: {  	v5 =	vadd.s32 v2, v5;
	_ =	sdelay $0x1  }
0xe7: {  	s12 =	simm.s32 $0xC710  }
0xe8: {  	[tilespmem:s12], [sflag:$0x3] =	stream.indirect_vreg.gather [hbm4b:s1+s28], $0x80, v6, vm0, $0xb8;
	[tilespmem:$0x1C190] =	vst v63  }
0xe9: {  	s18 =	simm.s32 $0xCF10  }
0xea: {  	[tilespmem:s18], [sflag:$0x3] =	stream.indirect_vreg.gather [hbm4b:s1+s28], $0x80, v5, vm0, $0xb8;
	[tilespmem:$0x1C190] =	vst v63  }
0xeb: {  	v5 =	vld [tilespmem:$0x1A9A0];
	_ =	sdelay $0x4  }
0xec: {  	v6 =	vshll.u32 v5, $0x1  }
0xed: {  	v5 =	vand.u32 $0x7, v5;
	v6 =	vand.u32 $0xFFFFFFF0, v6  }
0xee: {  	v5 =	vor.u32 v5, v6  }
0xef: {  	v6 =	vperm.xlane v5, v1;
	_ =	sdelay $0x1  }
0xf0: {  	v5 =	vperm.xlane v5, v3;
	v6 =	vadd.s32 v2, v6;
	_ =	sdelay $0x1  }
0xf1: {  	v5 =	vadd.s32 v2, v5;
	_ =	sdelay $0x1  }
0xf2: {  	s20 =	simm.s32 $0xD710  }
0xf3: {  	[tilespmem:s20], [sflag:$0x3] =	stream.indirect_vreg.gather [hbm4b:s1+s28], $0x80, v6, vm0, $0xb8;
	[tilespmem:$0x1C190] =	vst v63  }
0xf4: {  	s30 =	simm.s32 $0xDF10  }
0xf5: {  	[tilespmem:s30], [sflag:$0x3] =	stream.indirect_vreg.gather [hbm4b:s1+s28], $0x80, v5, vm0, $0xb8;
	[tilespmem:$0x1C190] =	vst v63  }
0xf6: {  	v5 =	vld [tilespmem:$0x1A9B0];
	_ =	sdelay $0x4  }
0xf7: {  	v6 =	vshll.u32 v5, $0x1  }
0xf8: {  	v5 =	vand.u32 $0x7, v5;
	v6 =	vand.u32 $0xFFFFFFF0, v6  }
0xf9: {  	v5 =	vor.u32 v5, v6  }
0xfa: {  	v6 =	vperm.xlane v5, v1;
	_ =	sdelay $0x1  }
0xfb: {  	v5 =	vperm.xlane v5, v3;
	v6 =	vadd.s32 v2, v6;
	_ =	sdelay $0x1  }
0xfc: {  	v5 =	vadd.s32 v2, v5;
	_ =	sdelay $0x1  }
0xfd: {  	s31 =	simm.s32 $0xE710  }
0xfe: {  	[tilespmem:s31], [sflag:$0x3] =	stream.indirect_vreg.gather [hbm4b:s1+s28], $0x80, v6, vm0, $0xb8;
	[tilespmem:$0x1C190] =	vst v63  }
0xff: {  	_ = 	snop  }
0x100: {  	[tilespmem:s13], [sflag:$0x3] =	stream.indirect_vreg.gather [hbm4b:s1+s28], $0x80, v5, vm0, $0xb8;
	[tilespmem:$0x1C190] =	vst v63  }
0x101: {  	v5 =	vld [tilespmem:$0x1A9C0];
	_ =	sdelay $0x4  }
0x102: {  	v6 =	vshll.u32 v5, $0x1  }
0x103: {  	v5 =	vand.u32 $0x7, v5;
	v6 =	vand.u32 $0xFFFFFFF0, v6  }
0x104: {  	v5 =	vor.u32 v5, v6  }
0x105: {  	v6 =	vperm.xlane v5, v1;
	_ =	sdelay $0x1  }
0x106: {  	v5 =	vperm.xlane v5, v3;
	v6 =	vadd.s32 v2, v6;
	_ =	sdelay $0x1  }
0x107: {  	v5 =	vadd.s32 v2, v5;
	_ =	sdelay $0x2  }
0x108: {  	[tilespmem:s14], [sflag:$0x3] =	stream.indirect_vreg.gather [hbm4b:s1+s28], $0x80, v6, vm0, $0xb8;
	[tilespmem:$0x1C190] =	vst v63  }
0x109: {  	_ = 	snop  }
0x10a: {  	[tilespmem:s15], [sflag:$0x3] =	stream.indirect_vreg.gather [hbm4b:s1+s28], $0x80, v5, vm0, $0xb8;
	[tilespmem:$0x1C190] =	vst v63  }
0x10b: {  	v5 =	vld [tilespmem:$0x1A9D0];
	_ =	sdelay $0x4  }
0x10c: {  	v6 =	vshll.u32 v5, $0x1  }
0x10d: {  	v5 =	vand.u32 $0x7, v5;
	v6 =	vand.u32 $0xFFFFFFF0, v6  }
0x10e: {  	v5 =	vor.u32 v5, v6  }
0x10f: {  	v6 =	vperm.xlane v5, v1;
	_ =	sdelay $0x1  }
0x110: {  	v5 =	vperm.xlane v5, v3;
	v6 =	vadd.s32 v2, v6;
	_ =	sdelay $0x1  }
0x111: {  	v5 =	vadd.s32 v2, v5;
	_ =	sdelay $0x2  }
0x112: {  	[tilespmem:s17], [sflag:$0x3] =	stream.indirect_vreg.gather [hbm4b:s1+s28], $0x80, v6, vm0, $0xb8;
	[tilespmem:$0x1C190] =	vst v63  }
0x113: {  	s29 =	simm.s32 $0x0  }
0x114: {  	[tilespmem:s2], [sflag:$0x3] =	stream.indirect_vreg.gather [hbm4b:s1+s28], $0x80, v5, vm0, $0xb8;
	[tilespmem:$0x1C190] =	vst v63  }
.LBB2_4:
0x115: {  	_ =	swait.ge [sflag:s3], $0x5000  }
0x116: {  	[sflag:s3] =	ssyncset.done $0x0  }
0x117: {  	[sflag:s3] =	ssyncadd.s32 $0xFFFFB000  }
0x118: {  	_ =	swait.ge [sflag:s10], $0x5000  }
0x119: {  	[sflag:s10] =	ssyncset.done $0x0  }
0x11a: {  	[sflag:s10] =	ssyncadd.s32 $0xFFFFB000  }
0x11b: {  	v32 =	vld [tilespmem:$0x1B990]  }
0x11c: {  	v34 =	vld [tilespmem:$0x1BA10]  }
0x11d: {  	v33 =	vld [tilespmem:$0x1B9A0]  }
0x11e: {  	v35 =	vld [tilespmem:$0x1BA20]  }
0x11f: {  	v31 =	vld [tilespmem:$0x1B9B0]  }
0x120: {  	v36 =	vld [tilespmem:$0x1BA30]  }
0x121: {  	v30 =	vld [tilespmem:$0x1B9C0]  }
0x122: {  	v29 =	vld [tilespmem:$0x1BA40]  }
0x123: {  	v28 =	vld [tilespmem:$0x1B9D0]  }
0x124: {  	v27 =	vld [tilespmem:$0x1BA50]  }
0x125: {  	v26 =	vld [tilespmem:$0x1B9E0]  }
0x126: {  	v25 =	vld [tilespmem:$0x1BA60]  }
0x127: {  	v24 =	vld [tilespmem:$0x1B9F0]  }
0x128: {  	v23 =	vld [tilespmem:$0x1BA70]  }
0x129: {  	v22 =	vld [tilespmem:$0x1BA00]  }
0x12a: {  	v21 =	vld [tilespmem:$0x1BA80]  }
0x12b: {  	v20 =	vld [tilespmem:$0x1BD90]  }
0x12c: {  	v19 =	vld [tilespmem:$0x1BE10]  }
0x12d: {  	v18 =	vld [tilespmem:$0x1BDA0]  }
0x12e: {  	v17 =	vld [tilespmem:$0x1BE20]  }
0x12f: {  	v16 =	vld [tilespmem:$0x1BDB0]  }
0x130: {  	v15 =	vld [tilespmem:$0x1BE30]  }
0x131: {  	v14 =	vld [tilespmem:$0x1BDC0]  }
0x132: {  	v13 =	vld [tilespmem:$0x1BE40]  }
0x133: {  	v12 =	vld [tilespmem:$0x1BDD0]  }
0x134: {  	v11 =	vld [tilespmem:$0x1BE50]  }
0x135: {  	v10 =	vld [tilespmem:$0x1BDE0]  }
0x136: {  	v9 =	vld [tilespmem:$0x1BE60]  }
0x137: {  	v8 =	vld [tilespmem:$0x1BDF0]  }
0x138: {  	v7 =	vld [tilespmem:$0x1BE70]  }
0x139: {  	s0 =	sand.u32 $0x7800, s28;
	s18 =	sand.u32 $0x380, s28;
	v6 =	vld [tilespmem:$0x1BE00]  }
0x13a: {  	s0 =	sor.u32 s18, s0;
	v5 =	vld [tilespmem:$0x1BE80]  }
0x13b: {  	v44 =	vld [tilespmem:s0+$0xC710]  }
0x13c: {  	v45 =	vld [tilespmem:s0+$0xC720]  }
0x13d: {  	v46 =	vld [tilespmem:s0+$0xC730]  }
0x13e: {  	v47 =	vld [tilespmem:s0+$0xC740]  }
0x13f: {  	v49 =	vld [tilespmem:s0+$0xC750]  }
0x140: {  	v54 =	vld [tilespmem:s0+$0xC760]  }
0x141: {  	v57 =	vld [tilespmem:s0+$0xC770]  }
0x142: {  	v50 =	vld [tilespmem:s0+$0xC780]  }
0x143: {  	v48 =	vld [tilespmem:s0+$0xCB10]  }
0x144: {  	v43 =	vld [tilespmem:s0+$0xCB20]  }
0x145: {  	v42 =	vld [tilespmem:s0+$0xCB30]  }
0x146: {  	v41 =	vld [tilespmem:s0+$0xCB40]  }
0x147: {  	v40 =	vld [tilespmem:s0+$0xCB50]  }
0x148: {  	v39 =	vld [tilespmem:s0+$0xCB60]  }
0x149: {  	v38 =	vld [tilespmem:s0+$0xCB70]  }
0x14a: {  	v51 =	vld [tilespmem:s0+$0x2710]  }
0x14b: {  	v52 =	vld [tilespmem:s0+$0x2720]  }
0x14c: {  	v53 =	vld [tilespmem:s0+$0x2730]  }
0x14d: {  	v55 =	vld [tilespmem:s0+$0x2740]  }
0x14e: {  	v56 =	vld [tilespmem:s0+$0x2750]  }
0x14f: {  	v58 =	vld [tilespmem:s0+$0x2760]  }
0x150: {  	v59 =	vld [tilespmem:s0+$0x2770];
	v44 =	vadd.f32 v44, v51  }
0x151: {  	v37 =	vld [tilespmem:s0+$0xCB80];
	v45 =	vadd.f32 v45, v52  }
0x152: {  	v51 =	vld [tilespmem:s0+$0x2780];
	[tilespmem:s0+$0x2710] =	vst v44;
	v32 =	vadd.f32 v44, v32;
	v63 =	vmul.f32 v44, v44;
	v44 =	vadd.f32 v46, v53  }
0x153: {  	[tilespmem:s0+$0x2720] =	vst v45;
	v33 =	vadd.f32 v45, v33;
	v53 =	vmul.f32 v45, v45;
	v45 =	vadd.f32 v47, v55;
	v55 =	vld [tilespmem:s0+$0x2B10]  }
0x154: {  	v52 =	vld [tilespmem:s0+$0x2B20];
	v46 =	vadd.f32 v49, v56;
	v47 =	vadd.f32 v54, v58;
	[tilespmem:s0+$0x2730] =	vst v44;
	v60 =	vmul.f32 v44, v44  }
0x155: {  	v56 =	vld [tilespmem:s0+$0x2B30];
	v49 =	vadd.f32 v57, v59;
	v35 =	vadd.f32 v53, v35;
	[tilespmem:s0+$0x2740] =	vst v45;
	v53 =	vmul.f32 v45, v45  }
0x156: {  	s30 =	simm.s32 $0x0;
	s18 =	simm.s32 $0x100;
	v57 =	vld [tilespmem:s0+$0x2B40];
	v34 =	vadd.f32 v63, v34;
	[tilespmem:s0+$0x2750] =	vst v46;
	v54 =	vmul.f32 v46, v46;
	v36 =	vadd.f32 v60, v36  }
.LBB2_5:
0x157: {  	p0 =	sne.s32 s18, $0x4F00;
	v29 =	vadd.f32 v53, v29;
	[tilespmem:s0+$0x2760] =	vst v47;
	v53 =	vmul.f32 v47, v47;
	v51 =	vadd.f32 v50, v51;
	v50 =	vld [tilespmem:s0+$0x2B50]  }
0x158: {  	s30 =	sadd.s32 $0x80, s30;
	v27 =	vadd.f32 v54, v27;
	[tilespmem:s0+$0x2770] =	vst v49;
	v54 =	vmul.f32 v49, v49;
	v55 =	vadd.f32 v48, v55;
	v48 =	vld [tilespmem:s0+$0x2B60]  }
0x159: {  	s20 =	sand.u32 $0x7800, s18;
	s31 =	sand.u32 $0x380, s30;
	v25 =	vadd.f32 v53, v25;
	[tilespmem:s0+$0x2780] =	vst v51;
	v53 =	vmul.f32 v51, v51;
	v52 =	vadd.f32 v43, v52;
	v43 =	vld [tilespmem:s0+$0x2B70]  }
0x15a: {  	s20 =	sor.u32 s31, s20;
	v23 =	vadd.f32 v54, v23;
	[tilespmem:s0+$0x2B10] =	vst v55;
	v54 =	vmul.f32 v55, v55;
	v56 =	vadd.f32 v42, v56;
	v42 =	vld [tilespmem:s0+$0x2B80]  }
0x15b: {  	v58 =	vld [tilespmem:s20+$0xC710];
	v21 =	vadd.f32 v53, v21;
	[tilespmem:s0+$0x2B20] =	vst v52;
	v53 =	vmul.f32 v52, v52;
	v57 =	vadd.f32 v41, v57  }
0x15c: {  	v59 =	vld [tilespmem:s20+$0xC720];
	v19 =	vadd.f32 v54, v19;
	[tilespmem:s0+$0x2B30] =	vst v56;
	v41 =	vmul.f32 v56, v56;
	v54 =	vadd.f32 v40, v50  }
0x15d: {  	v60 =	vld [tilespmem:s20+$0xC730];
	v17 =	vadd.f32 v53, v17;
	[tilespmem:s0+$0x2B40] =	vst v57;
	v40 =	vmul.f32 v57, v57;
	v39 =	vadd.f32 v39, v48  }
0x15e: {  	v53 =	vld [tilespmem:s20+$0xC740];
	v15 =	vadd.f32 v41, v15;
	[tilespmem:s0+$0x2B50] =	vst v54;
	v41 =	vmul.f32 v54, v54;
	v38 =	vadd.f32 v38, v43  }
0x15f: {  	v61 =	vld [tilespmem:s20+$0xC750];
	v13 =	vadd.f32 v40, v13;
	[tilespmem:s0+$0x2B60] =	vst v39;
	v40 =	vmul.f32 v39, v39;
	v37 =	vadd.f32 v37, v42  }
0x160: {  	v31 =	vadd.f32 v44, v31;
	v62 =	vld [tilespmem:s20+$0xC760];
	v11 =	vadd.f32 v41, v11;
	[tilespmem:s0+$0x2B70] =	vst v38;
	v41 =	vmul.f32 v38, v38  }
0x161: {  	v30 =	vadd.f32 v45, v30;
	v63 =	vld [tilespmem:s20+$0xC770];
	v9 =	vadd.f32 v40, v9;
	[tilespmem:s0+$0x2B80] =	vst v37;
	v40 =	vmul.f32 v37, v37;
	s0 =	smov.u32 s20  }
0x162: {  	v28 =	vadd.f32 v46, v28;
	v50 =	vld [tilespmem:s0+$0xC780];
	v7 =	vadd.f32 v41, v7  }
0x163: {  	v26 =	vadd.f32 v47, v26;
	v48 =	vld [tilespmem:s0+$0xCB10];
	v5 =	vadd.f32 v40, v5  }
0x164: {  	v24 =	vadd.f32 v49, v24;
	v22 =	vadd.f32 v51, v22;
	v43 =	vld [tilespmem:s0+$0xCB20]  }
0x165: {  	v20 =	vadd.f32 v55, v20;
	v18 =	vadd.f32 v52, v18;
	v42 =	vld [tilespmem:s0+$0xCB30]  }
0x166: {  	v16 =	vadd.f32 v56, v16;
	v14 =	vadd.f32 v57, v14;
	v41 =	vld [tilespmem:s0+$0xCB40]  }
0x167: {  	v12 =	vadd.f32 v54, v12;
	v10 =	vadd.f32 v39, v10;
	v40 =	vld [tilespmem:s0+$0xCB50]  }
0x168: {  	v8 =	vadd.f32 v38, v8;
	v6 =	vadd.f32 v37, v6;
	v39 =	vld [tilespmem:s0+$0xCB60]  }
0x169: {  	v38 =	vld [tilespmem:s0+$0xCB70]  }
0x16a: {  	v37 =	vld [tilespmem:s0+$0xCB80]  }
0x16b: {  	v44 =	vld [tilespmem:s0+$0x2710]  }
0x16c: {  	v45 =	vld [tilespmem:s0+$0x2720]  }
0x16d: {  	v46 =	vld [tilespmem:s0+$0x2730]  }
0x16e: {  	v47 =	vld [tilespmem:s0+$0x2740]  }
0x16f: {  	v49 =	vld [tilespmem:s0+$0x2750]  }
0x170: {  	v44 =	vadd.f32 v58, v44;
	v54 =	vld [tilespmem:s0+$0x2760]  }
0x171: {  	v45 =	vadd.f32 v59, v45;
	v57 =	vld [tilespmem:s0+$0x2770]  }
.Ltmp3:
0x172: {  	[tilespmem:s0+$0x2710] =	vst v44;
	v32 =	vadd.f32 v44, v32;
	v52 =	vmul.f32 v44, v44;
	v44 =	vadd.f32 v60, v46;
	v51 =	vld [tilespmem:s0+$0x2780];
	(pc) =	sbr.rel @p0 .LBB2_5-.Ltmp3, $4  }
0x173: {  	[tilespmem:s0+$0x2720] =	vst v45;
	v33 =	vadd.f32 v45, v33;
	v56 =	vmul.f32 v45, v45;
	v45 =	vadd.f32 v53, v47;
	v55 =	vld [tilespmem:s0+$0x2B10]  }
0x174: {  	v34 =	vadd.f32 v52, v34;
	[tilespmem:s0+$0x2730] =	vst v44;
	v58 =	vmul.f32 v44, v44;
	v46 =	vadd.f32 v61, v49;
	v52 =	vld [tilespmem:s0+$0x2B20]  }
0x175: {  	v35 =	vadd.f32 v56, v35;
	[tilespmem:s0+$0x2740] =	vst v45;
	v53 =	vmul.f32 v45, v45;
	v47 =	vadd.f32 v62, v54;
	v56 =	vld [tilespmem:s0+$0x2B30]  }
0x176: {  	s18 =	sadd.s32 $0x100, s18;
	v36 =	vadd.f32 v58, v36;
	[tilespmem:s0+$0x2750] =	vst v46;
	v54 =	vmul.f32 v46, v46;
	v49 =	vadd.f32 v63, v57;
	v57 =	vld [tilespmem:s0+$0x2B40]  }
0x177: {  	[tilespmem:s0+$0x2760] =	vst v47;
	v50 =	vadd.f32 v50, v51;
	v63 =	vld [tilespmem:s0+$0x2B50]  }
0x178: {  	v60 =	vld [tilespmem:s0+$0x2B60];
	[tilespmem:s0+$0x2770] =	vst v49;
	v48 =	vadd.f32 v48, v55  }
0x179: {  	v61 =	vld [tilespmem:s0+$0x2B70];
	[tilespmem:s0+$0x2780] =	vst v50;
	v43 =	vadd.f32 v43, v52  }
0x17a: {  	v62 =	vld [tilespmem:s0+$0x2B80];
	[tilespmem:s0+$0x2B10] =	vst v48;
	v42 =	vadd.f32 v42, v56  }
0x17b: {  	[tilespmem:s0+$0x2B20] =	vst v43;
	v41 =	vadd.f32 v41, v57  }
0x17c: {  	[tilespmem:s0+$0x2B30] =	vst v42;
	v40 =	vadd.f32 v40, v63  }
0x17d: {  	v39 =	vadd.f32 v39, v60;
	[tilespmem:s0+$0x2B40] =	vst v41  }
0x17e: {  	v38 =	vadd.f32 v38, v61;
	[tilespmem:s0+$0x2B50] =	vst v40  }
0x17f: {  	v37 =	vadd.f32 v37, v62;
	[tilespmem:s0+$0x2B60] =	vst v39  }
0x180: {  	[tilespmem:s0+$0x2B70] =	vst v38  }
0x181: {  	[tilespmem:s0+$0x2B80] =	vst v37  }
0x182: {  	[tilespmem:$0x1B990] =	vst v32  }
0x183: {  	[tilespmem:$0x1BA10] =	vst v34  }
0x184: {  	v31 =	vadd.f32 v44, v31;
	[tilespmem:$0x1B9A0] =	vst v33  }
0x185: {  	[tilespmem:$0x1BA20] =	vst v35  }
0x186: {  	v30 =	vadd.f32 v45, v30;
	[tilespmem:$0x1B9B0] =	vst v31  }
0x187: {  	v29 =	vadd.f32 v53, v29;
	[tilespmem:$0x1BA30] =	vst v36  }
0x188: {  	v28 =	vadd.f32 v46, v28;
	[tilespmem:$0x1B9C0] =	vst v30  }
0x189: {  	v27 =	vadd.f32 v54, v27;
	[tilespmem:$0x1BA40] =	vst v29  }
0x18a: {  	v26 =	vadd.f32 v47, v26;
	[tilespmem:$0x1B9D0] =	vst v28  }
0x18b: {  	v24 =	vadd.f32 v49, v24;
	[tilespmem:$0x1BA50] =	vst v27  }
0x18c: {  	v22 =	vadd.f32 v50, v22;
	[tilespmem:$0x1B9E0] =	vst v26  }
0x18d: {  	v20 =	vadd.f32 v48, v20;
	[tilespmem:$0x1B9F0] =	vst v24  }
0x18e: {  	v18 =	vadd.f32 v43, v18;
	[tilespmem:$0x1BA00] =	vst v22  }
0x18f: {  	v16 =	vadd.f32 v42, v16;
	[tilespmem:$0x1BD90] =	vst v20  }
0x190: {  	v14 =	vadd.f32 v41, v14;
	[tilespmem:$0x1BDA0] =	vst v18  }
0x191: {  	v12 =	vadd.f32 v40, v12;
	[tilespmem:$0x1BDB0] =	vst v16  }
0x192: {  	v10 =	vadd.f32 v39, v10;
	[tilespmem:$0x1BDC0] =	vst v14  }
0x193: {  	v8 =	vadd.f32 v38, v8;
	v30 =	vmul.f32 v47, v47;
	[tilespmem:$0x1BDD0] =	vst v12  }
0x194: {  	v6 =	vadd.f32 v37, v6;
	v28 =	vmul.f32 v49, v49;
	[tilespmem:$0x1BDE0] =	vst v10  }
0x195: {  	v26 =	vmul.f32 v50, v50;
	[tilespmem:$0x1BDF0] =	vst v8;
	v25 =	vadd.f32 v30, v25  }
0x196: {  	v24 =	vmul.f32 v48, v48;
	[tilespmem:$0x1BE00] =	vst v6;
	v23 =	vadd.f32 v28, v23  }
0x197: {  	v22 =	vmul.f32 v43, v43;
	v21 =	vadd.f32 v26, v21;
	[tilespmem:$0x1BA60] =	vst v25  }
0x198: {  	s31 =	sshll.u32 s29, $0x1;
	v20 =	vmul.f32 v42, v42;
	v19 =	vadd.f32 v24, v19;
	[tilespmem:$0x1BA70] =	vst v23  }
0x199: {  	s18 =	smulhi.u32 $0x51EB851F, s31;
	v18 =	vmul.f32 v41, v41;
	v17 =	vadd.f32 v22, v17;
	[tilespmem:$0x1BA80] =	vst v21  }
0x19a: {  	v16 =	vmul.f32 v40, v40;
	v15 =	vadd.f32 v20, v15;
	[tilespmem:$0x1BE10] =	vst v19  }
0x19b: {  	s0 =	sshrl.u32 s18, $0x3;
	v14 =	vmul.f32 v39, v39;
	v13 =	vadd.f32 v18, v13;
	[tilespmem:$0x1BE20] =	vst v17  }
0x19c: {  	s0 =	smul.u32 $0x19, s0;
	v12 =	vmul.f32 v38, v38;
	v11 =	vadd.f32 v16, v11;
	[tilespmem:$0x1BE30] =	vst v15  }
0x19d: {  	v10 =	vmul.f32 v37, v37;
	v9 =	vadd.f32 v14, v9;
	[tilespmem:$0x1BE40] =	vst v13  }
0x19e: {  	s0 =	ssub.s32 s31, s0;
	v7 =	vadd.f32 v12, v7;
	[tilespmem:$0x1BE50] =	vst v11  }
0x19f: {  	v5 =	vadd.f32 v10, v5;
	s0 =	smul.u32 $0x140, s0;
	[tilespmem:$0x1BE60] =	vst v9  }
0x1a0: {  	[tilespmem:$0x1BE70] =	vst v7  }
0x1a1: {  	[tilespmem:$0x1BE80] =	vst v5;
	s0 =	sshrl.u32 s0, $0x2  }
0x1a2: {  	v5 =	vld [tilespmem:s0+$0x1B190];
	_ =	sdelay $0x7  }
0x1a3: {  	[tilespmem:v5+s16+$0x0] =	vst.idx.add.f32.msk $0xffff, v4  }
0x1a4: {  	v5 =	vld [tilespmem:s0+$0x1B1A0];
	_ =	sdelay $0x7  }
0x1a5: {  	[tilespmem:v5+s16+$0x0] =	vst.idx.add.f32.msk $0xffff, v4  }
0x1a6: {  	v5 =	vld [tilespmem:s0+$0x1B1B0];
	_ =	sdelay $0x7  }
0x1a7: {  	[tilespmem:v5+s16+$0x0] =	vst.idx.add.f32.msk $0xffff, v4  }
0x1a8: {  	v5 =	vld [tilespmem:s0+$0x1B1C0];
	_ =	sdelay $0x4  }
0x1a9: {  	p0 =	seq.s32 s29, $0x0  }
0x1aa: {  	s30 =	sor.u32 @!p0 $0x1, s31  }
0x1ab: {  	s18 =	smul.u32 @!p0 $0x29, s30  }
0x1ac: {  	[tilespmem:v5+s16+$0x0] =	vst.idx.add.f32.msk $0xffff, v4  }
0x1ad: {  	v5 =	vld [tilespmem:s0+$0x1B1D0];
	s0 =	sshrl.u32 @!p0 s18, $0xA  }
0x1ae: {  	s0 =	sand.u32 @!p0 $0x3F, s0  }
0x1af: {  	s0 =	smul.u32 @!p0 $0x19, s0;
	_ =	sdelay $0x1  }
0x1b0: {  	s0 =	ssub.s32 @!p0 s30, s0  }
0x1b1: {  	s0 =	sand.u32 @!p0 $0xFF, s0  }
0x1b2: {  	p2 =	sne.s32 @!p0 s0, $0x0  }
0x1b3: {  	p1 =	por p2, p0  }
0x1b4: {  	s18 =	simm.s32 @!p0 $0x6;
	[tilespmem:v5+s16+$0x0] =	vst.idx.add.f32.msk $0xffff, v4;
	s20 =	smul.u32 @!p1 $0x50, s30  }
0x1b5: {  	_ =	swait.ge @!p0 [sflag:s18], $0x5000  }
0x1b6: {  	[sflag:s18] =	ssyncset.done @!p0 $0x0;
	s20 =	sadd.s32 @!p1 s9, s20  }
0x1b7: {  	[sflag:s18] =	ssyncadd.s32 @!p0 $0xFFFFB000;
	s18 =	sshrl.u32 @!p1 s20, $0x3  }
0x1b8: {  	s11 =	simm.s32 @!p1 $0x0;
	s12 =	simm.s32 @!p1 $0x1A990;
	s20 =	sadd.s32 @!p1 s6, s18  }
0x1b9: {  	[tilespmem:s12], [sflag:$0x7] =	stream.linear.gather @!p1 [hbm4b:s20+s11], $0x7D0, $0x38;
	[tilespmem:$0x1C190] =	vst v63  }
0x1ba: {  	s12 =	simm.s32 @!p1 $0x7  }
0x1bb: {  	p2 =	por !p2, p0;
	_ =	swait.ge @!p1 [sflag:s12], $0x7D0  }
0x1bc: {  	s0 =	simm.s32 @p2 $0x0;
	[sflag:s12] =	ssyncset.done @!p1 $0x0  }
0x1bd: {  	s18 =	sadd.s32 @!p1 s7, s18;
	s20 =	simm.s32 @!p1 $0x1B190;
	[sflag:s12] =	ssyncadd.s32 @!p1 $0xFFFFF830  }
0x1be: {  	[tilespmem:s20], [sflag:$0x7] =	stream.linear.gather @!p1 [hbm4b:s18+s11], $0x7D0, $0x38;
	[tilespmem:$0x1C190] =	vst v63  }
0x1bf: {  	s0 =	simm.s32 @p0 $0x1;
	_ =	swait.ge @!p1 [sflag:s12], $0x7D0  }
0x1c0: {  	s18 =	smul.u32 $0x50, s0;
	[sflag:s12] =	ssyncset.done @!p1 $0x0  }
0x1c1: {  	[sflag:s12] =	ssyncadd.s32 @!p1 $0xFFFFF830  }
0x1c2: {  	v5 =	vld [tilespmem:s18+$0x1B190];
	_ =	sdelay $0x4  }
0x1c3: {  	v6 =	vshll.u32 v5, $0x1  }
0x1c4: {  	v5 =	vand.u32 $0x7, v5;
	v6 =	vand.u32 $0xFFFFFFF0, v6  }
0x1c5: {  	v5 =	vor.u32 v5, v6  }
0x1c6: {  	v6 =	vperm.xlane v5, v1;
	_ =	sdelay $0x1  }
0x1c7: {  	v5 =	vperm.xlane v5, v3;
	v6 =	vadd.s32 v2, v6;
	_ =	sdelay $0x1  }
0x1c8: {  	v5 =	vadd.s32 v2, v5;
	_ =	sdelay $0x1  }
0x1c9: {  	s0 =	simm.s32 $0x0  }
0x1ca: {  	[tilespmem:s22], [sflag:$0x2] =	stream.indirect_vreg.gather [hbm4b:s5+s0], $0x80, v6, vm0, $0xb8;
	[tilespmem:$0x1C190] =	vst v63  }
0x1cb: {  	s20 =	simm.s32 $0x7F10  }
0x1cc: {  	[tilespmem:s20], [sflag:$0x2] =	stream.indirect_vreg.gather [hbm4b:s5+s0], $0x80, v5, vm0, $0xb8;
	[tilespmem:$0x1C190] =	vst v63  }
0x1cd: {  	v5 =	vld [tilespmem:s18+$0x1B1A0];
	_ =	sdelay $0x4  }
0x1ce: {  	v6 =	vshll.u32 v5, $0x1  }
0x1cf: {  	v5 =	vand.u32 $0x7, v5;
	v6 =	vand.u32 $0xFFFFFFF0, v6  }
0x1d0: {  	v5 =	vor.u32 v5, v6  }
0x1d1: {  	v6 =	vperm.xlane v5, v1;
	_ =	sdelay $0x1  }
0x1d2: {  	v5 =	vperm.xlane v5, v3;
	v6 =	vadd.s32 v2, v6;
	_ =	sdelay $0x1  }
0x1d3: {  	v5 =	vadd.s32 v2, v5;
	_ =	sdelay $0x1  }
0x1d4: {  	s12 =	simm.s32 $0x8710  }
0x1d5: {  	[tilespmem:s12], [sflag:$0x2] =	stream.indirect_vreg.gather [hbm4b:s5+s0], $0x80, v6, vm0, $0xb8;
	[tilespmem:$0x1C190] =	vst v63  }
0x1d6: {  	s20 =	simm.s32 $0x8F10  }
0x1d7: {  	[tilespmem:s20], [sflag:$0x2] =	stream.indirect_vreg.gather [hbm4b:s5+s0], $0x80, v5, vm0, $0xb8;
	[tilespmem:$0x1C190] =	vst v63  }
0x1d8: {  	v5 =	vld [tilespmem:s18+$0x1B1B0];
	_ =	sdelay $0x4  }
0x1d9: {  	v6 =	vshll.u32 v5, $0x1  }
0x1da: {  	v5 =	vand.u32 $0x7, v5;
	v6 =	vand.u32 $0xFFFFFFF0, v6  }
0x1db: {  	v5 =	vor.u32 v5, v6  }
0x1dc: {  	v6 =	vperm.xlane v5, v1;
	_ =	sdelay $0x1  }
0x1dd: {  	v5 =	vperm.xlane v5, v3;
	v6 =	vadd.s32 v2, v6;
	_ =	sdelay $0x1  }
0x1de: {  	v5 =	vadd.s32 v2, v5;
	_ =	sdelay $0x1  }
0x1df: {  	s12 =	simm.s32 $0x9710  }
0x1e0: {  	[tilespmem:s12], [sflag:$0x2] =	stream.indirect_vreg.gather [hbm4b:s5+s0], $0x80, v6, vm0, $0xb8;
	[tilespmem:$0x1C190] =	vst v63  }
0x1e1: {  	s20 =	simm.s32 $0x9F10  }
0x1e2: {  	[tilespmem:s20], [sflag:$0x2] =	stream.indirect_vreg.gather [hbm4b:s5+s0], $0x80, v5, vm0, $0xb8;
	[tilespmem:$0x1C190] =	vst v63  }
0x1e3: {  	v5 =	vld [tilespmem:s18+$0x1B1C0];
	_ =	sdelay $0x4  }
0x1e4: {  	v6 =	vshll.u32 v5, $0x1  }
0x1e5: {  	v5 =	vand.u32 $0x7, v5;
	v6 =	vand.u32 $0xFFFFFFF0, v6  }
0x1e6: {  	v5 =	vor.u32 v5, v6  }
0x1e7: {  	v6 =	vperm.xlane v5, v1;
	_ =	sdelay $0x1  }
0x1e8: {  	v5 =	vperm.xlane v5, v3;
	v6 =	vadd.s32 v2, v6;
	_ =	sdelay $0x1  }
0x1e9: {  	v5 =	vadd.s32 v2, v5;
	_ =	sdelay $0x1  }
0x1ea: {  	s12 =	simm.s32 $0xA710  }
0x1eb: {  	[tilespmem:s12], [sflag:$0x2] =	stream.indirect_vreg.gather [hbm4b:s5+s0], $0x80, v6, vm0, $0xb8;
	[tilespmem:$0x1C190] =	vst v63  }
0x1ec: {  	s20 =	simm.s32 $0xAF10  }
0x1ed: {  	[tilespmem:s20], [sflag:$0x2] =	stream.indirect_vreg.gather [hbm4b:s5+s0], $0x80, v5, vm0, $0xb8;
	[tilespmem:$0x1C190] =	vst v63  }
0x1ee: {  	v5 =	vld [tilespmem:s18+$0x1B1D0];
	_ =	sdelay $0x4  }
0x1ef: {  	v6 =	vshll.u32 v5, $0x1  }
0x1f0: {  	v5 =	vand.u32 $0x7, v5;
	v6 =	vand.u32 $0xFFFFFFF0, v6  }
0x1f1: {  	v5 =	vor.u32 v5, v6  }
0x1f2: {  	v6 =	vperm.xlane v5, v1;
	_ =	sdelay $0x1  }
0x1f3: {  	v5 =	vperm.xlane v5, v3;
	v6 =	vadd.s32 v2, v6;
	_ =	sdelay $0x1  }
0x1f4: {  	v5 =	vadd.s32 v2, v5;
	_ =	sdelay $0x1  }
0x1f5: {  	s12 =	simm.s32 $0xB710  }
0x1f6: {  	[tilespmem:s12], [sflag:$0x2] =	stream.indirect_vreg.gather [hbm4b:s5+s0], $0x80, v6, vm0, $0xb8;
	[tilespmem:$0x1C190] =	vst v63  }
0x1f7: {  	s20 =	simm.s32 $0xBF10  }
0x1f8: {  	[tilespmem:s20], [sflag:$0x2] =	stream.indirect_vreg.gather [hbm4b:s5+s0], $0x80, v5, vm0, $0xb8;
	[tilespmem:$0x1C190] =	vst v63  }
0x1f9: {  	v5 =	vld [tilespmem:s18+$0x1A990];
	_ =	sdelay $0x4  }
0x1fa: {  	v6 =	vshll.u32 v5, $0x1  }
0x1fb: {  	v5 =	vand.u32 $0x7, v5;
	v6 =	vand.u32 $0xFFFFFFF0, v6  }
0x1fc: {  	v5 =	vor.u32 v5, v6  }
0x1fd: {  	v6 =	vperm.xlane v5, v1;
	_ =	sdelay $0x1  }
0x1fe: {  	v5 =	vperm.xlane v5, v3;
	v6 =	vadd.s32 v2, v6;
	_ =	sdelay $0x1  }
0x1ff: {  	v5 =	vadd.s32 v2, v5;
	_ =	sdelay $0x1  }
0x200: {  	s12 =	simm.s32 $0x11710  }
0x201: {  	[tilespmem:s12], [sflag:$0x4] =	stream.indirect_vreg.gather [hbm4b:s1+s0], $0x80, v6, vm0, $0xb8;
	[tilespmem:$0x1C190] =	vst v63  }
0x202: {  	s20 =	simm.s32 $0x11F10  }
0x203: {  	[tilespmem:s20], [sflag:$0x4] =	stream.indirect_vreg.gather [hbm4b:s1+s0], $0x80, v5, vm0, $0xb8;
	[tilespmem:$0x1C190] =	vst v63  }
0x204: {  	v5 =	vld [tilespmem:s18+$0x1A9A0];
	_ =	sdelay $0x4  }
0x205: {  	v6 =	vshll.u32 v5, $0x1  }
0x206: {  	v5 =	vand.u32 $0x7, v5;
	v6 =	vand.u32 $0xFFFFFFF0, v6  }
0x207: {  	v5 =	vor.u32 v5, v6  }
0x208: {  	v6 =	vperm.xlane v5, v1;
	_ =	sdelay $0x1  }
0x209: {  	v5 =	vperm.xlane v5, v3;
	v6 =	vadd.s32 v2, v6;
	_ =	sdelay $0x1  }
0x20a: {  	v5 =	vadd.s32 v2, v5;
	_ =	sdelay $0x1  }
0x20b: {  	s12 =	simm.s32 $0x12710  }
0x20c: {  	[tilespmem:s12], [sflag:$0x4] =	stream.indirect_vreg.gather [hbm4b:s1+s0], $0x80, v6, vm0, $0xb8;
	[tilespmem:$0x1C190] =	vst v63  }
0x20d: {  	s20 =	simm.s32 $0x12F10  }
0x20e: {  	[tilespmem:s20], [sflag:$0x4] =	stream.indirect_vreg.gather [hbm4b:s1+s0], $0x80, v5, vm0, $0xb8;
	[tilespmem:$0x1C190] =	vst v63  }
0x20f: {  	v5 =	vld [tilespmem:s18+$0x1A9B0];
	_ =	sdelay $0x4  }
0x210: {  	v6 =	vshll.u32 v5, $0x1  }
0x211: {  	v5 =	vand.u32 $0x7, v5;
	v6 =	vand.u32 $0xFFFFFFF0, v6  }
0x212: {  	v5 =	vor.u32 v5, v6  }
0x213: {  	v6 =	vperm.xlane v5, v1;
	_ =	sdelay $0x1  }
0x214: {  	v5 =	vperm.xlane v5, v3;
	v6 =	vadd.s32 v2, v6;
	_ =	sdelay $0x1  }
0x215: {  	v5 =	vadd.s32 v2, v5;
	_ =	sdelay $0x1  }
0x216: {  	s12 =	simm.s32 $0x13710  }
0x217: {  	[tilespmem:s12], [sflag:$0x4] =	stream.indirect_vreg.gather [hbm4b:s1+s0], $0x80, v6, vm0, $0xb8;
	[tilespmem:$0x1C190] =	vst v63  }
0x218: {  	s20 =	simm.s32 $0x13F10  }
0x219: {  	[tilespmem:s20], [sflag:$0x4] =	stream.indirect_vreg.gather [hbm4b:s1+s0], $0x80, v5, vm0, $0xb8;
	[tilespmem:$0x1C190] =	vst v63  }
0x21a: {  	v5 =	vld [tilespmem:s18+$0x1A9C0];
	_ =	sdelay $0x4  }
0x21b: {  	v6 =	vshll.u32 v5, $0x1  }
0x21c: {  	v5 =	vand.u32 $0x7, v5;
	v6 =	vand.u32 $0xFFFFFFF0, v6  }
0x21d: {  	v5 =	vor.u32 v5, v6  }
0x21e: {  	v6 =	vperm.xlane v5, v1;
	_ =	sdelay $0x1  }
0x21f: {  	v5 =	vperm.xlane v5, v3;
	v6 =	vadd.s32 v2, v6;
	_ =	sdelay $0x1  }
0x220: {  	v5 =	vadd.s32 v2, v5;
	_ =	sdelay $0x1  }
0x221: {  	s12 =	simm.s32 $0x14710  }
0x222: {  	[tilespmem:s12], [sflag:$0x4] =	stream.indirect_vreg.gather [hbm4b:s1+s0], $0x80, v6, vm0, $0xb8;
	[tilespmem:$0x1C190] =	vst v63  }
0x223: {  	s20 =	simm.s32 $0x14F10  }
0x224: {  	[tilespmem:s20], [sflag:$0x4] =	stream.indirect_vreg.gather [hbm4b:s1+s0], $0x80, v5, vm0, $0xb8;
	[tilespmem:$0x1C190] =	vst v63  }
0x225: {  	v5 =	vld [tilespmem:s18+$0x1A9D0];
	_ =	sdelay $0x4  }
0x226: {  	v6 =	vshll.u32 v5, $0x1  }
0x227: {  	v5 =	vand.u32 $0x7, v5;
	v6 =	vand.u32 $0xFFFFFFF0, v6  }
0x228: {  	v5 =	vor.u32 v5, v6  }
0x229: {  	v6 =	vperm.xlane v5, v1;
	_ =	sdelay $0x1  }
0x22a: {  	v5 =	vperm.xlane v5, v3;
	v6 =	vadd.s32 v2, v6;
	_ =	sdelay $0x1  }
0x22b: {  	s18 =	smul.u32 $0xA0, s29;
	v5 =	vadd.s32 v2, v5;
	_ =	sdelay $0x1  }
0x22c: {  	s12 =	simm.s32 $0x15710;
	s11 =	sadd.s32 s9, s18  }
0x22d: {  	[tilespmem:s12], [sflag:$0x4] =	stream.indirect_vreg.gather [hbm4b:s1+s0], $0x80, v6, vm0, $0xb8;
	[tilespmem:$0x1C190] =	vst v63  }
0x22e: {  	s20 =	simm.s32 $0x15F10;
	s11 =	sshll.u32 s11, $0x5  }
0x22f: {  	[tilespmem:s20], [sflag:$0x4] =	stream.indirect_vreg.gather [hbm4b:s1+s0], $0x80, v5, vm0, $0xb8;
	[tilespmem:$0x1C190] =	vst v63  }
0x230: {  	s11 =	sadd.s32 s8, s11  }
0x231: {  	[hbm4b:s11+s0] =	stream.linear.scatter [tilespmem:s21], [sflag:$0x5], $0x5000, $0x38;
	[tilespmem:$0x1C190] =	vst v63  }
0x232: {  	_ =	swait.ge [sflag:s23], $0x5000  }
0x233: {  	[sflag:s23] =	ssyncset.done $0x0  }
0x234: {  	[sflag:s23] =	ssyncadd.s32 $0xFFFFB000  }
0x235: {  	_ =	swait.ge [sflag:s24], $0x5000  }
0x236: {  	[sflag:s24] =	ssyncset.done $0x0  }
0x237: {  	[sflag:s24] =	ssyncadd.s32 $0xFFFFB000  }
0x238: {  	v32 =	vld [tilespmem:$0x1B990]  }
0x239: {  	v34 =	vld [tilespmem:$0x1BA10]  }
0x23a: {  	v33 =	vld [tilespmem:$0x1B9A0]  }
0x23b: {  	v35 =	vld [tilespmem:$0x1BA20]  }
0x23c: {  	v31 =	vld [tilespmem:$0x1B9B0]  }
0x23d: {  	v36 =	vld [tilespmem:$0x1BA30]  }
0x23e: {  	v30 =	vld [tilespmem:$0x1B9C0]  }
0x23f: {  	v29 =	vld [tilespmem:$0x1BA40]  }
0x240: {  	v28 =	vld [tilespmem:$0x1B9D0]  }
0x241: {  	v27 =	vld [tilespmem:$0x1BA50]  }
0x242: {  	v26 =	vld [tilespmem:$0x1B9E0]  }
0x243: {  	v25 =	vld [tilespmem:$0x1BA60]  }
0x244: {  	v24 =	vld [tilespmem:$0x1B9F0]  }
0x245: {  	v23 =	vld [tilespmem:$0x1BA70]  }
0x246: {  	v22 =	vld [tilespmem:$0x1BA00]  }
0x247: {  	v21 =	vld [tilespmem:$0x1BA80]  }
0x248: {  	v20 =	vld [tilespmem:$0x1BD90]  }
0x249: {  	v19 =	vld [tilespmem:$0x1BE10]  }
0x24a: {  	v18 =	vld [tilespmem:$0x1BDA0]  }
0x24b: {  	v17 =	vld [tilespmem:$0x1BE20]  }
0x24c: {  	v16 =	vld [tilespmem:$0x1BDB0]  }
0x24d: {  	v15 =	vld [tilespmem:$0x1BE30]  }
0x24e: {  	v14 =	vld [tilespmem:$0x1BDC0]  }
0x24f: {  	v13 =	vld [tilespmem:$0x1BE40]  }
0x250: {  	v12 =	vld [tilespmem:$0x1BDD0]  }
0x251: {  	v11 =	vld [tilespmem:$0x1BE50]  }
0x252: {  	v10 =	vld [tilespmem:$0x1BDE0]  }
0x253: {  	v9 =	vld [tilespmem:$0x1BE60]  }
0x254: {  	v8 =	vld [tilespmem:$0x1BDF0]  }
0x255: {  	v7 =	vld [tilespmem:$0x1BE70]  }
0x256: {  	s18 =	sand.u32 $0x7800, s0;
	s20 =	sand.u32 $0x380, s0;
	v6 =	vld [tilespmem:$0x1BE00]  }
0x257: {  	s18 =	sor.u32 s20, s18;
	v5 =	vld [tilespmem:$0x1BE80]  }
0x258: {  	v44 =	vld [tilespmem:s18+$0x11710]  }
0x259: {  	v45 =	vld [tilespmem:s18+$0x11720]  }
0x25a: {  	v46 =	vld [tilespmem:s18+$0x11730]  }
0x25b: {  	v47 =	vld [tilespmem:s18+$0x11740]  }
0x25c: {  	v49 =	vld [tilespmem:s18+$0x11750]  }
0x25d: {  	v55 =	vld [tilespmem:s18+$0x11760]  }
0x25e: {  	v57 =	vld [tilespmem:s18+$0x11770]  }
0x25f: {  	v50 =	vld [tilespmem:s18+$0x11780]  }
0x260: {  	v48 =	vld [tilespmem:s18+$0x11B10]  }
0x261: {  	v43 =	vld [tilespmem:s18+$0x11B20]  }
0x262: {  	v42 =	vld [tilespmem:s18+$0x11B30]  }
0x263: {  	v41 =	vld [tilespmem:s18+$0x11B40]  }
0x264: {  	v40 =	vld [tilespmem:s18+$0x11B50]  }
0x265: {  	v39 =	vld [tilespmem:s18+$0x11B60]  }
0x266: {  	v38 =	vld [tilespmem:s18+$0x11B70]  }
0x267: {  	v63 =	vld [tilespmem:s18+$0x7710]  }
0x268: {  	v60 =	vld [tilespmem:s18+$0x7720]  }
0x269: {  	v61 =	vld [tilespmem:s18+$0x7730]  }
0x26a: {  	v62 =	vld [tilespmem:s18+$0x7740]  }
0x26b: {  	v56 =	vld [tilespmem:s18+$0x7750]  }
0x26c: {  	v58 =	vld [tilespmem:s18+$0x7760]  }
0x26d: {  	v59 =	vld [tilespmem:s18+$0x7770];
	v44 =	vadd.f32 v44, v63  }
0x26e: {  	v37 =	vld [tilespmem:s18+$0x11B80];
	v45 =	vadd.f32 v45, v60  }
0x26f: {  	v51 =	vld [tilespmem:s18+$0x7780];
	[tilespmem:s18+$0x7710] =	vst v44;
	v32 =	vadd.f32 v44, v32;
	v63 =	vmul.f32 v44, v44;
	v44 =	vadd.f32 v46, v61  }
0x270: {  	v54 =	vld [tilespmem:s18+$0x7B10];
	[tilespmem:s18+$0x7720] =	vst v45;
	v33 =	vadd.f32 v45, v33;
	v53 =	vmul.f32 v45, v45;
	v45 =	vadd.f32 v47, v62  }
0x271: {  	v52 =	vld [tilespmem:s18+$0x7B20];
	v46 =	vadd.f32 v49, v56;
	v47 =	vadd.f32 v55, v58;
	[tilespmem:s18+$0x7730] =	vst v44;
	v60 =	vmul.f32 v44, v44  }
0x272: {  	v55 =	vld [tilespmem:s18+$0x7B30];
	v49 =	vadd.f32 v57, v59;
	v35 =	vadd.f32 v53, v35;
	[tilespmem:s18+$0x7740] =	vst v45;
	v53 =	vmul.f32 v45, v45  }
0x273: {  	s30 =	simm.s32 @p0 $0x1;
	s20 =	simm.s32 $0x100;
	v57 =	vld [tilespmem:s18+$0x7B40];
	v34 =	vadd.f32 v63, v34;
	[tilespmem:s18+$0x7750] =	vst v46;
	v56 =	vmul.f32 v46, v46;
	v36 =	vadd.f32 v60, v36  }
.LBB2_7:
0x274: {  	p0 =	sne.s32 s20, $0x4F00;
	v29 =	vadd.f32 v53, v29;
	[tilespmem:s18+$0x7760] =	vst v47;
	v53 =	vmul.f32 v47, v47;
	v51 =	vadd.f32 v50, v51;
	v50 =	vld [tilespmem:s18+$0x7B50]  }
0x275: {  	s0 =	sadd.s32 $0x80, s0;
	v27 =	vadd.f32 v56, v27;
	[tilespmem:s18+$0x7770] =	vst v49;
	v56 =	vmul.f32 v49, v49;
	v54 =	vadd.f32 v48, v54;
	v48 =	vld [tilespmem:s18+$0x7B60]  }
0x276: {  	s11 =	sand.u32 $0x7800, s20;
	s12 =	sand.u32 $0x380, s0;
	v25 =	vadd.f32 v53, v25;
	[tilespmem:s18+$0x7780] =	vst v51;
	v53 =	vmul.f32 v51, v51;
	v52 =	vadd.f32 v43, v52;
	v43 =	vld [tilespmem:s18+$0x7B70]  }
0x277: {  	s11 =	sor.u32 s12, s11;
	v23 =	vadd.f32 v56, v23;
	[tilespmem:s18+$0x7B10] =	vst v54;
	v56 =	vmul.f32 v54, v54;
	v55 =	vadd.f32 v42, v55;
	v42 =	vld [tilespmem:s18+$0x7B80]  }
0x278: {  	v58 =	vld [tilespmem:s11+$0x11710];
	v21 =	vadd.f32 v53, v21;
	[tilespmem:s18+$0x7B20] =	vst v52;
	v53 =	vmul.f32 v52, v52;
	v57 =	vadd.f32 v41, v57  }
0x279: {  	v59 =	vld [tilespmem:s11+$0x11720];
	v19 =	vadd.f32 v56, v19;
	[tilespmem:s18+$0x7B30] =	vst v55;
	v41 =	vmul.f32 v55, v55;
	v56 =	vadd.f32 v40, v50  }
0x27a: {  	v60 =	vld [tilespmem:s11+$0x11730];
	v17 =	vadd.f32 v53, v17;
	[tilespmem:s18+$0x7B40] =	vst v57;
	v40 =	vmul.f32 v57, v57;
	v39 =	vadd.f32 v39, v48  }
0x27b: {  	v53 =	vld [tilespmem:s11+$0x11740];
	v15 =	vadd.f32 v41, v15;
	[tilespmem:s18+$0x7B50] =	vst v56;
	v41 =	vmul.f32 v56, v56;
	v38 =	vadd.f32 v38, v43  }
0x27c: {  	v61 =	vld [tilespmem:s11+$0x11750];
	v13 =	vadd.f32 v40, v13;
	[tilespmem:s18+$0x7B60] =	vst v39;
	v40 =	vmul.f32 v39, v39;
	v37 =	vadd.f32 v37, v42  }
0x27d: {  	v31 =	vadd.f32 v44, v31;
	v62 =	vld [tilespmem:s11+$0x11760];
	v11 =	vadd.f32 v41, v11;
	[tilespmem:s18+$0x7B70] =	vst v38;
	v41 =	vmul.f32 v38, v38  }
0x27e: {  	v30 =	vadd.f32 v45, v30;
	v63 =	vld [tilespmem:s11+$0x11770];
	v9 =	vadd.f32 v40, v9;
	[tilespmem:s18+$0x7B80] =	vst v37;
	v40 =	vmul.f32 v37, v37;
	s18 =	smov.u32 s11  }
0x27f: {  	v28 =	vadd.f32 v46, v28;
	v50 =	vld [tilespmem:s18+$0x11780];
	v7 =	vadd.f32 v41, v7  }
0x280: {  	v26 =	vadd.f32 v47, v26;
	v48 =	vld [tilespmem:s18+$0x11B10];
	v5 =	vadd.f32 v40, v5  }
0x281: {  	v24 =	vadd.f32 v49, v24;
	v22 =	vadd.f32 v51, v22;
	v43 =	vld [tilespmem:s18+$0x11B20]  }
0x282: {  	v20 =	vadd.f32 v54, v20;
	v18 =	vadd.f32 v52, v18;
	v42 =	vld [tilespmem:s18+$0x11B30]  }
0x283: {  	v16 =	vadd.f32 v55, v16;
	v14 =	vadd.f32 v57, v14;
	v41 =	vld [tilespmem:s18+$0x11B40]  }
0x284: {  	v12 =	vadd.f32 v56, v12;
	v10 =	vadd.f32 v39, v10;
	v40 =	vld [tilespmem:s18+$0x11B50]  }
0x285: {  	v8 =	vadd.f32 v38, v8;
	v6 =	vadd.f32 v37, v6;
	v39 =	vld [tilespmem:s18+$0x11B60]  }
0x286: {  	v38 =	vld [tilespmem:s18+$0x11B70]  }
0x287: {  	v37 =	vld [tilespmem:s18+$0x11B80]  }
0x288: {  	v44 =	vld [tilespmem:s18+$0x7710]  }
0x289: {  	v45 =	vld [tilespmem:s18+$0x7720]  }
0x28a: {  	v46 =	vld [tilespmem:s18+$0x7730]  }
0x28b: {  	v47 =	vld [tilespmem:s18+$0x7740]  }
0x28c: {  	v49 =	vld [tilespmem:s18+$0x7750]  }
0x28d: {  	v44 =	vadd.f32 v58, v44;
	v55 =	vld [tilespmem:s18+$0x7760]  }
0x28e: {  	v45 =	vadd.f32 v59, v45;
	v57 =	vld [tilespmem:s18+$0x7770]  }
.Ltmp4:
0x28f: {  	[tilespmem:s18+$0x7710] =	vst v44;
	v32 =	vadd.f32 v44, v32;
	v52 =	vmul.f32 v44, v44;
	v44 =	vadd.f32 v60, v46;
	v51 =	vld [tilespmem:s18+$0x7780];
	(pc) =	sbr.rel @p0 .LBB2_7-.Ltmp4, $4  }
0x290: {  	[tilespmem:s18+$0x7720] =	vst v45;
	v33 =	vadd.f32 v45, v33;
	v56 =	vmul.f32 v45, v45;
	v45 =	vadd.f32 v53, v47;
	v54 =	vld [tilespmem:s18+$0x7B10]  }
0x291: {  	v34 =	vadd.f32 v52, v34;
	[tilespmem:s18+$0x7730] =	vst v44;
	v58 =	vmul.f32 v44, v44;
	v46 =	vadd.f32 v61, v49;
	v52 =	vld [tilespmem:s18+$0x7B20]  }
0x292: {  	v35 =	vadd.f32 v56, v35;
	[tilespmem:s18+$0x7740] =	vst v45;
	v53 =	vmul.f32 v45, v45;
	v47 =	vadd.f32 v62, v55;
	v55 =	vld [tilespmem:s18+$0x7B30]  }
0x293: {  	s20 =	sadd.s32 $0x100, s20;
	v36 =	vadd.f32 v58, v36;
	[tilespmem:s18+$0x7750] =	vst v46;
	v56 =	vmul.f32 v46, v46;
	v49 =	vadd.f32 v63, v57;
	v57 =	vld [tilespmem:s18+$0x7B40]  }
0x294: {  	[tilespmem:s18+$0x7760] =	vst v47;
	v50 =	vadd.f32 v50, v51;
	v60 =	vld [tilespmem:s18+$0x7B50]  }
0x295: {  	v61 =	vld [tilespmem:s18+$0x7B60];
	[tilespmem:s18+$0x7770] =	vst v49;
	v48 =	vadd.f32 v48, v54  }
0x296: {  	v62 =	vld [tilespmem:s18+$0x7B70];
	[tilespmem:s18+$0x7780] =	vst v50;
	v43 =	vadd.f32 v43, v52  }
0x297: {  	v63 =	vld [tilespmem:s18+$0x7B80];
	[tilespmem:s18+$0x7B10] =	vst v48;
	v42 =	vadd.f32 v42, v55  }
0x298: {  	[tilespmem:s18+$0x7B20] =	vst v43;
	v41 =	vadd.f32 v41, v57  }
0x299: {  	[tilespmem:s18+$0x7B30] =	vst v42;
	v40 =	vadd.f32 v40, v60  }
0x29a: {  	v39 =	vadd.f32 v39, v61;
	[tilespmem:s18+$0x7B40] =	vst v41  }
0x29b: {  	v38 =	vadd.f32 v38, v62;
	[tilespmem:s18+$0x7B50] =	vst v40  }
0x29c: {  	v37 =	vadd.f32 v37, v63;
	[tilespmem:s18+$0x7B60] =	vst v39  }
0x29d: {  	[tilespmem:s18+$0x7B70] =	vst v38  }
0x29e: {  	[tilespmem:s18+$0x7B80] =	vst v37  }
0x29f: {  	[tilespmem:$0x1B990] =	vst v32  }
0x2a0: {  	[tilespmem:$0x1BA10] =	vst v34  }
0x2a1: {  	v31 =	vadd.f32 v44, v31;
	[tilespmem:$0x1B9A0] =	vst v33  }
0x2a2: {  	[tilespmem:$0x1BA20] =	vst v35  }
0x2a3: {  	v30 =	vadd.f32 v45, v30;
	[tilespmem:$0x1B9B0] =	vst v31  }
0x2a4: {  	v29 =	vadd.f32 v53, v29;
	[tilespmem:$0x1BA30] =	vst v36  }
0x2a5: {  	v28 =	vadd.f32 v46, v28;
	[tilespmem:$0x1B9C0] =	vst v30  }
0x2a6: {  	v53 =	vmul.f32 v47, v47;
	v27 =	vadd.f32 v56, v27;
	[tilespmem:$0x1BA40] =	vst v29  }
0x2a7: {  	v26 =	vadd.f32 v47, v26;
	[tilespmem:$0x1B9D0] =	vst v28  }
0x2a8: {  	v54 =	vmul.f32 v49, v49;
	v25 =	vadd.f32 v53, v25;
	[tilespmem:$0x1BA50] =	vst v27  }
0x2a9: {  	v24 =	vadd.f32 v49, v24;
	[tilespmem:$0x1B9E0] =	vst v26  }
0x2aa: {  	v55 =	vmul.f32 v50, v50;
	v23 =	vadd.f32 v54, v23;
	[tilespmem:$0x1BA60] =	vst v25  }
0x2ab: {  	v22 =	vadd.f32 v50, v22;
	[tilespmem:$0x1B9F0] =	vst v24  }
0x2ac: {  	v56 =	vmul.f32 v48, v48;
	v21 =	vadd.f32 v55, v21;
	[tilespmem:$0x1BA70] =	vst v23  }
0x2ad: {  	v20 =	vadd.f32 v48, v20;
	[tilespmem:$0x1BA00] =	vst v22  }
0x2ae: {  	v57 =	vmul.f32 v43, v43;
	v19 =	vadd.f32 v56, v19;
	[tilespmem:$0x1BA80] =	vst v21  }
0x2af: {  	v18 =	vadd.f32 v43, v18;
	[tilespmem:$0x1BD90] =	vst v20  }
0x2b0: {  	v17 =	vadd.f32 v57, v17;
	[tilespmem:$0x1BE10] =	vst v19  }
0x2b1: {  	v58 =	vmul.f32 v42, v42;
	v16 =	vadd.f32 v42, v16;
	[tilespmem:$0x1BDA0] =	vst v18  }
0x2b2: {  	v14 =	vadd.f32 v41, v14;
	[tilespmem:$0x1BE20] =	vst v17  }
0x2b3: {  	v15 =	vadd.f32 v58, v15;
	[tilespmem:$0x1BDB0] =	vst v16  }
0x2b4: {  	v12 =	vadd.f32 v40, v12;
	[tilespmem:$0x1BDC0] =	vst v14  }
0x2b5: {  	v10 =	vadd.f32 v39, v10;
	[tilespmem:$0x1BE30] =	vst v15  }
0x2b6: {  	s0 =	smulhi.u32 $0x51EB851F, s30;
	v59 =	vmul.f32 v41, v41;
	v8 =	vadd.f32 v38, v8;
	[tilespmem:$0x1BDD0] =	vst v12  }
0x2b7: {  	v60 =	vmul.f32 v40, v40;
	v6 =	vadd.f32 v37, v6;
	[tilespmem:$0x1BDE0] =	vst v10  }
0x2b8: {  	s0 =	sshrl.u32 s0, $0x3;
	v61 =	vmul.f32 v39, v39;
	v13 =	vadd.f32 v59, v13;
	[tilespmem:$0x1BDF0] =	vst v8  }
0x2b9: {  	s0 =	smul.u32 $0x19, s0;
	v62 =	vmul.f32 v38, v38;
	v11 =	vadd.f32 v60, v11;
	[tilespmem:$0x1BE00] =	vst v6  }
0x2ba: {  	v63 =	vmul.f32 v37, v37;
	v9 =	vadd.f32 v61, v9;
	[tilespmem:$0x1BE40] =	vst v13  }
0x2bb: {  	s0 =	ssub.s32 s30, s0;
	v7 =	vadd.f32 v62, v7;
	[tilespmem:$0x1BE50] =	vst v11  }
0x2bc: {  	s0 =	smul.u32 $0x140, s0;
	v5 =	vadd.f32 v63, v5;
	[tilespmem:$0x1BE60] =	vst v9  }
0x2bd: {  	[tilespmem:$0x1BE70] =	vst v7  }
0x2be: {  	s0 =	sshrl.u32 s0, $0x2;
	[tilespmem:$0x1BE80] =	vst v5  }
0x2bf: {  	v5 =	vld [tilespmem:s0+$0x1B190];
	_ =	sdelay $0x7  }
0x2c0: {  	[tilespmem:v5+s16+$0x0] =	vst.idx.add.f32.msk $0xffff, v4  }
0x2c1: {  	v5 =	vld [tilespmem:s0+$0x1B1A0];
	_ =	sdelay $0x7  }
0x2c2: {  	[tilespmem:v5+s16+$0x0] =	vst.idx.add.f32.msk $0xffff, v4  }
0x2c3: {  	v5 =	vld [tilespmem:s0+$0x1B1B0];
	_ =	sdelay $0x7  }
0x2c4: {  	[tilespmem:v5+s16+$0x0] =	vst.idx.add.f32.msk $0xffff, v4  }
0x2c5: {  	v5 =	vld [tilespmem:s0+$0x1B1C0];
	_ =	sdelay $0x7  }
0x2c6: {  	[tilespmem:v5+s16+$0x0] =	vst.idx.add.f32.msk $0xffff, v4  }
0x2c7: {  	v5 =	vld [tilespmem:s0+$0x1B1D0];
	s0 =	sadd.s32 $0x2, s31  }
0x2c8: {  	s11 =	smulhi.u32 $0x51EB851F, s0;
	_ =	sdelay $0x1  }
0x2c9: {  	s11 =	sshrl.u32 s11, $0x3  }
0x2ca: {  	s11 =	smul.u32 $0x19, s11;
	_ =	sdelay $0x1  }
0x2cb: {  	s11 =	ssub.s32 s0, s11  }
0x2cc: {  	p0 =	sne.s32 s11, $0x0  }
0x2cd: {  	s0 =	smul.u32 @!p0 $0x50, s0  }
0x2ce: {  	[tilespmem:v5+s16+$0x0] =	vst.idx.add.f32.msk $0xffff, v4  }
0x2cf: {  	_ =	swait.ge [sflag:s25], $0x5000;
	s0 =	sadd.s32 @!p0 s9, s0  }
0x2d0: {  	s18 =	simm.s32 @!p0 $0x0;
	[sflag:s25] =	ssyncset.done $0x0;
	s0 =	sshrl.u32 @!p0 s0, $0x3  }
0x2d1: {  	s20 =	simm.s32 @!p0 $0x1A990;
	[sflag:s25] =	ssyncadd.s32 $0xFFFFB000;
	s12 =	sadd.s32 @!p0 s6, s0  }
0x2d2: {  	[tilespmem:s20], [sflag:$0x7] =	stream.linear.gather @!p0 [hbm4b:s12+s18], $0x7D0, $0x38;
	[tilespmem:$0x1C190] =	vst v63  }
0x2d3: {  	s12 =	simm.s32 @!p0 $0x7  }
0x2d4: {  	_ =	swait.ge @!p0 [sflag:s12], $0x7D0  }
0x2d5: {  	[sflag:s12] =	ssyncset.done @!p0 $0x0  }
0x2d6: {  	s0 =	sadd.s32 @!p0 s7, s0;
	s20 =	simm.s32 @!p0 $0x1B190;
	[sflag:s12] =	ssyncadd.s32 @!p0 $0xFFFFF830  }
0x2d7: {  	[tilespmem:s20], [sflag:$0x7] =	stream.linear.gather @!p0 [hbm4b:s0+s18], $0x7D0, $0x38;
	[tilespmem:$0x1C190] =	vst v63  }
0x2d8: {  	_ =	swait.ge @!p0 [sflag:s12], $0x7D0  }
0x2d9: {  	s0 =	smul.u32 $0x50, s11;
	[sflag:s12] =	ssyncset.done @!p0 $0x0  }
0x2da: {  	[sflag:s12] =	ssyncadd.s32 @!p0 $0xFFFFF830  }
0x2db: {  	v5 =	vld [tilespmem:s0+$0x1B190];
	_ =	sdelay $0x4  }
0x2dc: {  	v6 =	vshll.u32 v5, $0x1  }
0x2dd: {  	v5 =	vand.u32 $0x7, v5;
	v6 =	vand.u32 $0xFFFFFFF0, v6  }
0x2de: {  	v5 =	vor.u32 v5, v6  }
0x2df: {  	v6 =	vperm.xlane v5, v1;
	_ =	sdelay $0x1  }
0x2e0: {  	v5 =	vperm.xlane v5, v3;
	v6 =	vadd.s32 v2, v6;
	_ =	sdelay $0x1  }
0x2e1: {  	v5 =	vadd.s32 v2, v5;
	_ =	sdelay $0x2  }
0x2e2: {  	[tilespmem:s21], [sflag:$0x1] =	stream.indirect_vreg.gather [hbm4b:s5+s4], $0x80, v6, vm0, $0xb8;
	[tilespmem:$0x1C190] =	vst v63  }
0x2e3: {  	s18 =	simm.s32 $0x2F10  }
0x2e4: {  	[tilespmem:s18], [sflag:$0x1] =	stream.indirect_vreg.gather [hbm4b:s5+s4], $0x80, v5, vm0, $0xb8;
	[tilespmem:$0x1C190] =	vst v63  }
0x2e5: {  	v5 =	vld [tilespmem:s0+$0x1B1A0];
	_ =	sdelay $0x4  }
0x2e6: {  	v6 =	vshll.u32 v5, $0x1  }
0x2e7: {  	v5 =	vand.u32 $0x7, v5;
	v6 =	vand.u32 $0xFFFFFFF0, v6  }
0x2e8: {  	v5 =	vor.u32 v5, v6  }
0x2e9: {  	v6 =	vperm.xlane v5, v1;
	_ =	sdelay $0x1  }
0x2ea: {  	v5 =	vperm.xlane v5, v3;
	v6 =	vadd.s32 v2, v6;
	_ =	sdelay $0x1  }
0x2eb: {  	v5 =	vadd.s32 v2, v5;
	_ =	sdelay $0x1  }
0x2ec: {  	s20 =	simm.s32 $0x3710  }
0x2ed: {  	[tilespmem:s20], [sflag:$0x1] =	stream.indirect_vreg.gather [hbm4b:s5+s4], $0x80, v6, vm0, $0xb8;
	[tilespmem:$0x1C190] =	vst v63  }
0x2ee: {  	s31 =	simm.s32 $0x3F10  }
0x2ef: {  	[tilespmem:s31], [sflag:$0x1] =	stream.indirect_vreg.gather [hbm4b:s5+s4], $0x80, v5, vm0, $0xb8;
	[tilespmem:$0x1C190] =	vst v63  }
0x2f0: {  	v5 =	vld [tilespmem:s0+$0x1B1B0];
	_ =	sdelay $0x4  }
0x2f1: {  	v6 =	vshll.u32 v5, $0x1  }
0x2f2: {  	v5 =	vand.u32 $0x7, v5;
	v6 =	vand.u32 $0xFFFFFFF0, v6  }
0x2f3: {  	v5 =	vor.u32 v5, v6  }
0x2f4: {  	v6 =	vperm.xlane v5, v1;
	_ =	sdelay $0x1  }
0x2f5: {  	v5 =	vperm.xlane v5, v3;
	v6 =	vadd.s32 v2, v6;
	_ =	sdelay $0x1  }
0x2f6: {  	v5 =	vadd.s32 v2, v5;
	_ =	sdelay $0x1  }
0x2f7: {  	s12 =	simm.s32 $0x4710  }
0x2f8: {  	[tilespmem:s12], [sflag:$0x1] =	stream.indirect_vreg.gather [hbm4b:s5+s4], $0x80, v6, vm0, $0xb8;
	[tilespmem:$0x1C190] =	vst v63  }
0x2f9: {  	s18 =	simm.s32 $0x4F10  }
0x2fa: {  	[tilespmem:s18], [sflag:$0x1] =	stream.indirect_vreg.gather [hbm4b:s5+s4], $0x80, v5, vm0, $0xb8;
	[tilespmem:$0x1C190] =	vst v63  }
0x2fb: {  	v5 =	vld [tilespmem:s0+$0x1B1C0];
	_ =	sdelay $0x4  }
0x2fc: {  	v6 =	vshll.u32 v5, $0x1  }
0x2fd: {  	v5 =	vand.u32 $0x7, v5;
	v6 =	vand.u32 $0xFFFFFFF0, v6  }
0x2fe: {  	v5 =	vor.u32 v5, v6  }
0x2ff: {  	v6 =	vperm.xlane v5, v1;
	_ =	sdelay $0x1  }
0x300: {  	v5 =	vperm.xlane v5, v3;
	v6 =	vadd.s32 v2, v6;
	_ =	sdelay $0x1  }
0x301: {  	v5 =	vadd.s32 v2, v5;
	_ =	sdelay $0x1  }
0x302: {  	s20 =	simm.s32 $0x5710  }
0x303: {  	[tilespmem:s20], [sflag:$0x1] =	stream.indirect_vreg.gather [hbm4b:s5+s4], $0x80, v6, vm0, $0xb8;
	[tilespmem:$0x1C190] =	vst v63  }
0x304: {  	s31 =	simm.s32 $0x5F10  }
0x305: {  	[tilespmem:s31], [sflag:$0x1] =	stream.indirect_vreg.gather [hbm4b:s5+s4], $0x80, v5, vm0, $0xb8;
	[tilespmem:$0x1C190] =	vst v63  }
0x306: {  	v5 =	vld [tilespmem:s0+$0x1B1D0];
	_ =	sdelay $0x4  }
0x307: {  	v6 =	vshll.u32 v5, $0x1  }
0x308: {  	v5 =	vand.u32 $0x7, v5;
	v6 =	vand.u32 $0xFFFFFFF0, v6  }
0x309: {  	v5 =	vor.u32 v5, v6  }
0x30a: {  	v6 =	vperm.xlane v5, v1;
	_ =	sdelay $0x1  }
0x30b: {  	v5 =	vperm.xlane v5, v3;
	v6 =	vadd.s32 v2, v6;
	_ =	sdelay $0x1  }
0x30c: {  	v5 =	vadd.s32 v2, v5;
	_ =	sdelay $0x1  }
0x30d: {  	s12 =	simm.s32 $0x6710  }
0x30e: {  	[tilespmem:s12], [sflag:$0x1] =	stream.indirect_vreg.gather [hbm4b:s5+s4], $0x80, v6, vm0, $0xb8;
	[tilespmem:$0x1C190] =	vst v63  }
0x30f: {  	s18 =	simm.s32 $0x6F10  }
0x310: {  	[tilespmem:s18], [sflag:$0x1] =	stream.indirect_vreg.gather [hbm4b:s5+s4], $0x80, v5, vm0, $0xb8;
	[tilespmem:$0x1C190] =	vst v63  }
0x311: {  	v5 =	vld [tilespmem:s0+$0x1A990];
	_ =	sdelay $0x4  }
0x312: {  	v6 =	vshll.u32 v5, $0x1  }
0x313: {  	v5 =	vand.u32 $0x7, v5;
	v6 =	vand.u32 $0xFFFFFFF0, v6  }
0x314: {  	v5 =	vor.u32 v5, v6  }
0x315: {  	v6 =	vperm.xlane v5, v1;
	_ =	sdelay $0x1  }
0x316: {  	v5 =	vperm.xlane v5, v3;
	v6 =	vadd.s32 v2, v6;
	_ =	sdelay $0x1  }
0x317: {  	v5 =	vadd.s32 v2, v5;
	_ =	sdelay $0x1  }
0x318: {  	s20 =	simm.s32 $0xC710  }
0x319: {  	[tilespmem:s20], [sflag:$0x3] =	stream.indirect_vreg.gather [hbm4b:s1+s4], $0x80, v6, vm0, $0xb8;
	[tilespmem:$0x1C190] =	vst v63  }
0x31a: {  	s31 =	simm.s32 $0xCF10  }
0x31b: {  	[tilespmem:s31], [sflag:$0x3] =	stream.indirect_vreg.gather [hbm4b:s1+s4], $0x80, v5, vm0, $0xb8;
	[tilespmem:$0x1C190] =	vst v63  }
0x31c: {  	v5 =	vld [tilespmem:s0+$0x1A9A0];
	_ =	sdelay $0x4  }
0x31d: {  	v6 =	vshll.u32 v5, $0x1  }
0x31e: {  	v5 =	vand.u32 $0x7, v5;
	v6 =	vand.u32 $0xFFFFFFF0, v6  }
0x31f: {  	v5 =	vor.u32 v5, v6  }
0x320: {  	v6 =	vperm.xlane v5, v1;
	_ =	sdelay $0x1  }
0x321: {  	v5 =	vperm.xlane v5, v3;
	v6 =	vadd.s32 v2, v6;
	_ =	sdelay $0x1  }
0x322: {  	v5 =	vadd.s32 v2, v5;
	_ =	sdelay $0x1  }
0x323: {  	s12 =	simm.s32 $0xD710  }
0x324: {  	[tilespmem:s12], [sflag:$0x3] =	stream.indirect_vreg.gather [hbm4b:s1+s4], $0x80, v6, vm0, $0xb8;
	[tilespmem:$0x1C190] =	vst v63  }
0x325: {  	s18 =	simm.s32 $0xDF10  }
0x326: {  	[tilespmem:s18], [sflag:$0x3] =	stream.indirect_vreg.gather [hbm4b:s1+s4], $0x80, v5, vm0, $0xb8;
	[tilespmem:$0x1C190] =	vst v63  }
0x327: {  	v5 =	vld [tilespmem:s0+$0x1A9B0];
	_ =	sdelay $0x4  }
0x328: {  	v6 =	vshll.u32 v5, $0x1  }
0x329: {  	v5 =	vand.u32 $0x7, v5;
	v6 =	vand.u32 $0xFFFFFFF0, v6  }
0x32a: {  	v5 =	vor.u32 v5, v6  }
0x32b: {  	v6 =	vperm.xlane v5, v1;
	_ =	sdelay $0x1  }
0x32c: {  	v5 =	vperm.xlane v5, v3;
	v6 =	vadd.s32 v2, v6;
	_ =	sdelay $0x1  }
0x32d: {  	v5 =	vadd.s32 v2, v5;
	_ =	sdelay $0x1  }
0x32e: {  	s20 =	simm.s32 $0xE710  }
0x32f: {  	[tilespmem:s20], [sflag:$0x3] =	stream.indirect_vreg.gather [hbm4b:s1+s4], $0x80, v6, vm0, $0xb8;
	[tilespmem:$0x1C190] =	vst v63  }
0x330: {  	_ = 	snop  }
0x331: {  	[tilespmem:s13], [sflag:$0x3] =	stream.indirect_vreg.gather [hbm4b:s1+s4], $0x80, v5, vm0, $0xb8;
	[tilespmem:$0x1C190] =	vst v63  }
0x332: {  	v5 =	vld [tilespmem:s0+$0x1A9C0];
	_ =	sdelay $0x4  }
0x333: {  	v6 =	vshll.u32 v5, $0x1  }
0x334: {  	v5 =	vand.u32 $0x7, v5;
	v6 =	vand.u32 $0xFFFFFFF0, v6  }
0x335: {  	v5 =	vor.u32 v5, v6  }
0x336: {  	v6 =	vperm.xlane v5, v1;
	_ =	sdelay $0x1  }
0x337: {  	v5 =	vperm.xlane v5, v3;
	v6 =	vadd.s32 v2, v6;
	_ =	sdelay $0x1  }
0x338: {  	v5 =	vadd.s32 v2, v5;
	_ =	sdelay $0x2  }
0x339: {  	[tilespmem:s14], [sflag:$0x3] =	stream.indirect_vreg.gather [hbm4b:s1+s4], $0x80, v6, vm0, $0xb8;
	[tilespmem:$0x1C190] =	vst v63  }
0x33a: {  	_ = 	snop  }
0x33b: {  	[tilespmem:s15], [sflag:$0x3] =	stream.indirect_vreg.gather [hbm4b:s1+s4], $0x80, v5, vm0, $0xb8;
	[tilespmem:$0x1C190] =	vst v63  }
0x33c: {  	v5 =	vld [tilespmem:s0+$0x1A9D0];
	_ =	sdelay $0x4  }
0x33d: {  	v6 =	vshll.u32 v5, $0x1  }
0x33e: {  	v5 =	vand.u32 $0x7, v5;
	v6 =	vand.u32 $0xFFFFFFF0, v6  }
0x33f: {  	v5 =	vor.u32 v5, v6  }
0x340: {  	v6 =	vperm.xlane v5, v1;
	_ =	sdelay $0x1  }
0x341: {  	v6 =	vadd.s32 v2, v6  }
0x342: {  	v5 =	vperm.xlane v5, v3;
	_ =	sdelay $0x1  }
0x343: {  	s29 =	sadd.s32 $0x1, s29;
	v5 =	vadd.s32 v2, v5  }
0x344: {  	p0 =	sne.s32 s29, $0x3E;
	s31 =	smul.u32 $0x50, s30  }
0x345: {  	[tilespmem:s17], [sflag:$0x3] =	stream.indirect_vreg.gather [hbm4b:s1+s4], $0x80, v6, vm0, $0xb8;
	[tilespmem:$0x1C190] =	vst v63  }
.Ltmp5:
0x346: {  	s0 =	sadd.s32 s9, s31;
	(pc) =	sbr.rel @p0 .LBB2_4-.Ltmp5, $4  }
0x347: {  	s0 =	sshll.u32 s0, $0x5  }
0x348: {  	[tilespmem:s2], [sflag:$0x3] =	stream.indirect_vreg.gather [hbm4b:s1+s4], $0x80, v5, vm0, $0xb8;
	[tilespmem:$0x1C190] =	vst v63  }
0x349: {  	s0 =	sadd.s32 s8, s0  }
0x34a: {  	[hbm4b:s0+s4] =	stream.linear.scatter [tilespmem:s22], [sflag:$0x6], $0x5000, $0x38;
	[tilespmem:$0x1C190] =	vst v63  }
0x34b: {  	_ =	swait.ge [sflag:s3], $0x5000  }
0x34c: {  	[sflag:s3] =	ssyncset.done $0x0  }
0x34d: {  	[sflag:s3] =	ssyncadd.s32 $0xFFFFB000  }
0x34e: {  	_ =	swait.ge [sflag:s10], $0x5000  }
0x34f: {  	[sflag:s10] =	ssyncset.done $0x0  }
0x350: {  	[sflag:s10] =	ssyncadd.s32 $0xFFFFB000  }
0x351: {  	v32 =	vld [tilespmem:$0x1B990]  }
0x352: {  	v34 =	vld [tilespmem:$0x1BA10]  }
0x353: {  	v33 =	vld [tilespmem:$0x1B9A0]  }
0x354: {  	v35 =	vld [tilespmem:$0x1BA20]  }
0x355: {  	v31 =	vld [tilespmem:$0x1B9B0]  }
0x356: {  	v36 =	vld [tilespmem:$0x1BA30]  }
0x357: {  	v30 =	vld [tilespmem:$0x1B9C0]  }
0x358: {  	v29 =	vld [tilespmem:$0x1BA40]  }
0x359: {  	v28 =	vld [tilespmem:$0x1B9D0]  }
0x35a: {  	v27 =	vld [tilespmem:$0x1BA50]  }
0x35b: {  	v26 =	vld [tilespmem:$0x1B9E0]  }
0x35c: {  	v25 =	vld [tilespmem:$0x1BA60]  }
0x35d: {  	v24 =	vld [tilespmem:$0x1B9F0]  }
0x35e: {  	v23 =	vld [tilespmem:$0x1BA70]  }
0x35f: {  	v22 =	vld [tilespmem:$0x1BA00]  }
0x360: {  	v21 =	vld [tilespmem:$0x1BA80]  }
0x361: {  	v20 =	vld [tilespmem:$0x1BD90]  }
0x362: {  	v19 =	vld [tilespmem:$0x1BE10]  }
0x363: {  	v18 =	vld [tilespmem:$0x1BDA0]  }
0x364: {  	v17 =	vld [tilespmem:$0x1BE20]  }
0x365: {  	v16 =	vld [tilespmem:$0x1BDB0]  }
0x366: {  	v15 =	vld [tilespmem:$0x1BE30]  }
0x367: {  	v14 =	vld [tilespmem:$0x1BDC0]  }
0x368: {  	v13 =	vld [tilespmem:$0x1BE40]  }
0x369: {  	v12 =	vld [tilespmem:$0x1BDD0]  }
0x36a: {  	v11 =	vld [tilespmem:$0x1BE50]  }
0x36b: {  	v10 =	vld [tilespmem:$0x1BDE0]  }
0x36c: {  	v9 =	vld [tilespmem:$0x1BE60]  }
0x36d: {  	v8 =	vld [tilespmem:$0x1BDF0]  }
0x36e: {  	s18 =	simm.s32 $0x0;
	v5 =	vld [tilespmem:$0x1BE70]  }
0x36f: {  	s0 =	sand.u32 $0x7800, s18;
	s11 =	sand.u32 $0x380, s18;
	v6 =	vld [tilespmem:$0x1BE00]  }
0x370: {  	s0 =	sor.u32 s11, s0;
	v7 =	vld [tilespmem:$0x1BE80]  }
0x371: {  	v44 =	vld [tilespmem:s0+$0xC710]  }
0x372: {  	v45 =	vld [tilespmem:s0+$0xC720]  }
0x373: {  	v46 =	vld [tilespmem:s0+$0xC730]  }
0x374: {  	v47 =	vld [tilespmem:s0+$0xC740]  }
0x375: {  	v49 =	vld [tilespmem:s0+$0xC750]  }
0x376: {  	v54 =	vld [tilespmem:s0+$0xC760]  }
0x377: {  	v57 =	vld [tilespmem:s0+$0xC770]  }
0x378: {  	v50 =	vld [tilespmem:s0+$0xC780]  }
0x379: {  	v48 =	vld [tilespmem:s0+$0xCB10]  }
0x37a: {  	v43 =	vld [tilespmem:s0+$0xCB20]  }
0x37b: {  	v42 =	vld [tilespmem:s0+$0xCB30]  }
0x37c: {  	v41 =	vld [tilespmem:s0+$0xCB40]  }
0x37d: {  	v40 =	vld [tilespmem:s0+$0xCB50]  }
0x37e: {  	v39 =	vld [tilespmem:s0+$0xCB60]  }
0x37f: {  	v38 =	vld [tilespmem:s0+$0xCB70]  }
0x380: {  	v51 =	vld [tilespmem:s0+$0x2710]  }
0x381: {  	v52 =	vld [tilespmem:s0+$0x2720]  }
0x382: {  	v53 =	vld [tilespmem:s0+$0x2730]  }
0x383: {  	v55 =	vld [tilespmem:s0+$0x2740]  }
0x384: {  	v56 =	vld [tilespmem:s0+$0x2750]  }
0x385: {  	v58 =	vld [tilespmem:s0+$0x2760]  }
0x386: {  	v59 =	vld [tilespmem:s0+$0x2770];
	v44 =	vadd.f32 v44, v51  }
0x387: {  	v37 =	vld [tilespmem:s0+$0xCB80];
	v45 =	vadd.f32 v45, v52  }
0x388: {  	v51 =	vld [tilespmem:s0+$0x2780];
	[tilespmem:s0+$0x2710] =	vst v44;
	v32 =	vadd.f32 v44, v32;
	v63 =	vmul.f32 v44, v44;
	v44 =	vadd.f32 v46, v53  }
0x389: {  	[tilespmem:s0+$0x2720] =	vst v45;
	v33 =	vadd.f32 v45, v33;
	v53 =	vmul.f32 v45, v45;
	v45 =	vadd.f32 v47, v55;
	v55 =	vld [tilespmem:s0+$0x2B10]  }
0x38a: {  	v52 =	vld [tilespmem:s0+$0x2B20];
	v46 =	vadd.f32 v49, v56;
	v47 =	vadd.f32 v54, v58;
	[tilespmem:s0+$0x2730] =	vst v44;
	v60 =	vmul.f32 v44, v44  }
0x38b: {  	v56 =	vld [tilespmem:s0+$0x2B30];
	v49 =	vadd.f32 v57, v59;
	v35 =	vadd.f32 v53, v35;
	[tilespmem:s0+$0x2740] =	vst v45;
	v53 =	vmul.f32 v45, v45  }
0x38c: {  	s20 =	simm.s32 $0x100;
	v57 =	vld [tilespmem:s0+$0x2B40];
	v34 =	vadd.f32 v63, v34;
	[tilespmem:s0+$0x2750] =	vst v46;
	v54 =	vmul.f32 v46, v46;
	v36 =	vadd.f32 v60, v36  }
.LBB2_10:
0x38d: {  	p0 =	sne.s32 s20, $0x4F00;
	v29 =	vadd.f32 v53, v29;
	[tilespmem:s0+$0x2760] =	vst v47;
	v53 =	vmul.f32 v47, v47;
	v51 =	vadd.f32 v50, v51;
	v50 =	vld [tilespmem:s0+$0x2B50]  }
0x38e: {  	s18 =	sadd.s32 $0x80, s18;
	v27 =	vadd.f32 v54, v27;
	[tilespmem:s0+$0x2770] =	vst v49;
	v54 =	vmul.f32 v49, v49;
	v55 =	vadd.f32 v48, v55;
	v48 =	vld [tilespmem:s0+$0x2B60]  }
0x38f: {  	s11 =	sand.u32 $0x7800, s20;
	s12 =	sand.u32 $0x380, s18;
	v25 =	vadd.f32 v53, v25;
	[tilespmem:s0+$0x2780] =	vst v51;
	v53 =	vmul.f32 v51, v51;
	v52 =	vadd.f32 v43, v52;
	v43 =	vld [tilespmem:s0+$0x2B70]  }
0x390: {  	s11 =	sor.u32 s12, s11;
	v23 =	vadd.f32 v54, v23;
	[tilespmem:s0+$0x2B10] =	vst v55;
	v54 =	vmul.f32 v55, v55;
	v56 =	vadd.f32 v42, v56;
	v42 =	vld [tilespmem:s0+$0x2B80]  }
0x391: {  	v58 =	vld [tilespmem:s11+$0xC710];
	v21 =	vadd.f32 v53, v21;
	[tilespmem:s0+$0x2B20] =	vst v52;
	v53 =	vmul.f32 v52, v52;
	v57 =	vadd.f32 v41, v57  }
0x392: {  	v59 =	vld [tilespmem:s11+$0xC720];
	v19 =	vadd.f32 v54, v19;
	[tilespmem:s0+$0x2B30] =	vst v56;
	v41 =	vmul.f32 v56, v56;
	v54 =	vadd.f32 v40, v50  }
0x393: {  	v60 =	vld [tilespmem:s11+$0xC730];
	v17 =	vadd.f32 v53, v17;
	[tilespmem:s0+$0x2B40] =	vst v57;
	v40 =	vmul.f32 v57, v57;
	v39 =	vadd.f32 v39, v48  }
0x394: {  	v53 =	vld [tilespmem:s11+$0xC740];
	v15 =	vadd.f32 v41, v15;
	[tilespmem:s0+$0x2B50] =	vst v54;
	v41 =	vmul.f32 v54, v54;
	v38 =	vadd.f32 v38, v43  }
0x395: {  	v61 =	vld [tilespmem:s11+$0xC750];
	v13 =	vadd.f32 v40, v13;
	[tilespmem:s0+$0x2B60] =	vst v39;
	v40 =	vmul.f32 v39, v39;
	v37 =	vadd.f32 v37, v42  }
0x396: {  	v31 =	vadd.f32 v44, v31;
	v62 =	vld [tilespmem:s11+$0xC760];
	v11 =	vadd.f32 v41, v11;
	[tilespmem:s0+$0x2B70] =	vst v38;
	v41 =	vmul.f32 v38, v38  }
0x397: {  	v30 =	vadd.f32 v45, v30;
	v63 =	vld [tilespmem:s11+$0xC770];
	v9 =	vadd.f32 v40, v9;
	[tilespmem:s0+$0x2B80] =	vst v37;
	v40 =	vmul.f32 v37, v37;
	s0 =	smov.u32 s11  }
0x398: {  	v28 =	vadd.f32 v46, v28;
	v50 =	vld [tilespmem:s0+$0xC780];
	v5 =	vadd.f32 v41, v5  }
0x399: {  	v26 =	vadd.f32 v47, v26;
	v48 =	vld [tilespmem:s0+$0xCB10];
	v7 =	vadd.f32 v40, v7  }
0x39a: {  	v24 =	vadd.f32 v49, v24;
	v22 =	vadd.f32 v51, v22;
	v43 =	vld [tilespmem:s0+$0xCB20]  }
0x39b: {  	v20 =	vadd.f32 v55, v20;
	v18 =	vadd.f32 v52, v18;
	v42 =	vld [tilespmem:s0+$0xCB30]  }
0x39c: {  	v16 =	vadd.f32 v56, v16;
	v14 =	vadd.f32 v57, v14;
	v41 =	vld [tilespmem:s0+$0xCB40]  }
0x39d: {  	v12 =	vadd.f32 v54, v12;
	v10 =	vadd.f32 v39, v10;
	v40 =	vld [tilespmem:s0+$0xCB50]  }
0x39e: {  	v8 =	vadd.f32 v38, v8;
	v6 =	vadd.f32 v37, v6;
	v39 =	vld [tilespmem:s0+$0xCB60]  }
0x39f: {  	v38 =	vld [tilespmem:s0+$0xCB70]  }
0x3a0: {  	v37 =	vld [tilespmem:s0+$0xCB80]  }
0x3a1: {  	v44 =	vld [tilespmem:s0+$0x2710]  }
0x3a2: {  	v45 =	vld [tilespmem:s0+$0x2720]  }
0x3a3: {  	v46 =	vld [tilespmem:s0+$0x2730]  }
0x3a4: {  	v47 =	vld [tilespmem:s0+$0x2740]  }
0x3a5: {  	v49 =	vld [tilespmem:s0+$0x2750]  }
0x3a6: {  	v44 =	vadd.f32 v58, v44;
	v54 =	vld [tilespmem:s0+$0x2760]  }
0x3a7: {  	v45 =	vadd.f32 v59, v45;
	v57 =	vld [tilespmem:s0+$0x2770]  }
.Ltmp6:
0x3a8: {  	[tilespmem:s0+$0x2710] =	vst v44;
	v32 =	vadd.f32 v44, v32;
	v52 =	vmul.f32 v44, v44;
	v44 =	vadd.f32 v60, v46;
	v51 =	vld [tilespmem:s0+$0x2780];
	(pc) =	sbr.rel @p0 .LBB2_10-.Ltmp6, $4  }
0x3a9: {  	[tilespmem:s0+$0x2720] =	vst v45;
	v33 =	vadd.f32 v45, v33;
	v56 =	vmul.f32 v45, v45;
	v45 =	vadd.f32 v53, v47;
	v55 =	vld [tilespmem:s0+$0x2B10]  }
0x3aa: {  	v34 =	vadd.f32 v52, v34;
	[tilespmem:s0+$0x2730] =	vst v44;
	v58 =	vmul.f32 v44, v44;
	v46 =	vadd.f32 v61, v49;
	v52 =	vld [tilespmem:s0+$0x2B20]  }
0x3ab: {  	v35 =	vadd.f32 v56, v35;
	[tilespmem:s0+$0x2740] =	vst v45;
	v53 =	vmul.f32 v45, v45;
	v47 =	vadd.f32 v62, v54;
	v56 =	vld [tilespmem:s0+$0x2B30]  }
0x3ac: {  	s20 =	sadd.s32 $0x100, s20;
	v36 =	vadd.f32 v58, v36;
	[tilespmem:s0+$0x2750] =	vst v46;
	v54 =	vmul.f32 v46, v46;
	v49 =	vadd.f32 v63, v57;
	v57 =	vld [tilespmem:s0+$0x2B40]  }
0x3ad: {  	[tilespmem:s0+$0x2760] =	vst v47;
	v50 =	vadd.f32 v50, v51;
	v60 =	vld [tilespmem:s0+$0x2B50]  }
0x3ae: {  	v61 =	vld [tilespmem:s0+$0x2B60];
	[tilespmem:s0+$0x2770] =	vst v49;
	v48 =	vadd.f32 v48, v55  }
0x3af: {  	v62 =	vld [tilespmem:s0+$0x2B70];
	[tilespmem:s0+$0x2780] =	vst v50;
	v43 =	vadd.f32 v43, v52  }
0x3b0: {  	v63 =	vld [tilespmem:s0+$0x2B80];
	[tilespmem:s0+$0x2B10] =	vst v48;
	v42 =	vadd.f32 v42, v56  }
0x3b1: {  	[tilespmem:s0+$0x2B20] =	vst v43;
	v41 =	vadd.f32 v41, v57  }
0x3b2: {  	[tilespmem:s0+$0x2B30] =	vst v42;
	v40 =	vadd.f32 v40, v60  }
0x3b3: {  	v39 =	vadd.f32 v39, v61;
	[tilespmem:s0+$0x2B40] =	vst v41  }
0x3b4: {  	v38 =	vadd.f32 v38, v62;
	[tilespmem:s0+$0x2B50] =	vst v40  }
0x3b5: {  	v37 =	vadd.f32 v37, v63;
	[tilespmem:s0+$0x2B60] =	vst v39  }
0x3b6: {  	[tilespmem:s0+$0x2B70] =	vst v38  }
0x3b7: {  	[tilespmem:s0+$0x2B80] =	vst v37  }
0x3b8: {  	[tilespmem:$0x1B990] =	vst v32  }
0x3b9: {  	[tilespmem:$0x1BA10] =	vst v34  }
0x3ba: {  	v31 =	vadd.f32 v44, v31;
	[tilespmem:$0x1B9A0] =	vst v33  }
0x3bb: {  	[tilespmem:$0x1BA20] =	vst v35  }
0x3bc: {  	v30 =	vadd.f32 v45, v30;
	[tilespmem:$0x1B9B0] =	vst v31  }
0x3bd: {  	v29 =	vadd.f32 v53, v29;
	[tilespmem:$0x1BA30] =	vst v36  }
0x3be: {  	v28 =	vadd.f32 v46, v28;
	[tilespmem:$0x1B9C0] =	vst v30  }
0x3bf: {  	v27 =	vadd.f32 v54, v27;
	v52 =	vmul.f32 v47, v47;
	[tilespmem:$0x1BA40] =	vst v29  }
0x3c0: {  	v26 =	vadd.f32 v47, v26;
	[tilespmem:$0x1B9D0] =	vst v28  }
0x3c1: {  	v53 =	vmul.f32 v49, v49;
	v25 =	vadd.f32 v52, v25;
	[tilespmem:$0x1BA50] =	vst v27  }
0x3c2: {  	v24 =	vadd.f32 v49, v24;
	[tilespmem:$0x1B9E0] =	vst v26  }
0x3c3: {  	v54 =	vmul.f32 v50, v50;
	v23 =	vadd.f32 v53, v23;
	[tilespmem:$0x1BA60] =	vst v25  }
0x3c4: {  	v22 =	vadd.f32 v50, v22;
	[tilespmem:$0x1B9F0] =	vst v24  }
0x3c5: {  	v55 =	vmul.f32 v48, v48;
	v21 =	vadd.f32 v54, v21;
	[tilespmem:$0x1BA70] =	vst v23  }
0x3c6: {  	v20 =	vadd.f32 v48, v20;
	[tilespmem:$0x1BA00] =	vst v22  }
0x3c7: {  	v56 =	vmul.f32 v43, v43;
	v19 =	vadd.f32 v55, v19;
	[tilespmem:$0x1BA80] =	vst v21  }
0x3c8: {  	v18 =	vadd.f32 v43, v18;
	[tilespmem:$0x1BD90] =	vst v20  }
0x3c9: {  	v17 =	vadd.f32 v56, v17;
	[tilespmem:$0x1BE10] =	vst v19  }
0x3ca: {  	v57 =	vmul.f32 v42, v42;
	v16 =	vadd.f32 v42, v16;
	[tilespmem:$0x1BDA0] =	vst v18  }
0x3cb: {  	v14 =	vadd.f32 v41, v14;
	[tilespmem:$0x1BE20] =	vst v17  }
0x3cc: {  	v15 =	vadd.f32 v57, v15;
	[tilespmem:$0x1BDB0] =	vst v16  }
0x3cd: {  	v12 =	vadd.f32 v40, v12;
	[tilespmem:$0x1BDC0] =	vst v14  }
0x3ce: {  	v10 =	vadd.f32 v39, v10;
	[tilespmem:$0x1BE30] =	vst v15  }
0x3cf: {  	v58 =	vmul.f32 v41, v41;
	v8 =	vadd.f32 v38, v8;
	[tilespmem:$0x1BDD0] =	vst v12  }
0x3d0: {  	v59 =	vmul.f32 v40, v40;
	v6 =	vadd.f32 v37, v6;
	v61 =	vld [tilespmem:$0x1B910];
	[tilespmem:$0x1BDE0] =	vst v10  }
0x3d1: {  	v60 =	vmul.f32 v39, v39;
	v13 =	vadd.f32 v58, v13;
	[tilespmem:$0x1BDF0] =	vst v8  }
0x3d2: {  	v62 =	vmul.f32 v38, v38;
	v11 =	vadd.f32 v59, v11;
	[tilespmem:$0x1BE00] =	vst v6  }
0x3d3: {  	v63 =	vmul.f32 v37, v37;
	v9 =	vadd.f32 v60, v9;
	[tilespmem:$0x1BE40] =	vst v13  }
0x3d4: {  	v5 =	vadd.f32 v62, v5;
	[tilespmem:$0x1BE50] =	vst v11  }
0x3d5: {  	v7 =	vadd.f32 v63, v7;
	[tilespmem:$0x1BE60] =	vst v9  }
0x3d6: {  	[tilespmem:$0x1BE70] =	vst v5  }
0x3d7: {  	[tilespmem:$0x1BE80] =	vst v7  }
0x3d8: {  	[tilespmem:v61+s16+$0x0] =	vst.idx.add.f32.msk $0xffff, v4  }
0x3d9: {  	v5 =	vld [tilespmem:$0x1B920];
	_ =	sdelay $0x7  }
0x3da: {  	[tilespmem:v5+s16+$0x0] =	vst.idx.add.f32.msk $0xffff, v4  }
0x3db: {  	v5 =	vld [tilespmem:$0x1B930];
	_ =	sdelay $0x7  }
0x3dc: {  	[tilespmem:v5+s16+$0x0] =	vst.idx.add.f32.msk $0xffff, v4  }
0x3dd: {  	v5 =	vld [tilespmem:$0x1B940];
	_ =	sdelay $0x7  }
0x3de: {  	[tilespmem:v5+s16+$0x0] =	vst.idx.add.f32.msk $0xffff, v4  }
0x3df: {  	v5 =	vld [tilespmem:$0x1B950];
	_ =	sdelay $0x7  }
0x3e0: {  	s20 =	simm.s32 $0x6;
	[tilespmem:v5+s16+$0x0] =	vst.idx.add.f32.msk $0xffff, v4  }
0x3e1: {  	_ =	swait.ge [sflag:s20], $0x5000  }
0x3e2: {  	[sflag:s20] =	ssyncset.done $0x0  }
0x3e3: {  	s0 =	simm.s32 $0x0;
	s11 =	rddreg [dreg:$0x7];
	[sflag:s20] =	ssyncadd.s32 $0xFFFFB000  }
0x3e4: {  	[hbm4b:s11+s0] =	stream.linear.scatter [tilespmem:s21], [sflag:$0x5], $0x5000, $0x38;
	[tilespmem:$0x1C190] =	vst v63  }
0x3e5: {  	_ =	swait.ge [sflag:s25], $0x5000  }
0x3e6: {  	[sflag:s25] =	ssyncset.done $0x0  }
0x3e7: {  	s12 =	simm.s32 $0x1B990;
	s28 =	rddreg [dreg:$0x8];
	[sflag:s25] =	ssyncadd.s32 $0xFFFFB000  }
0x3e8: {  	[hbm4b:s28+s0] =	stream.linear.scatter [tilespmem:s12], [sflag:$0x7], $0x800, $0x38;
	[tilespmem:$0x1C190] =	vst v63  }
0x3e9: {  	_ =	swait.ge [sflag:s19], $0x800  }
0x3ea: {  	[sflag:s19] =	ssyncset.done $0x0  }
0x3eb: {  	s29 =	rddreg [dreg:$0x9];
	[sflag:s19] =	ssyncadd.s32 $0xFFFFF800  }
0x3ec: {  	[spmem:s29] =	stream.linear.scatter [tilespmem:s16], [sflag:$0x7], $0x2710, $0x38;
	[tilespmem:$0x1C190] =	vst v63  }
0x3ed: {  	_ =	swait.ge [sflag:s19], $0x2710  }
.Ltmp7:
0x3ee: {  	[sflag:s19] =	ssyncset.done $0x0;
	(pc) =	sbr.rel .LBB2_12-.Ltmp7, $4  }
0x3ef: {  	[sflag:s19] =	ssyncadd.s32 $0xFFFFD8F0  }
0x3f0: {  	[bflag:$0x0] =	sbarrier.arrive $0xFFFF  }
0x3f1: {  	s12 =	rddreg [dreg:$0x2]  }
0x3f2: {  	p1 =	por $0x1, $0x1;
	s30 =	stileid.u32;
	s31 =	rddreg [dreg:$0x4]  }
.LBB2_16:
.Ltmp8:
0x3f3: {  	(pc) =	sbr.rel @!p0 .LBB2_17-.Ltmp8, $2  }
0x3f4: {  	_ =	sdelay $0x2  }
0x3f5: {  	s0 =	simm.s32 $0x10;
	p1 =	por $0x0, $0x0  }
.LBB2_12:
0x3f6: {  	s0 =	sor.u32 s30, s0  }
0x3f7: {  	p2 =	sgt.u32 s0, $0x18  }
.Ltmp9:
0x3f8: {  	_ = 	snop;
	(pc) =	sbr.rel @p2 .LBB2_16-.Ltmp9, $2  }
0x3f9: {  	_ =	sdelay $0x2  }
0x3fa: {  	p0 =	por p1, p1  }
0x3fb: {  	s0 =	smul.u32 $0x190, s0;
	_ =	sdelay $0x1  }
0x3fc: {  	s11 =	simm.s32 $0x18E90;
	s18 =	sadd.s32 s0, s12  }
0x3fd: {  	[tilespmem:s11], [sflag:$0x8] =	stream.linear.gather [spmem:s18], $0x190, $0x38;
	[tilespmem:$0x1C190] =	vst v63  }
0x3fe: {  	_ =	swait.ge [sflag:s26], $0x190  }
0x3ff: {  	[sflag:s26] =	ssyncset.done $0x0  }
0x400: {  	s20 =	simm.s32 $0x19020;
	s11 =	sadd.s32 $0x2710, s18;
	[sflag:s26] =	ssyncadd.s32 $0xFFFFFE70  }
0x401: {  	[tilespmem:s20], [sflag:$0x8] =	stream.linear.gather [spmem:s11], $0x190, $0x38;
	[tilespmem:$0x1C190] =	vst v63  }
0x402: {  	_ =	swait.ge [sflag:s26], $0x190  }
0x403: {  	[sflag:s26] =	ssyncset.done $0x0  }
0x404: {  	s11 =	sadd.s32 $0x4E20, s18;
	s20 =	simm.s32 $0x191B0;
	[sflag:s26] =	ssyncadd.s32 $0xFFFFFE70  }
0x405: {  	[tilespmem:s20], [sflag:$0x8] =	stream.linear.gather [spmem:s11], $0x190, $0x38;
	[tilespmem:$0x1C190] =	vst v63  }
0x406: {  	_ =	swait.ge [sflag:s26], $0x190  }
0x407: {  	[sflag:s26] =	ssyncset.done $0x0  }
0x408: {  	s11 =	sadd.s32 $0x7530, s18;
	s20 =	simm.s32 $0x19340;
	[sflag:s26] =	ssyncadd.s32 $0xFFFFFE70  }
0x409: {  	[tilespmem:s20], [sflag:$0x8] =	stream.linear.gather [spmem:s11], $0x190, $0x38;
	[tilespmem:$0x1C190] =	vst v63  }
0x40a: {  	_ =	swait.ge [sflag:s26], $0x190  }
0x40b: {  	[sflag:s26] =	ssyncset.done $0x0  }
0x40c: {  	s11 =	sadd.s32 $0x9C40, s18;
	s20 =	simm.s32 $0x194D0;
	[sflag:s26] =	ssyncadd.s32 $0xFFFFFE70  }
0x40d: {  	[tilespmem:s20], [sflag:$0x8] =	stream.linear.gather [spmem:s11], $0x190, $0x38;
	[tilespmem:$0x1C190] =	vst v63  }
0x40e: {  	_ =	swait.ge [sflag:s26], $0x190  }
0x40f: {  	[sflag:s26] =	ssyncset.done $0x0  }
0x410: {  	s11 =	sadd.s32 $0xC350, s18;
	s20 =	simm.s32 $0x19660;
	[sflag:s26] =	ssyncadd.s32 $0xFFFFFE70  }
0x411: {  	[tilespmem:s20], [sflag:$0x8] =	stream.linear.gather [spmem:s11], $0x190, $0x38;
	[tilespmem:$0x1C190] =	vst v63  }
0x412: {  	_ =	swait.ge [sflag:s26], $0x190  }
0x413: {  	[sflag:s26] =	ssyncset.done $0x0  }
0x414: {  	s11 =	sadd.s32 $0xEA60, s18;
	s20 =	simm.s32 $0x197F0;
	[sflag:s26] =	ssyncadd.s32 $0xFFFFFE70  }
0x415: {  	[tilespmem:s20], [sflag:$0x8] =	stream.linear.gather [spmem:s11], $0x190, $0x38;
	[tilespmem:$0x1C190] =	vst v63  }
0x416: {  	_ =	swait.ge [sflag:s26], $0x190  }
0x417: {  	[sflag:s26] =	ssyncset.done $0x0  }
0x418: {  	s11 =	sadd.s32 $0x11170, s18;
	s20 =	simm.s32 $0x19980;
	[sflag:s26] =	ssyncadd.s32 $0xFFFFFE70  }
0x419: {  	[tilespmem:s20], [sflag:$0x8] =	stream.linear.gather [spmem:s11], $0x190, $0x38;
	[tilespmem:$0x1C190] =	vst v63  }
0x41a: {  	_ =	swait.ge [sflag:s26], $0x190  }
0x41b: {  	[sflag:s26] =	ssyncset.done $0x0  }
0x41c: {  	s11 =	sadd.s32 $0x13880, s18;
	s20 =	simm.s32 $0x19B10;
	[sflag:s26] =	ssyncadd.s32 $0xFFFFFE70  }
0x41d: {  	[tilespmem:s20], [sflag:$0x8] =	stream.linear.gather [spmem:s11], $0x190, $0x38;
	[tilespmem:$0x1C190] =	vst v63  }
0x41e: {  	_ =	swait.ge [sflag:s26], $0x190  }
0x41f: {  	[sflag:s26] =	ssyncset.done $0x0  }
0x420: {  	s11 =	sadd.s32 $0x15F90, s18;
	s20 =	simm.s32 $0x19CA0;
	[sflag:s26] =	ssyncadd.s32 $0xFFFFFE70  }
0x421: {  	[tilespmem:s20], [sflag:$0x8] =	stream.linear.gather [spmem:s11], $0x190, $0x38;
	[tilespmem:$0x1C190] =	vst v63  }
0x422: {  	_ =	swait.ge [sflag:s26], $0x190  }
0x423: {  	[sflag:s26] =	ssyncset.done $0x0  }
0x424: {  	s28 =	simm.s32 $0x19E30;
	s11 =	sadd.s32 $0x186A0, s18;
	[sflag:s26] =	ssyncadd.s32 $0xFFFFFE70  }
0x425: {  	[tilespmem:s28], [sflag:$0x8] =	stream.linear.gather [spmem:s11], $0x190, $0x38;
	[tilespmem:$0x1C190] =	vst v63  }
0x426: {  	_ =	swait.ge [sflag:s26], $0x190  }
0x427: {  	[sflag:s26] =	ssyncset.done $0x0  }
0x428: {  	s11 =	sadd.s32 $0x1ADB0, s18;
	s28 =	simm.s32 $0x19FC0;
	[sflag:s26] =	ssyncadd.s32 $0xFFFFFE70  }
0x429: {  	[tilespmem:s28], [sflag:$0x8] =	stream.linear.gather [spmem:s11], $0x190, $0x38;
	[tilespmem:$0x1C190] =	vst v63  }
0x42a: {  	_ =	swait.ge [sflag:s26], $0x190  }
0x42b: {  	[sflag:s26] =	ssyncset.done $0x0  }
0x42c: {  	s11 =	sadd.s32 $0x1D4C0, s18;
	s28 =	simm.s32 $0x1A150;
	[sflag:s26] =	ssyncadd.s32 $0xFFFFFE70  }
0x42d: {  	[tilespmem:s28], [sflag:$0x8] =	stream.linear.gather [spmem:s11], $0x190, $0x38;
	[tilespmem:$0x1C190] =	vst v63  }
0x42e: {  	_ =	swait.ge [sflag:s26], $0x190  }
0x42f: {  	[sflag:s26] =	ssyncset.done $0x0  }
0x430: {  	s11 =	sadd.s32 $0x1FBD0, s18;
	s28 =	simm.s32 $0x1A2E0;
	[sflag:s26] =	ssyncadd.s32 $0xFFFFFE70  }
0x431: {  	[tilespmem:s28], [sflag:$0x8] =	stream.linear.gather [spmem:s11], $0x190, $0x38;
	[tilespmem:$0x1C190] =	vst v63  }
0x432: {  	_ =	swait.ge [sflag:s26], $0x190  }
0x433: {  	[sflag:s26] =	ssyncset.done $0x0  }
0x434: {  	s11 =	sadd.s32 $0x222E0, s18;
	s28 =	simm.s32 $0x1A470;
	[sflag:s26] =	ssyncadd.s32 $0xFFFFFE70  }
0x435: {  	[tilespmem:s28], [sflag:$0x8] =	stream.linear.gather [spmem:s11], $0x190, $0x38;
	[tilespmem:$0x1C190] =	vst v63  }
0x436: {  	_ =	swait.ge [sflag:s26], $0x190  }
0x437: {  	[sflag:s26] =	ssyncset.done $0x0  }
0x438: {  	s11 =	sadd.s32 $0x249F0, s18;
	s18 =	simm.s32 $0x1A600;
	[sflag:s26] =	ssyncadd.s32 $0xFFFFFE70  }
0x439: {  	[tilespmem:s18], [sflag:$0x8] =	stream.linear.gather [spmem:s11], $0x190, $0x38;
	[tilespmem:$0x1C190] =	vst v63  }
0x43a: {  	_ =	swait.ge [sflag:s26], $0x190  }
0x43b: {  	[sflag:s26] =	ssyncset.done $0x0  }
0x43c: {  	[sflag:s26] =	ssyncadd.s32 $0xFFFFFE70  }
0x43d: {  	v5 =	vld [tilespmem:s20+$0xFFFFF380]  }
0x43e: {  	v6 =	vld [tilespmem:s20+$0xFFFFF1F0];
	_ =	sdelay $0x1  }
0x43f: {  	v7 =	vld [tilespmem:s20+$0xFFFFF510];
	_ =	sdelay $0x1  }
0x440: {  	v8 =	vld [tilespmem:s20+$0xFFFFF6A0]  }
0x441: {  	v5 =	vadd.f32 v5, v6  }
0x442: {  	v6 =	vld [tilespmem:s20+$0xFFFFF830]  }
0x443: {  	v5 =	vadd.f32 v7, v5  }
0x444: {  	v7 =	vld [tilespmem:s20+$0xFFFFF9C0]  }
0x445: {  	v5 =	vadd.f32 v8, v5  }
0x446: {  	v8 =	vld [tilespmem:s20+$0xFFFFFB50]  }
0x447: {  	v5 =	vadd.f32 v6, v5  }
0x448: {  	s18 =	simm.s32 $0x0;
	v6 =	vld [tilespmem:s20+$0xFFFFFCE0]  }
0x449: {  	s11 =	sand.u32 $0x1F0, s18;
	v5 =	vadd.f32 v7, v5  }
0x44a: {  	v7 =	vld [tilespmem:s11+$0x19B10]  }
0x44b: {  	v5 =	vadd.f32 v8, v5  }
0x44c: {  	v8 =	vld [tilespmem:s20+$0x0]  }
0x44d: {  	v5 =	vadd.f32 v6, v5  }
0x44e: {  	v6 =	vld [tilespmem:s20+$0x190]  }
0x44f: {  	v5 =	vadd.f32 v7, v5  }
0x450: {  	v7 =	vld [tilespmem:s20+$0x320]  }
0x451: {  	v5 =	vadd.f32 v8, v5  }
0x452: {  	v8 =	vld [tilespmem:s20+$0x4B0]  }
0x453: {  	v5 =	vadd.f32 v6, v5  }
0x454: {  	v6 =	vld [tilespmem:s20+$0x640]  }
0x455: {  	v5 =	vadd.f32 v7, v5  }
0x456: {  	v7 =	vld [tilespmem:s20+$0x7D0]  }
0x457: {  	v5 =	vadd.f32 v8, v5  }
0x458: {  	v8 =	vld [tilespmem:s20+$0x960]  }
0x459: {  	v5 =	vadd.f32 v6, v5;
	_ =	sdelay $0x1  }
0x45a: {  	v5 =	vadd.f32 v7, v5;
	_ =	sdelay $0x1  }
0x45b: {  	v5 =	vadd.f32 v8, v5  }
0x45c: {  	s18 =	simm.s32 $0x1A790  }
0x45d: {  	s20 =	simm.s32 $0x19CB0;
	[tilespmem:s18+$0x0] =	vst v5  }
0x45e: {  	v5 =	vld [tilespmem:s20+$0xFFFFF380]  }
0x45f: {  	s29 =	simm.s32 $0x20;
	s28 =	simm.s32 $0x10;
	v6 =	vld [tilespmem:s20+$0xFFFFF1F0]  }
.LBB2_14:
0x460: {  	p1 =	sne.s32 s29, $0x180  }
0x461: {  	v7 =	vld [tilespmem:s20+$0xFFFFF510];
	_ =	sdelay $0x1  }
0x462: {  	v8 =	vld [tilespmem:s20+$0xFFFFF6A0]  }
0x463: {  	v5 =	vadd.f32 v5, v6  }
0x464: {  	v6 =	vld [tilespmem:s20+$0xFFFFF830]  }
0x465: {  	v5 =	vadd.f32 v7, v5  }
0x466: {  	v7 =	vld [tilespmem:s20+$0xFFFFF9C0]  }
0x467: {  	v5 =	vadd.f32 v8, v5  }
0x468: {  	v8 =	vld [tilespmem:s20+$0xFFFFFB50]  }
0x469: {  	v5 =	vadd.f32 v6, v5  }
0x46a: {  	v6 =	vld [tilespmem:s20+$0xFFFFFCE0]  }
0x46b: {  	s11 =	sand.u32 $0x1F0, s28;
	s28 =	smov.u32 s29;
	v5 =	vadd.f32 v7, v5  }
0x46c: {  	v7 =	vld [tilespmem:s11+$0x19B10]  }
0x46d: {  	v5 =	vadd.f32 v8, v5  }
0x46e: {  	v8 =	vld [tilespmem:s20+$0x0]  }
0x46f: {  	v5 =	vadd.f32 v6, v5  }
0x470: {  	v6 =	vld [tilespmem:s20+$0x190]  }
0x471: {  	v5 =	vadd.f32 v7, v5  }
0x472: {  	v7 =	vld [tilespmem:s20+$0x320]  }
0x473: {  	v5 =	vadd.f32 v8, v5  }
0x474: {  	v8 =	vld [tilespmem:s20+$0x4B0]  }
0x475: {  	v5 =	vadd.f32 v6, v5  }
0x476: {  	v6 =	vld [tilespmem:s20+$0x640]  }
0x477: {  	v5 =	vadd.f32 v7, v5  }
0x478: {  	v7 =	vld [tilespmem:s20+$0x7D0]  }
0x479: {  	v5 =	vadd.f32 v8, v5  }
0x47a: {  	v8 =	vld [tilespmem:s20+$0x960]  }
0x47b: {  	v5 =	vadd.f32 v6, v5;
	_ =	sdelay $0x1  }
0x47c: {  	v5 =	vadd.f32 v7, v5;
	_ =	sdelay $0x1  }
.Ltmp10:
0x47d: {  	v5 =	vadd.f32 v8, v5;
	(pc) =	sbr.rel @p1 .LBB2_14-.Ltmp10, $4  }
0x47e: {  	s18 =	sadd.s32 $0x10, s18  }
0x47f: {  	s20 =	sadd.s32 $0x10, s20;
	[tilespmem:s18+$0x0] =	vst v5  }
0x480: {  	v5 =	vld [tilespmem:s20+$0xFFFFF380]  }
0x481: {  	s29 =	sadd.s32 $0x10, s29;
	v6 =	vld [tilespmem:s20+$0xFFFFF1F0]  }
0x482: {  	_ = 	snop  }
0x483: {  	v7 =	vld [tilespmem:s20+$0xFFFFF510];
	_ =	sdelay $0x1  }
0x484: {  	v8 =	vld [tilespmem:s20+$0xFFFFF6A0]  }
0x485: {  	v5 =	vadd.f32 v5, v6  }
0x486: {  	v6 =	vld [tilespmem:s20+$0xFFFFF830]  }
0x487: {  	v5 =	vadd.f32 v7, v5  }
0x488: {  	v7 =	vld [tilespmem:s20+$0xFFFFF9C0]  }
0x489: {  	v5 =	vadd.f32 v8, v5  }
0x48a: {  	v60 =	vld [tilespmem:s20+$0xFFFFFB50]  }
0x48b: {  	v5 =	vadd.f32 v6, v5  }
0x48c: {  	v6 =	vld [tilespmem:s20+$0xFFFFFCE0]  }
0x48d: {  	s11 =	sand.u32 $0x1F0, s28;
	v5 =	vadd.f32 v7, v5  }
0x48e: {  	v7 =	vld [tilespmem:s11+$0x19B10]  }
0x48f: {  	v5 =	vadd.f32 v60, v5  }
0x490: {  	v61 =	vld [tilespmem:s20+$0x0]  }
0x491: {  	v5 =	vadd.f32 v6, v5  }
0x492: {  	v6 =	vld [tilespmem:s20+$0x190]  }
0x493: {  	v5 =	vadd.f32 v7, v5  }
0x494: {  	v7 =	vld [tilespmem:s20+$0x320]  }
0x495: {  	v5 =	vadd.f32 v61, v5  }
0x496: {  	v62 =	vld [tilespmem:s20+$0x4B0]  }
0x497: {  	v5 =	vadd.f32 v6, v5  }
0x498: {  	v6 =	vld [tilespmem:s20+$0x640]  }
0x499: {  	v5 =	vadd.f32 v7, v5  }
0x49a: {  	v7 =	vld [tilespmem:s20+$0x7D0]  }
0x49b: {  	v5 =	vadd.f32 v62, v5  }
0x49c: {  	v63 =	vld [tilespmem:s20+$0x960]  }
0x49d: {  	v5 =	vadd.f32 v6, v5;
	_ =	sdelay $0x1  }
0x49e: {  	v5 =	vadd.f32 v7, v5  }
0x49f: {  	s20 =	rddreg [dreg:$0xa]  }
0x4a0: {  	s0 =	sadd.s32 s20, s0;
	v5 =	vadd.f32 v63, v5  }
0x4a1: {  	s28 =	sadd.s32 $0x10, s18;
	s0 =	sshrl.u32 s0, $0x3  }
.Ltmp11:
0x4a2: {  	s29 =	simm.s32 $0x1A790;
	s0 =	sadd.s32 s31, s0;
	[tilespmem:s28+$0x0] =	vst v5;
	(pc) =	sbr.rel .LBB2_16-.Ltmp11, $4  }
0x4a3: {  	[hbm4b:s0+s4] =	stream.linear.scatter [tilespmem:s29], [sflag:$0x7], $0x190, $0x38;
	[tilespmem:$0x1C190] =	vst v63  }
0x4a4: {  	_ =	swait.ge [sflag:s19], $0x190  }
0x4a5: {  	[sflag:s19] =	ssyncset.done $0x0  }
0x4a6: {  	[sflag:s19] =	ssyncadd.s32 $0xFFFFFE70  }
.LBB2_18:
0x4a7: {  	_ =	sfence.sel $0x180000  }
0x4a8: {  	[bflag:$0x0] =	sbarrier.arrive $0xFFFF  }
0x4a9: {  	_ =	strace $0x90000047  }
0x4aa: {  	[bflag:$0x2] =	sbarrier.arrive $0xFFFF  }
0x4ab: {  	p0 =	sne.s32 s30, $0x0;
	s0 =	rddreg [dreg:$0x3]  }
0x4ac: {  	s0 =	sadd.s32 @!p0 $0x100000, s0  }
0x4ad: {  	[sflag:s0] =	ssyncadd.tile.s32 @!p0 $0x1;
	_ =	shalt  }
.Lfunc_end2:
_tile_overlayer_lowered:
.L_overlay_start_2:
0x4ae: {  	(tag) =	ssettag $0x2  }
0x4af: {  	s0 =	rddreg [dreg:$0x0];
	s2 =	stileid.u32  }
0x4b0: {  	s1 =	rddreg [dreg:$0x1];
	p0 =	sne.s32 s2, $0x0  }
0x4b1: {  	s3 =	rddreg [dreg:$0x2];
	[bflag:$0x3] =	sbarrier.arrive $0xFFFF;
	s2 =	simm.s32 @!p0 $0x1C07  }
0x4b2: {  	[timem:s3], [sflag:s2] =	dma.local @!p0 [hbm:s0], s1  }
0x4b3: {  	s0 =	simm.s32 @!p0 $0x7  }
0x4b4: {  	_ =	swait.ge @!p0 [sflag:s0], s1  }
0x4b5: {  	s1 =	ssub.s32 @!p0 $0x0, s1;
	[sflag:s0] =	ssyncset.done @!p0 $0x0  }
0x4b6: {  	[sflag:s0] =	ssyncadd.s32 @!p0 s1  }
0x4b7: {  	[bflag:$0x3] =	sbarrier.arrive $0xFFFF  }
0x4b8: {  	_ =	shalt  }

</sc_bundles>
